<compile_context>
chip_gen: v7x
topology: tpu7x:2x2x1
jax: 0.10.2.dev20260603
libtpu: 0.0.44.dev20260713+nightly
codegen_flags: <defaults>
</compile_context>

<pallas_src>
import functools

import jax
import jax.numpy as jnp
from jax import lax
from jax.experimental import pallas as pl
from jax.experimental.pallas import tpu as pltpu
from jax.experimental.pallas import tpu_sc as plsc

B = 16
NC = 20
C = NC + 1
H3 = W3 = 40
H4 = W4 = 20
T3 = 16
T4 = 8
HW3 = H3 * W3
HW4 = H4 * W4
ALPHA = 0.25
BBOX_W = 2.0
OBJ_W = 1.0
CLS_W = 0.5
L = 16


def _softplus(x):
    t = jnp.exp(-jnp.abs(x))
    u = t / (2.0 + t)
    u2 = u * u
    poly = 1.0 + u2 * (1.0 / 3.0 + u2 * (1.0 / 5.0 + u2 * (
        1.0 / 7.0 + u2 * (1.0 / 9.0 + u2 * (1.0 / 11.0)))))
    return jnp.maximum(x, 0.0) + 2.0 * u * poly


def _sigmoid(x):
    e = jnp.exp(-jnp.abs(x))
    r = 1.0 / (1.0 + e)
    return jnp.where(x >= 0.0, r, 1.0 - r)


def _stage(cls_hbm, reg_hbm, t_hbm, b, H, W, T, cls_v, reg_v, t_v, sem):
    HW = H * W
    pltpu.async_copy(cls_hbm.at[b], cls_v.at[pl.ds(0, C * HW)], sem)
    pltpu.async_copy(reg_hbm.at[b], reg_v.at[pl.ds(0, 4 * HW)], sem)
    pltpu.async_copy(t_hbm.at[b], t_v.at[pl.ds(0, T * 5)], sem)


def _drain(cls_hbm, reg_hbm, t_hbm, H, W, T, cls_v, reg_v, t_v, sem):
    HW = H * W
    pltpu.make_async_copy(cls_hbm.at[0], cls_v.at[pl.ds(0, C * HW)], sem).wait()
    pltpu.make_async_copy(reg_hbm.at[0], reg_v.at[pl.ds(0, 4 * HW)], sem).wait()
    pltpu.make_async_copy(t_hbm.at[0], t_v.at[pl.ds(0, T * 5)], sem).wait()


def _scale_body(H, W, T, lane_base, cls_v, reg_v, t_v, lin_v):
    HW = H * W
    fW = float(W)
    fH = float(H)

    lanes = lax.iota(jnp.int32, L)
    lmask = lanes < T
    fmask = jnp.where(lmask, 1.0, 0.0)

    col = jnp.minimum(lanes, T - 1) * 5

    def tcol(k):
        v = plsc.load_gather(t_v, [col + k])
        return jnp.where(lmask, v, 0.0)

    cls_ids = tcol(0).astype(jnp.int32)
    tx = tcol(1) * fW
    ty = tcol(2) * fH
    tw = tcol(3) * fW
    th = tcol(4) * fH
    gx = jnp.clip(tx, 0.0, fW - 1.0).astype(jnp.int32)
    gy = jnp.clip(ty, 0.0, fH - 1.0).astype(jnp.int32)
    lin = gy * W + gx

    r0 = plsc.load_gather(reg_v, [lin])
    r1 = plsc.load_gather(reg_v, [HW + lin])
    r2 = plsc.load_gather(reg_v, [2 * HW + lin])
    r3 = plsc.load_gather(reg_v, [3 * HW + lin])
    dx = _sigmoid(r0)
    dy = _sigmoid(r1)
    dw = jnp.exp(jnp.clip(r2, -4.0, 4.0))
    dh = jnp.exp(jnp.clip(r3, -4.0, 4.0))
    px = gx.astype(jnp.float32) + dx
    py = gy.astype(jnp.float32) + dy
    sl1 = jnp.zeros((L,), jnp.float32)
    for pc, tc in ((px - dw * 0.5, tx - tw * 0.5),
                   (py - dh * 0.5, ty - th * 0.5),
                   (px + dw * 0.5, tx + tw * 0.5),
                   (py + dh * 0.5, ty + th * 0.5)):
        d = jnp.abs(pc - tc)
        sl1 = sl1 + jnp.where(d < 1.0, 0.5 * d * d, d - 0.5)
    lb_t = jnp.sum(fmask * sl1 * 0.25)

    xo = plsc.load_gather(cls_v, [lin])
    sp_o = _softplus(xo)
    lo_pos_t = jnp.sum(jnp.where(lmask, sp_o - xo, 0.0))

    def focal_step(ci, acc):
        x = plsc.load_gather(cls_v, [(ci + 1) * HW + lin])
        oh = cls_ids == ci
        sp = _softplus(x)
        bce = jnp.where(oh, sp - x, sp)
        p = _sigmoid(x)
        pt = jnp.where(oh, p, 1.0 - p)
        om = 1.0 - pt
        return acc + jnp.where(lmask, ALPHA * om * om * bce, 0.0)

    lc_t = jnp.sum(lax.fori_loop(0, NC, focal_step,
                                 jnp.zeros((L,), jnp.float32), unroll=4))
    lc_t = lc_t * (1.0 / NC)

    lin_v[...] = lin
    dup = jnp.zeros((L,), jnp.bool_)
    for j in range(T - 1):
        cj = plsc.load_gather(lin_v, [jnp.full((L,), j, jnp.int32)])
        dup = dup | ((lanes > j) & (lin == cj))
    uniq = (~dup) & lmask
    n_uniq = jnp.sum(jnp.where(uniq, 1.0, 0.0))
    s_tgt = jnp.sum(jnp.where(uniq, sp_o, 0.0))

    U = 4 if HW % (4 * L) == 0 else 5
    accs = [jnp.zeros((L,), jnp.float32) for _ in range(U)]

    def bg_step(i, accs):
        base = i * (U * L)
        return tuple(a + _softplus(cls_v[pl.ds(base + k * L, L)])
                     for k, a in enumerate(accs))

    accs = lax.fori_loop(0, HW // (U * L), bg_step, tuple(accs))
    s_all = jnp.sum(sum(accs[1:], accs[0]))

    par = jnp.where(lanes == 0, lb_t, 0.0)
    par = par + jnp.where(lanes == 1, lo_pos_t, 0.0)
    par = par + jnp.where(lanes == 2, lc_t, 0.0)
    par = par + jnp.where(lanes == lane_base, s_all, 0.0)
    par = par + jnp.where(lanes == lane_base + 1, s_tgt, 0.0)
    par = par + jnp.where(lanes == lane_base + 2, n_uniq, 0.0)
    return par


def _loss_kernel(cls3_hbm, reg3_hbm, t3_hbm, cls4_hbm, reg4_hbm, t4_hbm,
                 tot_hbm, lb_hbm, lo_hbm, lc_hbm,
                 cls_v, reg_v, t_v, cls4_v, reg4_v, t4_v,
                 lin_v, partial_v, block_v, stage, sem3, sem4):
    s = lax.axis_index("s")
    lanes = lax.iota(jnp.int32, L)

    _stage(cls3_hbm, reg3_hbm, t3_hbm, s, H3, W3, T3, cls_v, reg_v, t_v, sem3)
    _stage(cls4_hbm, reg4_hbm, t4_hbm, s, H4, W4, T4,
           cls4_v, reg4_v, t4_v, sem4)
    _drain(cls3_hbm, reg3_hbm, t3_hbm, H3, W3, T3, cls_v, reg_v, t_v, sem3)
    par3 = _scale_body(H3, W3, T3, 3, cls_v, reg_v, t_v, lin_v)
    _drain(cls4_hbm, reg4_hbm, t4_hbm, H4, W4, T4,
           cls4_v, reg4_v, t4_v, sem4)
    par4 = _scale_body(H4, W4, T4, 6, cls4_v, reg4_v, t4_v, lin_v)
    partial_v[...] = par3 + par4

    pltpu.sync_copy(partial_v, stage.at[s])
    plsc.subcore_barrier()

    @pl.when(s == 0)
    def _():
        pltpu.sync_copy(stage, block_v)
        acc = jnp.zeros((L,), jnp.float32)
        for r in range(16):
            acc = acc + block_v[r]

        def lane(k):
            return jnp.zeros((L,), jnp.float32) + jnp.sum(
                jnp.where(lanes == k, acc, 0.0))

        rn = 1.0 / float(B * T3 + B * T4)
        lb = lane(0) * rn
        lc = lane(2) * rn
        bg3 = 0.05 * (lane(3) - lane(4)) / jnp.maximum(
            float(B * H3 * W3) - lane(5), 1.0)
        bg4 = 0.05 * (lane(6) - lane(7)) / jnp.maximum(
            float(B * H4 * W4) - lane(8), 1.0)
        lo = (lane(1) + bg3 + bg4) * rn
        total = BBOX_W * lb + OBJ_W * lo + CLS_W * lc

        for ref, val in ((tot_hbm, total), (lb_hbm, lb),
                         (lo_hbm, lo), (lc_hbm, lc)):
            partial_v[...] = val
            pltpu.sync_copy(partial_v, ref)


@jax.jit
def kernel(cls_p3, reg_p3, cls_p4, reg_p4, t3, t4):
    cls3f = cls_p3.reshape(B, C * HW3)
    reg3f = reg_p3.reshape(B, 4 * HW3)
    cls4f = cls_p4.reshape(B, C * HW4)
    reg4f = reg_p4.reshape(B, 4 * HW4)
    t3f = t3.reshape(B, T3 * 5)
    t4f = t4.reshape(B, T4 * 5)

    mesh = plsc.VectorSubcoreMesh(core_axis_name="c", subcore_axis_name="s",
                                  num_cores=1)
    run = pl.kernel(
        _loss_kernel,
        out_type=[jax.ShapeDtypeStruct((L,), jnp.float32)] * 4,
        mesh=mesh,
        compiler_params=pltpu.CompilerParams(
            needs_layout_passes=False, use_tc_tiling_on_sc=False),
        scratch_types=[
            pltpu.VMEM((C * HW3,), jnp.float32),
            pltpu.VMEM((4 * HW3,), jnp.float32),
            pltpu.VMEM((T3 * 5,), jnp.float32),
            pltpu.VMEM((C * HW4,), jnp.float32),
            pltpu.VMEM((4 * HW4,), jnp.float32),
            pltpu.VMEM((T4 * 5,), jnp.float32),
            pltpu.VMEM((L,), jnp.int32),
            pltpu.VMEM((L,), jnp.float32),
            pltpu.VMEM((16, L), jnp.float32),
            pltpu.VMEM_SHARED((16, L), jnp.float32),
            pltpu.SemaphoreType.DMA,
            pltpu.SemaphoreType.DMA,
        ],
    )
    tot, lb, lo, lc = run(cls3f, reg3f, t3f, cls4f, reg4f, t4f)
    return tot[0], lb[0], lo[0], lc[0]

# --- scband reference (transcript-rebuilt; emitter-appended) ---
"""Pipeline reference for scband-mcudetection-loss-11768210391478 (READ-ONLY COPY).

The authoritative reference and input builder live on the scoring server;
editing this copy changes nothing except your own understanding.
"""

import jax, jax.numpy as jnp
import numpy as np

B = 16
NC = 20
C = NC + 1
H3 = W3 = 40
H4 = W4 = 20
T3 = 16
T4 = 8
ALPHA = 0.25
GAMMA = 2.0
BBOX_W = 2.0
OBJ_W = 1.0
CLS_W = 0.5


def _make_targets(key, T):
    k1, k2, k3 = jax.random.split(key, 3)
    cls = jax.random.randint(k1, (B, T, 1), 0, NC).astype(jnp.float32)
    xy = jax.random.uniform(k2, (B, T, 2), minval=0.05, maxval=0.95)
    wh = jax.random.uniform(k3, (B, T, 2), minval=0.02, maxval=0.3)
    return jnp.concatenate([cls, xy, wh], axis=-1)


def setup_inputs(seed: int = 0) -> dict:
    key = jax.random.key(seed)
    ks = jax.random.split(key, 6)
    return {
        "cls_p3": jax.random.normal(ks[0], (B, C, H3, W3), jnp.float32),
        "reg_p3": jax.random.normal(ks[1], (B, 4, H3, W3), jnp.float32),
        "cls_p4": jax.random.normal(ks[2], (B, C, H4, W4), jnp.float32),
        "reg_p4": jax.random.normal(ks[3], (B, 4, H4, W4), jnp.float32),
        "t3": _make_targets(ks[4], T3),
        "t4": _make_targets(ks[5], T4),
    }


def _bce_logits(x, z):
    # numerically stable BCE-with-logits, elementwise (reduction='none')
    return jnp.maximum(x, 0.0) - x * z + jnp.log1p(jnp.exp(-jnp.abs(x)))


def _scale_loss(cls_p, reg_p, t):
    Bc, Cc, H, W = cls_p.shape
    T = t.shape[1]
    tx = t[:, :, 1] * W
    ty = t[:, :, 2] * H
    tw = t[:, :, 3] * W
    th = t[:, :, 4] * H
    cls_ids = jax.lax.stop_gradient(t[:, :, 0]).astype(jnp.int32)
    gx = jax.lax.stop_gradient(jnp.clip(tx, 0, W - 1)).astype(jnp.int32)
    gy = jax.lax.stop_gradient(jnp.clip(ty, 0, H - 1)).astype(jnp.int32)
    b_idx = jnp.broadcast_to(jnp.arange(Bc)[:, None], (Bc, T))
    # gather reg predictions at target cells -> (B, T, 4)
    reg_at = reg_p[b_idx[..., None], jnp.arange(4)[None, None, :], gy[..., None], gx[..., None]]
    dx = jax.nn.sigmoid(reg_at[..., 0])
    dy = jax.nn.sigmoid(reg_at[..., 1])
    dw = jnp.exp(jnp.clip(reg_at[..., 2], -4.0, 4.0))
    dh = jnp.exp(jnp.clip(reg_at[..., 3], -4.0, 4.0))
    px = gx.astype(jnp.float32) + dx
    py = gy.astype(jnp.float32) + dy
    pred_box = jnp.stack([px - dw / 2, py - dh / 2, px + dw / 2, py + dh / 2], axis=-1)
    tgt_box = jnp.stack([tx - tw / 2, ty - th / 2, tx + tw / 2, ty + th / 2], axis=-1)
    d = jnp.abs(pred_box - tgt_box)
    sl1 = jnp.mean(jnp.where(d < 1.0, 0.5 * d * d, d - 0.5), axis=-1)  # smooth_l1 mean over 4 coords
    lb = jnp.sum(sl1)
    # objectness: positive cells (one BCE term per target, duplicates counted like torch loop)
    obj_logit = cls_p[b_idx, 0, gy, gx]  # (B, T)
    lo = jnp.sum(_bce_logits(obj_logit, jnp.ones_like(obj_logit)))
    # classification focal loss per target, mean over num_classes
    cls_logits = cls_p[b_idx[..., None], 1 + jnp.arange(NC)[None, None, :], gy[..., None], gx[..., None]]
    onehot = jax.nn.one_hot(cls_ids, NC, dtype=jnp.float32)
    bce = _bce_logits(cls_logits, onehot)
    p = jax.nn.sigmoid(cls_logits)
    pt = p * onehot + (1 - p) * (1 - onehot)
    focal = ALPHA * (1 - pt) ** GAMMA * bce
    lc = jnp.sum(jnp.mean(focal, axis=-1))
    n = Bc * T
    # background objectness via scatter-set obj map
    obj_map = jnp.zeros((Bc, H, W), jnp.float32).at[b_idx, gy, gx].set(1.0)
    bg = 1.0 - obj_map
    bg_bce = _bce_logits(cls_p[:, 0, :, :], jnp.zeros_like(cls_p[:, 0, :, :]))
    lo = lo + 0.05 * jnp.sum(bg_bce * bg) / jnp.maximum(jnp.sum(bg), 1.0)
    return lb, lo, lc, n


def reference(cls_p3, reg_p3, cls_p4, reg_p4, t3, t4):
    lb = 0.0
    lo = 0.0
    lc = 0.0
    n = 0
    for cls_p, reg_p, t in ((cls_p3, reg_p3, t3), (cls_p4, reg_p4, t4)):
        b, o, c, k = _scale_loss(cls_p, reg_p, t)
        lb = lb + b
        lo = lo + o
        lc = lc + c
        n += k
    if n > 0:
        lb = lb / n
        lc = lc / n
    lo = lo / max(n, 1)
    total = BBOX_W * lb + OBJ_W * lo + CLS_W * lc
    return total, lb, lo, lc

if __name__ == "__main__":
    import jax
    _d = setup_inputs()
    print(jax.jit(kernel)(*tuple(_d.values())))

</pallas_src>

<mosaic_0001>
#map = affine_map<(d0, d1) -> (0, 0)>
#map1 = affine_map<(d0, d1) -> (0)>
module attributes {stable_mosaic.version = 14 : i64} {
  func.func @_loss_kernel(%arg0: i32, %arg1: i32, %arg2: memref<16x33600xf32, #tpu.memory_space<hbm>>, %arg3: memref<16x6400xf32, #tpu.memory_space<hbm>>, %arg4: memref<16x80xf32, #tpu.memory_space<hbm>>, %arg5: memref<16x8400xf32, #tpu.memory_space<hbm>>, %arg6: memref<16x1600xf32, #tpu.memory_space<hbm>>, %arg7: memref<16x40xf32, #tpu.memory_space<hbm>>, %arg8: memref<16xf32, #tpu.memory_space<hbm>>, %arg9: memref<16xf32, #tpu.memory_space<hbm>>, %arg10: memref<16xf32, #tpu.memory_space<hbm>>, %arg11: memref<16xf32, #tpu.memory_space<hbm>>, %arg12: memref<33600xf32, #tpu.memory_space<vmem>>, %arg13: memref<6400xf32, #tpu.memory_space<vmem>>, %arg14: memref<80xf32, #tpu.memory_space<vmem>>, %arg15: memref<8400xf32, #tpu.memory_space<vmem>>, %arg16: memref<1600xf32, #tpu.memory_space<vmem>>, %arg17: memref<40xf32, #tpu.memory_space<vmem>>, %arg18: memref<16xi32, #tpu.memory_space<vmem>>, %arg19: memref<16xf32, #tpu.memory_space<vmem>>, %arg20: memref<16x16xf32, #tpu.memory_space<vmem>>, %arg21: memref<16x16xf32, #tpu.memory_space<vmem_shared>>, %arg22: memref<!tpu.dma_semaphore, #tpu.memory_space<semaphore_mem>>, %arg23: memref<!tpu.dma_semaphore, #tpu.memory_space<semaphore_mem>>) attributes {dimension_semantics = [#tpu.dimension_semantics<core_parallel>, #tpu.dimension_semantics<subcore_parallel>], iteration_bounds = array<i64: 1, 16>, scalar_prefetch = 0 : i64, scratch_operands = 12 : i64, tpu.core_type = #tpu.core_type<sc_vector_subcore>, window_params = [{transform_indices = #map}, {transform_indices = #map}, {transform_indices = #map}, {transform_indices = #map}, {transform_indices = #map}, {transform_indices = #map}, {transform_indices = #map1}, {transform_indices = #map1}, {transform_indices = #map1}, {transform_indices = #map1}]} {
    %iota3A = tpu.iota {dimensions = array<i32: 0>} : vector<16xi32>
    %dma_start3A = arith.constant 0 : i32
    %dma_start3A_0 = tpu.memref_slice %arg12[%dma_start3A] : memref<33600xf32, #tpu.memory_space<vmem>> -> memref<33600xf32, #tpu.memory_space<vmem>>
    %dma_start3A_1 = arith.constant 0 : i32
    %dma_start3A_2 = tpu.memref_slice %arg2[%arg1, %dma_start3A_1] : memref<16x33600xf32, #tpu.memory_space<hbm>> -> memref<1x33600xf32, #tpu.memory_space<hbm>>
    %dma_start3A_3 = tpu.memref_squeeze %dma_start3A_2 : memref<1x33600xf32, #tpu.memory_space<hbm>> -> memref<33600xf32, #tpu.memory_space<hbm>>
    %dma_start3A_4 = arith.constant 0 : i32
    %dma_start3A_5 = tpu.memref_slice %arg12[%dma_start3A_4] : memref<33600xf32, #tpu.memory_space<vmem>> -> memref<33600xf32, #tpu.memory_space<vmem>>
    %dma_start3A_6 = arith.constant 0 : i32
    %dma_start3A_7 = tpu.memref_slice %arg2[%arg1, %dma_start3A_6] : memref<16x33600xf32, #tpu.memory_space<hbm>> -> memref<1x33600xf32, #tpu.memory_space<hbm>>
    %dma_start3A_8 = tpu.memref_squeeze %dma_start3A_7 : memref<1x33600xf32, #tpu.memory_space<hbm>> -> memref<33600xf32, #tpu.memory_space<hbm>>
    tpu.enqueue_dma source(%dma_start3A_8 : memref<33600xf32, #tpu.memory_space<hbm>>) target(%dma_start3A_5 : memref<33600xf32, #tpu.memory_space<vmem>>) target_semaphore(%arg22 : memref<!tpu.dma_semaphore, #tpu.memory_space<semaphore_mem>>)
    %dma_start3A_9 = arith.constant 0 : i32
    %dma_start3A_10 = tpu.memref_slice %arg13[%dma_start3A_9] : memref<6400xf32, #tpu.memory_space<vmem>> -> memref<6400xf32, #tpu.memory_space<vmem>>
    %dma_start3A_11 = arith.constant 0 : i32
    %dma_start3A_12 = tpu.memref_slice %arg3[%arg1, %dma_start3A_11] : memref<16x6400xf32, #tpu.memory_space<hbm>> -> memref<1x6400xf32, #tpu.memory_space<hbm>>
    %dma_start3A_13 = tpu.memref_squeeze %dma_start3A_12 : memref<1x6400xf32, #tpu.memory_space<hbm>> -> memref<6400xf32, #tpu.memory_space<hbm>>
    %dma_start3A_14 = arith.constant 0 : i32
    %dma_start3A_15 = tpu.memref_slice %arg13[%dma_start3A_14] : memref<6400xf32, #tpu.memory_space<vmem>> -> memref<6400xf32, #tpu.memory_space<vmem>>
    %dma_start3A_16 = arith.constant 0 : i32
    %dma_start3A_17 = tpu.memref_slice %arg3[%arg1, %dma_start3A_16] : memref<16x6400xf32, #tpu.memory_space<hbm>> -> memref<1x6400xf32, #tpu.memory_space<hbm>>
    %dma_start3A_18 = tpu.memref_squeeze %dma_start3A_17 : memref<1x6400xf32, #tpu.memory_space<hbm>> -> memref<6400xf32, #tpu.memory_space<hbm>>
    tpu.enqueue_dma source(%dma_start3A_18 : memref<6400xf32, #tpu.memory_space<hbm>>) target(%dma_start3A_15 : memref<6400xf32, #tpu.memory_space<vmem>>) target_semaphore(%arg22 : memref<!tpu.dma_semaphore, #tpu.memory_space<semaphore_mem>>)
    %dma_start3A_19 = arith.constant 0 : i32
    %dma_start3A_20 = tpu.memref_slice %arg14[%dma_start3A_19] : memref<80xf32, #tpu.memory_space<vmem>> -> memref<80xf32, #tpu.memory_space<vmem>>
    %dma_start3A_21 = arith.constant 0 : i32
    %dma_start3A_22 = tpu.memref_slice %arg4[%arg1, %dma_start3A_21] : memref<16x80xf32, #tpu.memory_space<hbm>> -> memref<1x80xf32, #tpu.memory_space<hbm>>
    %dma_start3A_23 = tpu.memref_squeeze %dma_start3A_22 : memref<1x80xf32, #tpu.memory_space<hbm>> -> memref<80xf32, #tpu.memory_space<hbm>>
    %dma_start3A_24 = arith.constant 0 : i32
    %dma_start3A_25 = tpu.memref_slice %arg14[%dma_start3A_24] : memref<80xf32, #tpu.memory_space<vmem>> -> memref<80xf32, #tpu.memory_space<vmem>>
    %dma_start3A_26 = arith.constant 0 : i32
    %dma_start3A_27 = tpu.memref_slice %arg4[%arg1, %dma_start3A_26] : memref<16x80xf32, #tpu.memory_space<hbm>> -> memref<1x80xf32, #tpu.memory_space<hbm>>
    %dma_start3A_28 = tpu.memref_squeeze %dma_start3A_27 : memref<1x80xf32, #tpu.memory_space<hbm>> -> memref<80xf32, #tpu.memory_space<hbm>>
    tpu.enqueue_dma source(%dma_start3A_28 : memref<80xf32, #tpu.memory_space<hbm>>) target(%dma_start3A_25 : memref<80xf32, #tpu.memory_space<vmem>>) target_semaphore(%arg22 : memref<!tpu.dma_semaphore, #tpu.memory_space<semaphore_mem>>)
    %dma_start3A_29 = arith.constant 0 : i32
    %dma_start3A_30 = tpu.memref_slice %arg15[%dma_start3A_29] : memref<8400xf32, #tpu.memory_space<vmem>> -> memref<8400xf32, #tpu.memory_space<vmem>>
    %dma_start3A_31 = arith.constant 0 : i32
    %dma_start3A_32 = tpu.memref_slice %arg5[%arg1, %dma_start3A_31] : memref<16x8400xf32, #tpu.memory_space<hbm>> -> memref<1x8400xf32, #tpu.memory_space<hbm>>
    %dma_start3A_33 = tpu.memref_squeeze %dma_start3A_32 : memref<1x8400xf32, #tpu.memory_space<hbm>> -> memref<8400xf32, #tpu.memory_space<hbm>>
    %dma_start3A_34 = arith.constant 0 : i32
    %dma_start3A_35 = tpu.memref_slice %arg15[%dma_start3A_34] : memref<8400xf32, #tpu.memory_space<vmem>> -> memref<8400xf32, #tpu.memory_space<vmem>>
    %dma_start3A_36 = arith.constant 0 : i32
    %dma_start3A_37 = tpu.memref_slice %arg5[%arg1, %dma_start3A_36] : memref<16x8400xf32, #tpu.memory_space<hbm>> -> memref<1x8400xf32, #tpu.memory_space<hbm>>
    %dma_start3A_38 = tpu.memref_squeeze %dma_start3A_37 : memref<1x8400xf32, #tpu.memory_space<hbm>> -> memref<8400xf32, #tpu.memory_space<hbm>>
    tpu.enqueue_dma source(%dma_start3A_38 : memref<8400xf32, #tpu.memory_space<hbm>>) target(%dma_start3A_35 : memref<8400xf32, #tpu.memory_space<vmem>>) target_semaphore(%arg23 : memref<!tpu.dma_semaphore, #tpu.memory_space<semaphore_mem>>)
    %dma_start3A_39 = arith.constant 0 : i32
    %dma_start3A_40 = tpu.memref_slice %arg16[%dma_start3A_39] : memref<1600xf32, #tpu.memory_space<vmem>> -> memref<1600xf32, #tpu.memory_space<vmem>>
    %dma_start3A_41 = arith.constant 0 : i32
    %dma_start3A_42 = tpu.memref_slice %arg6[%arg1, %dma_start3A_41] : memref<16x1600xf32, #tpu.memory_space<hbm>> -> memref<1x1600xf32, #tpu.memory_space<hbm>>
    %dma_start3A_43 = tpu.memref_squeeze %dma_start3A_42 : memref<1x1600xf32, #tpu.memory_space<hbm>> -> memref<1600xf32, #tpu.memory_space<hbm>>
    %dma_start3A_44 = arith.constant 0 : i32
    %dma_start3A_45 = tpu.memref_slice %arg16[%dma_start3A_44] : memref<1600xf32, #tpu.memory_space<vmem>> -> memref<1600xf32, #tpu.memory_space<vmem>>
    %dma_start3A_46 = arith.constant 0 : i32
    %dma_start3A_47 = tpu.memref_slice %arg6[%arg1, %dma_start3A_46] : memref<16x1600xf32, #tpu.memory_space<hbm>> -> memref<1x1600xf32, #tpu.memory_space<hbm>>
    %dma_start3A_48 = tpu.memref_squeeze %dma_start3A_47 : memref<1x1600xf32, #tpu.memory_space<hbm>> -> memref<1600xf32, #tpu.memory_space<hbm>>
    tpu.enqueue_dma source(%dma_start3A_48 : memref<1600xf32, #tpu.memory_space<hbm>>) target(%dma_start3A_45 : memref<1600xf32, #tpu.memory_space<vmem>>) target_semaphore(%arg23 : memref<!tpu.dma_semaphore, #tpu.memory_space<semaphore_mem>>)
    %dma_start3A_49 = arith.constant 0 : i32
    %dma_start3A_50 = tpu.memref_slice %arg17[%dma_start3A_49] : memref<40xf32, #tpu.memory_space<vmem>> -> memref<40xf32, #tpu.memory_space<vmem>>
    %dma_start3A_51 = arith.constant 0 : i32
    %dma_start3A_52 = tpu.memref_slice %arg7[%arg1, %dma_start3A_51] : memref<16x40xf32, #tpu.memory_space<hbm>> -> memref<1x40xf32, #tpu.memory_space<hbm>>
    %dma_start3A_53 = tpu.memref_squeeze %dma_start3A_52 : memref<1x40xf32, #tpu.memory_space<hbm>> -> memref<40xf32, #tpu.memory_space<hbm>>
    %dma_start3A_54 = arith.constant 0 : i32
    %dma_start3A_55 = tpu.memref_slice %arg17[%dma_start3A_54] : memref<40xf32, #tpu.memory_space<vmem>> -> memref<40xf32, #tpu.memory_space<vmem>>
    %dma_start3A_56 = arith.constant 0 : i32
    %dma_start3A_57 = tpu.memref_slice %arg7[%arg1, %dma_start3A_56] : memref<16x40xf32, #tpu.memory_space<hbm>> -> memref<1x40xf32, #tpu.memory_space<hbm>>
    %dma_start3A_58 = tpu.memref_squeeze %dma_start3A_57 : memref<1x40xf32, #tpu.memory_space<hbm>> -> memref<40xf32, #tpu.memory_space<hbm>>
    tpu.enqueue_dma source(%dma_start3A_58 : memref<40xf32, #tpu.memory_space<hbm>>) target(%dma_start3A_55 : memref<40xf32, #tpu.memory_space<vmem>>) target_semaphore(%arg23 : memref<!tpu.dma_semaphore, #tpu.memory_space<semaphore_mem>>)
    %dma_wait3A = arith.constant 0 : i32
    %dma_wait3A_59 = arith.constant 0 : i32
    %dma_wait3A_60 = tpu.memref_slice %arg12[%dma_wait3A_59] : memref<33600xf32, #tpu.memory_space<vmem>> -> memref<33600xf32, #tpu.memory_space<vmem>>
    %dma_wait3A_61 = arith.constant 0 : i32
    %dma_wait3A_62 = tpu.memref_slice %arg2[%dma_wait3A, %dma_wait3A_61] : memref<16x33600xf32, #tpu.memory_space<hbm>> -> memref<1x33600xf32, #tpu.memory_space<hbm>>
    %dma_wait3A_63 = tpu.memref_squeeze %dma_wait3A_62 : memref<1x33600xf32, #tpu.memory_space<hbm>> -> memref<33600xf32, #tpu.memory_space<hbm>>
    %dma_wait3A_64 = arith.constant 0 : i32
    %dma_wait3A_65 = tpu.memref_slice %arg12[%dma_wait3A_64] : memref<33600xf32, #tpu.memory_space<vmem>> -> memref<33600xf32, #tpu.memory_space<vmem>>
    %dma_wait3A_66 = arith.constant 0 : i32
    %dma_wait3A_67 = tpu.memref_slice %arg2[%dma_wait3A, %dma_wait3A_66] : memref<16x33600xf32, #tpu.memory_space<hbm>> -> memref<1x33600xf32, #tpu.memory_space<hbm>>
    %dma_wait3A_68 = tpu.memref_squeeze %dma_wait3A_67 : memref<1x33600xf32, #tpu.memory_space<hbm>> -> memref<33600xf32, #tpu.memory_space<hbm>>
    tpu.wait_dma2 semaphore(%arg22 : memref<!tpu.dma_semaphore, #tpu.memory_space<semaphore_mem>>) src(%dma_wait3A_68 : memref<33600xf32, #tpu.memory_space<hbm>>) dst(%dma_wait3A_65 : memref<33600xf32, #tpu.memory_space<vmem>>)
    %dma_wait3A_69 = arith.constant 0 : i32
    %dma_wait3A_70 = arith.constant 0 : i32
    %dma_wait3A_71 = tpu.memref_slice %arg13[%dma_wait3A_70] : memref<6400xf32, #tpu.memory_space<vmem>> -> memref<6400xf32, #tpu.memory_space<vmem>>
    %dma_wait3A_72 = arith.constant 0 : i32
    %dma_wait3A_73 = tpu.memref_slice %arg3[%dma_wait3A_69, %dma_wait3A_72] : memref<16x6400xf32, #tpu.memory_space<hbm>> -> memref<1x6400xf32, #tpu.memory_space<hbm>>
    %dma_wait3A_74 = tpu.memref_squeeze %dma_wait3A_73 : memref<1x6400xf32, #tpu.memory_space<hbm>> -> memref<6400xf32, #tpu.memory_space<hbm>>
    %dma_wait3A_75 = arith.constant 0 : i32
    %dma_wait3A_76 = tpu.memref_slice %arg13[%dma_wait3A_75] : memref<6400xf32, #tpu.memory_space<vmem>> -> memref<6400xf32, #tpu.memory_space<vmem>>
    %dma_wait3A_77 = arith.constant 0 : i32
    %dma_wait3A_78 = tpu.memref_slice %arg3[%dma_wait3A_69, %dma_wait3A_77] : memref<16x6400xf32, #tpu.memory_space<hbm>> -> memref<1x6400xf32, #tpu.memory_space<hbm>>
    %dma_wait3A_79 = tpu.memref_squeeze %dma_wait3A_78 : memref<1x6400xf32, #tpu.memory_space<hbm>> -> memref<6400xf32, #tpu.memory_space<hbm>>
    tpu.wait_dma2 semaphore(%arg22 : memref<!tpu.dma_semaphore, #tpu.memory_space<semaphore_mem>>) src(%dma_wait3A_79 : memref<6400xf32, #tpu.memory_space<hbm>>) dst(%dma_wait3A_76 : memref<6400xf32, #tpu.memory_space<vmem>>)
    %dma_wait3A_80 = arith.constant 0 : i32
    %dma_wait3A_81 = arith.constant 0 : i32
    %dma_wait3A_82 = tpu.memref_slice %arg14[%dma_wait3A_81] : memref<80xf32, #tpu.memory_space<vmem>> -> memref<80xf32, #tpu.memory_space<vmem>>
    %dma_wait3A_83 = arith.constant 0 : i32
    %dma_wait3A_84 = tpu.memref_slice %arg4[%dma_wait3A_80, %dma_wait3A_83] : memref<16x80xf32, #tpu.memory_space<hbm>> -> memref<1x80xf32, #tpu.memory_space<hbm>>
    %dma_wait3A_85 = tpu.memref_squeeze %dma_wait3A_84 : memref<1x80xf32, #tpu.memory_space<hbm>> -> memref<80xf32, #tpu.memory_space<hbm>>
    %dma_wait3A_86 = arith.constant 0 : i32
    %dma_wait3A_87 = tpu.memref_slice %arg14[%dma_wait3A_86] : memref<80xf32, #tpu.memory_space<vmem>> -> memref<80xf32, #tpu.memory_space<vmem>>
    %dma_wait3A_88 = arith.constant 0 : i32
    %dma_wait3A_89 = tpu.memref_slice %arg4[%dma_wait3A_80, %dma_wait3A_88] : memref<16x80xf32, #tpu.memory_space<hbm>> -> memref<1x80xf32, #tpu.memory_space<hbm>>
    %dma_wait3A_90 = tpu.memref_squeeze %dma_wait3A_89 : memref<1x80xf32, #tpu.memory_space<hbm>> -> memref<80xf32, #tpu.memory_space<hbm>>
    tpu.wait_dma2 semaphore(%arg22 : memref<!tpu.dma_semaphore, #tpu.memory_space<semaphore_mem>>) src(%dma_wait3A_90 : memref<80xf32, #tpu.memory_space<hbm>>) dst(%dma_wait3A_87 : memref<80xf32, #tpu.memory_space<vmem>>)
    %iota3A_91 = tpu.iota {dimensions = array<i32: 0>} : vector<16xi32>
    %lt3A = arith.constant 16 : i32
    %lt3A_92 = vector.broadcast %lt3A : i32 to vector<16xi32>
    %lt3A_93 = arith.cmpi slt, %iota3A_91, %lt3A_92 : vector<16xi32>
    %jit3A = arith.constant 1.000000e+00 : f32
    %jit3A_94 = arith.constant 0.000000e+00 : f32
    %broadcast_in_dim3A = vector.broadcast %jit3A : f32 to vector<16xf32>
    %broadcast_in_dim3A_95 = vector.broadcast %jit3A_94 : f32 to vector<16xf32>
    %select_n3A = arith.select %lt3A_93, %broadcast_in_dim3A, %broadcast_in_dim3A_95 : vector<16xi1>, vector<16xf32>
    %min3A = arith.constant 15 : i32
    %min3A_96 = vector.broadcast %min3A : i32 to vector<16xi32>
    %min3A_97 = arith.minsi %iota3A_91, %min3A_96 : vector<16xi32>
    %mul3A = arith.constant 5 : i32
    %mul3A_98 = vector.broadcast %mul3A : i32 to vector<16xi32>
    %mul3A_99 = arith.muli %min3A_97, %mul3A_98 : vector<16xi32>
    %add3A = arith.constant 0 : i32
    %add3A_100 = vector.broadcast %add3A : i32 to vector<16xi32>
    %add3A_101 = arith.addi %mul3A_99, %add3A_100 : vector<16xi32>
    %gather3A = tpu.vector_load_idx %arg14[%add3A_101] : memref<80xf32, #tpu.memory_space<vmem>>[vector<16xi32>], vector<16xf32>,
    %jit3A_102 = arith.constant 0.000000e+00 : f32
    %broadcast_in_dim3A_103 = vector.broadcast %jit3A_102 : f32 to vector<16xf32>
    %select_n3A_104 = arith.select %lt3A_93, %gather3A, %broadcast_in_dim3A_103 : vector<16xi1>, vector<16xf32>
    %convert_element_type3A = arith.fptosi %select_n3A_104 : vector<16xf32> to vector<16xi32>
    %add3A_105 = arith.constant 1 : i32
    %add3A_106 = vector.broadcast %add3A_105 : i32 to vector<16xi32>
    %add3A_107 = arith.addi %mul3A_99, %add3A_106 : vector<16xi32>
    %gather3A_108 = tpu.vector_load_idx %arg14[%add3A_107] : memref<80xf32, #tpu.memory_space<vmem>>[vector<16xi32>], vector<16xf32>,
    %jit3A_109 = arith.constant 0.000000e+00 : f32
    %broadcast_in_dim3A_110 = vector.broadcast %jit3A_109 : f32 to vector<16xf32>
    %select_n3A_111 = arith.select %lt3A_93, %gather3A_108, %broadcast_in_dim3A_110 : vector<16xi1>, vector<16xf32>
    %mul3A_112 = arith.constant 4.000000e+01 : f32
    %mul3A_113 = vector.broadcast %mul3A_112 : f32 to vector<16xf32>
    %mul3A_114 = arith.mulf %select_n3A_111, %mul3A_113 : vector<16xf32>
    %add3A_115 = arith.constant 2 : i32
    %add3A_116 = vector.broadcast %add3A_115 : i32 to vector<16xi32>
    %add3A_117 = arith.addi %mul3A_99, %add3A_116 : vector<16xi32>
    %gather3A_118 = tpu.vector_load_idx %arg14[%add3A_117] : memref<80xf32, #tpu.memory_space<vmem>>[vector<16xi32>], vector<16xf32>,
    %jit3A_119 = arith.constant 0.000000e+00 : f32
    %broadcast_in_dim3A_120 = vector.broadcast %jit3A_119 : f32 to vector<16xf32>
    %select_n3A_121 = arith.select %lt3A_93, %gather3A_118, %broadcast_in_dim3A_120 : vector<16xi1>, vector<16xf32>
    %mul3A_122 = arith.constant 4.000000e+01 : f32
    %mul3A_123 = vector.broadcast %mul3A_122 : f32 to vector<16xf32>
    %mul3A_124 = arith.mulf %select_n3A_121, %mul3A_123 : vector<16xf32>
    %add3A_125 = arith.constant 3 : i32
    %add3A_126 = vector.broadcast %add3A_125 : i32 to vector<16xi32>
    %add3A_127 = arith.addi %mul3A_99, %add3A_126 : vector<16xi32>
    %gather3A_128 = tpu.vector_load_idx %arg14[%add3A_127] : memref<80xf32, #tpu.memory_space<vmem>>[vector<16xi32>], vector<16xf32>,
    %jit3A_129 = arith.constant 0.000000e+00 : f32
    %broadcast_in_dim3A_130 = vector.broadcast %jit3A_129 : f32 to vector<16xf32>
    %select_n3A_131 = arith.select %lt3A_93, %gather3A_128, %broadcast_in_dim3A_130 : vector<16xi1>, vector<16xf32>
    %mul3A_132 = arith.constant 4.000000e+01 : f32
    %mul3A_133 = vector.broadcast %mul3A_132 : f32 to vector<16xf32>
    %mul3A_134 = arith.mulf %select_n3A_131, %mul3A_133 : vector<16xf32>
    %add3A_135 = arith.constant 4 : i32
    %add3A_136 = vector.broadcast %add3A_135 : i32 to vector<16xi32>
    %add3A_137 = arith.addi %mul3A_99, %add3A_136 : vector<16xi32>
    %gather3A_138 = tpu.vector_load_idx %arg14[%add3A_137] : memref<80xf32, #tpu.memory_space<vmem>>[vector<16xi32>], vector<16xf32>,
    %jit3A_139 = arith.constant 0.000000e+00 : f32
    %broadcast_in_dim3A_140 = vector.broadcast %jit3A_139 : f32 to vector<16xf32>
    %select_n3A_141 = arith.select %lt3A_93, %gather3A_138, %broadcast_in_dim3A_140 : vector<16xi1>, vector<16xf32>
    %mul3A_142 = arith.constant 4.000000e+01 : f32
    %mul3A_143 = vector.broadcast %mul3A_142 : f32 to vector<16xf32>
    %mul3A_144 = arith.mulf %select_n3A_141, %mul3A_143 : vector<16xf32>
    %jit3A_145 = arith.constant 0.000000e+00 : f32
    %jit3A_146 = arith.constant 3.900000e+01 : f32
    %max3A = vector.broadcast %jit3A_145 : f32 to vector<16xf32>
    %max3A_147 = arith.maximumf %max3A, %mul3A_114 : vector<16xf32>
    %min3A_148 = vector.broadcast %jit3A_146 : f32 to vector<16xf32>
    %min3A_149 = arith.minimumf %min3A_148, %max3A_147 : vector<16xf32>
    %convert_element_type3A_150 = arith.fptosi %min3A_149 : vector<16xf32> to vector<16xi32>
    %jit3A_151 = arith.constant 0.000000e+00 : f32
    %jit3A_152 = arith.constant 3.900000e+01 : f32
    %max3A_153 = vector.broadcast %jit3A_151 : f32 to vector<16xf32>
    %max3A_154 = arith.maximumf %max3A_153, %mul3A_124 : vector<16xf32>
    %min3A_155 = vector.broadcast %jit3A_152 : f32 to vector<16xf32>
    %min3A_156 = arith.minimumf %min3A_155, %max3A_154 : vector<16xf32>
    %convert_element_type3A_157 = arith.fptosi %min3A_156 : vector<16xf32> to vector<16xi32>
    %mul3A_158 = arith.constant 40 : i32
    %mul3A_159 = vector.broadcast %mul3A_158 : i32 to vector<16xi32>
    %mul3A_160 = arith.muli %convert_element_type3A_157, %mul3A_159 : vector<16xi32>
    %add3A_161 = arith.addi %mul3A_160, %convert_element_type3A_150 : vector<16xi32>
    %gather3A_162 = tpu.vector_load_idx %arg13[%add3A_161] : memref<6400xf32, #tpu.memory_space<vmem>>[vector<16xi32>], vector<16xf32>,
    %add3A_163 = arith.constant 1600 : i32
    %add3A_164 = vector.broadcast %add3A_163 : i32 to vector<16xi32>
    %add3A_165 = arith.addi %add3A_164, %add3A_161 : vector<16xi32>
    %gather3A_166 = tpu.vector_load_idx %arg13[%add3A_165] : memref<6400xf32, #tpu.memory_space<vmem>>[vector<16xi32>], vector<16xf32>,
    %add3A_167 = arith.constant 3200 : i32
    %add3A_168 = vector.broadcast %add3A_167 : i32 to vector<16xi32>
    %add3A_169 = arith.addi %add3A_168, %add3A_161 : vector<16xi32>
    %gather3A_170 = tpu.vector_load_idx %arg13[%add3A_169] : memref<6400xf32, #tpu.memory_space<vmem>>[vector<16xi32>], vector<16xf32>,
    %add3A_171 = arith.constant 4800 : i32
    %add3A_172 = vector.broadcast %add3A_171 : i32 to vector<16xi32>
    %add3A_173 = arith.addi %add3A_172, %add3A_161 : vector<16xi32>
    %gather3A_174 = tpu.vector_load_idx %arg13[%add3A_173] : memref<6400xf32, #tpu.memory_space<vmem>>[vector<16xi32>], vector<16xf32>,
    %abs3A = math.absf %gather3A_162 : vector<16xf32>
    %neg3A = arith.constant 0.000000e+00 : f32
    %neg3A_175 = vector.broadcast %neg3A : f32 to vector<16xf32>
    %neg3A_176 = arith.subf %neg3A_175, %abs3A : vector<16xf32>
    %exp3A = math.exp %neg3A_176 : vector<16xf32>
    %add3A_177 = arith.constant 1.000000e+00 : f32
    %add3A_178 = vector.broadcast %add3A_177 : f32 to vector<16xf32>
    %add3A_179 = arith.addf %add3A_178, %exp3A : vector<16xf32>
    %div3A = arith.constant 1.000000e+00 : f32
    %div3A_180 = vector.broadcast %div3A : f32 to vector<16xf32>
    %div3A_181 = arith.divf %div3A_180, %add3A_179 : vector<16xf32>
    %ge3A = arith.constant 0.000000e+00 : f32
    %ge3A_182 = vector.broadcast %ge3A : f32 to vector<16xf32>
    %ge3A_183 = arith.cmpf oge, %gather3A_162, %ge3A_182 : vector<16xf32>
    %sub3A = arith.constant 1.000000e+00 : f32
    %sub3A_184 = vector.broadcast %sub3A : f32 to vector<16xf32>
    %sub3A_185 = arith.subf %sub3A_184, %div3A_181 : vector<16xf32>
    %select_n3A_186 = arith.select %ge3A_183, %div3A_181, %sub3A_185 : vector<16xi1>, vector<16xf32>
    %abs3A_187 = math.absf %gather3A_166 : vector<16xf32>
    %neg3A_188 = arith.constant 0.000000e+00 : f32
    %neg3A_189 = vector.broadcast %neg3A_188 : f32 to vector<16xf32>
    %neg3A_190 = arith.subf %neg3A_189, %abs3A_187 : vector<16xf32>
    %exp3A_191 = math.exp %neg3A_190 : vector<16xf32>
    %add3A_192 = arith.constant 1.000000e+00 : f32
    %add3A_193 = vector.broadcast %add3A_192 : f32 to vector<16xf32>
    %add3A_194 = arith.addf %add3A_193, %exp3A_191 : vector<16xf32>
    %div3A_195 = arith.constant 1.000000e+00 : f32
    %div3A_196 = vector.broadcast %div3A_195 : f32 to vector<16xf32>
    %div3A_197 = arith.divf %div3A_196, %add3A_194 : vector<16xf32>
    %ge3A_198 = arith.constant 0.000000e+00 : f32
    %ge3A_199 = vector.broadcast %ge3A_198 : f32 to vector<16xf32>
    %ge3A_200 = arith.cmpf oge, %gather3A_166, %ge3A_199 : vector<16xf32>
    %sub3A_201 = arith.constant 1.000000e+00 : f32
    %sub3A_202 = vector.broadcast %sub3A_201 : f32 to vector<16xf32>
    %sub3A_203 = arith.subf %sub3A_202, %div3A_197 : vector<16xf32>
    %select_n3A_204 = arith.select %ge3A_200, %div3A_197, %sub3A_203 : vector<16xi1>, vector<16xf32>
    %jit3A_205 = arith.constant -4.000000e+00 : f32
    %jit3A_206 = arith.constant 4.000000e+00 : f32
    %max3A_207 = vector.broadcast %jit3A_205 : f32 to vector<16xf32>
    %max3A_208 = arith.maximumf %max3A_207, %gather3A_170 : vector<16xf32>
    %min3A_209 = vector.broadcast %jit3A_206 : f32 to vector<16xf32>
    %min3A_210 = arith.minimumf %min3A_209, %max3A_208 : vector<16xf32>
    %exp3A_211 = math.exp %min3A_210 : vector<16xf32>
    %jit3A_212 = arith.constant -4.000000e+00 : f32
    %jit3A_213 = arith.constant 4.000000e+00 : f32
    %max3A_214 = vector.broadcast %jit3A_212 : f32 to vector<16xf32>
    %max3A_215 = arith.maximumf %max3A_214, %gather3A_174 : vector<16xf32>
    %min3A_216 = vector.broadcast %jit3A_213 : f32 to vector<16xf32>
    %min3A_217 = arith.minimumf %min3A_216, %max3A_215 : vector<16xf32>
    %exp3A_218 = math.exp %min3A_217 : vector<16xf32>
    %convert_element_type3A_219 = arith.sitofp %convert_element_type3A_150 : vector<16xi32> to vector<16xf32>
    %add3A_220 = arith.addf %convert_element_type3A_219, %select_n3A_186 : vector<16xf32>
    %convert_element_type3A_221 = arith.sitofp %convert_element_type3A_157 : vector<16xi32> to vector<16xf32>
    %add3A_222 = arith.addf %convert_element_type3A_221, %select_n3A_204 : vector<16xf32>
    %broadcast_in_dim3A_223 = arith.constant 0.000000e+00 : f32
    %broadcast_in_dim3A_224 = vector.broadcast %broadcast_in_dim3A_223 : f32 to vector<16xf32>
    %mul3A_225 = arith.constant 5.000000e-01 : f32
    %mul3A_226 = vector.broadcast %mul3A_225 : f32 to vector<16xf32>
    %mul3A_227 = arith.mulf %exp3A_211, %mul3A_226 : vector<16xf32>
    %sub3A_228 = arith.subf %add3A_220, %mul3A_227 : vector<16xf32>
    %mul3A_229 = arith.constant 5.000000e-01 : f32
    %mul3A_230 = vector.broadcast %mul3A_229 : f32 to vector<16xf32>
    %mul3A_231 = arith.mulf %mul3A_134, %mul3A_230 : vector<16xf32>
    %sub3A_232 = arith.subf %mul3A_114, %mul3A_231 : vector<16xf32>
    %mul3A_233 = arith.constant 5.000000e-01 : f32
    %mul3A_234 = vector.broadcast %mul3A_233 : f32 to vector<16xf32>
    %mul3A_235 = arith.mulf %exp3A_218, %mul3A_234 : vector<16xf32>
    %sub3A_236 = arith.subf %add3A_222, %mul3A_235 : vector<16xf32>
    %mul3A_237 = arith.constant 5.000000e-01 : f32
    %mul3A_238 = vector.broadcast %mul3A_237 : f32 to vector<16xf32>
    %mul3A_239 = arith.mulf %mul3A_144, %mul3A_238 : vector<16xf32>
    %sub3A_240 = arith.subf %mul3A_124, %mul3A_239 : vector<16xf32>
    %mul3A_241 = arith.constant 5.000000e-01 : f32
    %mul3A_242 = vector.broadcast %mul3A_241 : f32 to vector<16xf32>
    %mul3A_243 = arith.mulf %exp3A_211, %mul3A_242 : vector<16xf32>
    %add3A_244 = arith.addf %add3A_220, %mul3A_243 : vector<16xf32>
    %mul3A_245 = arith.constant 5.000000e-01 : f32
    %mul3A_246 = vector.broadcast %mul3A_245 : f32 to vector<16xf32>
    %mul3A_247 = arith.mulf %mul3A_134, %mul3A_246 : vector<16xf32>
    %add3A_248 = arith.addf %mul3A_114, %mul3A_247 : vector<16xf32>
    %mul3A_249 = arith.constant 5.000000e-01 : f32
    %mul3A_250 = vector.broadcast %mul3A_249 : f32 to vector<16xf32>
    %mul3A_251 = arith.mulf %exp3A_218, %mul3A_250 : vector<16xf32>
    %add3A_252 = arith.addf %add3A_222, %mul3A_251 : vector<16xf32>
    %mul3A_253 = arith.constant 5.000000e-01 : f32
    %mul3A_254 = vector.broadcast %mul3A_253 : f32 to vector<16xf32>
    %mul3A_255 = arith.mulf %mul3A_144, %mul3A_254 : vector<16xf32>
    %add3A_256 = arith.addf %mul3A_124, %mul3A_255 : vector<16xf32>
    %sub3A_257 = arith.subf %sub3A_228, %sub3A_232 : vector<16xf32>
    %abs3A_258 = math.absf %sub3A_257 : vector<16xf32>
    %lt3A_259 = arith.constant 1.000000e+00 : f32
    %lt3A_260 = vector.broadcast %lt3A_259 : f32 to vector<16xf32>
    %lt3A_261 = arith.cmpf olt, %abs3A_258, %lt3A_260 : vector<16xf32>
    %mul3A_262 = arith.constant 5.000000e-01 : f32
    %mul3A_263 = vector.broadcast %mul3A_262 : f32 to vector<16xf32>
    %mul3A_264 = arith.mulf %mul3A_263, %abs3A_258 : vector<16xf32>
    %mul3A_265 = arith.mulf %mul3A_264, %abs3A_258 : vector<16xf32>
    %sub3A_266 = arith.constant 5.000000e-01 : f32
    %sub3A_267 = vector.broadcast %sub3A_266 : f32 to vector<16xf32>
    %sub3A_268 = arith.subf %abs3A_258, %sub3A_267 : vector<16xf32>
    %select_n3A_269 = arith.select %lt3A_261, %mul3A_265, %sub3A_268 : vector<16xi1>, vector<16xf32>
    %add3A_270 = arith.addf %broadcast_in_dim3A_224, %select_n3A_269 : vector<16xf32>
    %sub3A_271 = arith.subf %sub3A_236, %sub3A_240 : vector<16xf32>
    %abs3A_272 = math.absf %sub3A_271 : vector<16xf32>
    %lt3A_273 = arith.constant 1.000000e+00 : f32
    %lt3A_274 = vector.broadcast %lt3A_273 : f32 to vector<16xf32>
    %lt3A_275 = arith.cmpf olt, %abs3A_272, %lt3A_274 : vector<16xf32>
    %mul3A_276 = arith.constant 5.000000e-01 : f32
    %mul3A_277 = vector.broadcast %mul3A_276 : f32 to vector<16xf32>
    %mul3A_278 = arith.mulf %mul3A_277, %abs3A_272 : vector<16xf32>
    %mul3A_279 = arith.mulf %mul3A_278, %abs3A_272 : vector<16xf32>
    %sub3A_280 = arith.constant 5.000000e-01 : f32
    %sub3A_281 = vector.broadcast %sub3A_280 : f32 to vector<16xf32>
    %sub3A_282 = arith.subf %abs3A_272, %sub3A_281 : vector<16xf32>
    %select_n3A_283 = arith.select %lt3A_275, %mul3A_279, %sub3A_282 : vector<16xi1>, vector<16xf32>
    %add3A_284 = arith.addf %add3A_270, %select_n3A_283 : vector<16xf32>
    %sub3A_285 = arith.subf %add3A_244, %add3A_248 : vector<16xf32>
    %abs3A_286 = math.absf %sub3A_285 : vector<16xf32>
    %lt3A_287 = arith.constant 1.000000e+00 : f32
    %lt3A_288 = vector.broadcast %lt3A_287 : f32 to vector<16xf32>
    %lt3A_289 = arith.cmpf olt, %abs3A_286, %lt3A_288 : vector<16xf32>
    %mul3A_290 = arith.constant 5.000000e-01 : f32
    %mul3A_291 = vector.broadcast %mul3A_290 : f32 to vector<16xf32>
    %mul3A_292 = arith.mulf %mul3A_291, %abs3A_286 : vector<16xf32>
    %mul3A_293 = arith.mulf %mul3A_292, %abs3A_286 : vector<16xf32>
    %sub3A_294 = arith.constant 5.000000e-01 : f32
    %sub3A_295 = vector.broadcast %sub3A_294 : f32 to vector<16xf32>
    %sub3A_296 = arith.subf %abs3A_286, %sub3A_295 : vector<16xf32>
    %select_n3A_297 = arith.select %lt3A_289, %mul3A_293, %sub3A_296 : vector<16xi1>, vector<16xf32>
    %add3A_298 = arith.addf %add3A_284, %select_n3A_297 : vector<16xf32>
    %sub3A_299 = arith.subf %add3A_252, %add3A_256 : vector<16xf32>
    %abs3A_300 = math.absf %sub3A_299 : vector<16xf32>
    %lt3A_301 = arith.constant 1.000000e+00 : f32
    %lt3A_302 = vector.broadcast %lt3A_301 : f32 to vector<16xf32>
    %lt3A_303 = arith.cmpf olt, %abs3A_300, %lt3A_302 : vector<16xf32>
    %mul3A_304 = arith.constant 5.000000e-01 : f32
    %mul3A_305 = vector.broadcast %mul3A_304 : f32 to vector<16xf32>
    %mul3A_306 = arith.mulf %mul3A_305, %abs3A_300 : vector<16xf32>
    %mul3A_307 = arith.mulf %mul3A_306, %abs3A_300 : vector<16xf32>
    %sub3A_308 = arith.constant 5.000000e-01 : f32
    %sub3A_309 = vector.broadcast %sub3A_308 : f32 to vector<16xf32>
    %sub3A_310 = arith.subf %abs3A_300, %sub3A_309 : vector<16xf32>
    %select_n3A_311 = arith.select %lt3A_303, %mul3A_307, %sub3A_310 : vector<16xi1>, vector<16xf32>
    %add3A_312 = arith.addf %add3A_298, %select_n3A_311 : vector<16xf32>
    %mul3A_313 = arith.mulf %select_n3A, %add3A_312 : vector<16xf32>
    %mul3A_314 = arith.constant 2.500000e-01 : f32
    %mul3A_315 = vector.broadcast %mul3A_314 : f32 to vector<16xf32>
    %mul3A_316 = arith.mulf %mul3A_313, %mul3A_315 : vector<16xf32>
    %reduce_sum3A = arith.constant true
    %reduce_sum3A_317 = vector.broadcast %reduce_sum3A : i1 to vector<16xi1>
    %reduce_sum3A_318 = tpu.scan <sum>, %mul3A_316 masked %reduce_sum3A_317 : vector<16xf32>, vector<16xi1> -> vector<16xf32>
    %reduce_sum3A_319 = vector.extract %reduce_sum3A_318[15] : f32 from vector<16xf32>
    %gather3A_320 = tpu.vector_load_idx %arg12[%add3A_161] : memref<33600xf32, #tpu.memory_space<vmem>>[vector<16xi32>], vector<16xf32>,
    %abs3A_321 = math.absf %gather3A_320 : vector<16xf32>
    %neg3A_322 = arith.constant 0.000000e+00 : f32
    %neg3A_323 = vector.broadcast %neg3A_322 : f32 to vector<16xf32>
    %neg3A_324 = arith.subf %neg3A_323, %abs3A_321 : vector<16xf32>
    %exp3A_325 = math.exp %neg3A_324 : vector<16xf32>
    %add3A_326 = arith.constant 2.000000e+00 : f32
    %add3A_327 = vector.broadcast %add3A_326 : f32 to vector<16xf32>
    %add3A_328 = arith.addf %add3A_327, %exp3A_325 : vector<16xf32>
    %div3A_329 = arith.divf %exp3A_325, %add3A_328 : vector<16xf32>
    %mul3A_330 = arith.mulf %div3A_329, %div3A_329 : vector<16xf32>
    %mul3A_331 = arith.constant 0.0909090936 : f32
    %mul3A_332 = vector.broadcast %mul3A_331 : f32 to vector<16xf32>
    %mul3A_333 = arith.mulf %mul3A_330, %mul3A_332 : vector<16xf32>
    %add3A_334 = arith.constant 0.111111112 : f32
    %add3A_335 = vector.broadcast %add3A_334 : f32 to vector<16xf32>
    %add3A_336 = arith.addf %add3A_335, %mul3A_333 : vector<16xf32>
    %mul3A_337 = arith.mulf %mul3A_330, %add3A_336 : vector<16xf32>
    %add3A_338 = arith.constant 0.142857149 : f32
    %add3A_339 = vector.broadcast %add3A_338 : f32 to vector<16xf32>
    %add3A_340 = arith.addf %add3A_339, %mul3A_337 : vector<16xf32>
    %mul3A_341 = arith.mulf %mul3A_330, %add3A_340 : vector<16xf32>
    %add3A_342 = arith.constant 2.000000e-01 : f32
    %add3A_343 = vector.broadcast %add3A_342 : f32 to vector<16xf32>
    %add3A_344 = arith.addf %add3A_343, %mul3A_341 : vector<16xf32>
    %mul3A_345 = arith.mulf %mul3A_330, %add3A_344 : vector<16xf32>
    %add3A_346 = arith.constant 0.333333343 : f32
    %add3A_347 = vector.broadcast %add3A_346 : f32 to vector<16xf32>
    %add3A_348 = arith.addf %add3A_347, %mul3A_345 : vector<16xf32>
    %mul3A_349 = arith.mulf %mul3A_330, %add3A_348 : vector<16xf32>
    %add3A_350 = arith.constant 1.000000e+00 : f32
    %add3A_351 = vector.broadcast %add3A_350 : f32 to vector<16xf32>
    %add3A_352 = arith.addf %add3A_351, %mul3A_349 : vector<16xf32>
    %max3A_353 = arith.constant 0.000000e+00 : f32
    %max3A_354 = vector.broadcast %max3A_353 : f32 to vector<16xf32>
    %max3A_355 = arith.maximumf %gather3A_320, %max3A_354 : vector<16xf32>
    %mul3A_356 = arith.constant 2.000000e+00 : f32
    %mul3A_357 = vector.broadcast %mul3A_356 : f32 to vector<16xf32>
    %mul3A_358 = arith.mulf %mul3A_357, %div3A_329 : vector<16xf32>
    %mul3A_359 = arith.mulf %mul3A_358, %add3A_352 : vector<16xf32>
    %add3A_360 = arith.addf %max3A_355, %mul3A_359 : vector<16xf32>
    %sub3A_361 = arith.subf %add3A_360, %gather3A_320 : vector<16xf32>
    %jit3A_362 = arith.constant 0.000000e+00 : f32
    %broadcast_in_dim3A_363 = vector.broadcast %jit3A_362 : f32 to vector<16xf32>
    %select_n3A_364 = arith.select %lt3A_93, %sub3A_361, %broadcast_in_dim3A_363 : vector<16xi1>, vector<16xf32>
    %reduce_sum3A_365 = arith.constant true
    %reduce_sum3A_366 = vector.broadcast %reduce_sum3A_365 : i1 to vector<16xi1>
    %reduce_sum3A_367 = tpu.scan <sum>, %select_n3A_364 masked %reduce_sum3A_366 : vector<16xf32>, vector<16xi1> -> vector<16xf32>
    %reduce_sum3A_368 = vector.extract %reduce_sum3A_367[15] : f32 from vector<16xf32>
    %broadcast_in_dim3A_369 = arith.constant 0.000000e+00 : f32
    %broadcast_in_dim3A_370 = vector.broadcast %broadcast_in_dim3A_369 : f32 to vector<16xf32>
    %scan3A = arith.constant 0 : i32
    %scan3A_371 = arith.constant 20 : i32
    %scan3A_372 = arith.addi %scan3A, %scan3A_371 : i32
    %scan3A_373 = arith.constant 4 : i32
    %scan3A_374 = scf.for %scan3A_1108 = %scan3A to %scan3A_372 step %scan3A_373 iter_args(%scan3A_1109 = %broadcast_in_dim3A_370) -> (vector<16xf32>)  : i32 {
      %add3A_1110 = arith.constant 1 : i32
      %add3A_1111 = arith.addi %scan3A_1108, %add3A_1110 : i32
      %mul3A_1112 = arith.constant 1600 : i32
      %mul3A_1113 = arith.muli %add3A_1111, %mul3A_1112 : i32
      %add3A_1114 = vector.broadcast %mul3A_1113 : i32 to vector<16xi32>
      %add3A_1115 = arith.addi %add3A_1114, %add3A_161 : vector<16xi32>
      %gather3A_1116 = tpu.vector_load_idx %arg12[%add3A_1115] : memref<33600xf32, #tpu.memory_space<vmem>>[vector<16xi32>], vector<16xf32>,
      %eq3A_1117 = vector.broadcast %scan3A_1108 : i32 to vector<16xi32>
      %eq3A_1118 = arith.cmpi eq, %convert_element_type3A, %eq3A_1117 : vector<16xi32>
      %abs3A_1119 = math.absf %gather3A_1116 : vector<16xf32>
      %neg3A_1120 = arith.constant 0.000000e+00 : f32
      %neg3A_1121 = vector.broadcast %neg3A_1120 : f32 to vector<16xf32>
      %neg3A_1122 = arith.subf %neg3A_1121, %abs3A_1119 : vector<16xf32>
      %exp3A_1123 = math.exp %neg3A_1122 : vector<16xf32>
      %add3A_1124 = arith.constant 2.000000e+00 : f32
      %add3A_1125 = vector.broadcast %add3A_1124 : f32 to vector<16xf32>
      %add3A_1126 = arith.addf %add3A_1125, %exp3A_1123 : vector<16xf32>
      %div3A_1127 = arith.divf %exp3A_1123, %add3A_1126 : vector<16xf32>
      %mul3A_1128 = arith.mulf %div3A_1127, %div3A_1127 : vector<16xf32>
      %mul3A_1129 = arith.constant 0.0909090936 : f32
      %mul3A_1130 = vector.broadcast %mul3A_1129 : f32 to vector<16xf32>
      %mul3A_1131 = arith.mulf %mul3A_1128, %mul3A_1130 : vector<16xf32>
      %add3A_1132 = arith.constant 0.111111112 : f32
      %add3A_1133 = vector.broadcast %add3A_1132 : f32 to vector<16xf32>
      %add3A_1134 = arith.addf %add3A_1133, %mul3A_1131 : vector<16xf32>
      %mul3A_1135 = arith.mulf %mul3A_1128, %add3A_1134 : vector<16xf32>
      %add3A_1136 = arith.constant 0.142857149 : f32
      %add3A_1137 = vector.broadcast %add3A_1136 : f32 to vector<16xf32>
      %add3A_1138 = arith.addf %add3A_1137, %mul3A_1135 : vector<16xf32>
      %mul3A_1139 = arith.mulf %mul3A_1128, %add3A_1138 : vector<16xf32>
      %add3A_1140 = arith.constant 2.000000e-01 : f32
      %add3A_1141 = vector.broadcast %add3A_1140 : f32 to vector<16xf32>
      %add3A_1142 = arith.addf %add3A_1141, %mul3A_1139 : vector<16xf32>
      %mul3A_1143 = arith.mulf %mul3A_1128, %add3A_1142 : vector<16xf32>
      %add3A_1144 = arith.constant 0.333333343 : f32
      %add3A_1145 = vector.broadcast %add3A_1144 : f32 to vector<16xf32>
      %add3A_1146 = arith.addf %add3A_1145, %mul3A_1143 : vector<16xf32>
      %mul3A_1147 = arith.mulf %mul3A_1128, %add3A_1146 : vector<16xf32>
      %add3A_1148 = arith.constant 1.000000e+00 : f32
      %add3A_1149 = vector.broadcast %add3A_1148 : f32 to vector<16xf32>
      %add3A_1150 = arith.addf %add3A_1149, %mul3A_1147 : vector<16xf32>
      %max3A_1151 = arith.constant 0.000000e+00 : f32
      %max3A_1152 = vector.broadcast %max3A_1151 : f32 to vector<16xf32>
      %max3A_1153 = arith.maximumf %gather3A_1116, %max3A_1152 : vector<16xf32>
      %mul3A_1154 = arith.constant 2.000000e+00 : f32
      %mul3A_1155 = vector.broadcast %mul3A_1154 : f32 to vector<16xf32>
      %mul3A_1156 = arith.mulf %mul3A_1155, %div3A_1127 : vector<16xf32>
      %mul3A_1157 = arith.mulf %mul3A_1156, %add3A_1150 : vector<16xf32>
      %add3A_1158 = arith.addf %max3A_1153, %mul3A_1157 : vector<16xf32>
      %sub3A_1159 = arith.subf %add3A_1158, %gather3A_1116 : vector<16xf32>
      %select_n3A_1160 = arith.select %eq3A_1118, %sub3A_1159, %add3A_1158 : vector<16xi1>, vector<16xf32>
      %abs3A_1161 = math.absf %gather3A_1116 : vector<16xf32>
      %neg3A_1162 = arith.constant 0.000000e+00 : f32
      %neg3A_1163 = vector.broadcast %neg3A_1162 : f32 to vector<16xf32>
      %neg3A_1164 = arith.subf %neg3A_1163, %abs3A_1161 : vector<16xf32>
      %exp3A_1165 = math.exp %neg3A_1164 : vector<16xf32>
      %add3A_1166 = arith.constant 1.000000e+00 : f32
      %add3A_1167 = vector.broadcast %add3A_1166 : f32 to vector<16xf32>
      %add3A_1168 = arith.addf %add3A_1167, %exp3A_1165 : vector<16xf32>
      %div3A_1169 = arith.constant 1.000000e+00 : f32
      %div3A_1170 = vector.broadcast %div3A_1169 : f32 to vector<16xf32>
      %div3A_1171 = arith.divf %div3A_1170, %add3A_1168 : vector<16xf32>
      %ge3A_1172 = arith.constant 0.000000e+00 : f32
      %ge3A_1173 = vector.broadcast %ge3A_1172 : f32 to vector<16xf32>
      %ge3A_1174 = arith.cmpf oge, %gather3A_1116, %ge3A_1173 : vector<16xf32>
      %sub3A_1175 = arith.constant 1.000000e+00 : f32
      %sub3A_1176 = vector.broadcast %sub3A_1175 : f32 to vector<16xf32>
      %sub3A_1177 = arith.subf %sub3A_1176, %div3A_1171 : vector<16xf32>
      %select_n3A_1178 = arith.select %ge3A_1174, %div3A_1171, %sub3A_1177 : vector<16xi1>, vector<16xf32>
      %sub3A_1179 = arith.constant 1.000000e+00 : f32
      %sub3A_1180 = vector.broadcast %sub3A_1179 : f32 to vector<16xf32>
      %sub3A_1181 = arith.subf %sub3A_1180, %select_n3A_1178 : vector<16xf32>
      %select_n3A_1182 = arith.select %eq3A_1118, %select_n3A_1178, %sub3A_1181 : vector<16xi1>, vector<16xf32>
      %sub3A_1183 = arith.constant 1.000000e+00 : f32
      %sub3A_1184 = vector.broadcast %sub3A_1183 : f32 to vector<16xf32>
      %sub3A_1185 = arith.subf %sub3A_1184, %select_n3A_1182 : vector<16xf32>
      %mul3A_1186 = arith.constant 2.500000e-01 : f32
      %mul3A_1187 = vector.broadcast %mul3A_1186 : f32 to vector<16xf32>
      %mul3A_1188 = arith.mulf %mul3A_1187, %sub3A_1185 : vector<16xf32>
      %mul3A_1189 = arith.mulf %mul3A_1188, %sub3A_1185 : vector<16xf32>
      %mul3A_1190 = arith.mulf %mul3A_1189, %select_n3A_1160 : vector<16xf32>
      %jit3A_1191 = arith.constant 0.000000e+00 : f32
      %broadcast_in_dim3A_1192 = vector.broadcast %jit3A_1191 : f32 to vector<16xf32>
      %select_n3A_1193 = arith.select %lt3A_93, %mul3A_1190, %broadcast_in_dim3A_1192 : vector<16xi1>, vector<16xf32>
      %add3A_1194 = arith.addf %scan3A_1109, %select_n3A_1193 : vector<16xf32>
      %scan3A_1195 = arith.constant 1 : i32
      %scan3A_1196 = arith.addi %scan3A_1108, %scan3A_1195 : i32
      %add3A_1197 = arith.constant 1 : i32
      %add3A_1198 = arith.addi %scan3A_1196, %add3A_1197 : i32
      %mul3A_1199 = arith.constant 1600 : i32
      %mul3A_1200 = arith.muli %add3A_1198, %mul3A_1199 : i32
      %add3A_1201 = vector.broadcast %mul3A_1200 : i32 to vector<16xi32>
      %add3A_1202 = arith.addi %add3A_1201, %add3A_161 : vector<16xi32>
      %gather3A_1203 = tpu.vector_load_idx %arg12[%add3A_1202] : memref<33600xf32, #tpu.memory_space<vmem>>[vector<16xi32>], vector<16xf32>,
      %eq3A_1204 = vector.broadcast %scan3A_1196 : i32 to vector<16xi32>
      %eq3A_1205 = arith.cmpi eq, %convert_element_type3A, %eq3A_1204 : vector<16xi32>
      %abs3A_1206 = math.absf %gather3A_1203 : vector<16xf32>
      %neg3A_1207 = arith.constant 0.000000e+00 : f32
      %neg3A_1208 = vector.broadcast %neg3A_1207 : f32 to vector<16xf32>
      %neg3A_1209 = arith.subf %neg3A_1208, %abs3A_1206 : vector<16xf32>
      %exp3A_1210 = math.exp %neg3A_1209 : vector<16xf32>
      %add3A_1211 = arith.constant 2.000000e+00 : f32
      %add3A_1212 = vector.broadcast %add3A_1211 : f32 to vector<16xf32>
      %add3A_1213 = arith.addf %add3A_1212, %exp3A_1210 : vector<16xf32>
      %div3A_1214 = arith.divf %exp3A_1210, %add3A_1213 : vector<16xf32>
      %mul3A_1215 = arith.mulf %div3A_1214, %div3A_1214 : vector<16xf32>
      %mul3A_1216 = arith.constant 0.0909090936 : f32
      %mul3A_1217 = vector.broadcast %mul3A_1216 : f32 to vector<16xf32>
      %mul3A_1218 = arith.mulf %mul3A_1215, %mul3A_1217 : vector<16xf32>
      %add3A_1219 = arith.constant 0.111111112 : f32
      %add3A_1220 = vector.broadcast %add3A_1219 : f32 to vector<16xf32>
      %add3A_1221 = arith.addf %add3A_1220, %mul3A_1218 : vector<16xf32>
      %mul3A_1222 = arith.mulf %mul3A_1215, %add3A_1221 : vector<16xf32>
      %add3A_1223 = arith.constant 0.142857149 : f32
      %add3A_1224 = vector.broadcast %add3A_1223 : f32 to vector<16xf32>
      %add3A_1225 = arith.addf %add3A_1224, %mul3A_1222 : vector<16xf32>
      %mul3A_1226 = arith.mulf %mul3A_1215, %add3A_1225 : vector<16xf32>
      %add3A_1227 = arith.constant 2.000000e-01 : f32
      %add3A_1228 = vector.broadcast %add3A_1227 : f32 to vector<16xf32>
      %add3A_1229 = arith.addf %add3A_1228, %mul3A_1226 : vector<16xf32>
      %mul3A_1230 = arith.mulf %mul3A_1215, %add3A_1229 : vector<16xf32>
      %add3A_1231 = arith.constant 0.333333343 : f32
      %add3A_1232 = vector.broadcast %add3A_1231 : f32 to vector<16xf32>
      %add3A_1233 = arith.addf %add3A_1232, %mul3A_1230 : vector<16xf32>
      %mul3A_1234 = arith.mulf %mul3A_1215, %add3A_1233 : vector<16xf32>
      %add3A_1235 = arith.constant 1.000000e+00 : f32
      %add3A_1236 = vector.broadcast %add3A_1235 : f32 to vector<16xf32>
      %add3A_1237 = arith.addf %add3A_1236, %mul3A_1234 : vector<16xf32>
      %max3A_1238 = arith.constant 0.000000e+00 : f32
      %max3A_1239 = vector.broadcast %max3A_1238 : f32 to vector<16xf32>
      %max3A_1240 = arith.maximumf %gather3A_1203, %max3A_1239 : vector<16xf32>
      %mul3A_1241 = arith.constant 2.000000e+00 : f32
      %mul3A_1242 = vector.broadcast %mul3A_1241 : f32 to vector<16xf32>
      %mul3A_1243 = arith.mulf %mul3A_1242, %div3A_1214 : vector<16xf32>
      %mul3A_1244 = arith.mulf %mul3A_1243, %add3A_1237 : vector<16xf32>
      %add3A_1245 = arith.addf %max3A_1240, %mul3A_1244 : vector<16xf32>
      %sub3A_1246 = arith.subf %add3A_1245, %gather3A_1203 : vector<16xf32>
      %select_n3A_1247 = arith.select %eq3A_1205, %sub3A_1246, %add3A_1245 : vector<16xi1>, vector<16xf32>
      %abs3A_1248 = math.absf %gather3A_1203 : vector<16xf32>
      %neg3A_1249 = arith.constant 0.000000e+00 : f32
      %neg3A_1250 = vector.broadcast %neg3A_1249 : f32 to vector<16xf32>
      %neg3A_1251 = arith.subf %neg3A_1250, %abs3A_1248 : vector<16xf32>
      %exp3A_1252 = math.exp %neg3A_1251 : vector<16xf32>
      %add3A_1253 = arith.constant 1.000000e+00 : f32
      %add3A_1254 = vector.broadcast %add3A_1253 : f32 to vector<16xf32>
      %add3A_1255 = arith.addf %add3A_1254, %exp3A_1252 : vector<16xf32>
      %div3A_1256 = arith.constant 1.000000e+00 : f32
      %div3A_1257 = vector.broadcast %div3A_1256 : f32 to vector<16xf32>
      %div3A_1258 = arith.divf %div3A_1257, %add3A_1255 : vector<16xf32>
      %ge3A_1259 = arith.constant 0.000000e+00 : f32
      %ge3A_1260 = vector.broadcast %ge3A_1259 : f32 to vector<16xf32>
      %ge3A_1261 = arith.cmpf oge, %gather3A_1203, %ge3A_1260 : vector<16xf32>
      %sub3A_1262 = arith.constant 1.000000e+00 : f32
      %sub3A_1263 = vector.broadcast %sub3A_1262 : f32 to vector<16xf32>
      %sub3A_1264 = arith.subf %sub3A_1263, %div3A_1258 : vector<16xf32>
      %select_n3A_1265 = arith.select %ge3A_1261, %div3A_1258, %sub3A_1264 : vector<16xi1>, vector<16xf32>
      %sub3A_1266 = arith.constant 1.000000e+00 : f32
      %sub3A_1267 = vector.broadcast %sub3A_1266 : f32 to vector<16xf32>
      %sub3A_1268 = arith.subf %sub3A_1267, %select_n3A_1265 : vector<16xf32>
      %select_n3A_1269 = arith.select %eq3A_1205, %select_n3A_1265, %sub3A_1268 : vector<16xi1>, vector<16xf32>
      %sub3A_1270 = arith.constant 1.000000e+00 : f32
      %sub3A_1271 = vector.broadcast %sub3A_1270 : f32 to vector<16xf32>
      %sub3A_1272 = arith.subf %sub3A_1271, %select_n3A_1269 : vector<16xf32>
      %mul3A_1273 = arith.constant 2.500000e-01 : f32
      %mul3A_1274 = vector.broadcast %mul3A_1273 : f32 to vector<16xf32>
      %mul3A_1275 = arith.mulf %mul3A_1274, %sub3A_1272 : vector<16xf32>
      %mul3A_1276 = arith.mulf %mul3A_1275, %sub3A_1272 : vector<16xf32>
      %mul3A_1277 = arith.mulf %mul3A_1276, %select_n3A_1247 : vector<16xf32>
      %jit3A_1278 = arith.constant 0.000000e+00 : f32
      %broadcast_in_dim3A_1279 = vector.broadcast %jit3A_1278 : f32 to vector<16xf32>
      %select_n3A_1280 = arith.select %lt3A_93, %mul3A_1277, %broadcast_in_dim3A_1279 : vector<16xi1>, vector<16xf32>
      %add3A_1281 = arith.addf %add3A_1194, %select_n3A_1280 : vector<16xf32>
      %scan3A_1282 = arith.constant 2 : i32
      %scan3A_1283 = arith.addi %scan3A_1108, %scan3A_1282 : i32
      %add3A_1284 = arith.constant 1 : i32
      %add3A_1285 = arith.addi %scan3A_1283, %add3A_1284 : i32
      %mul3A_1286 = arith.constant 1600 : i32
      %mul3A_1287 = arith.muli %add3A_1285, %mul3A_1286 : i32
      %add3A_1288 = vector.broadcast %mul3A_1287 : i32 to vector<16xi32>
      %add3A_1289 = arith.addi %add3A_1288, %add3A_161 : vector<16xi32>
      %gather3A_1290 = tpu.vector_load_idx %arg12[%add3A_1289] : memref<33600xf32, #tpu.memory_space<vmem>>[vector<16xi32>], vector<16xf32>,
      %eq3A_1291 = vector.broadcast %scan3A_1283 : i32 to vector<16xi32>
      %eq3A_1292 = arith.cmpi eq, %convert_element_type3A, %eq3A_1291 : vector<16xi32>
      %abs3A_1293 = math.absf %gather3A_1290 : vector<16xf32>
      %neg3A_1294 = arith.constant 0.000000e+00 : f32
      %neg3A_1295 = vector.broadcast %neg3A_1294 : f32 to vector<16xf32>
      %neg3A_1296 = arith.subf %neg3A_1295, %abs3A_1293 : vector<16xf32>
      %exp3A_1297 = math.exp %neg3A_1296 : vector<16xf32>
      %add3A_1298 = arith.constant 2.000000e+00 : f32
      %add3A_1299 = vector.broadcast %add3A_1298 : f32 to vector<16xf32>
      %add3A_1300 = arith.addf %add3A_1299, %exp3A_1297 : vector<16xf32>
      %div3A_1301 = arith.divf %exp3A_1297, %add3A_1300 : vector<16xf32>
      %mul3A_1302 = arith.mulf %div3A_1301, %div3A_1301 : vector<16xf32>
      %mul3A_1303 = arith.constant 0.0909090936 : f32
      %mul3A_1304 = vector.broadcast %mul3A_1303 : f32 to vector<16xf32>
      %mul3A_1305 = arith.mulf %mul3A_1302, %mul3A_1304 : vector<16xf32>
      %add3A_1306 = arith.constant 0.111111112 : f32
      %add3A_1307 = vector.broadcast %add3A_1306 : f32 to vector<16xf32>
      %add3A_1308 = arith.addf %add3A_1307, %mul3A_1305 : vector<16xf32>
      %mul3A_1309 = arith.mulf %mul3A_1302, %add3A_1308 : vector<16xf32>
      %add3A_1310 = arith.constant 0.142857149 : f32
      %add3A_1311 = vector.broadcast %add3A_1310 : f32 to vector<16xf32>
      %add3A_1312 = arith.addf %add3A_1311, %mul3A_1309 : vector<16xf32>
      %mul3A_1313 = arith.mulf %mul3A_1302, %add3A_1312 : vector<16xf32>
      %add3A_1314 = arith.constant 2.000000e-01 : f32
      %add3A_1315 = vector.broadcast %add3A_1314 : f32 to vector<16xf32>
      %add3A_1316 = arith.addf %add3A_1315, %mul3A_1313 : vector<16xf32>
      %mul3A_1317 = arith.mulf %mul3A_1302, %add3A_1316 : vector<16xf32>
      %add3A_1318 = arith.constant 0.333333343 : f32
      %add3A_1319 = vector.broadcast %add3A_1318 : f32 to vector<16xf32>
      %add3A_1320 = arith.addf %add3A_1319, %mul3A_1317 : vector<16xf32>
      %mul3A_1321 = arith.mulf %mul3A_1302, %add3A_1320 : vector<16xf32>
      %add3A_1322 = arith.constant 1.000000e+00 : f32
      %add3A_1323 = vector.broadcast %add3A_1322 : f32 to vector<16xf32>
      %add3A_1324 = arith.addf %add3A_1323, %mul3A_1321 : vector<16xf32>
      %max3A_1325 = arith.constant 0.000000e+00 : f32
      %max3A_1326 = vector.broadcast %max3A_1325 : f32 to vector<16xf32>
      %max3A_1327 = arith.maximumf %gather3A_1290, %max3A_1326 : vector<16xf32>
      %mul3A_1328 = arith.constant 2.000000e+00 : f32
      %mul3A_1329 = vector.broadcast %mul3A_1328 : f32 to vector<16xf32>
      %mul3A_1330 = arith.mulf %mul3A_1329, %div3A_1301 : vector<16xf32>
      %mul3A_1331 = arith.mulf %mul3A_1330, %add3A_1324 : vector<16xf32>
      %add3A_1332 = arith.addf %max3A_1327, %mul3A_1331 : vector<16xf32>
      %sub3A_1333 = arith.subf %add3A_1332, %gather3A_1290 : vector<16xf32>
      %select_n3A_1334 = arith.select %eq3A_1292, %sub3A_1333, %add3A_1332 : vector<16xi1>, vector<16xf32>
      %abs3A_1335 = math.absf %gather3A_1290 : vector<16xf32>
      %neg3A_1336 = arith.constant 0.000000e+00 : f32
      %neg3A_1337 = vector.broadcast %neg3A_1336 : f32 to vector<16xf32>
      %neg3A_1338 = arith.subf %neg3A_1337, %abs3A_1335 : vector<16xf32>
      %exp3A_1339 = math.exp %neg3A_1338 : vector<16xf32>
      %add3A_1340 = arith.constant 1.000000e+00 : f32
      %add3A_1341 = vector.broadcast %add3A_1340 : f32 to vector<16xf32>
      %add3A_1342 = arith.addf %add3A_1341, %exp3A_1339 : vector<16xf32>
      %div3A_1343 = arith.constant 1.000000e+00 : f32
      %div3A_1344 = vector.broadcast %div3A_1343 : f32 to vector<16xf32>
      %div3A_1345 = arith.divf %div3A_1344, %add3A_1342 : vector<16xf32>
      %ge3A_1346 = arith.constant 0.000000e+00 : f32
      %ge3A_1347 = vector.broadcast %ge3A_1346 : f32 to vector<16xf32>
      %ge3A_1348 = arith.cmpf oge, %gather3A_1290, %ge3A_1347 : vector<16xf32>
      %sub3A_1349 = arith.constant 1.000000e+00 : f32
      %sub3A_1350 = vector.broadcast %sub3A_1349 : f32 to vector<16xf32>
      %sub3A_1351 = arith.subf %sub3A_1350, %div3A_1345 : vector<16xf32>
      %select_n3A_1352 = arith.select %ge3A_1348, %div3A_1345, %sub3A_1351 : vector<16xi1>, vector<16xf32>
      %sub3A_1353 = arith.constant 1.000000e+00 : f32
      %sub3A_1354 = vector.broadcast %sub3A_1353 : f32 to vector<16xf32>
      %sub3A_1355 = arith.subf %sub3A_1354, %select_n3A_1352 : vector<16xf32>
      %select_n3A_1356 = arith.select %eq3A_1292, %select_n3A_1352, %sub3A_1355 : vector<16xi1>, vector<16xf32>
      %sub3A_1357 = arith.constant 1.000000e+00 : f32
      %sub3A_1358 = vector.broadcast %sub3A_1357 : f32 to vector<16xf32>
      %sub3A_1359 = arith.subf %sub3A_1358, %select_n3A_1356 : vector<16xf32>
      %mul3A_1360 = arith.constant 2.500000e-01 : f32
      %mul3A_1361 = vector.broadcast %mul3A_1360 : f32 to vector<16xf32>
      %mul3A_1362 = arith.mulf %mul3A_1361, %sub3A_1359 : vector<16xf32>
      %mul3A_1363 = arith.mulf %mul3A_1362, %sub3A_1359 : vector<16xf32>
      %mul3A_1364 = arith.mulf %mul3A_1363, %select_n3A_1334 : vector<16xf32>
      %jit3A_1365 = arith.constant 0.000000e+00 : f32
      %broadcast_in_dim3A_1366 = vector.broadcast %jit3A_1365 : f32 to vector<16xf32>
      %select_n3A_1367 = arith.select %lt3A_93, %mul3A_1364, %broadcast_in_dim3A_1366 : vector<16xi1>, vector<16xf32>
      %add3A_1368 = arith.addf %add3A_1281, %select_n3A_1367 : vector<16xf32>
      %scan3A_1369 = arith.constant 3 : i32
      %scan3A_1370 = arith.addi %scan3A_1108, %scan3A_1369 : i32
      %add3A_1371 = arith.constant 1 : i32
      %add3A_1372 = arith.addi %scan3A_1370, %add3A_1371 : i32
      %mul3A_1373 = arith.constant 1600 : i32
      %mul3A_1374 = arith.muli %add3A_1372, %mul3A_1373 : i32
      %add3A_1375 = vector.broadcast %mul3A_1374 : i32 to vector<16xi32>
      %add3A_1376 = arith.addi %add3A_1375, %add3A_161 : vector<16xi32>
      %gather3A_1377 = tpu.vector_load_idx %arg12[%add3A_1376] : memref<33600xf32, #tpu.memory_space<vmem>>[vector<16xi32>], vector<16xf32>,
      %eq3A_1378 = vector.broadcast %scan3A_1370 : i32 to vector<16xi32>
      %eq3A_1379 = arith.cmpi eq, %convert_element_type3A, %eq3A_1378 : vector<16xi32>
      %abs3A_1380 = math.absf %gather3A_1377 : vector<16xf32>
      %neg3A_1381 = arith.constant 0.000000e+00 : f32
      %neg3A_1382 = vector.broadcast %neg3A_1381 : f32 to vector<16xf32>
      %neg3A_1383 = arith.subf %neg3A_1382, %abs3A_1380 : vector<16xf32>
      %exp3A_1384 = math.exp %neg3A_1383 : vector<16xf32>
      %add3A_1385 = arith.constant 2.000000e+00 : f32
      %add3A_1386 = vector.broadcast %add3A_1385 : f32 to vector<16xf32>
      %add3A_1387 = arith.addf %add3A_1386, %exp3A_1384 : vector<16xf32>
      %div3A_1388 = arith.divf %exp3A_1384, %add3A_1387 : vector<16xf32>
      %mul3A_1389 = arith.mulf %div3A_1388, %div3A_1388 : vector<16xf32>
      %mul3A_1390 = arith.constant 0.0909090936 : f32
      %mul3A_1391 = vector.broadcast %mul3A_1390 : f32 to vector<16xf32>
      %mul3A_1392 = arith.mulf %mul3A_1389, %mul3A_1391 : vector<16xf32>
      %add3A_1393 = arith.constant 0.111111112 : f32
      %add3A_1394 = vector.broadcast %add3A_1393 : f32 to vector<16xf32>
      %add3A_1395 = arith.addf %add3A_1394, %mul3A_1392 : vector<16xf32>
      %mul3A_1396 = arith.mulf %mul3A_1389, %add3A_1395 : vector<16xf32>
      %add3A_1397 = arith.constant 0.142857149 : f32
      %add3A_1398 = vector.broadcast %add3A_1397 : f32 to vector<16xf32>
      %add3A_1399 = arith.addf %add3A_1398, %mul3A_1396 : vector<16xf32>
      %mul3A_1400 = arith.mulf %mul3A_1389, %add3A_1399 : vector<16xf32>
      %add3A_1401 = arith.constant 2.000000e-01 : f32
      %add3A_1402 = vector.broadcast %add3A_1401 : f32 to vector<16xf32>
      %add3A_1403 = arith.addf %add3A_1402, %mul3A_1400 : vector<16xf32>
      %mul3A_1404 = arith.mulf %mul3A_1389, %add3A_1403 : vector<16xf32>
      %add3A_1405 = arith.constant 0.333333343 : f32
      %add3A_1406 = vector.broadcast %add3A_1405 : f32 to vector<16xf32>
      %add3A_1407 = arith.addf %add3A_1406, %mul3A_1404 : vector<16xf32>
      %mul3A_1408 = arith.mulf %mul3A_1389, %add3A_1407 : vector<16xf32>
      %add3A_1409 = arith.constant 1.000000e+00 : f32
      %add3A_1410 = vector.broadcast %add3A_1409 : f32 to vector<16xf32>
      %add3A_1411 = arith.addf %add3A_1410, %mul3A_1408 : vector<16xf32>
      %max3A_1412 = arith.constant 0.000000e+00 : f32
      %max3A_1413 = vector.broadcast %max3A_1412 : f32 to vector<16xf32>
      %max3A_1414 = arith.maximumf %gather3A_1377, %max3A_1413 : vector<16xf32>
      %mul3A_1415 = arith.constant 2.000000e+00 : f32
      %mul3A_1416 = vector.broadcast %mul3A_1415 : f32 to vector<16xf32>
      %mul3A_1417 = arith.mulf %mul3A_1416, %div3A_1388 : vector<16xf32>
      %mul3A_1418 = arith.mulf %mul3A_1417, %add3A_1411 : vector<16xf32>
      %add3A_1419 = arith.addf %max3A_1414, %mul3A_1418 : vector<16xf32>
      %sub3A_1420 = arith.subf %add3A_1419, %gather3A_1377 : vector<16xf32>
      %select_n3A_1421 = arith.select %eq3A_1379, %sub3A_1420, %add3A_1419 : vector<16xi1>, vector<16xf32>
      %abs3A_1422 = math.absf %gather3A_1377 : vector<16xf32>
      %neg3A_1423 = arith.constant 0.000000e+00 : f32
      %neg3A_1424 = vector.broadcast %neg3A_1423 : f32 to vector<16xf32>
      %neg3A_1425 = arith.subf %neg3A_1424, %abs3A_1422 : vector<16xf32>
      %exp3A_1426 = math.exp %neg3A_1425 : vector<16xf32>
      %add3A_1427 = arith.constant 1.000000e+00 : f32
      %add3A_1428 = vector.broadcast %add3A_1427 : f32 to vector<16xf32>
      %add3A_1429 = arith.addf %add3A_1428, %exp3A_1426 : vector<16xf32>
      %div3A_1430 = arith.constant 1.000000e+00 : f32
      %div3A_1431 = vector.broadcast %div3A_1430 : f32 to vector<16xf32>
      %div3A_1432 = arith.divf %div3A_1431, %add3A_1429 : vector<16xf32>
      %ge3A_1433 = arith.constant 0.000000e+00 : f32
      %ge3A_1434 = vector.broadcast %ge3A_1433 : f32 to vector<16xf32>
      %ge3A_1435 = arith.cmpf oge, %gather3A_1377, %ge3A_1434 : vector<16xf32>
      %sub3A_1436 = arith.constant 1.000000e+00 : f32
      %sub3A_1437 = vector.broadcast %sub3A_1436 : f32 to vector<16xf32>
      %sub3A_1438 = arith.subf %sub3A_1437, %div3A_1432 : vector<16xf32>
      %select_n3A_1439 = arith.select %ge3A_1435, %div3A_1432, %sub3A_1438 : vector<16xi1>, vector<16xf32>
      %sub3A_1440 = arith.constant 1.000000e+00 : f32
      %sub3A_1441 = vector.broadcast %sub3A_1440 : f32 to vector<16xf32>
      %sub3A_1442 = arith.subf %sub3A_1441, %select_n3A_1439 : vector<16xf32>
      %select_n3A_1443 = arith.select %eq3A_1379, %select_n3A_1439, %sub3A_1442 : vector<16xi1>, vector<16xf32>
      %sub3A_1444 = arith.constant 1.000000e+00 : f32
      %sub3A_1445 = vector.broadcast %sub3A_1444 : f32 to vector<16xf32>
      %sub3A_1446 = arith.subf %sub3A_1445, %select_n3A_1443 : vector<16xf32>
      %mul3A_1447 = arith.constant 2.500000e-01 : f32
      %mul3A_1448 = vector.broadcast %mul3A_1447 : f32 to vector<16xf32>
      %mul3A_1449 = arith.mulf %mul3A_1448, %sub3A_1446 : vector<16xf32>
      %mul3A_1450 = arith.mulf %mul3A_1449, %sub3A_1446 : vector<16xf32>
      %mul3A_1451 = arith.mulf %mul3A_1450, %select_n3A_1421 : vector<16xf32>
      %jit3A_1452 = arith.constant 0.000000e+00 : f32
      %broadcast_in_dim3A_1453 = vector.broadcast %jit3A_1452 : f32 to vector<16xf32>
      %select_n3A_1454 = arith.select %lt3A_93, %mul3A_1451, %broadcast_in_dim3A_1453 : vector<16xi1>, vector<16xf32>
      %add3A_1455 = arith.addf %add3A_1368, %select_n3A_1454 : vector<16xf32>
      scf.yield %add3A_1455 : vector<16xf32>
    }
    %scan3A_375 = arith.constant 20 : i32
    %reduce_sum3A_376 = arith.constant true
    %reduce_sum3A_377 = vector.broadcast %reduce_sum3A_376 : i1 to vector<16xi1>
    %reduce_sum3A_378 = tpu.scan <sum>, %scan3A_374 masked %reduce_sum3A_377 : vector<16xf32>, vector<16xi1> -> vector<16xf32>
    %reduce_sum3A_379 = vector.extract %reduce_sum3A_378[15] : f32 from vector<16xf32>
    %mul3A_380 = arith.constant 5.000000e-02 : f32
    %mul3A_381 = arith.mulf %reduce_sum3A_379, %mul3A_380 : f32
    %swap3A = arith.constant 0 : index
    %swap3A_382 = tpu.vector_load %arg18[%swap3A] {strides = array<i32>} : memref<16xi32, #tpu.memory_space<vmem>>, vector<16xi32>,
    tpu.vector_store %arg18[%swap3A], %add3A_161 {strides = array<i32>} : memref<16xi32, #tpu.memory_space<vmem>>, vector<16xi32>,
    %broadcast_in_dim3A_383 = arith.constant false
    %broadcast_in_dim3A_384 = vector.broadcast %broadcast_in_dim3A_383 : i1 to vector<16xi1>
    %broadcast_in_dim3A_385 = arith.constant 0 : i32
    %broadcast_in_dim3A_386 = vector.broadcast %broadcast_in_dim3A_385 : i32 to vector<16xi32>
    %gather3A_387 = tpu.vector_load_idx %arg18[%broadcast_in_dim3A_386] : memref<16xi32, #tpu.memory_space<vmem>>[vector<16xi32>], vector<16xi32>,
    %gt3A = arith.constant 0 : i32
    %gt3A_388 = vector.broadcast %gt3A : i32 to vector<16xi32>
    %gt3A_389 = arith.cmpi sgt, %iota3A_91, %gt3A_388 : vector<16xi32>
    %eq3A = arith.cmpi eq, %add3A_161, %gather3A_387 : vector<16xi32>
    %and3A = arith.andi %gt3A_389, %eq3A : vector<16xi1>
    %or3A = arith.ori %broadcast_in_dim3A_384, %and3A : vector<16xi1>
    %broadcast_in_dim3A_390 = arith.constant 1 : i32
    %broadcast_in_dim3A_391 = vector.broadcast %broadcast_in_dim3A_390 : i32 to vector<16xi32>
    %gather3A_392 = tpu.vector_load_idx %arg18[%broadcast_in_dim3A_391] : memref<16xi32, #tpu.memory_space<vmem>>[vector<16xi32>], vector<16xi32>,
    %gt3A_393 = arith.constant 1 : i32
    %gt3A_394 = vector.broadcast %gt3A_393 : i32 to vector<16xi32>
    %gt3A_395 = arith.cmpi sgt, %iota3A_91, %gt3A_394 : vector<16xi32>
    %eq3A_396 = arith.cmpi eq, %add3A_161, %gather3A_392 : vector<16xi32>
    %and3A_397 = arith.andi %gt3A_395, %eq3A_396 : vector<16xi1>
    %or3A_398 = arith.ori %or3A, %and3A_397 : vector<16xi1>
    %broadcast_in_dim3A_399 = arith.constant 2 : i32
    %broadcast_in_dim3A_400 = vector.broadcast %broadcast_in_dim3A_399 : i32 to vector<16xi32>
    %gather3A_401 = tpu.vector_load_idx %arg18[%broadcast_in_dim3A_400] : memref<16xi32, #tpu.memory_space<vmem>>[vector<16xi32>], vector<16xi32>,
    %gt3A_402 = arith.constant 2 : i32
    %gt3A_403 = vector.broadcast %gt3A_402 : i32 to vector<16xi32>
    %gt3A_404 = arith.cmpi sgt, %iota3A_91, %gt3A_403 : vector<16xi32>
    %eq3A_405 = arith.cmpi eq, %add3A_161, %gather3A_401 : vector<16xi32>
    %and3A_406 = arith.andi %gt3A_404, %eq3A_405 : vector<16xi1>
    %or3A_407 = arith.ori %or3A_398, %and3A_406 : vector<16xi1>
    %broadcast_in_dim3A_408 = arith.constant 3 : i32
    %broadcast_in_dim3A_409 = vector.broadcast %broadcast_in_dim3A_408 : i32 to vector<16xi32>
    %gather3A_410 = tpu.vector_load_idx %arg18[%broadcast_in_dim3A_409] : memref<16xi32, #tpu.memory_space<vmem>>[vector<16xi32>], vector<16xi32>,
    %gt3A_411 = arith.constant 3 : i32
    %gt3A_412 = vector.broadcast %gt3A_411 : i32 to vector<16xi32>
    %gt3A_413 = arith.cmpi sgt, %iota3A_91, %gt3A_412 : vector<16xi32>
    %eq3A_414 = arith.cmpi eq, %add3A_161, %gather3A_410 : vector<16xi32>
    %and3A_415 = arith.andi %gt3A_413, %eq3A_414 : vector<16xi1>
    %or3A_416 = arith.ori %or3A_407, %and3A_415 : vector<16xi1>
    %broadcast_in_dim3A_417 = arith.constant 4 : i32
    %broadcast_in_dim3A_418 = vector.broadcast %broadcast_in_dim3A_417 : i32 to vector<16xi32>
    %gather3A_419 = tpu.vector_load_idx %arg18[%broadcast_in_dim3A_418] : memref<16xi32, #tpu.memory_space<vmem>>[vector<16xi32>], vector<16xi32>,
    %gt3A_420 = arith.constant 4 : i32
    %gt3A_421 = vector.broadcast %gt3A_420 : i32 to vector<16xi32>
    %gt3A_422 = arith.cmpi sgt, %iota3A_91, %gt3A_421 : vector<16xi32>
    %eq3A_423 = arith.cmpi eq, %add3A_161, %gather3A_419 : vector<16xi32>
    %and3A_424 = arith.andi %gt3A_422, %eq3A_423 : vector<16xi1>
    %or3A_425 = arith.ori %or3A_416, %and3A_424 : vector<16xi1>
    %broadcast_in_dim3A_426 = arith.constant 5 : i32
    %broadcast_in_dim3A_427 = vector.broadcast %broadcast_in_dim3A_426 : i32 to vector<16xi32>
    %gather3A_428 = tpu.vector_load_idx %arg18[%broadcast_in_dim3A_427] : memref<16xi32, #tpu.memory_space<vmem>>[vector<16xi32>], vector<16xi32>,
    %gt3A_429 = arith.constant 5 : i32
    %gt3A_430 = vector.broadcast %gt3A_429 : i32 to vector<16xi32>
    %gt3A_431 = arith.cmpi sgt, %iota3A_91, %gt3A_430 : vector<16xi32>
    %eq3A_432 = arith.cmpi eq, %add3A_161, %gather3A_428 : vector<16xi32>
    %and3A_433 = arith.andi %gt3A_431, %eq3A_432 : vector<16xi1>
    %or3A_434 = arith.ori %or3A_425, %and3A_433 : vector<16xi1>
    %broadcast_in_dim3A_435 = arith.constant 6 : i32
    %broadcast_in_dim3A_436 = vector.broadcast %broadcast_in_dim3A_435 : i32 to vector<16xi32>
    %gather3A_437 = tpu.vector_load_idx %arg18[%broadcast_in_dim3A_436] : memref<16xi32, #tpu.memory_space<vmem>>[vector<16xi32>], vector<16xi32>,
    %gt3A_438 = arith.constant 6 : i32
    %gt3A_439 = vector.broadcast %gt3A_438 : i32 to vector<16xi32>
    %gt3A_440 = arith.cmpi sgt, %iota3A_91, %gt3A_439 : vector<16xi32>
    %eq3A_441 = arith.cmpi eq, %add3A_161, %gather3A_437 : vector<16xi32>
    %and3A_442 = arith.andi %gt3A_440, %eq3A_441 : vector<16xi1>
    %or3A_443 = arith.ori %or3A_434, %and3A_442 : vector<16xi1>
    %broadcast_in_dim3A_444 = arith.constant 7 : i32
    %broadcast_in_dim3A_445 = vector.broadcast %broadcast_in_dim3A_444 : i32 to vector<16xi32>
    %gather3A_446 = tpu.vector_load_idx %arg18[%broadcast_in_dim3A_445] : memref<16xi32, #tpu.memory_space<vmem>>[vector<16xi32>], vector<16xi32>,
    %gt3A_447 = arith.constant 7 : i32
    %gt3A_448 = vector.broadcast %gt3A_447 : i32 to vector<16xi32>
    %gt3A_449 = arith.cmpi sgt, %iota3A_91, %gt3A_448 : vector<16xi32>
    %eq3A_450 = arith.cmpi eq, %add3A_161, %gather3A_446 : vector<16xi32>
    %and3A_451 = arith.andi %gt3A_449, %eq3A_450 : vector<16xi1>
    %or3A_452 = arith.ori %or3A_443, %and3A_451 : vector<16xi1>
    %broadcast_in_dim3A_453 = arith.constant 8 : i32
    %broadcast_in_dim3A_454 = vector.broadcast %broadcast_in_dim3A_453 : i32 to vector<16xi32>
    %gather3A_455 = tpu.vector_load_idx %arg18[%broadcast_in_dim3A_454] : memref<16xi32, #tpu.memory_space<vmem>>[vector<16xi32>], vector<16xi32>,
    %gt3A_456 = arith.constant 8 : i32
    %gt3A_457 = vector.broadcast %gt3A_456 : i32 to vector<16xi32>
    %gt3A_458 = arith.cmpi sgt, %iota3A_91, %gt3A_457 : vector<16xi32>
    %eq3A_459 = arith.cmpi eq, %add3A_161, %gather3A_455 : vector<16xi32>
    %and3A_460 = arith.andi %gt3A_458, %eq3A_459 : vector<16xi1>
    %or3A_461 = arith.ori %or3A_452, %and3A_460 : vector<16xi1>
    %broadcast_in_dim3A_462 = arith.constant 9 : i32
    %broadcast_in_dim3A_463 = vector.broadcast %broadcast_in_dim3A_462 : i32 to vector<16xi32>
    %gather3A_464 = tpu.vector_load_idx %arg18[%broadcast_in_dim3A_463] : memref<16xi32, #tpu.memory_space<vmem>>[vector<16xi32>], vector<16xi32>,
    %gt3A_465 = arith.constant 9 : i32
    %gt3A_466 = vector.broadcast %gt3A_465 : i32 to vector<16xi32>
    %gt3A_467 = arith.cmpi sgt, %iota3A_91, %gt3A_466 : vector<16xi32>
    %eq3A_468 = arith.cmpi eq, %add3A_161, %gather3A_464 : vector<16xi32>
    %and3A_469 = arith.andi %gt3A_467, %eq3A_468 : vector<16xi1>
    %or3A_470 = arith.ori %or3A_461, %and3A_469 : vector<16xi1>
    %broadcast_in_dim3A_471 = arith.constant 10 : i32
    %broadcast_in_dim3A_472 = vector.broadcast %broadcast_in_dim3A_471 : i32 to vector<16xi32>
    %gather3A_473 = tpu.vector_load_idx %arg18[%broadcast_in_dim3A_472] : memref<16xi32, #tpu.memory_space<vmem>>[vector<16xi32>], vector<16xi32>,
    %gt3A_474 = arith.constant 10 : i32
    %gt3A_475 = vector.broadcast %gt3A_474 : i32 to vector<16xi32>
    %gt3A_476 = arith.cmpi sgt, %iota3A_91, %gt3A_475 : vector<16xi32>
    %eq3A_477 = arith.cmpi eq, %add3A_161, %gather3A_473 : vector<16xi32>
    %and3A_478 = arith.andi %gt3A_476, %eq3A_477 : vector<16xi1>
    %or3A_479 = arith.ori %or3A_470, %and3A_478 : vector<16xi1>
    %broadcast_in_dim3A_480 = arith.constant 11 : i32
    %broadcast_in_dim3A_481 = vector.broadcast %broadcast_in_dim3A_480 : i32 to vector<16xi32>
    %gather3A_482 = tpu.vector_load_idx %arg18[%broadcast_in_dim3A_481] : memref<16xi32, #tpu.memory_space<vmem>>[vector<16xi32>], vector<16xi32>,
    %gt3A_483 = arith.constant 11 : i32
    %gt3A_484 = vector.broadcast %gt3A_483 : i32 to vector<16xi32>
    %gt3A_485 = arith.cmpi sgt, %iota3A_91, %gt3A_484 : vector<16xi32>
    %eq3A_486 = arith.cmpi eq, %add3A_161, %gather3A_482 : vector<16xi32>
    %and3A_487 = arith.andi %gt3A_485, %eq3A_486 : vector<16xi1>
    %or3A_488 = arith.ori %or3A_479, %and3A_487 : vector<16xi1>
    %broadcast_in_dim3A_489 = arith.constant 12 : i32
    %broadcast_in_dim3A_490 = vector.broadcast %broadcast_in_dim3A_489 : i32 to vector<16xi32>
    %gather3A_491 = tpu.vector_load_idx %arg18[%broadcast_in_dim3A_490] : memref<16xi32, #tpu.memory_space<vmem>>[vector<16xi32>], vector<16xi32>,
    %gt3A_492 = arith.constant 12 : i32
    %gt3A_493 = vector.broadcast %gt3A_492 : i32 to vector<16xi32>
    %gt3A_494 = arith.cmpi sgt, %iota3A_91, %gt3A_493 : vector<16xi32>
    %eq3A_495 = arith.cmpi eq, %add3A_161, %gather3A_491 : vector<16xi32>
    %and3A_496 = arith.andi %gt3A_494, %eq3A_495 : vector<16xi1>
    %or3A_497 = arith.ori %or3A_488, %and3A_496 : vector<16xi1>
    %broadcast_in_dim3A_498 = arith.constant 13 : i32
    %broadcast_in_dim3A_499 = vector.broadcast %broadcast_in_dim3A_498 : i32 to vector<16xi32>
    %gather3A_500 = tpu.vector_load_idx %arg18[%broadcast_in_dim3A_499] : memref<16xi32, #tpu.memory_space<vmem>>[vector<16xi32>], vector<16xi32>,
    %gt3A_501 = arith.constant 13 : i32
    %gt3A_502 = vector.broadcast %gt3A_501 : i32 to vector<16xi32>
    %gt3A_503 = arith.cmpi sgt, %iota3A_91, %gt3A_502 : vector<16xi32>
    %eq3A_504 = arith.cmpi eq, %add3A_161, %gather3A_500 : vector<16xi32>
    %and3A_505 = arith.andi %gt3A_503, %eq3A_504 : vector<16xi1>
    %or3A_506 = arith.ori %or3A_497, %and3A_505 : vector<16xi1>
    %broadcast_in_dim3A_507 = arith.constant 14 : i32
    %broadcast_in_dim3A_508 = vector.broadcast %broadcast_in_dim3A_507 : i32 to vector<16xi32>
    %gather3A_509 = tpu.vector_load_idx %arg18[%broadcast_in_dim3A_508] : memref<16xi32, #tpu.memory_space<vmem>>[vector<16xi32>], vector<16xi32>,
    %gt3A_510 = arith.constant 14 : i32
    %gt3A_511 = vector.broadcast %gt3A_510 : i32 to vector<16xi32>
    %gt3A_512 = arith.cmpi sgt, %iota3A_91, %gt3A_511 : vector<16xi32>
    %eq3A_513 = arith.cmpi eq, %add3A_161, %gather3A_509 : vector<16xi32>
    %and3A_514 = arith.andi %gt3A_512, %eq3A_513 : vector<16xi1>
    %or3A_515 = arith.ori %or3A_506, %and3A_514 : vector<16xi1>
    %not3A = arith.constant dense<true> : vector<16xi1>
    %not3A_516 = arith.xori %or3A_515, %not3A : vector<16xi1>
    %and3A_517 = arith.andi %not3A_516, %lt3A_93 : vector<16xi1>
    %jit3A_518 = arith.constant 1.000000e+00 : f32
    %jit3A_519 = arith.constant 0.000000e+00 : f32
    %broadcast_in_dim3A_520 = vector.broadcast %jit3A_518 : f32 to vector<16xf32>
    %broadcast_in_dim3A_521 = vector.broadcast %jit3A_519 : f32 to vector<16xf32>
    %select_n3A_522 = arith.select %and3A_517, %broadcast_in_dim3A_520, %broadcast_in_dim3A_521 : vector<16xi1>, vector<16xf32>
    %reduce_sum3A_523 = arith.constant true
    %reduce_sum3A_524 = vector.broadcast %reduce_sum3A_523 : i1 to vector<16xi1>
    %reduce_sum3A_525 = tpu.scan <sum>, %select_n3A_522 masked %reduce_sum3A_524 : vector<16xf32>, vector<16xi1> -> vector<16xf32>
    %reduce_sum3A_526 = vector.extract %reduce_sum3A_525[15] : f32 from vector<16xf32>
    %jit3A_527 = arith.constant 0.000000e+00 : f32
    %broadcast_in_dim3A_528 = vector.broadcast %jit3A_527 : f32 to vector<16xf32>
    %select_n3A_529 = arith.select %and3A_517, %add3A_360, %broadcast_in_dim3A_528 : vector<16xi1>, vector<16xf32>
    %reduce_sum3A_530 = arith.constant true
    %reduce_sum3A_531 = vector.broadcast %reduce_sum3A_530 : i1 to vector<16xi1>
    %reduce_sum3A_532 = tpu.scan <sum>, %select_n3A_529 masked %reduce_sum3A_531 : vector<16xf32>, vector<16xi1> -> vector<16xf32>
    %reduce_sum3A_533 = vector.extract %reduce_sum3A_532[15] : f32 from vector<16xf32>
    %broadcast_in_dim3A_534 = arith.constant 0.000000e+00 : f32
    %broadcast_in_dim3A_535 = vector.broadcast %broadcast_in_dim3A_534 : f32 to vector<16xf32>
    %broadcast_in_dim3A_536 = arith.constant 0.000000e+00 : f32
    %broadcast_in_dim3A_537 = vector.broadcast %broadcast_in_dim3A_536 : f32 to vector<16xf32>
    %broadcast_in_dim3A_538 = arith.constant 0.000000e+00 : f32
    %broadcast_in_dim3A_539 = vector.broadcast %broadcast_in_dim3A_538 : f32 to vector<16xf32>
    %broadcast_in_dim3A_540 = arith.constant 0.000000e+00 : f32
    %broadcast_in_dim3A_541 = vector.broadcast %broadcast_in_dim3A_540 : f32 to vector<16xf32>
    %scan3A_542 = arith.constant 0 : i32
    %scan3A_543 = arith.constant 25 : i32
    %scan3A_544 = arith.addi %scan3A_542, %scan3A_543 : i32
    %scan3A_545 = arith.constant 1 : i32
    %scan3A_546:4 = scf.for %scan3A_1108 = %scan3A_542 to %scan3A_544 step %scan3A_545 iter_args(%scan3A_1109 = %broadcast_in_dim3A_535, %scan3A_1110 = %broadcast_in_dim3A_537, %scan3A_1111 = %broadcast_in_dim3A_539, %scan3A_1112 = %broadcast_in_dim3A_541) -> (vector<16xf32>, vector<16xf32>, vector<16xf32>, vector<16xf32>)  : i32 {
      %mul3A_1113 = arith.constant 64 : i32
      %mul3A_1114 = arith.muli %scan3A_1108, %mul3A_1113 : i32
      %add3A_1115 = arith.constant 0 : i32
      %add3A_1116 = arith.addi %mul3A_1114, %add3A_1115 : i32
      %get3A = arith.index_cast %add3A_1116 : i32 to index
      %get3A_1117 = tpu.vector_load %arg12[%get3A] {strides = array<i32>} : memref<33600xf32, #tpu.memory_space<vmem>>, vector<16xf32>,
      %abs3A_1118 = math.absf %get3A_1117 : vector<16xf32>
      %neg3A_1119 = arith.constant 0.000000e+00 : f32
      %neg3A_1120 = vector.broadcast %neg3A_1119 : f32 to vector<16xf32>
      %neg3A_1121 = arith.subf %neg3A_1120, %abs3A_1118 : vector<16xf32>
      %exp3A_1122 = math.exp %neg3A_1121 : vector<16xf32>
      %add3A_1123 = arith.constant 2.000000e+00 : f32
      %add3A_1124 = vector.broadcast %add3A_1123 : f32 to vector<16xf32>
      %add3A_1125 = arith.addf %add3A_1124, %exp3A_1122 : vector<16xf32>
      %div3A_1126 = arith.divf %exp3A_1122, %add3A_1125 : vector<16xf32>
      %mul3A_1127 = arith.mulf %div3A_1126, %div3A_1126 : vector<16xf32>
      %mul3A_1128 = arith.constant 0.0909090936 : f32
      %mul3A_1129 = vector.broadcast %mul3A_1128 : f32 to vector<16xf32>
      %mul3A_1130 = arith.mulf %mul3A_1127, %mul3A_1129 : vector<16xf32>
      %add3A_1131 = arith.constant 0.111111112 : f32
      %add3A_1132 = vector.broadcast %add3A_1131 : f32 to vector<16xf32>
      %add3A_1133 = arith.addf %add3A_1132, %mul3A_1130 : vector<16xf32>
      %mul3A_1134 = arith.mulf %mul3A_1127, %add3A_1133 : vector<16xf32>
      %add3A_1135 = arith.constant 0.142857149 : f32
      %add3A_1136 = vector.broadcast %add3A_1135 : f32 to vector<16xf32>
      %add3A_1137 = arith.addf %add3A_1136, %mul3A_1134 : vector<16xf32>
      %mul3A_1138 = arith.mulf %mul3A_1127, %add3A_1137 : vector<16xf32>
      %add3A_1139 = arith.constant 2.000000e-01 : f32
      %add3A_1140 = vector.broadcast %add3A_1139 : f32 to vector<16xf32>
      %add3A_1141 = arith.addf %add3A_1140, %mul3A_1138 : vector<16xf32>
      %mul3A_1142 = arith.mulf %mul3A_1127, %add3A_1141 : vector<16xf32>
      %add3A_1143 = arith.constant 0.333333343 : f32
      %add3A_1144 = vector.broadcast %add3A_1143 : f32 to vector<16xf32>
      %add3A_1145 = arith.addf %add3A_1144, %mul3A_1142 : vector<16xf32>
      %mul3A_1146 = arith.mulf %mul3A_1127, %add3A_1145 : vector<16xf32>
      %add3A_1147 = arith.constant 1.000000e+00 : f32
      %add3A_1148 = vector.broadcast %add3A_1147 : f32 to vector<16xf32>
      %add3A_1149 = arith.addf %add3A_1148, %mul3A_1146 : vector<16xf32>
      %max3A_1150 = arith.constant 0.000000e+00 : f32
      %max3A_1151 = vector.broadcast %max3A_1150 : f32 to vector<16xf32>
      %max3A_1152 = arith.maximumf %get3A_1117, %max3A_1151 : vector<16xf32>
      %mul3A_1153 = arith.constant 2.000000e+00 : f32
      %mul3A_1154 = vector.broadcast %mul3A_1153 : f32 to vector<16xf32>
      %mul3A_1155 = arith.mulf %mul3A_1154, %div3A_1126 : vector<16xf32>
      %mul3A_1156 = arith.mulf %mul3A_1155, %add3A_1149 : vector<16xf32>
      %add3A_1157 = arith.addf %max3A_1152, %mul3A_1156 : vector<16xf32>
      %add3A_1158 = arith.addf %scan3A_1109, %add3A_1157 : vector<16xf32>
      %add3A_1159 = arith.constant 16 : i32
      %add3A_1160 = arith.addi %mul3A_1114, %add3A_1159 : i32
      %get3A_1161 = arith.index_cast %add3A_1160 : i32 to index
      %get3A_1162 = tpu.vector_load %arg12[%get3A_1161] {strides = array<i32>} : memref<33600xf32, #tpu.memory_space<vmem>>, vector<16xf32>,
      %abs3A_1163 = math.absf %get3A_1162 : vector<16xf32>
      %neg3A_1164 = arith.constant 0.000000e+00 : f32
      %neg3A_1165 = vector.broadcast %neg3A_1164 : f32 to vector<16xf32>
      %neg3A_1166 = arith.subf %neg3A_1165, %abs3A_1163 : vector<16xf32>
      %exp3A_1167 = math.exp %neg3A_1166 : vector<16xf32>
      %add3A_1168 = arith.constant 2.000000e+00 : f32
      %add3A_1169 = vector.broadcast %add3A_1168 : f32 to vector<16xf32>
      %add3A_1170 = arith.addf %add3A_1169, %exp3A_1167 : vector<16xf32>
      %div3A_1171 = arith.divf %exp3A_1167, %add3A_1170 : vector<16xf32>
      %mul3A_1172 = arith.mulf %div3A_1171, %div3A_1171 : vector<16xf32>
      %mul3A_1173 = arith.constant 0.0909090936 : f32
      %mul3A_1174 = vector.broadcast %mul3A_1173 : f32 to vector<16xf32>
      %mul3A_1175 = arith.mulf %mul3A_1172, %mul3A_1174 : vector<16xf32>
      %add3A_1176 = arith.constant 0.111111112 : f32
      %add3A_1177 = vector.broadcast %add3A_1176 : f32 to vector<16xf32>
      %add3A_1178 = arith.addf %add3A_1177, %mul3A_1175 : vector<16xf32>
      %mul3A_1179 = arith.mulf %mul3A_1172, %add3A_1178 : vector<16xf32>
      %add3A_1180 = arith.constant 0.142857149 : f32
      %add3A_1181 = vector.broadcast %add3A_1180 : f32 to vector<16xf32>
      %add3A_1182 = arith.addf %add3A_1181, %mul3A_1179 : vector<16xf32>
      %mul3A_1183 = arith.mulf %mul3A_1172, %add3A_1182 : vector<16xf32>
      %add3A_1184 = arith.constant 2.000000e-01 : f32
      %add3A_1185 = vector.broadcast %add3A_1184 : f32 to vector<16xf32>
      %add3A_1186 = arith.addf %add3A_1185, %mul3A_1183 : vector<16xf32>
      %mul3A_1187 = arith.mulf %mul3A_1172, %add3A_1186 : vector<16xf32>
      %add3A_1188 = arith.constant 0.333333343 : f32
      %add3A_1189 = vector.broadcast %add3A_1188 : f32 to vector<16xf32>
      %add3A_1190 = arith.addf %add3A_1189, %mul3A_1187 : vector<16xf32>
      %mul3A_1191 = arith.mulf %mul3A_1172, %add3A_1190 : vector<16xf32>
      %add3A_1192 = arith.constant 1.000000e+00 : f32
      %add3A_1193 = vector.broadcast %add3A_1192 : f32 to vector<16xf32>
      %add3A_1194 = arith.addf %add3A_1193, %mul3A_1191 : vector<16xf32>
      %max3A_1195 = arith.constant 0.000000e+00 : f32
      %max3A_1196 = vector.broadcast %max3A_1195 : f32 to vector<16xf32>
      %max3A_1197 = arith.maximumf %get3A_1162, %max3A_1196 : vector<16xf32>
      %mul3A_1198 = arith.constant 2.000000e+00 : f32
      %mul3A_1199 = vector.broadcast %mul3A_1198 : f32 to vector<16xf32>
      %mul3A_1200 = arith.mulf %mul3A_1199, %div3A_1171 : vector<16xf32>
      %mul3A_1201 = arith.mulf %mul3A_1200, %add3A_1194 : vector<16xf32>
      %add3A_1202 = arith.addf %max3A_1197, %mul3A_1201 : vector<16xf32>
      %add3A_1203 = arith.addf %scan3A_1110, %add3A_1202 : vector<16xf32>
      %add3A_1204 = arith.constant 32 : i32
      %add3A_1205 = arith.addi %mul3A_1114, %add3A_1204 : i32
      %get3A_1206 = arith.index_cast %add3A_1205 : i32 to index
      %get3A_1207 = tpu.vector_load %arg12[%get3A_1206] {strides = array<i32>} : memref<33600xf32, #tpu.memory_space<vmem>>, vector<16xf32>,
      %abs3A_1208 = math.absf %get3A_1207 : vector<16xf32>
      %neg3A_1209 = arith.constant 0.000000e+00 : f32
      %neg3A_1210 = vector.broadcast %neg3A_1209 : f32 to vector<16xf32>
      %neg3A_1211 = arith.subf %neg3A_1210, %abs3A_1208 : vector<16xf32>
      %exp3A_1212 = math.exp %neg3A_1211 : vector<16xf32>
      %add3A_1213 = arith.constant 2.000000e+00 : f32
      %add3A_1214 = vector.broadcast %add3A_1213 : f32 to vector<16xf32>
      %add3A_1215 = arith.addf %add3A_1214, %exp3A_1212 : vector<16xf32>
      %div3A_1216 = arith.divf %exp3A_1212, %add3A_1215 : vector<16xf32>
      %mul3A_1217 = arith.mulf %div3A_1216, %div3A_1216 : vector<16xf32>
      %mul3A_1218 = arith.constant 0.0909090936 : f32
      %mul3A_1219 = vector.broadcast %mul3A_1218 : f32 to vector<16xf32>
      %mul3A_1220 = arith.mulf %mul3A_1217, %mul3A_1219 : vector<16xf32>
      %add3A_1221 = arith.constant 0.111111112 : f32
      %add3A_1222 = vector.broadcast %add3A_1221 : f32 to vector<16xf32>
      %add3A_1223 = arith.addf %add3A_1222, %mul3A_1220 : vector<16xf32>
      %mul3A_1224 = arith.mulf %mul3A_1217, %add3A_1223 : vector<16xf32>
      %add3A_1225 = arith.constant 0.142857149 : f32
      %add3A_1226 = vector.broadcast %add3A_1225 : f32 to vector<16xf32>
      %add3A_1227 = arith.addf %add3A_1226, %mul3A_1224 : vector<16xf32>
      %mul3A_1228 = arith.mulf %mul3A_1217, %add3A_1227 : vector<16xf32>
      %add3A_1229 = arith.constant 2.000000e-01 : f32
      %add3A_1230 = vector.broadcast %add3A_1229 : f32 to vector<16xf32>
      %add3A_1231 = arith.addf %add3A_1230, %mul3A_1228 : vector<16xf32>
      %mul3A_1232 = arith.mulf %mul3A_1217, %add3A_1231 : vector<16xf32>
      %add3A_1233 = arith.constant 0.333333343 : f32
      %add3A_1234 = vector.broadcast %add3A_1233 : f32 to vector<16xf32>
      %add3A_1235 = arith.addf %add3A_1234, %mul3A_1232 : vector<16xf32>
      %mul3A_1236 = arith.mulf %mul3A_1217, %add3A_1235 : vector<16xf32>
      %add3A_1237 = arith.constant 1.000000e+00 : f32
      %add3A_1238 = vector.broadcast %add3A_1237 : f32 to vector<16xf32>
      %add3A_1239 = arith.addf %add3A_1238, %mul3A_1236 : vector<16xf32>
      %max3A_1240 = arith.constant 0.000000e+00 : f32
      %max3A_1241 = vector.broadcast %max3A_1240 : f32 to vector<16xf32>
      %max3A_1242 = arith.maximumf %get3A_1207, %max3A_1241 : vector<16xf32>
      %mul3A_1243 = arith.constant 2.000000e+00 : f32
      %mul3A_1244 = vector.broadcast %mul3A_1243 : f32 to vector<16xf32>
      %mul3A_1245 = arith.mulf %mul3A_1244, %div3A_1216 : vector<16xf32>
      %mul3A_1246 = arith.mulf %mul3A_1245, %add3A_1239 : vector<16xf32>
      %add3A_1247 = arith.addf %max3A_1242, %mul3A_1246 : vector<16xf32>
      %add3A_1248 = arith.addf %scan3A_1111, %add3A_1247 : vector<16xf32>
      %add3A_1249 = arith.constant 48 : i32
      %add3A_1250 = arith.addi %mul3A_1114, %add3A_1249 : i32
      %get3A_1251 = arith.index_cast %add3A_1250 : i32 to index
      %get3A_1252 = tpu.vector_load %arg12[%get3A_1251] {strides = array<i32>} : memref<33600xf32, #tpu.memory_space<vmem>>, vector<16xf32>,
      %abs3A_1253 = math.absf %get3A_1252 : vector<16xf32>
      %neg3A_1254 = arith.constant 0.000000e+00 : f32
      %neg3A_1255 = vector.broadcast %neg3A_1254 : f32 to vector<16xf32>
      %neg3A_1256 = arith.subf %neg3A_1255, %abs3A_1253 : vector<16xf32>
      %exp3A_1257 = math.exp %neg3A_1256 : vector<16xf32>
      %add3A_1258 = arith.constant 2.000000e+00 : f32
      %add3A_1259 = vector.broadcast %add3A_1258 : f32 to vector<16xf32>
      %add3A_1260 = arith.addf %add3A_1259, %exp3A_1257 : vector<16xf32>
      %div3A_1261 = arith.divf %exp3A_1257, %add3A_1260 : vector<16xf32>
      %mul3A_1262 = arith.mulf %div3A_1261, %div3A_1261 : vector<16xf32>
      %mul3A_1263 = arith.constant 0.0909090936 : f32
      %mul3A_1264 = vector.broadcast %mul3A_1263 : f32 to vector<16xf32>
      %mul3A_1265 = arith.mulf %mul3A_1262, %mul3A_1264 : vector<16xf32>
      %add3A_1266 = arith.constant 0.111111112 : f32
      %add3A_1267 = vector.broadcast %add3A_1266 : f32 to vector<16xf32>
      %add3A_1268 = arith.addf %add3A_1267, %mul3A_1265 : vector<16xf32>
      %mul3A_1269 = arith.mulf %mul3A_1262, %add3A_1268 : vector<16xf32>
      %add3A_1270 = arith.constant 0.142857149 : f32
      %add3A_1271 = vector.broadcast %add3A_1270 : f32 to vector<16xf32>
      %add3A_1272 = arith.addf %add3A_1271, %mul3A_1269 : vector<16xf32>
      %mul3A_1273 = arith.mulf %mul3A_1262, %add3A_1272 : vector<16xf32>
      %add3A_1274 = arith.constant 2.000000e-01 : f32
      %add3A_1275 = vector.broadcast %add3A_1274 : f32 to vector<16xf32>
      %add3A_1276 = arith.addf %add3A_1275, %mul3A_1273 : vector<16xf32>
      %mul3A_1277 = arith.mulf %mul3A_1262, %add3A_1276 : vector<16xf32>
      %add3A_1278 = arith.constant 0.333333343 : f32
      %add3A_1279 = vector.broadcast %add3A_1278 : f32 to vector<16xf32>
      %add3A_1280 = arith.addf %add3A_1279, %mul3A_1277 : vector<16xf32>
      %mul3A_1281 = arith.mulf %mul3A_1262, %add3A_1280 : vector<16xf32>
      %add3A_1282 = arith.constant 1.000000e+00 : f32
      %add3A_1283 = vector.broadcast %add3A_1282 : f32 to vector<16xf32>
      %add3A_1284 = arith.addf %add3A_1283, %mul3A_1281 : vector<16xf32>
      %max3A_1285 = arith.constant 0.000000e+00 : f32
      %max3A_1286 = vector.broadcast %max3A_1285 : f32 to vector<16xf32>
      %max3A_1287 = arith.maximumf %get3A_1252, %max3A_1286 : vector<16xf32>
      %mul3A_1288 = arith.constant 2.000000e+00 : f32
      %mul3A_1289 = vector.broadcast %mul3A_1288 : f32 to vector<16xf32>
      %mul3A_1290 = arith.mulf %mul3A_1289, %div3A_1261 : vector<16xf32>
      %mul3A_1291 = arith.mulf %mul3A_1290, %add3A_1284 : vector<16xf32>
      %add3A_1292 = arith.addf %max3A_1287, %mul3A_1291 : vector<16xf32>
      %add3A_1293 = arith.addf %scan3A_1112, %add3A_1292 : vector<16xf32>
      scf.yield %add3A_1158, %add3A_1203, %add3A_1248, %add3A_1293 : vector<16xf32>, vector<16xf32>, vector<16xf32>, vector<16xf32>
    }
    %scan3A_547 = arith.constant 25 : i32
    %add3A_548 = arith.addf %scan3A_546#0, %scan3A_546#1 : vector<16xf32>
    %add3A_549 = arith.addf %add3A_548, %scan3A_546#2 : vector<16xf32>
    %add3A_550 = arith.addf %add3A_549, %scan3A_546#3 : vector<16xf32>
    %reduce_sum3A_551 = arith.constant true
    %reduce_sum3A_552 = vector.broadcast %reduce_sum3A_551 : i1 to vector<16xi1>
    %reduce_sum3A_553 = tpu.scan <sum>, %add3A_550 masked %reduce_sum3A_552 : vector<16xf32>, vector<16xi1> -> vector<16xf32>
    %reduce_sum3A_554 = vector.extract %reduce_sum3A_553[15] : f32 from vector<16xf32>
    %eq3A_555 = arith.constant 0 : i32
    %eq3A_556 = vector.broadcast %eq3A_555 : i32 to vector<16xi32>
    %eq3A_557 = arith.cmpi eq, %iota3A_91, %eq3A_556 : vector<16xi32>
    %jit3A_558 = arith.constant 0.000000e+00 : f32
    %broadcast_in_dim3A_559 = vector.broadcast %reduce_sum3A_319 : f32 to vector<16xf32>
    %broadcast_in_dim3A_560 = vector.broadcast %jit3A_558 : f32 to vector<16xf32>
    %select_n3A_561 = arith.select %eq3A_557, %broadcast_in_dim3A_559, %broadcast_in_dim3A_560 : vector<16xi1>, vector<16xf32>
    %eq3A_562 = arith.constant 1 : i32
    %eq3A_563 = vector.broadcast %eq3A_562 : i32 to vector<16xi32>
    %eq3A_564 = arith.cmpi eq, %iota3A_91, %eq3A_563 : vector<16xi32>
    %jit3A_565 = arith.constant 0.000000e+00 : f32
    %broadcast_in_dim3A_566 = vector.broadcast %reduce_sum3A_368 : f32 to vector<16xf32>
    %broadcast_in_dim3A_567 = vector.broadcast %jit3A_565 : f32 to vector<16xf32>
    %select_n3A_568 = arith.select %eq3A_564, %broadcast_in_dim3A_566, %broadcast_in_dim3A_567 : vector<16xi1>, vector<16xf32>
    %add3A_569 = arith.addf %select_n3A_561, %select_n3A_568 : vector<16xf32>
    %eq3A_570 = arith.constant 2 : i32
    %eq3A_571 = vector.broadcast %eq3A_570 : i32 to vector<16xi32>
    %eq3A_572 = arith.cmpi eq, %iota3A_91, %eq3A_571 : vector<16xi32>
    %jit3A_573 = arith.constant 0.000000e+00 : f32
    %broadcast_in_dim3A_574 = vector.broadcast %mul3A_381 : f32 to vector<16xf32>
    %broadcast_in_dim3A_575 = vector.broadcast %jit3A_573 : f32 to vector<16xf32>
    %select_n3A_576 = arith.select %eq3A_572, %broadcast_in_dim3A_574, %broadcast_in_dim3A_575 : vector<16xi1>, vector<16xf32>
    %add3A_577 = arith.addf %add3A_569, %select_n3A_576 : vector<16xf32>
    %eq3A_578 = arith.constant 3 : i32
    %eq3A_579 = vector.broadcast %eq3A_578 : i32 to vector<16xi32>
    %eq3A_580 = arith.cmpi eq, %iota3A_91, %eq3A_579 : vector<16xi32>
    %jit3A_581 = arith.constant 0.000000e+00 : f32
    %broadcast_in_dim3A_582 = vector.broadcast %reduce_sum3A_554 : f32 to vector<16xf32>
    %broadcast_in_dim3A_583 = vector.broadcast %jit3A_581 : f32 to vector<16xf32>
    %select_n3A_584 = arith.select %eq3A_580, %broadcast_in_dim3A_582, %broadcast_in_dim3A_583 : vector<16xi1>, vector<16xf32>
    %add3A_585 = arith.addf %add3A_577, %select_n3A_584 : vector<16xf32>
    %eq3A_586 = arith.constant 4 : i32
    %eq3A_587 = vector.broadcast %eq3A_586 : i32 to vector<16xi32>
    %eq3A_588 = arith.cmpi eq, %iota3A_91, %eq3A_587 : vector<16xi32>
    %jit3A_589 = arith.constant 0.000000e+00 : f32
    %broadcast_in_dim3A_590 = vector.broadcast %reduce_sum3A_533 : f32 to vector<16xf32>
    %broadcast_in_dim3A_591 = vector.broadcast %jit3A_589 : f32 to vector<16xf32>
    %select_n3A_592 = arith.select %eq3A_588, %broadcast_in_dim3A_590, %broadcast_in_dim3A_591 : vector<16xi1>, vector<16xf32>
    %add3A_593 = arith.addf %add3A_585, %select_n3A_592 : vector<16xf32>
    %eq3A_594 = arith.constant 5 : i32
    %eq3A_595 = vector.broadcast %eq3A_594 : i32 to vector<16xi32>
    %eq3A_596 = arith.cmpi eq, %iota3A_91, %eq3A_595 : vector<16xi32>
    %jit3A_597 = arith.constant 0.000000e+00 : f32
    %broadcast_in_dim3A_598 = vector.broadcast %reduce_sum3A_526 : f32 to vector<16xf32>
    %broadcast_in_dim3A_599 = vector.broadcast %jit3A_597 : f32 to vector<16xf32>
    %select_n3A_600 = arith.select %eq3A_596, %broadcast_in_dim3A_598, %broadcast_in_dim3A_599 : vector<16xi1>, vector<16xf32>
    %add3A_601 = arith.addf %add3A_593, %select_n3A_600 : vector<16xf32>
    %dma_wait3A_602 = arith.constant 0 : i32
    %dma_wait3A_603 = arith.constant 0 : i32
    %dma_wait3A_604 = tpu.memref_slice %arg15[%dma_wait3A_603] : memref<8400xf32, #tpu.memory_space<vmem>> -> memref<8400xf32, #tpu.memory_space<vmem>>
    %dma_wait3A_605 = arith.constant 0 : i32
    %dma_wait3A_606 = tpu.memref_slice %arg5[%dma_wait3A_602, %dma_wait3A_605] : memref<16x8400xf32, #tpu.memory_space<hbm>> -> memref<1x8400xf32, #tpu.memory_space<hbm>>
    %dma_wait3A_607 = tpu.memref_squeeze %dma_wait3A_606 : memref<1x8400xf32, #tpu.memory_space<hbm>> -> memref<8400xf32, #tpu.memory_space<hbm>>
    %dma_wait3A_608 = arith.constant 0 : i32
    %dma_wait3A_609 = tpu.memref_slice %arg15[%dma_wait3A_608] : memref<8400xf32, #tpu.memory_space<vmem>> -> memref<8400xf32, #tpu.memory_space<vmem>>
    %dma_wait3A_610 = arith.constant 0 : i32
    %dma_wait3A_611 = tpu.memref_slice %arg5[%dma_wait3A_602, %dma_wait3A_610] : memref<16x8400xf32, #tpu.memory_space<hbm>> -> memref<1x8400xf32, #tpu.memory_space<hbm>>
    %dma_wait3A_612 = tpu.memref_squeeze %dma_wait3A_611 : memref<1x8400xf32, #tpu.memory_space<hbm>> -> memref<8400xf32, #tpu.memory_space<hbm>>
    tpu.wait_dma2 semaphore(%arg23 : memref<!tpu.dma_semaphore, #tpu.memory_space<semaphore_mem>>) src(%dma_wait3A_612 : memref<8400xf32, #tpu.memory_space<hbm>>) dst(%dma_wait3A_609 : memref<8400xf32, #tpu.memory_space<vmem>>)
    %dma_wait3A_613 = arith.constant 0 : i32
    %dma_wait3A_614 = arith.constant 0 : i32
    %dma_wait3A_615 = tpu.memref_slice %arg16[%dma_wait3A_614] : memref<1600xf32, #tpu.memory_space<vmem>> -> memref<1600xf32, #tpu.memory_space<vmem>>
    %dma_wait3A_616 = arith.constant 0 : i32
    %dma_wait3A_617 = tpu.memref_slice %arg6[%dma_wait3A_613, %dma_wait3A_616] : memref<16x1600xf32, #tpu.memory_space<hbm>> -> memref<1x1600xf32, #tpu.memory_space<hbm>>
    %dma_wait3A_618 = tpu.memref_squeeze %dma_wait3A_617 : memref<1x1600xf32, #tpu.memory_space<hbm>> -> memref<1600xf32, #tpu.memory_space<hbm>>
    %dma_wait3A_619 = arith.constant 0 : i32
    %dma_wait3A_620 = tpu.memref_slice %arg16[%dma_wait3A_619] : memref<1600xf32, #tpu.memory_space<vmem>> -> memref<1600xf32, #tpu.memory_space<vmem>>
    %dma_wait3A_621 = arith.constant 0 : i32
    %dma_wait3A_622 = tpu.memref_slice %arg6[%dma_wait3A_613, %dma_wait3A_621] : memref<16x1600xf32, #tpu.memory_space<hbm>> -> memref<1x1600xf32, #tpu.memory_space<hbm>>
    %dma_wait3A_623 = tpu.memref_squeeze %dma_wait3A_622 : memref<1x1600xf32, #tpu.memory_space<hbm>> -> memref<1600xf32, #tpu.memory_space<hbm>>
    tpu.wait_dma2 semaphore(%arg23 : memref<!tpu.dma_semaphore, #tpu.memory_space<semaphore_mem>>) src(%dma_wait3A_623 : memref<1600xf32, #tpu.memory_space<hbm>>) dst(%dma_wait3A_620 : memref<1600xf32, #tpu.memory_space<vmem>>)
    %dma_wait3A_624 = arith.constant 0 : i32
    %dma_wait3A_625 = arith.constant 0 : i32
    %dma_wait3A_626 = tpu.memref_slice %arg17[%dma_wait3A_625] : memref<40xf32, #tpu.memory_space<vmem>> -> memref<40xf32, #tpu.memory_space<vmem>>
    %dma_wait3A_627 = arith.constant 0 : i32
    %dma_wait3A_628 = tpu.memref_slice %arg7[%dma_wait3A_624, %dma_wait3A_627] : memref<16x40xf32, #tpu.memory_space<hbm>> -> memref<1x40xf32, #tpu.memory_space<hbm>>
    %dma_wait3A_629 = tpu.memref_squeeze %dma_wait3A_628 : memref<1x40xf32, #tpu.memory_space<hbm>> -> memref<40xf32, #tpu.memory_space<hbm>>
    %dma_wait3A_630 = arith.constant 0 : i32
    %dma_wait3A_631 = tpu.memref_slice %arg17[%dma_wait3A_630] : memref<40xf32, #tpu.memory_space<vmem>> -> memref<40xf32, #tpu.memory_space<vmem>>
    %dma_wait3A_632 = arith.constant 0 : i32
    %dma_wait3A_633 = tpu.memref_slice %arg7[%dma_wait3A_624, %dma_wait3A_632] : memref<16x40xf32, #tpu.memory_space<hbm>> -> memref<1x40xf32, #tpu.memory_space<hbm>>
    %dma_wait3A_634 = tpu.memref_squeeze %dma_wait3A_633 : memref<1x40xf32, #tpu.memory_space<hbm>> -> memref<40xf32, #tpu.memory_space<hbm>>
    tpu.wait_dma2 semaphore(%arg23 : memref<!tpu.dma_semaphore, #tpu.memory_space<semaphore_mem>>) src(%dma_wait3A_634 : memref<40xf32, #tpu.memory_space<hbm>>) dst(%dma_wait3A_631 : memref<40xf32, #tpu.memory_space<vmem>>)
    %iota3A_635 = tpu.iota {dimensions = array<i32: 0>} : vector<16xi32>
    %lt3A_636 = arith.constant 8 : i32
    %lt3A_637 = vector.broadcast %lt3A_636 : i32 to vector<16xi32>
    %lt3A_638 = arith.cmpi slt, %iota3A_635, %lt3A_637 : vector<16xi32>
    %jit3A_639 = arith.constant 1.000000e+00 : f32
    %jit3A_640 = arith.constant 0.000000e+00 : f32
    %broadcast_in_dim3A_641 = vector.broadcast %jit3A_639 : f32 to vector<16xf32>
    %broadcast_in_dim3A_642 = vector.broadcast %jit3A_640 : f32 to vector<16xf32>
    %select_n3A_643 = arith.select %lt3A_638, %broadcast_in_dim3A_641, %broadcast_in_dim3A_642 : vector<16xi1>, vector<16xf32>
    %min3A_644 = arith.constant 7 : i32
    %min3A_645 = vector.broadcast %min3A_644 : i32 to vector<16xi32>
    %min3A_646 = arith.minsi %iota3A_635, %min3A_645 : vector<16xi32>
    %mul3A_647 = arith.constant 5 : i32
    %mul3A_648 = vector.broadcast %mul3A_647 : i32 to vector<16xi32>
    %mul3A_649 = arith.muli %min3A_646, %mul3A_648 : vector<16xi32>
    %add3A_650 = arith.constant 0 : i32
    %add3A_651 = vector.broadcast %add3A_650 : i32 to vector<16xi32>
    %add3A_652 = arith.addi %mul3A_649, %add3A_651 : vector<16xi32>
    %gather3A_653 = tpu.vector_load_idx %arg17[%add3A_652] : memref<40xf32, #tpu.memory_space<vmem>>[vector<16xi32>], vector<16xf32>,
    %jit3A_654 = arith.constant 0.000000e+00 : f32
    %broadcast_in_dim3A_655 = vector.broadcast %jit3A_654 : f32 to vector<16xf32>
    %select_n3A_656 = arith.select %lt3A_638, %gather3A_653, %broadcast_in_dim3A_655 : vector<16xi1>, vector<16xf32>
    %convert_element_type3A_657 = arith.fptosi %select_n3A_656 : vector<16xf32> to vector<16xi32>
    %add3A_658 = arith.constant 1 : i32
    %add3A_659 = vector.broadcast %add3A_658 : i32 to vector<16xi32>
    %add3A_660 = arith.addi %mul3A_649, %add3A_659 : vector<16xi32>
    %gather3A_661 = tpu.vector_load_idx %arg17[%add3A_660] : memref<40xf32, #tpu.memory_space<vmem>>[vector<16xi32>], vector<16xf32>,
    %jit3A_662 = arith.constant 0.000000e+00 : f32
    %broadcast_in_dim3A_663 = vector.broadcast %jit3A_662 : f32 to vector<16xf32>
    %select_n3A_664 = arith.select %lt3A_638, %gather3A_661, %broadcast_in_dim3A_663 : vector<16xi1>, vector<16xf32>
    %mul3A_665 = arith.constant 2.000000e+01 : f32
    %mul3A_666 = vector.broadcast %mul3A_665 : f32 to vector<16xf32>
    %mul3A_667 = arith.mulf %select_n3A_664, %mul3A_666 : vector<16xf32>
    %add3A_668 = arith.constant 2 : i32
    %add3A_669 = vector.broadcast %add3A_668 : i32 to vector<16xi32>
    %add3A_670 = arith.addi %mul3A_649, %add3A_669 : vector<16xi32>
    %gather3A_671 = tpu.vector_load_idx %arg17[%add3A_670] : memref<40xf32, #tpu.memory_space<vmem>>[vector<16xi32>], vector<16xf32>,
    %jit3A_672 = arith.constant 0.000000e+00 : f32
    %broadcast_in_dim3A_673 = vector.broadcast %jit3A_672 : f32 to vector<16xf32>
    %select_n3A_674 = arith.select %lt3A_638, %gather3A_671, %broadcast_in_dim3A_673 : vector<16xi1>, vector<16xf32>
    %mul3A_675 = arith.constant 2.000000e+01 : f32
    %mul3A_676 = vector.broadcast %mul3A_675 : f32 to vector<16xf32>
    %mul3A_677 = arith.mulf %select_n3A_674, %mul3A_676 : vector<16xf32>
    %add3A_678 = arith.constant 3 : i32
    %add3A_679 = vector.broadcast %add3A_678 : i32 to vector<16xi32>
    %add3A_680 = arith.addi %mul3A_649, %add3A_679 : vector<16xi32>
    %gather3A_681 = tpu.vector_load_idx %arg17[%add3A_680] : memref<40xf32, #tpu.memory_space<vmem>>[vector<16xi32>], vector<16xf32>,
    %jit3A_682 = arith.constant 0.000000e+00 : f32
    %broadcast_in_dim3A_683 = vector.broadcast %jit3A_682 : f32 to vector<16xf32>
    %select_n3A_684 = arith.select %lt3A_638, %gather3A_681, %broadcast_in_dim3A_683 : vector<16xi1>, vector<16xf32>
    %mul3A_685 = arith.constant 2.000000e+01 : f32
    %mul3A_686 = vector.broadcast %mul3A_685 : f32 to vector<16xf32>
    %mul3A_687 = arith.mulf %select_n3A_684, %mul3A_686 : vector<16xf32>
    %add3A_688 = arith.constant 4 : i32
    %add3A_689 = vector.broadcast %add3A_688 : i32 to vector<16xi32>
    %add3A_690 = arith.addi %mul3A_649, %add3A_689 : vector<16xi32>
    %gather3A_691 = tpu.vector_load_idx %arg17[%add3A_690] : memref<40xf32, #tpu.memory_space<vmem>>[vector<16xi32>], vector<16xf32>,
    %jit3A_692 = arith.constant 0.000000e+00 : f32
    %broadcast_in_dim3A_693 = vector.broadcast %jit3A_692 : f32 to vector<16xf32>
    %select_n3A_694 = arith.select %lt3A_638, %gather3A_691, %broadcast_in_dim3A_693 : vector<16xi1>, vector<16xf32>
    %mul3A_695 = arith.constant 2.000000e+01 : f32
    %mul3A_696 = vector.broadcast %mul3A_695 : f32 to vector<16xf32>
    %mul3A_697 = arith.mulf %select_n3A_694, %mul3A_696 : vector<16xf32>
    %jit3A_698 = arith.constant 0.000000e+00 : f32
    %jit3A_699 = arith.constant 1.900000e+01 : f32
    %max3A_700 = vector.broadcast %jit3A_698 : f32 to vector<16xf32>
    %max3A_701 = arith.maximumf %max3A_700, %mul3A_667 : vector<16xf32>
    %min3A_702 = vector.broadcast %jit3A_699 : f32 to vector<16xf32>
    %min3A_703 = arith.minimumf %min3A_702, %max3A_701 : vector<16xf32>
    %convert_element_type3A_704 = arith.fptosi %min3A_703 : vector<16xf32> to vector<16xi32>
    %jit3A_705 = arith.constant 0.000000e+00 : f32
    %jit3A_706 = arith.constant 1.900000e+01 : f32
    %max3A_707 = vector.broadcast %jit3A_705 : f32 to vector<16xf32>
    %max3A_708 = arith.maximumf %max3A_707, %mul3A_677 : vector<16xf32>
    %min3A_709 = vector.broadcast %jit3A_706 : f32 to vector<16xf32>
    %min3A_710 = arith.minimumf %min3A_709, %max3A_708 : vector<16xf32>
    %convert_element_type3A_711 = arith.fptosi %min3A_710 : vector<16xf32> to vector<16xi32>
    %mul3A_712 = arith.constant 20 : i32
    %mul3A_713 = vector.broadcast %mul3A_712 : i32 to vector<16xi32>
    %mul3A_714 = arith.muli %convert_element_type3A_711, %mul3A_713 : vector<16xi32>
    %add3A_715 = arith.addi %mul3A_714, %convert_element_type3A_704 : vector<16xi32>
    %gather3A_716 = tpu.vector_load_idx %arg16[%add3A_715] : memref<1600xf32, #tpu.memory_space<vmem>>[vector<16xi32>], vector<16xf32>,
    %add3A_717 = arith.constant 400 : i32
    %add3A_718 = vector.broadcast %add3A_717 : i32 to vector<16xi32>
    %add3A_719 = arith.addi %add3A_718, %add3A_715 : vector<16xi32>
    %gather3A_720 = tpu.vector_load_idx %arg16[%add3A_719] : memref<1600xf32, #tpu.memory_space<vmem>>[vector<16xi32>], vector<16xf32>,
    %add3A_721 = arith.constant 800 : i32
    %add3A_722 = vector.broadcast %add3A_721 : i32 to vector<16xi32>
    %add3A_723 = arith.addi %add3A_722, %add3A_715 : vector<16xi32>
    %gather3A_724 = tpu.vector_load_idx %arg16[%add3A_723] : memref<1600xf32, #tpu.memory_space<vmem>>[vector<16xi32>], vector<16xf32>,
    %add3A_725 = arith.constant 1200 : i32
    %add3A_726 = vector.broadcast %add3A_725 : i32 to vector<16xi32>
    %add3A_727 = arith.addi %add3A_726, %add3A_715 : vector<16xi32>
    %gather3A_728 = tpu.vector_load_idx %arg16[%add3A_727] : memref<1600xf32, #tpu.memory_space<vmem>>[vector<16xi32>], vector<16xf32>,
    %abs3A_729 = math.absf %gather3A_716 : vector<16xf32>
    %neg3A_730 = arith.constant 0.000000e+00 : f32
    %neg3A_731 = vector.broadcast %neg3A_730 : f32 to vector<16xf32>
    %neg3A_732 = arith.subf %neg3A_731, %abs3A_729 : vector<16xf32>
    %exp3A_733 = math.exp %neg3A_732 : vector<16xf32>
    %add3A_734 = arith.constant 1.000000e+00 : f32
    %add3A_735 = vector.broadcast %add3A_734 : f32 to vector<16xf32>
    %add3A_736 = arith.addf %add3A_735, %exp3A_733 : vector<16xf32>
    %div3A_737 = arith.constant 1.000000e+00 : f32
    %div3A_738 = vector.broadcast %div3A_737 : f32 to vector<16xf32>
    %div3A_739 = arith.divf %div3A_738, %add3A_736 : vector<16xf32>
    %ge3A_740 = arith.constant 0.000000e+00 : f32
    %ge3A_741 = vector.broadcast %ge3A_740 : f32 to vector<16xf32>
    %ge3A_742 = arith.cmpf oge, %gather3A_716, %ge3A_741 : vector<16xf32>
    %sub3A_743 = arith.constant 1.000000e+00 : f32
    %sub3A_744 = vector.broadcast %sub3A_743 : f32 to vector<16xf32>
    %sub3A_745 = arith.subf %sub3A_744, %div3A_739 : vector<16xf32>
    %select_n3A_746 = arith.select %ge3A_742, %div3A_739, %sub3A_745 : vector<16xi1>, vector<16xf32>
    %abs3A_747 = math.absf %gather3A_720 : vector<16xf32>
    %neg3A_748 = arith.constant 0.000000e+00 : f32
    %neg3A_749 = vector.broadcast %neg3A_748 : f32 to vector<16xf32>
    %neg3A_750 = arith.subf %neg3A_749, %abs3A_747 : vector<16xf32>
    %exp3A_751 = math.exp %neg3A_750 : vector<16xf32>
    %add3A_752 = arith.constant 1.000000e+00 : f32
    %add3A_753 = vector.broadcast %add3A_752 : f32 to vector<16xf32>
    %add3A_754 = arith.addf %add3A_753, %exp3A_751 : vector<16xf32>
    %div3A_755 = arith.constant 1.000000e+00 : f32
    %div3A_756 = vector.broadcast %div3A_755 : f32 to vector<16xf32>
    %div3A_757 = arith.divf %div3A_756, %add3A_754 : vector<16xf32>
    %ge3A_758 = arith.constant 0.000000e+00 : f32
    %ge3A_759 = vector.broadcast %ge3A_758 : f32 to vector<16xf32>
    %ge3A_760 = arith.cmpf oge, %gather3A_720, %ge3A_759 : vector<16xf32>
    %sub3A_761 = arith.constant 1.000000e+00 : f32
    %sub3A_762 = vector.broadcast %sub3A_761 : f32 to vector<16xf32>
    %sub3A_763 = arith.subf %sub3A_762, %div3A_757 : vector<16xf32>
    %select_n3A_764 = arith.select %ge3A_760, %div3A_757, %sub3A_763 : vector<16xi1>, vector<16xf32>
    %jit3A_765 = arith.constant -4.000000e+00 : f32
    %jit3A_766 = arith.constant 4.000000e+00 : f32
    %max3A_767 = vector.broadcast %jit3A_765 : f32 to vector<16xf32>
    %max3A_768 = arith.maximumf %max3A_767, %gather3A_724 : vector<16xf32>
    %min3A_769 = vector.broadcast %jit3A_766 : f32 to vector<16xf32>
    %min3A_770 = arith.minimumf %min3A_769, %max3A_768 : vector<16xf32>
    %exp3A_771 = math.exp %min3A_770 : vector<16xf32>
    %jit3A_772 = arith.constant -4.000000e+00 : f32
    %jit3A_773 = arith.constant 4.000000e+00 : f32
    %max3A_774 = vector.broadcast %jit3A_772 : f32 to vector<16xf32>
    %max3A_775 = arith.maximumf %max3A_774, %gather3A_728 : vector<16xf32>
    %min3A_776 = vector.broadcast %jit3A_773 : f32 to vector<16xf32>
    %min3A_777 = arith.minimumf %min3A_776, %max3A_775 : vector<16xf32>
    %exp3A_778 = math.exp %min3A_777 : vector<16xf32>
    %convert_element_type3A_779 = arith.sitofp %convert_element_type3A_704 : vector<16xi32> to vector<16xf32>
    %add3A_780 = arith.addf %convert_element_type3A_779, %select_n3A_746 : vector<16xf32>
    %convert_element_type3A_781 = arith.sitofp %convert_element_type3A_711 : vector<16xi32> to vector<16xf32>
    %add3A_782 = arith.addf %convert_element_type3A_781, %select_n3A_764 : vector<16xf32>
    %broadcast_in_dim3A_783 = arith.constant 0.000000e+00 : f32
    %broadcast_in_dim3A_784 = vector.broadcast %broadcast_in_dim3A_783 : f32 to vector<16xf32>
    %mul3A_785 = arith.constant 5.000000e-01 : f32
    %mul3A_786 = vector.broadcast %mul3A_785 : f32 to vector<16xf32>
    %mul3A_787 = arith.mulf %exp3A_771, %mul3A_786 : vector<16xf32>
    %sub3A_788 = arith.subf %add3A_780, %mul3A_787 : vector<16xf32>
    %mul3A_789 = arith.constant 5.000000e-01 : f32
    %mul3A_790 = vector.broadcast %mul3A_789 : f32 to vector<16xf32>
    %mul3A_791 = arith.mulf %mul3A_687, %mul3A_790 : vector<16xf32>
    %sub3A_792 = arith.subf %mul3A_667, %mul3A_791 : vector<16xf32>
    %mul3A_793 = arith.constant 5.000000e-01 : f32
    %mul3A_794 = vector.broadcast %mul3A_793 : f32 to vector<16xf32>
    %mul3A_795 = arith.mulf %exp3A_778, %mul3A_794 : vector<16xf32>
    %sub3A_796 = arith.subf %add3A_782, %mul3A_795 : vector<16xf32>
    %mul3A_797 = arith.constant 5.000000e-01 : f32
    %mul3A_798 = vector.broadcast %mul3A_797 : f32 to vector<16xf32>
    %mul3A_799 = arith.mulf %mul3A_697, %mul3A_798 : vector<16xf32>
    %sub3A_800 = arith.subf %mul3A_677, %mul3A_799 : vector<16xf32>
    %mul3A_801 = arith.constant 5.000000e-01 : f32
    %mul3A_802 = vector.broadcast %mul3A_801 : f32 to vector<16xf32>
    %mul3A_803 = arith.mulf %exp3A_771, %mul3A_802 : vector<16xf32>
    %add3A_804 = arith.addf %add3A_780, %mul3A_803 : vector<16xf32>
    %mul3A_805 = arith.constant 5.000000e-01 : f32
    %mul3A_806 = vector.broadcast %mul3A_805 : f32 to vector<16xf32>
    %mul3A_807 = arith.mulf %mul3A_687, %mul3A_806 : vector<16xf32>
    %add3A_808 = arith.addf %mul3A_667, %mul3A_807 : vector<16xf32>
    %mul3A_809 = arith.constant 5.000000e-01 : f32
    %mul3A_810 = vector.broadcast %mul3A_809 : f32 to vector<16xf32>
    %mul3A_811 = arith.mulf %exp3A_778, %mul3A_810 : vector<16xf32>
    %add3A_812 = arith.addf %add3A_782, %mul3A_811 : vector<16xf32>
    %mul3A_813 = arith.constant 5.000000e-01 : f32
    %mul3A_814 = vector.broadcast %mul3A_813 : f32 to vector<16xf32>
    %mul3A_815 = arith.mulf %mul3A_697, %mul3A_814 : vector<16xf32>
    %add3A_816 = arith.addf %mul3A_677, %mul3A_815 : vector<16xf32>
    %sub3A_817 = arith.subf %sub3A_788, %sub3A_792 : vector<16xf32>
    %abs3A_818 = math.absf %sub3A_817 : vector<16xf32>
    %lt3A_819 = arith.constant 1.000000e+00 : f32
    %lt3A_820 = vector.broadcast %lt3A_819 : f32 to vector<16xf32>
    %lt3A_821 = arith.cmpf olt, %abs3A_818, %lt3A_820 : vector<16xf32>
    %mul3A_822 = arith.constant 5.000000e-01 : f32
    %mul3A_823 = vector.broadcast %mul3A_822 : f32 to vector<16xf32>
    %mul3A_824 = arith.mulf %mul3A_823, %abs3A_818 : vector<16xf32>
    %mul3A_825 = arith.mulf %mul3A_824, %abs3A_818 : vector<16xf32>
    %sub3A_826 = arith.constant 5.000000e-01 : f32
    %sub3A_827 = vector.broadcast %sub3A_826 : f32 to vector<16xf32>
    %sub3A_828 = arith.subf %abs3A_818, %sub3A_827 : vector<16xf32>
    %select_n3A_829 = arith.select %lt3A_821, %mul3A_825, %sub3A_828 : vector<16xi1>, vector<16xf32>
    %add3A_830 = arith.addf %broadcast_in_dim3A_784, %select_n3A_829 : vector<16xf32>
    %sub3A_831 = arith.subf %sub3A_796, %sub3A_800 : vector<16xf32>
    %abs3A_832 = math.absf %sub3A_831 : vector<16xf32>
    %lt3A_833 = arith.constant 1.000000e+00 : f32
    %lt3A_834 = vector.broadcast %lt3A_833 : f32 to vector<16xf32>
    %lt3A_835 = arith.cmpf olt, %abs3A_832, %lt3A_834 : vector<16xf32>
    %mul3A_836 = arith.constant 5.000000e-01 : f32
    %mul3A_837 = vector.broadcast %mul3A_836 : f32 to vector<16xf32>
    %mul3A_838 = arith.mulf %mul3A_837, %abs3A_832 : vector<16xf32>
    %mul3A_839 = arith.mulf %mul3A_838, %abs3A_832 : vector<16xf32>
    %sub3A_840 = arith.constant 5.000000e-01 : f32
    %sub3A_841 = vector.broadcast %sub3A_840 : f32 to vector<16xf32>
    %sub3A_842 = arith.subf %abs3A_832, %sub3A_841 : vector<16xf32>
    %select_n3A_843 = arith.select %lt3A_835, %mul3A_839, %sub3A_842 : vector<16xi1>, vector<16xf32>
    %add3A_844 = arith.addf %add3A_830, %select_n3A_843 : vector<16xf32>
    %sub3A_845 = arith.subf %add3A_804, %add3A_808 : vector<16xf32>
    %abs3A_846 = math.absf %sub3A_845 : vector<16xf32>
    %lt3A_847 = arith.constant 1.000000e+00 : f32
    %lt3A_848 = vector.broadcast %lt3A_847 : f32 to vector<16xf32>
    %lt3A_849 = arith.cmpf olt, %abs3A_846, %lt3A_848 : vector<16xf32>
    %mul3A_850 = arith.constant 5.000000e-01 : f32
    %mul3A_851 = vector.broadcast %mul3A_850 : f32 to vector<16xf32>
    %mul3A_852 = arith.mulf %mul3A_851, %abs3A_846 : vector<16xf32>
    %mul3A_853 = arith.mulf %mul3A_852, %abs3A_846 : vector<16xf32>
    %sub3A_854 = arith.constant 5.000000e-01 : f32
    %sub3A_855 = vector.broadcast %sub3A_854 : f32 to vector<16xf32>
    %sub3A_856 = arith.subf %abs3A_846, %sub3A_855 : vector<16xf32>
    %select_n3A_857 = arith.select %lt3A_849, %mul3A_853, %sub3A_856 : vector<16xi1>, vector<16xf32>
    %add3A_858 = arith.addf %add3A_844, %select_n3A_857 : vector<16xf32>
    %sub3A_859 = arith.subf %add3A_812, %add3A_816 : vector<16xf32>
    %abs3A_860 = math.absf %sub3A_859 : vector<16xf32>
    %lt3A_861 = arith.constant 1.000000e+00 : f32
    %lt3A_862 = vector.broadcast %lt3A_861 : f32 to vector<16xf32>
    %lt3A_863 = arith.cmpf olt, %abs3A_860, %lt3A_862 : vector<16xf32>
    %mul3A_864 = arith.constant 5.000000e-01 : f32
    %mul3A_865 = vector.broadcast %mul3A_864 : f32 to vector<16xf32>
    %mul3A_866 = arith.mulf %mul3A_865, %abs3A_860 : vector<16xf32>
    %mul3A_867 = arith.mulf %mul3A_866, %abs3A_860 : vector<16xf32>
    %sub3A_868 = arith.constant 5.000000e-01 : f32
    %sub3A_869 = vector.broadcast %sub3A_868 : f32 to vector<16xf32>
    %sub3A_870 = arith.subf %abs3A_860, %sub3A_869 : vector<16xf32>
    %select_n3A_871 = arith.select %lt3A_863, %mul3A_867, %sub3A_870 : vector<16xi1>, vector<16xf32>
    %add3A_872 = arith.addf %add3A_858, %select_n3A_871 : vector<16xf32>
    %mul3A_873 = arith.mulf %select_n3A_643, %add3A_872 : vector<16xf32>
    %mul3A_874 = arith.constant 2.500000e-01 : f32
    %mul3A_875 = vector.broadcast %mul3A_874 : f32 to vector<16xf32>
    %mul3A_876 = arith.mulf %mul3A_873, %mul3A_875 : vector<16xf32>
    %reduce_sum3A_877 = arith.constant true
    %reduce_sum3A_878 = vector.broadcast %reduce_sum3A_877 : i1 to vector<16xi1>
    %reduce_sum3A_879 = tpu.scan <sum>, %mul3A_876 masked %reduce_sum3A_878 : vector<16xf32>, vector<16xi1> -> vector<16xf32>
    %reduce_sum3A_880 = vector.extract %reduce_sum3A_879[15] : f32 from vector<16xf32>
    %gather3A_881 = tpu.vector_load_idx %arg15[%add3A_715] : memref<8400xf32, #tpu.memory_space<vmem>>[vector<16xi32>], vector<16xf32>,
    %abs3A_882 = math.absf %gather3A_881 : vector<16xf32>
    %neg3A_883 = arith.constant 0.000000e+00 : f32
    %neg3A_884 = vector.broadcast %neg3A_883 : f32 to vector<16xf32>
    %neg3A_885 = arith.subf %neg3A_884, %abs3A_882 : vector<16xf32>
    %exp3A_886 = math.exp %neg3A_885 : vector<16xf32>
    %add3A_887 = arith.constant 2.000000e+00 : f32
    %add3A_888 = vector.broadcast %add3A_887 : f32 to vector<16xf32>
    %add3A_889 = arith.addf %add3A_888, %exp3A_886 : vector<16xf32>
    %div3A_890 = arith.divf %exp3A_886, %add3A_889 : vector<16xf32>
    %mul3A_891 = arith.mulf %div3A_890, %div3A_890 : vector<16xf32>
    %mul3A_892 = arith.constant 0.0909090936 : f32
    %mul3A_893 = vector.broadcast %mul3A_892 : f32 to vector<16xf32>
    %mul3A_894 = arith.mulf %mul3A_891, %mul3A_893 : vector<16xf32>
    %add3A_895 = arith.constant 0.111111112 : f32
    %add3A_896 = vector.broadcast %add3A_895 : f32 to vector<16xf32>
    %add3A_897 = arith.addf %add3A_896, %mul3A_894 : vector<16xf32>
    %mul3A_898 = arith.mulf %mul3A_891, %add3A_897 : vector<16xf32>
    %add3A_899 = arith.constant 0.142857149 : f32
    %add3A_900 = vector.broadcast %add3A_899 : f32 to vector<16xf32>
    %add3A_901 = arith.addf %add3A_900, %mul3A_898 : vector<16xf32>
    %mul3A_902 = arith.mulf %mul3A_891, %add3A_901 : vector<16xf32>
    %add3A_903 = arith.constant 2.000000e-01 : f32
    %add3A_904 = vector.broadcast %add3A_903 : f32 to vector<16xf32>
    %add3A_905 = arith.addf %add3A_904, %mul3A_902 : vector<16xf32>
    %mul3A_906 = arith.mulf %mul3A_891, %add3A_905 : vector<16xf32>
    %add3A_907 = arith.constant 0.333333343 : f32
    %add3A_908 = vector.broadcast %add3A_907 : f32 to vector<16xf32>
    %add3A_909 = arith.addf %add3A_908, %mul3A_906 : vector<16xf32>
    %mul3A_910 = arith.mulf %mul3A_891, %add3A_909 : vector<16xf32>
    %add3A_911 = arith.constant 1.000000e+00 : f32
    %add3A_912 = vector.broadcast %add3A_911 : f32 to vector<16xf32>
    %add3A_913 = arith.addf %add3A_912, %mul3A_910 : vector<16xf32>
    %max3A_914 = arith.constant 0.000000e+00 : f32
    %max3A_915 = vector.broadcast %max3A_914 : f32 to vector<16xf32>
    %max3A_916 = arith.maximumf %gather3A_881, %max3A_915 : vector<16xf32>
    %mul3A_917 = arith.constant 2.000000e+00 : f32
    %mul3A_918 = vector.broadcast %mul3A_917 : f32 to vector<16xf32>
    %mul3A_919 = arith.mulf %mul3A_918, %div3A_890 : vector<16xf32>
    %mul3A_920 = arith.mulf %mul3A_919, %add3A_913 : vector<16xf32>
    %add3A_921 = arith.addf %max3A_916, %mul3A_920 : vector<16xf32>
    %sub3A_922 = arith.subf %add3A_921, %gather3A_881 : vector<16xf32>
    %jit3A_923 = arith.constant 0.000000e+00 : f32
    %broadcast_in_dim3A_924 = vector.broadcast %jit3A_923 : f32 to vector<16xf32>
    %select_n3A_925 = arith.select %lt3A_638, %sub3A_922, %broadcast_in_dim3A_924 : vector<16xi1>, vector<16xf32>
    %reduce_sum3A_926 = arith.constant true
    %reduce_sum3A_927 = vector.broadcast %reduce_sum3A_926 : i1 to vector<16xi1>
    %reduce_sum3A_928 = tpu.scan <sum>, %select_n3A_925 masked %reduce_sum3A_927 : vector<16xf32>, vector<16xi1> -> vector<16xf32>
    %reduce_sum3A_929 = vector.extract %reduce_sum3A_928[15] : f32 from vector<16xf32>
    %broadcast_in_dim3A_930 = arith.constant 0.000000e+00 : f32
    %broadcast_in_dim3A_931 = vector.broadcast %broadcast_in_dim3A_930 : f32 to vector<16xf32>
    %scan3A_932 = arith.constant 0 : i32
    %scan3A_933 = arith.constant 20 : i32
    %scan3A_934 = arith.addi %scan3A_932, %scan3A_933 : i32
    %scan3A_935 = arith.constant 4 : i32
    %scan3A_936 = scf.for %scan3A_1108 = %scan3A_932 to %scan3A_934 step %scan3A_935 iter_args(%scan3A_1109 = %broadcast_in_dim3A_931) -> (vector<16xf32>)  : i32 {
      %add3A_1110 = arith.constant 1 : i32
      %add3A_1111 = arith.addi %scan3A_1108, %add3A_1110 : i32
      %mul3A_1112 = arith.constant 400 : i32
      %mul3A_1113 = arith.muli %add3A_1111, %mul3A_1112 : i32
      %add3A_1114 = vector.broadcast %mul3A_1113 : i32 to vector<16xi32>
      %add3A_1115 = arith.addi %add3A_1114, %add3A_715 : vector<16xi32>
      %gather3A_1116 = tpu.vector_load_idx %arg15[%add3A_1115] : memref<8400xf32, #tpu.memory_space<vmem>>[vector<16xi32>], vector<16xf32>,
      %eq3A_1117 = vector.broadcast %scan3A_1108 : i32 to vector<16xi32>
      %eq3A_1118 = arith.cmpi eq, %convert_element_type3A_657, %eq3A_1117 : vector<16xi32>
      %abs3A_1119 = math.absf %gather3A_1116 : vector<16xf32>
      %neg3A_1120 = arith.constant 0.000000e+00 : f32
      %neg3A_1121 = vector.broadcast %neg3A_1120 : f32 to vector<16xf32>
      %neg3A_1122 = arith.subf %neg3A_1121, %abs3A_1119 : vector<16xf32>
      %exp3A_1123 = math.exp %neg3A_1122 : vector<16xf32>
      %add3A_1124 = arith.constant 2.000000e+00 : f32
      %add3A_1125 = vector.broadcast %add3A_1124 : f32 to vector<16xf32>
      %add3A_1126 = arith.addf %add3A_1125, %exp3A_1123 : vector<16xf32>
      %div3A_1127 = arith.divf %exp3A_1123, %add3A_1126 : vector<16xf32>
      %mul3A_1128 = arith.mulf %div3A_1127, %div3A_1127 : vector<16xf32>
      %mul3A_1129 = arith.constant 0.0909090936 : f32
      %mul3A_1130 = vector.broadcast %mul3A_1129 : f32 to vector<16xf32>
      %mul3A_1131 = arith.mulf %mul3A_1128, %mul3A_1130 : vector<16xf32>
      %add3A_1132 = arith.constant 0.111111112 : f32
      %add3A_1133 = vector.broadcast %add3A_1132 : f32 to vector<16xf32>
      %add3A_1134 = arith.addf %add3A_1133, %mul3A_1131 : vector<16xf32>
      %mul3A_1135 = arith.mulf %mul3A_1128, %add3A_1134 : vector<16xf32>
      %add3A_1136 = arith.constant 0.142857149 : f32
      %add3A_1137 = vector.broadcast %add3A_1136 : f32 to vector<16xf32>
      %add3A_1138 = arith.addf %add3A_1137, %mul3A_1135 : vector<16xf32>
      %mul3A_1139 = arith.mulf %mul3A_1128, %add3A_1138 : vector<16xf32>
      %add3A_1140 = arith.constant 2.000000e-01 : f32
      %add3A_1141 = vector.broadcast %add3A_1140 : f32 to vector<16xf32>
      %add3A_1142 = arith.addf %add3A_1141, %mul3A_1139 : vector<16xf32>
      %mul3A_1143 = arith.mulf %mul3A_1128, %add3A_1142 : vector<16xf32>
      %add3A_1144 = arith.constant 0.333333343 : f32
      %add3A_1145 = vector.broadcast %add3A_1144 : f32 to vector<16xf32>
      %add3A_1146 = arith.addf %add3A_1145, %mul3A_1143 : vector<16xf32>
      %mul3A_1147 = arith.mulf %mul3A_1128, %add3A_1146 : vector<16xf32>
      %add3A_1148 = arith.constant 1.000000e+00 : f32
      %add3A_1149 = vector.broadcast %add3A_1148 : f32 to vector<16xf32>
      %add3A_1150 = arith.addf %add3A_1149, %mul3A_1147 : vector<16xf32>
      %max3A_1151 = arith.constant 0.000000e+00 : f32
      %max3A_1152 = vector.broadcast %max3A_1151 : f32 to vector<16xf32>
      %max3A_1153 = arith.maximumf %gather3A_1116, %max3A_1152 : vector<16xf32>
      %mul3A_1154 = arith.constant 2.000000e+00 : f32
      %mul3A_1155 = vector.broadcast %mul3A_1154 : f32 to vector<16xf32>
      %mul3A_1156 = arith.mulf %mul3A_1155, %div3A_1127 : vector<16xf32>
      %mul3A_1157 = arith.mulf %mul3A_1156, %add3A_1150 : vector<16xf32>
      %add3A_1158 = arith.addf %max3A_1153, %mul3A_1157 : vector<16xf32>
      %sub3A_1159 = arith.subf %add3A_1158, %gather3A_1116 : vector<16xf32>
      %select_n3A_1160 = arith.select %eq3A_1118, %sub3A_1159, %add3A_1158 : vector<16xi1>, vector<16xf32>
      %abs3A_1161 = math.absf %gather3A_1116 : vector<16xf32>
      %neg3A_1162 = arith.constant 0.000000e+00 : f32
      %neg3A_1163 = vector.broadcast %neg3A_1162 : f32 to vector<16xf32>
      %neg3A_1164 = arith.subf %neg3A_1163, %abs3A_1161 : vector<16xf32>
      %exp3A_1165 = math.exp %neg3A_1164 : vector<16xf32>
      %add3A_1166 = arith.constant 1.000000e+00 : f32
      %add3A_1167 = vector.broadcast %add3A_1166 : f32 to vector<16xf32>
      %add3A_1168 = arith.addf %add3A_1167, %exp3A_1165 : vector<16xf32>
      %div3A_1169 = arith.constant 1.000000e+00 : f32
      %div3A_1170 = vector.broadcast %div3A_1169 : f32 to vector<16xf32>
      %div3A_1171 = arith.divf %div3A_1170, %add3A_1168 : vector<16xf32>
      %ge3A_1172 = arith.constant 0.000000e+00 : f32
      %ge3A_1173 = vector.broadcast %ge3A_1172 : f32 to vector<16xf32>
      %ge3A_1174 = arith.cmpf oge, %gather3A_1116, %ge3A_1173 : vector<16xf32>
      %sub3A_1175 = arith.constant 1.000000e+00 : f32
      %sub3A_1176 = vector.broadcast %sub3A_1175 : f32 to vector<16xf32>
      %sub3A_1177 = arith.subf %sub3A_1176, %div3A_1171 : vector<16xf32>
      %select_n3A_1178 = arith.select %ge3A_1174, %div3A_1171, %sub3A_1177 : vector<16xi1>, vector<16xf32>
      %sub3A_1179 = arith.constant 1.000000e+00 : f32
      %sub3A_1180 = vector.broadcast %sub3A_1179 : f32 to vector<16xf32>
      %sub3A_1181 = arith.subf %sub3A_1180, %select_n3A_1178 : vector<16xf32>
      %select_n3A_1182 = arith.select %eq3A_1118, %select_n3A_1178, %sub3A_1181 : vector<16xi1>, vector<16xf32>
      %sub3A_1183 = arith.constant 1.000000e+00 : f32
      %sub3A_1184 = vector.broadcast %sub3A_1183 : f32 to vector<16xf32>
      %sub3A_1185 = arith.subf %sub3A_1184, %select_n3A_1182 : vector<16xf32>
      %mul3A_1186 = arith.constant 2.500000e-01 : f32
      %mul3A_1187 = vector.broadcast %mul3A_1186 : f32 to vector<16xf32>
      %mul3A_1188 = arith.mulf %mul3A_1187, %sub3A_1185 : vector<16xf32>
      %mul3A_1189 = arith.mulf %mul3A_1188, %sub3A_1185 : vector<16xf32>
      %mul3A_1190 = arith.mulf %mul3A_1189, %select_n3A_1160 : vector<16xf32>
      %jit3A_1191 = arith.constant 0.000000e+00 : f32
      %broadcast_in_dim3A_1192 = vector.broadcast %jit3A_1191 : f32 to vector<16xf32>
      %select_n3A_1193 = arith.select %lt3A_638, %mul3A_1190, %broadcast_in_dim3A_1192 : vector<16xi1>, vector<16xf32>
      %add3A_1194 = arith.addf %scan3A_1109, %select_n3A_1193 : vector<16xf32>
      %scan3A_1195 = arith.constant 1 : i32
      %scan3A_1196 = arith.addi %scan3A_1108, %scan3A_1195 : i32
      %add3A_1197 = arith.constant 1 : i32
      %add3A_1198 = arith.addi %scan3A_1196, %add3A_1197 : i32
      %mul3A_1199 = arith.constant 400 : i32
      %mul3A_1200 = arith.muli %add3A_1198, %mul3A_1199 : i32
      %add3A_1201 = vector.broadcast %mul3A_1200 : i32 to vector<16xi32>
      %add3A_1202 = arith.addi %add3A_1201, %add3A_715 : vector<16xi32>
      %gather3A_1203 = tpu.vector_load_idx %arg15[%add3A_1202] : memref<8400xf32, #tpu.memory_space<vmem>>[vector<16xi32>], vector<16xf32>,
      %eq3A_1204 = vector.broadcast %scan3A_1196 : i32 to vector<16xi32>
      %eq3A_1205 = arith.cmpi eq, %convert_element_type3A_657, %eq3A_1204 : vector<16xi32>
      %abs3A_1206 = math.absf %gather3A_1203 : vector<16xf32>
      %neg3A_1207 = arith.constant 0.000000e+00 : f32
      %neg3A_1208 = vector.broadcast %neg3A_1207 : f32 to vector<16xf32>
      %neg3A_1209 = arith.subf %neg3A_1208, %abs3A_1206 : vector<16xf32>
      %exp3A_1210 = math.exp %neg3A_1209 : vector<16xf32>
      %add3A_1211 = arith.constant 2.000000e+00 : f32
      %add3A_1212 = vector.broadcast %add3A_1211 : f32 to vector<16xf32>
      %add3A_1213 = arith.addf %add3A_1212, %exp3A_1210 : vector<16xf32>
      %div3A_1214 = arith.divf %exp3A_1210, %add3A_1213 : vector<16xf32>
      %mul3A_1215 = arith.mulf %div3A_1214, %div3A_1214 : vector<16xf32>
      %mul3A_1216 = arith.constant 0.0909090936 : f32
      %mul3A_1217 = vector.broadcast %mul3A_1216 : f32 to vector<16xf32>
      %mul3A_1218 = arith.mulf %mul3A_1215, %mul3A_1217 : vector<16xf32>
      %add3A_1219 = arith.constant 0.111111112 : f32
      %add3A_1220 = vector.broadcast %add3A_1219 : f32 to vector<16xf32>
      %add3A_1221 = arith.addf %add3A_1220, %mul3A_1218 : vector<16xf32>
      %mul3A_1222 = arith.mulf %mul3A_1215, %add3A_1221 : vector<16xf32>
      %add3A_1223 = arith.constant 0.142857149 : f32
      %add3A_1224 = vector.broadcast %add3A_1223 : f32 to vector<16xf32>
      %add3A_1225 = arith.addf %add3A_1224, %mul3A_1222 : vector<16xf32>
      %mul3A_1226 = arith.mulf %mul3A_1215, %add3A_1225 : vector<16xf32>
      %add3A_1227 = arith.constant 2.000000e-01 : f32
      %add3A_1228 = vector.broadcast %add3A_1227 : f32 to vector<16xf32>
      %add3A_1229 = arith.addf %add3A_1228, %mul3A_1226 : vector<16xf32>
      %mul3A_1230 = arith.mulf %mul3A_1215, %add3A_1229 : vector<16xf32>
      %add3A_1231 = arith.constant 0.333333343 : f32
      %add3A_1232 = vector.broadcast %add3A_1231 : f32 to vector<16xf32>
      %add3A_1233 = arith.addf %add3A_1232, %mul3A_1230 : vector<16xf32>
      %mul3A_1234 = arith.mulf %mul3A_1215, %add3A_1233 : vector<16xf32>
      %add3A_1235 = arith.constant 1.000000e+00 : f32
      %add3A_1236 = vector.broadcast %add3A_1235 : f32 to vector<16xf32>
      %add3A_1237 = arith.addf %add3A_1236, %mul3A_1234 : vector<16xf32>
      %max3A_1238 = arith.constant 0.000000e+00 : f32
      %max3A_1239 = vector.broadcast %max3A_1238 : f32 to vector<16xf32>
      %max3A_1240 = arith.maximumf %gather3A_1203, %max3A_1239 : vector<16xf32>
      %mul3A_1241 = arith.constant 2.000000e+00 : f32
      %mul3A_1242 = vector.broadcast %mul3A_1241 : f32 to vector<16xf32>
      %mul3A_1243 = arith.mulf %mul3A_1242, %div3A_1214 : vector<16xf32>
      %mul3A_1244 = arith.mulf %mul3A_1243, %add3A_1237 : vector<16xf32>
      %add3A_1245 = arith.addf %max3A_1240, %mul3A_1244 : vector<16xf32>
      %sub3A_1246 = arith.subf %add3A_1245, %gather3A_1203 : vector<16xf32>
      %select_n3A_1247 = arith.select %eq3A_1205, %sub3A_1246, %add3A_1245 : vector<16xi1>, vector<16xf32>
      %abs3A_1248 = math.absf %gather3A_1203 : vector<16xf32>
      %neg3A_1249 = arith.constant 0.000000e+00 : f32
      %neg3A_1250 = vector.broadcast %neg3A_1249 : f32 to vector<16xf32>
      %neg3A_1251 = arith.subf %neg3A_1250, %abs3A_1248 : vector<16xf32>
      %exp3A_1252 = math.exp %neg3A_1251 : vector<16xf32>
      %add3A_1253 = arith.constant 1.000000e+00 : f32
      %add3A_1254 = vector.broadcast %add3A_1253 : f32 to vector<16xf32>
      %add3A_1255 = arith.addf %add3A_1254, %exp3A_1252 : vector<16xf32>
      %div3A_1256 = arith.constant 1.000000e+00 : f32
      %div3A_1257 = vector.broadcast %div3A_1256 : f32 to vector<16xf32>
      %div3A_1258 = arith.divf %div3A_1257, %add3A_1255 : vector<16xf32>
      %ge3A_1259 = arith.constant 0.000000e+00 : f32
      %ge3A_1260 = vector.broadcast %ge3A_1259 : f32 to vector<16xf32>
      %ge3A_1261 = arith.cmpf oge, %gather3A_1203, %ge3A_1260 : vector<16xf32>
      %sub3A_1262 = arith.constant 1.000000e+00 : f32
      %sub3A_1263 = vector.broadcast %sub3A_1262 : f32 to vector<16xf32>
      %sub3A_1264 = arith.subf %sub3A_1263, %div3A_1258 : vector<16xf32>
      %select_n3A_1265 = arith.select %ge3A_1261, %div3A_1258, %sub3A_1264 : vector<16xi1>, vector<16xf32>
      %sub3A_1266 = arith.constant 1.000000e+00 : f32
      %sub3A_1267 = vector.broadcast %sub3A_1266 : f32 to vector<16xf32>
      %sub3A_1268 = arith.subf %sub3A_1267, %select_n3A_1265 : vector<16xf32>
      %select_n3A_1269 = arith.select %eq3A_1205, %select_n3A_1265, %sub3A_1268 : vector<16xi1>, vector<16xf32>
      %sub3A_1270 = arith.constant 1.000000e+00 : f32
      %sub3A_1271 = vector.broadcast %sub3A_1270 : f32 to vector<16xf32>
      %sub3A_1272 = arith.subf %sub3A_1271, %select_n3A_1269 : vector<16xf32>
      %mul3A_1273 = arith.constant 2.500000e-01 : f32
      %mul3A_1274 = vector.broadcast %mul3A_1273 : f32 to vector<16xf32>
      %mul3A_1275 = arith.mulf %mul3A_1274, %sub3A_1272 : vector<16xf32>
      %mul3A_1276 = arith.mulf %mul3A_1275, %sub3A_1272 : vector<16xf32>
      %mul3A_1277 = arith.mulf %mul3A_1276, %select_n3A_1247 : vector<16xf32>
      %jit3A_1278 = arith.constant 0.000000e+00 : f32
      %broadcast_in_dim3A_1279 = vector.broadcast %jit3A_1278 : f32 to vector<16xf32>
      %select_n3A_1280 = arith.select %lt3A_638, %mul3A_1277, %broadcast_in_dim3A_1279 : vector<16xi1>, vector<16xf32>
      %add3A_1281 = arith.addf %add3A_1194, %select_n3A_1280 : vector<16xf32>
      %scan3A_1282 = arith.constant 2 : i32
      %scan3A_1283 = arith.addi %scan3A_1108, %scan3A_1282 : i32
      %add3A_1284 = arith.constant 1 : i32
      %add3A_1285 = arith.addi %scan3A_1283, %add3A_1284 : i32
      %mul3A_1286 = arith.constant 400 : i32
      %mul3A_1287 = arith.muli %add3A_1285, %mul3A_1286 : i32
      %add3A_1288 = vector.broadcast %mul3A_1287 : i32 to vector<16xi32>
      %add3A_1289 = arith.addi %add3A_1288, %add3A_715 : vector<16xi32>
      %gather3A_1290 = tpu.vector_load_idx %arg15[%add3A_1289] : memref<8400xf32, #tpu.memory_space<vmem>>[vector<16xi32>], vector<16xf32>,
      %eq3A_1291 = vector.broadcast %scan3A_1283 : i32 to vector<16xi32>
      %eq3A_1292 = arith.cmpi eq, %convert_element_type3A_657, %eq3A_1291 : vector<16xi32>
      %abs3A_1293 = math.absf %gather3A_1290 : vector<16xf32>
      %neg3A_1294 = arith.constant 0.000000e+00 : f32
      %neg3A_1295 = vector.broadcast %neg3A_1294 : f32 to vector<16xf32>
      %neg3A_1296 = arith.subf %neg3A_1295, %abs3A_1293 : vector<16xf32>
      %exp3A_1297 = math.exp %neg3A_1296 : vector<16xf32>
      %add3A_1298 = arith.constant 2.000000e+00 : f32
      %add3A_1299 = vector.broadcast %add3A_1298 : f32 to vector<16xf32>
      %add3A_1300 = arith.addf %add3A_1299, %exp3A_1297 : vector<16xf32>
      %div3A_1301 = arith.divf %exp3A_1297, %add3A_1300 : vector<16xf32>
      %mul3A_1302 = arith.mulf %div3A_1301, %div3A_1301 : vector<16xf32>
      %mul3A_1303 = arith.constant 0.0909090936 : f32
      %mul3A_1304 = vector.broadcast %mul3A_1303 : f32 to vector<16xf32>
      %mul3A_1305 = arith.mulf %mul3A_1302, %mul3A_1304 : vector<16xf32>
      %add3A_1306 = arith.constant 0.111111112 : f32
      %add3A_1307 = vector.broadcast %add3A_1306 : f32 to vector<16xf32>
      %add3A_1308 = arith.addf %add3A_1307, %mul3A_1305 : vector<16xf32>
      %mul3A_1309 = arith.mulf %mul3A_1302, %add3A_1308 : vector<16xf32>
      %add3A_1310 = arith.constant 0.142857149 : f32
      %add3A_1311 = vector.broadcast %add3A_1310 : f32 to vector<16xf32>
      %add3A_1312 = arith.addf %add3A_1311, %mul3A_1309 : vector<16xf32>
      %mul3A_1313 = arith.mulf %mul3A_1302, %add3A_1312 : vector<16xf32>
      %add3A_1314 = arith.constant 2.000000e-01 : f32
      %add3A_1315 = vector.broadcast %add3A_1314 : f32 to vector<16xf32>
      %add3A_1316 = arith.addf %add3A_1315, %mul3A_1313 : vector<16xf32>
      %mul3A_1317 = arith.mulf %mul3A_1302, %add3A_1316 : vector<16xf32>
      %add3A_1318 = arith.constant 0.333333343 : f32
      %add3A_1319 = vector.broadcast %add3A_1318 : f32 to vector<16xf32>
      %add3A_1320 = arith.addf %add3A_1319, %mul3A_1317 : vector<16xf32>
      %mul3A_1321 = arith.mulf %mul3A_1302, %add3A_1320 : vector<16xf32>
      %add3A_1322 = arith.constant 1.000000e+00 : f32
      %add3A_1323 = vector.broadcast %add3A_1322 : f32 to vector<16xf32>
      %add3A_1324 = arith.addf %add3A_1323, %mul3A_1321 : vector<16xf32>
      %max3A_1325 = arith.constant 0.000000e+00 : f32
      %max3A_1326 = vector.broadcast %max3A_1325 : f32 to vector<16xf32>
      %max3A_1327 = arith.maximumf %gather3A_1290, %max3A_1326 : vector<16xf32>
      %mul3A_1328 = arith.constant 2.000000e+00 : f32
      %mul3A_1329 = vector.broadcast %mul3A_1328 : f32 to vector<16xf32>
      %mul3A_1330 = arith.mulf %mul3A_1329, %div3A_1301 : vector<16xf32>
      %mul3A_1331 = arith.mulf %mul3A_1330, %add3A_1324 : vector<16xf32>
      %add3A_1332 = arith.addf %max3A_1327, %mul3A_1331 : vector<16xf32>
      %sub3A_1333 = arith.subf %add3A_1332, %gather3A_1290 : vector<16xf32>
      %select_n3A_1334 = arith.select %eq3A_1292, %sub3A_1333, %add3A_1332 : vector<16xi1>, vector<16xf32>
      %abs3A_1335 = math.absf %gather3A_1290 : vector<16xf32>
      %neg3A_1336 = arith.constant 0.000000e+00 : f32
      %neg3A_1337 = vector.broadcast %neg3A_1336 : f32 to vector<16xf32>
      %neg3A_1338 = arith.subf %neg3A_1337, %abs3A_1335 : vector<16xf32>
      %exp3A_1339 = math.exp %neg3A_1338 : vector<16xf32>
      %add3A_1340 = arith.constant 1.000000e+00 : f32
      %add3A_1341 = vector.broadcast %add3A_1340 : f32 to vector<16xf32>
      %add3A_1342 = arith.addf %add3A_1341, %exp3A_1339 : vector<16xf32>
      %div3A_1343 = arith.constant 1.000000e+00 : f32
      %div3A_1344 = vector.broadcast %div3A_1343 : f32 to vector<16xf32>
      %div3A_1345 = arith.divf %div3A_1344, %add3A_1342 : vector<16xf32>
      %ge3A_1346 = arith.constant 0.000000e+00 : f32
      %ge3A_1347 = vector.broadcast %ge3A_1346 : f32 to vector<16xf32>
      %ge3A_1348 = arith.cmpf oge, %gather3A_1290, %ge3A_1347 : vector<16xf32>
      %sub3A_1349 = arith.constant 1.000000e+00 : f32
      %sub3A_1350 = vector.broadcast %sub3A_1349 : f32 to vector<16xf32>
      %sub3A_1351 = arith.subf %sub3A_1350, %div3A_1345 : vector<16xf32>
      %select_n3A_1352 = arith.select %ge3A_1348, %div3A_1345, %sub3A_1351 : vector<16xi1>, vector<16xf32>
      %sub3A_1353 = arith.constant 1.000000e+00 : f32
      %sub3A_1354 = vector.broadcast %sub3A_1353 : f32 to vector<16xf32>
      %sub3A_1355 = arith.subf %sub3A_1354, %select_n3A_1352 : vector<16xf32>
      %select_n3A_1356 = arith.select %eq3A_1292, %select_n3A_1352, %sub3A_1355 : vector<16xi1>, vector<16xf32>
      %sub3A_1357 = arith.constant 1.000000e+00 : f32
      %sub3A_1358 = vector.broadcast %sub3A_1357 : f32 to vector<16xf32>
      %sub3A_1359 = arith.subf %sub3A_1358, %select_n3A_1356 : vector<16xf32>
      %mul3A_1360 = arith.constant 2.500000e-01 : f32
      %mul3A_1361 = vector.broadcast %mul3A_1360 : f32 to vector<16xf32>
      %mul3A_1362 = arith.mulf %mul3A_1361, %sub3A_1359 : vector<16xf32>
      %mul3A_1363 = arith.mulf %mul3A_1362, %sub3A_1359 : vector<16xf32>
      %mul3A_1364 = arith.mulf %mul3A_1363, %select_n3A_1334 : vector<16xf32>
      %jit3A_1365 = arith.constant 0.000000e+00 : f32
      %broadcast_in_dim3A_1366 = vector.broadcast %jit3A_1365 : f32 to vector<16xf32>
      %select_n3A_1367 = arith.select %lt3A_638, %mul3A_1364, %broadcast_in_dim3A_1366 : vector<16xi1>, vector<16xf32>
      %add3A_1368 = arith.addf %add3A_1281, %select_n3A_1367 : vector<16xf32>
      %scan3A_1369 = arith.constant 3 : i32
      %scan3A_1370 = arith.addi %scan3A_1108, %scan3A_1369 : i32
      %add3A_1371 = arith.constant 1 : i32
      %add3A_1372 = arith.addi %scan3A_1370, %add3A_1371 : i32
      %mul3A_1373 = arith.constant 400 : i32
      %mul3A_1374 = arith.muli %add3A_1372, %mul3A_1373 : i32
      %add3A_1375 = vector.broadcast %mul3A_1374 : i32 to vector<16xi32>
      %add3A_1376 = arith.addi %add3A_1375, %add3A_715 : vector<16xi32>
      %gather3A_1377 = tpu.vector_load_idx %arg15[%add3A_1376] : memref<8400xf32, #tpu.memory_space<vmem>>[vector<16xi32>], vector<16xf32>,
      %eq3A_1378 = vector.broadcast %scan3A_1370 : i32 to vector<16xi32>
      %eq3A_1379 = arith.cmpi eq, %convert_element_type3A_657, %eq3A_1378 : vector<16xi32>
      %abs3A_1380 = math.absf %gather3A_1377 : vector<16xf32>
      %neg3A_1381 = arith.constant 0.000000e+00 : f32
      %neg3A_1382 = vector.broadcast %neg3A_1381 : f32 to vector<16xf32>
      %neg3A_1383 = arith.subf %neg3A_1382, %abs3A_1380 : vector<16xf32>
      %exp3A_1384 = math.exp %neg3A_1383 : vector<16xf32>
      %add3A_1385 = arith.constant 2.000000e+00 : f32
      %add3A_1386 = vector.broadcast %add3A_1385 : f32 to vector<16xf32>
      %add3A_1387 = arith.addf %add3A_1386, %exp3A_1384 : vector<16xf32>
      %div3A_1388 = arith.divf %exp3A_1384, %add3A_1387 : vector<16xf32>
      %mul3A_1389 = arith.mulf %div3A_1388, %div3A_1388 : vector<16xf32>
      %mul3A_1390 = arith.constant 0.0909090936 : f32
      %mul3A_1391 = vector.broadcast %mul3A_1390 : f32 to vector<16xf32>
      %mul3A_1392 = arith.mulf %mul3A_1389, %mul3A_1391 : vector<16xf32>
      %add3A_1393 = arith.constant 0.111111112 : f32
      %add3A_1394 = vector.broadcast %add3A_1393 : f32 to vector<16xf32>
      %add3A_1395 = arith.addf %add3A_1394, %mul3A_1392 : vector<16xf32>
      %mul3A_1396 = arith.mulf %mul3A_1389, %add3A_1395 : vector<16xf32>
      %add3A_1397 = arith.constant 0.142857149 : f32
      %add3A_1398 = vector.broadcast %add3A_1397 : f32 to vector<16xf32>
      %add3A_1399 = arith.addf %add3A_1398, %mul3A_1396 : vector<16xf32>
      %mul3A_1400 = arith.mulf %mul3A_1389, %add3A_1399 : vector<16xf32>
      %add3A_1401 = arith.constant 2.000000e-01 : f32
      %add3A_1402 = vector.broadcast %add3A_1401 : f32 to vector<16xf32>
      %add3A_1403 = arith.addf %add3A_1402, %mul3A_1400 : vector<16xf32>
      %mul3A_1404 = arith.mulf %mul3A_1389, %add3A_1403 : vector<16xf32>
      %add3A_1405 = arith.constant 0.333333343 : f32
      %add3A_1406 = vector.broadcast %add3A_1405 : f32 to vector<16xf32>
      %add3A_1407 = arith.addf %add3A_1406, %mul3A_1404 : vector<16xf32>
      %mul3A_1408 = arith.mulf %mul3A_1389, %add3A_1407 : vector<16xf32>
      %add3A_1409 = arith.constant 1.000000e+00 : f32
      %add3A_1410 = vector.broadcast %add3A_1409 : f32 to vector<16xf32>
      %add3A_1411 = arith.addf %add3A_1410, %mul3A_1408 : vector<16xf32>
      %max3A_1412 = arith.constant 0.000000e+00 : f32
      %max3A_1413 = vector.broadcast %max3A_1412 : f32 to vector<16xf32>
      %max3A_1414 = arith.maximumf %gather3A_1377, %max3A_1413 : vector<16xf32>
      %mul3A_1415 = arith.constant 2.000000e+00 : f32
      %mul3A_1416 = vector.broadcast %mul3A_1415 : f32 to vector<16xf32>
      %mul3A_1417 = arith.mulf %mul3A_1416, %div3A_1388 : vector<16xf32>
      %mul3A_1418 = arith.mulf %mul3A_1417, %add3A_1411 : vector<16xf32>
      %add3A_1419 = arith.addf %max3A_1414, %mul3A_1418 : vector<16xf32>
      %sub3A_1420 = arith.subf %add3A_1419, %gather3A_1377 : vector<16xf32>
      %select_n3A_1421 = arith.select %eq3A_1379, %sub3A_1420, %add3A_1419 : vector<16xi1>, vector<16xf32>
      %abs3A_1422 = math.absf %gather3A_1377 : vector<16xf32>
      %neg3A_1423 = arith.constant 0.000000e+00 : f32
      %neg3A_1424 = vector.broadcast %neg3A_1423 : f32 to vector<16xf32>
      %neg3A_1425 = arith.subf %neg3A_1424, %abs3A_1422 : vector<16xf32>
      %exp3A_1426 = math.exp %neg3A_1425 : vector<16xf32>
      %add3A_1427 = arith.constant 1.000000e+00 : f32
      %add3A_1428 = vector.broadcast %add3A_1427 : f32 to vector<16xf32>
      %add3A_1429 = arith.addf %add3A_1428, %exp3A_1426 : vector<16xf32>
      %div3A_1430 = arith.constant 1.000000e+00 : f32
      %div3A_1431 = vector.broadcast %div3A_1430 : f32 to vector<16xf32>
      %div3A_1432 = arith.divf %div3A_1431, %add3A_1429 : vector<16xf32>
      %ge3A_1433 = arith.constant 0.000000e+00 : f32
      %ge3A_1434 = vector.broadcast %ge3A_1433 : f32 to vector<16xf32>
      %ge3A_1435 = arith.cmpf oge, %gather3A_1377, %ge3A_1434 : vector<16xf32>
      %sub3A_1436 = arith.constant 1.000000e+00 : f32
      %sub3A_1437 = vector.broadcast %sub3A_1436 : f32 to vector<16xf32>
      %sub3A_1438 = arith.subf %sub3A_1437, %div3A_1432 : vector<16xf32>
      %select_n3A_1439 = arith.select %ge3A_1435, %div3A_1432, %sub3A_1438 : vector<16xi1>, vector<16xf32>
      %sub3A_1440 = arith.constant 1.000000e+00 : f32
      %sub3A_1441 = vector.broadcast %sub3A_1440 : f32 to vector<16xf32>
      %sub3A_1442 = arith.subf %sub3A_1441, %select_n3A_1439 : vector<16xf32>
      %select_n3A_1443 = arith.select %eq3A_1379, %select_n3A_1439, %sub3A_1442 : vector<16xi1>, vector<16xf32>
      %sub3A_1444 = arith.constant 1.000000e+00 : f32
      %sub3A_1445 = vector.broadcast %sub3A_1444 : f32 to vector<16xf32>
      %sub3A_1446 = arith.subf %sub3A_1445, %select_n3A_1443 : vector<16xf32>
      %mul3A_1447 = arith.constant 2.500000e-01 : f32
      %mul3A_1448 = vector.broadcast %mul3A_1447 : f32 to vector<16xf32>
      %mul3A_1449 = arith.mulf %mul3A_1448, %sub3A_1446 : vector<16xf32>
      %mul3A_1450 = arith.mulf %mul3A_1449, %sub3A_1446 : vector<16xf32>
      %mul3A_1451 = arith.mulf %mul3A_1450, %select_n3A_1421 : vector<16xf32>
      %jit3A_1452 = arith.constant 0.000000e+00 : f32
      %broadcast_in_dim3A_1453 = vector.broadcast %jit3A_1452 : f32 to vector<16xf32>
      %select_n3A_1454 = arith.select %lt3A_638, %mul3A_1451, %broadcast_in_dim3A_1453 : vector<16xi1>, vector<16xf32>
      %add3A_1455 = arith.addf %add3A_1368, %select_n3A_1454 : vector<16xf32>
      scf.yield %add3A_1455 : vector<16xf32>
    }
    %scan3A_937 = arith.constant 20 : i32
    %reduce_sum3A_938 = arith.constant true
    %reduce_sum3A_939 = vector.broadcast %reduce_sum3A_938 : i1 to vector<16xi1>
    %reduce_sum3A_940 = tpu.scan <sum>, %scan3A_936 masked %reduce_sum3A_939 : vector<16xf32>, vector<16xi1> -> vector<16xf32>
    %reduce_sum3A_941 = vector.extract %reduce_sum3A_940[15] : f32 from vector<16xf32>
    %mul3A_942 = arith.constant 5.000000e-02 : f32
    %mul3A_943 = arith.mulf %reduce_sum3A_941, %mul3A_942 : f32
    %swap3A_944 = arith.constant 0 : index
    %swap3A_945 = tpu.vector_load %arg18[%swap3A_944] {strides = array<i32>} : memref<16xi32, #tpu.memory_space<vmem>>, vector<16xi32>,
    tpu.vector_store %arg18[%swap3A_944], %add3A_715 {strides = array<i32>} : memref<16xi32, #tpu.memory_space<vmem>>, vector<16xi32>,
    %broadcast_in_dim3A_946 = arith.constant false
    %broadcast_in_dim3A_947 = vector.broadcast %broadcast_in_dim3A_946 : i1 to vector<16xi1>
    %broadcast_in_dim3A_948 = arith.constant 0 : i32
    %broadcast_in_dim3A_949 = vector.broadcast %broadcast_in_dim3A_948 : i32 to vector<16xi32>
    %gather3A_950 = tpu.vector_load_idx %arg18[%broadcast_in_dim3A_949] : memref<16xi32, #tpu.memory_space<vmem>>[vector<16xi32>], vector<16xi32>,
    %gt3A_951 = arith.constant 0 : i32
    %gt3A_952 = vector.broadcast %gt3A_951 : i32 to vector<16xi32>
    %gt3A_953 = arith.cmpi sgt, %iota3A_635, %gt3A_952 : vector<16xi32>
    %eq3A_954 = arith.cmpi eq, %add3A_715, %gather3A_950 : vector<16xi32>
    %and3A_955 = arith.andi %gt3A_953, %eq3A_954 : vector<16xi1>
    %or3A_956 = arith.ori %broadcast_in_dim3A_947, %and3A_955 : vector<16xi1>
    %broadcast_in_dim3A_957 = arith.constant 1 : i32
    %broadcast_in_dim3A_958 = vector.broadcast %broadcast_in_dim3A_957 : i32 to vector<16xi32>
    %gather3A_959 = tpu.vector_load_idx %arg18[%broadcast_in_dim3A_958] : memref<16xi32, #tpu.memory_space<vmem>>[vector<16xi32>], vector<16xi32>,
    %gt3A_960 = arith.constant 1 : i32
    %gt3A_961 = vector.broadcast %gt3A_960 : i32 to vector<16xi32>
    %gt3A_962 = arith.cmpi sgt, %iota3A_635, %gt3A_961 : vector<16xi32>
    %eq3A_963 = arith.cmpi eq, %add3A_715, %gather3A_959 : vector<16xi32>
    %and3A_964 = arith.andi %gt3A_962, %eq3A_963 : vector<16xi1>
    %or3A_965 = arith.ori %or3A_956, %and3A_964 : vector<16xi1>
    %broadcast_in_dim3A_966 = arith.constant 2 : i32
    %broadcast_in_dim3A_967 = vector.broadcast %broadcast_in_dim3A_966 : i32 to vector<16xi32>
    %gather3A_968 = tpu.vector_load_idx %arg18[%broadcast_in_dim3A_967] : memref<16xi32, #tpu.memory_space<vmem>>[vector<16xi32>], vector<16xi32>,
    %gt3A_969 = arith.constant 2 : i32
    %gt3A_970 = vector.broadcast %gt3A_969 : i32 to vector<16xi32>
    %gt3A_971 = arith.cmpi sgt, %iota3A_635, %gt3A_970 : vector<16xi32>
    %eq3A_972 = arith.cmpi eq, %add3A_715, %gather3A_968 : vector<16xi32>
    %and3A_973 = arith.andi %gt3A_971, %eq3A_972 : vector<16xi1>
    %or3A_974 = arith.ori %or3A_965, %and3A_973 : vector<16xi1>
    %broadcast_in_dim3A_975 = arith.constant 3 : i32
    %broadcast_in_dim3A_976 = vector.broadcast %broadcast_in_dim3A_975 : i32 to vector<16xi32>
    %gather3A_977 = tpu.vector_load_idx %arg18[%broadcast_in_dim3A_976] : memref<16xi32, #tpu.memory_space<vmem>>[vector<16xi32>], vector<16xi32>,
    %gt3A_978 = arith.constant 3 : i32
    %gt3A_979 = vector.broadcast %gt3A_978 : i32 to vector<16xi32>
    %gt3A_980 = arith.cmpi sgt, %iota3A_635, %gt3A_979 : vector<16xi32>
    %eq3A_981 = arith.cmpi eq, %add3A_715, %gather3A_977 : vector<16xi32>
    %and3A_982 = arith.andi %gt3A_980, %eq3A_981 : vector<16xi1>
    %or3A_983 = arith.ori %or3A_974, %and3A_982 : vector<16xi1>
    %broadcast_in_dim3A_984 = arith.constant 4 : i32
    %broadcast_in_dim3A_985 = vector.broadcast %broadcast_in_dim3A_984 : i32 to vector<16xi32>
    %gather3A_986 = tpu.vector_load_idx %arg18[%broadcast_in_dim3A_985] : memref<16xi32, #tpu.memory_space<vmem>>[vector<16xi32>], vector<16xi32>,
    %gt3A_987 = arith.constant 4 : i32
    %gt3A_988 = vector.broadcast %gt3A_987 : i32 to vector<16xi32>
    %gt3A_989 = arith.cmpi sgt, %iota3A_635, %gt3A_988 : vector<16xi32>
    %eq3A_990 = arith.cmpi eq, %add3A_715, %gather3A_986 : vector<16xi32>
    %and3A_991 = arith.andi %gt3A_989, %eq3A_990 : vector<16xi1>
    %or3A_992 = arith.ori %or3A_983, %and3A_991 : vector<16xi1>
    %broadcast_in_dim3A_993 = arith.constant 5 : i32
    %broadcast_in_dim3A_994 = vector.broadcast %broadcast_in_dim3A_993 : i32 to vector<16xi32>
    %gather3A_995 = tpu.vector_load_idx %arg18[%broadcast_in_dim3A_994] : memref<16xi32, #tpu.memory_space<vmem>>[vector<16xi32>], vector<16xi32>,
    %gt3A_996 = arith.constant 5 : i32
    %gt3A_997 = vector.broadcast %gt3A_996 : i32 to vector<16xi32>
    %gt3A_998 = arith.cmpi sgt, %iota3A_635, %gt3A_997 : vector<16xi32>
    %eq3A_999 = arith.cmpi eq, %add3A_715, %gather3A_995 : vector<16xi32>
    %and3A_1000 = arith.andi %gt3A_998, %eq3A_999 : vector<16xi1>
    %or3A_1001 = arith.ori %or3A_992, %and3A_1000 : vector<16xi1>
    %broadcast_in_dim3A_1002 = arith.constant 6 : i32
    %broadcast_in_dim3A_1003 = vector.broadcast %broadcast_in_dim3A_1002 : i32 to vector<16xi32>
    %gather3A_1004 = tpu.vector_load_idx %arg18[%broadcast_in_dim3A_1003] : memref<16xi32, #tpu.memory_space<vmem>>[vector<16xi32>], vector<16xi32>,
    %gt3A_1005 = arith.constant 6 : i32
    %gt3A_1006 = vector.broadcast %gt3A_1005 : i32 to vector<16xi32>
    %gt3A_1007 = arith.cmpi sgt, %iota3A_635, %gt3A_1006 : vector<16xi32>
    %eq3A_1008 = arith.cmpi eq, %add3A_715, %gather3A_1004 : vector<16xi32>
    %and3A_1009 = arith.andi %gt3A_1007, %eq3A_1008 : vector<16xi1>
    %or3A_1010 = arith.ori %or3A_1001, %and3A_1009 : vector<16xi1>
    %not3A_1011 = arith.constant dense<true> : vector<16xi1>
    %not3A_1012 = arith.xori %or3A_1010, %not3A_1011 : vector<16xi1>
    %and3A_1013 = arith.andi %not3A_1012, %lt3A_638 : vector<16xi1>
    %jit3A_1014 = arith.constant 1.000000e+00 : f32
    %jit3A_1015 = arith.constant 0.000000e+00 : f32
    %broadcast_in_dim3A_1016 = vector.broadcast %jit3A_1014 : f32 to vector<16xf32>
    %broadcast_in_dim3A_1017 = vector.broadcast %jit3A_1015 : f32 to vector<16xf32>
    %select_n3A_1018 = arith.select %and3A_1013, %broadcast_in_dim3A_1016, %broadcast_in_dim3A_1017 : vector<16xi1>, vector<16xf32>
    %reduce_sum3A_1019 = arith.constant true
    %reduce_sum3A_1020 = vector.broadcast %reduce_sum3A_1019 : i1 to vector<16xi1>
    %reduce_sum3A_1021 = tpu.scan <sum>, %select_n3A_1018 masked %reduce_sum3A_1020 : vector<16xf32>, vector<16xi1> -> vector<16xf32>
    %reduce_sum3A_1022 = vector.extract %reduce_sum3A_1021[15] : f32 from vector<16xf32>
    %jit3A_1023 = arith.constant 0.000000e+00 : f32
    %broadcast_in_dim3A_1024 = vector.broadcast %jit3A_1023 : f32 to vector<16xf32>
    %select_n3A_1025 = arith.select %and3A_1013, %add3A_921, %broadcast_in_dim3A_1024 : vector<16xi1>, vector<16xf32>
    %reduce_sum3A_1026 = arith.constant true
    %reduce_sum3A_1027 = vector.broadcast %reduce_sum3A_1026 : i1 to vector<16xi1>
    %reduce_sum3A_1028 = tpu.scan <sum>, %select_n3A_1025 masked %reduce_sum3A_1027 : vector<16xf32>, vector<16xi1> -> vector<16xf32>
    %reduce_sum3A_1029 = vector.extract %reduce_sum3A_1028[15] : f32 from vector<16xf32>
    %broadcast_in_dim3A_1030 = arith.constant 0.000000e+00 : f32
    %broadcast_in_dim3A_1031 = vector.broadcast %broadcast_in_dim3A_1030 : f32 to vector<16xf32>
    %broadcast_in_dim3A_1032 = arith.constant 0.000000e+00 : f32
    %broadcast_in_dim3A_1033 = vector.broadcast %broadcast_in_dim3A_1032 : f32 to vector<16xf32>
    %broadcast_in_dim3A_1034 = arith.constant 0.000000e+00 : f32
    %broadcast_in_dim3A_1035 = vector.broadcast %broadcast_in_dim3A_1034 : f32 to vector<16xf32>
    %broadcast_in_dim3A_1036 = arith.constant 0.000000e+00 : f32
    %broadcast_in_dim3A_1037 = vector.broadcast %broadcast_in_dim3A_1036 : f32 to vector<16xf32>
    %broadcast_in_dim3A_1038 = arith.constant 0.000000e+00 : f32
    %broadcast_in_dim3A_1039 = vector.broadcast %broadcast_in_dim3A_1038 : f32 to vector<16xf32>
    %scan3A_1040 = arith.constant 0 : i32
    %scan3A_1041 = arith.constant 5 : i32
    %scan3A_1042 = arith.addi %scan3A_1040, %scan3A_1041 : i32
    %scan3A_1043 = arith.constant 1 : i32
    %scan3A_1044:5 = scf.for %scan3A_1108 = %scan3A_1040 to %scan3A_1042 step %scan3A_1043 iter_args(%scan3A_1109 = %broadcast_in_dim3A_1031, %scan3A_1110 = %broadcast_in_dim3A_1033, %scan3A_1111 = %broadcast_in_dim3A_1035, %scan3A_1112 = %broadcast_in_dim3A_1037, %scan3A_1113 = %broadcast_in_dim3A_1039) -> (vector<16xf32>, vector<16xf32>, vector<16xf32>, vector<16xf32>, vector<16xf32>)  : i32 {
      %mul3A_1114 = arith.constant 80 : i32
      %mul3A_1115 = arith.muli %scan3A_1108, %mul3A_1114 : i32
      %add3A_1116 = arith.constant 0 : i32
      %add3A_1117 = arith.addi %mul3A_1115, %add3A_1116 : i32
      %get3A = arith.index_cast %add3A_1117 : i32 to index
      %get3A_1118 = tpu.vector_load %arg15[%get3A] {strides = array<i32>} : memref<8400xf32, #tpu.memory_space<vmem>>, vector<16xf32>,
      %abs3A_1119 = math.absf %get3A_1118 : vector<16xf32>
      %neg3A_1120 = arith.constant 0.000000e+00 : f32
      %neg3A_1121 = vector.broadcast %neg3A_1120 : f32 to vector<16xf32>
      %neg3A_1122 = arith.subf %neg3A_1121, %abs3A_1119 : vector<16xf32>
      %exp3A_1123 = math.exp %neg3A_1122 : vector<16xf32>
      %add3A_1124 = arith.constant 2.000000e+00 : f32
      %add3A_1125 = vector.broadcast %add3A_1124 : f32 to vector<16xf32>
      %add3A_1126 = arith.addf %add3A_1125, %exp3A_1123 : vector<16xf32>
      %div3A_1127 = arith.divf %exp3A_1123, %add3A_1126 : vector<16xf32>
      %mul3A_1128 = arith.mulf %div3A_1127, %div3A_1127 : vector<16xf32>
      %mul3A_1129 = arith.constant 0.0909090936 : f32
      %mul3A_1130 = vector.broadcast %mul3A_1129 : f32 to vector<16xf32>
      %mul3A_1131 = arith.mulf %mul3A_1128, %mul3A_1130 : vector<16xf32>
      %add3A_1132 = arith.constant 0.111111112 : f32
      %add3A_1133 = vector.broadcast %add3A_1132 : f32 to vector<16xf32>
      %add3A_1134 = arith.addf %add3A_1133, %mul3A_1131 : vector<16xf32>
      %mul3A_1135 = arith.mulf %mul3A_1128, %add3A_1134 : vector<16xf32>
      %add3A_1136 = arith.constant 0.142857149 : f32
      %add3A_1137 = vector.broadcast %add3A_1136 : f32 to vector<16xf32>
      %add3A_1138 = arith.addf %add3A_1137, %mul3A_1135 : vector<16xf32>
      %mul3A_1139 = arith.mulf %mul3A_1128, %add3A_1138 : vector<16xf32>
      %add3A_1140 = arith.constant 2.000000e-01 : f32
      %add3A_1141 = vector.broadcast %add3A_1140 : f32 to vector<16xf32>
      %add3A_1142 = arith.addf %add3A_1141, %mul3A_1139 : vector<16xf32>
      %mul3A_1143 = arith.mulf %mul3A_1128, %add3A_1142 : vector<16xf32>
      %add3A_1144 = arith.constant 0.333333343 : f32
      %add3A_1145 = vector.broadcast %add3A_1144 : f32 to vector<16xf32>
      %add3A_1146 = arith.addf %add3A_1145, %mul3A_1143 : vector<16xf32>
      %mul3A_1147 = arith.mulf %mul3A_1128, %add3A_1146 : vector<16xf32>
      %add3A_1148 = arith.constant 1.000000e+00 : f32
      %add3A_1149 = vector.broadcast %add3A_1148 : f32 to vector<16xf32>
      %add3A_1150 = arith.addf %add3A_1149, %mul3A_1147 : vector<16xf32>
      %max3A_1151 = arith.constant 0.000000e+00 : f32
      %max3A_1152 = vector.broadcast %max3A_1151 : f32 to vector<16xf32>
      %max3A_1153 = arith.maximumf %get3A_1118, %max3A_1152 : vector<16xf32>
      %mul3A_1154 = arith.constant 2.000000e+00 : f32
      %mul3A_1155 = vector.broadcast %mul3A_1154 : f32 to vector<16xf32>
      %mul3A_1156 = arith.mulf %mul3A_1155, %div3A_1127 : vector<16xf32>
      %mul3A_1157 = arith.mulf %mul3A_1156, %add3A_1150 : vector<16xf32>
      %add3A_1158 = arith.addf %max3A_1153, %mul3A_1157 : vector<16xf32>
      %add3A_1159 = arith.addf %scan3A_1109, %add3A_1158 : vector<16xf32>
      %add3A_1160 = arith.constant 16 : i32
      %add3A_1161 = arith.addi %mul3A_1115, %add3A_1160 : i32
      %get3A_1162 = arith.index_cast %add3A_1161 : i32 to index
      %get3A_1163 = tpu.vector_load %arg15[%get3A_1162] {strides = array<i32>} : memref<8400xf32, #tpu.memory_space<vmem>>, vector<16xf32>,
      %abs3A_1164 = math.absf %get3A_1163 : vector<16xf32>
      %neg3A_1165 = arith.constant 0.000000e+00 : f32
      %neg3A_1166 = vector.broadcast %neg3A_1165 : f32 to vector<16xf32>
      %neg3A_1167 = arith.subf %neg3A_1166, %abs3A_1164 : vector<16xf32>
      %exp3A_1168 = math.exp %neg3A_1167 : vector<16xf32>
      %add3A_1169 = arith.constant 2.000000e+00 : f32
      %add3A_1170 = vector.broadcast %add3A_1169 : f32 to vector<16xf32>
      %add3A_1171 = arith.addf %add3A_1170, %exp3A_1168 : vector<16xf32>
      %div3A_1172 = arith.divf %exp3A_1168, %add3A_1171 : vector<16xf32>
      %mul3A_1173 = arith.mulf %div3A_1172, %div3A_1172 : vector<16xf32>
      %mul3A_1174 = arith.constant 0.0909090936 : f32
      %mul3A_1175 = vector.broadcast %mul3A_1174 : f32 to vector<16xf32>
      %mul3A_1176 = arith.mulf %mul3A_1173, %mul3A_1175 : vector<16xf32>
      %add3A_1177 = arith.constant 0.111111112 : f32
      %add3A_1178 = vector.broadcast %add3A_1177 : f32 to vector<16xf32>
      %add3A_1179 = arith.addf %add3A_1178, %mul3A_1176 : vector<16xf32>
      %mul3A_1180 = arith.mulf %mul3A_1173, %add3A_1179 : vector<16xf32>
      %add3A_1181 = arith.constant 0.142857149 : f32
      %add3A_1182 = vector.broadcast %add3A_1181 : f32 to vector<16xf32>
      %add3A_1183 = arith.addf %add3A_1182, %mul3A_1180 : vector<16xf32>
      %mul3A_1184 = arith.mulf %mul3A_1173, %add3A_1183 : vector<16xf32>
      %add3A_1185 = arith.constant 2.000000e-01 : f32
      %add3A_1186 = vector.broadcast %add3A_1185 : f32 to vector<16xf32>
      %add3A_1187 = arith.addf %add3A_1186, %mul3A_1184 : vector<16xf32>
      %mul3A_1188 = arith.mulf %mul3A_1173, %add3A_1187 : vector<16xf32>
      %add3A_1189 = arith.constant 0.333333343 : f32
      %add3A_1190 = vector.broadcast %add3A_1189 : f32 to vector<16xf32>
      %add3A_1191 = arith.addf %add3A_1190, %mul3A_1188 : vector<16xf32>
      %mul3A_1192 = arith.mulf %mul3A_1173, %add3A_1191 : vector<16xf32>
      %add3A_1193 = arith.constant 1.000000e+00 : f32
      %add3A_1194 = vector.broadcast %add3A_1193 : f32 to vector<16xf32>
      %add3A_1195 = arith.addf %add3A_1194, %mul3A_1192 : vector<16xf32>
      %max3A_1196 = arith.constant 0.000000e+00 : f32
      %max3A_1197 = vector.broadcast %max3A_1196 : f32 to vector<16xf32>
      %max3A_1198 = arith.maximumf %get3A_1163, %max3A_1197 : vector<16xf32>
      %mul3A_1199 = arith.constant 2.000000e+00 : f32
      %mul3A_1200 = vector.broadcast %mul3A_1199 : f32 to vector<16xf32>
      %mul3A_1201 = arith.mulf %mul3A_1200, %div3A_1172 : vector<16xf32>
      %mul3A_1202 = arith.mulf %mul3A_1201, %add3A_1195 : vector<16xf32>
      %add3A_1203 = arith.addf %max3A_1198, %mul3A_1202 : vector<16xf32>
      %add3A_1204 = arith.addf %scan3A_1110, %add3A_1203 : vector<16xf32>
      %add3A_1205 = arith.constant 32 : i32
      %add3A_1206 = arith.addi %mul3A_1115, %add3A_1205 : i32
      %get3A_1207 = arith.index_cast %add3A_1206 : i32 to index
      %get3A_1208 = tpu.vector_load %arg15[%get3A_1207] {strides = array<i32>} : memref<8400xf32, #tpu.memory_space<vmem>>, vector<16xf32>,
      %abs3A_1209 = math.absf %get3A_1208 : vector<16xf32>
      %neg3A_1210 = arith.constant 0.000000e+00 : f32
      %neg3A_1211 = vector.broadcast %neg3A_1210 : f32 to vector<16xf32>
      %neg3A_1212 = arith.subf %neg3A_1211, %abs3A_1209 : vector<16xf32>
      %exp3A_1213 = math.exp %neg3A_1212 : vector<16xf32>
      %add3A_1214 = arith.constant 2.000000e+00 : f32
      %add3A_1215 = vector.broadcast %add3A_1214 : f32 to vector<16xf32>
      %add3A_1216 = arith.addf %add3A_1215, %exp3A_1213 : vector<16xf32>
      %div3A_1217 = arith.divf %exp3A_1213, %add3A_1216 : vector<16xf32>
      %mul3A_1218 = arith.mulf %div3A_1217, %div3A_1217 : vector<16xf32>
      %mul3A_1219 = arith.constant 0.0909090936 : f32
      %mul3A_1220 = vector.broadcast %mul3A_1219 : f32 to vector<16xf32>
      %mul3A_1221 = arith.mulf %mul3A_1218, %mul3A_1220 : vector<16xf32>
      %add3A_1222 = arith.constant 0.111111112 : f32
      %add3A_1223 = vector.broadcast %add3A_1222 : f32 to vector<16xf32>
      %add3A_1224 = arith.addf %add3A_1223, %mul3A_1221 : vector<16xf32>
      %mul3A_1225 = arith.mulf %mul3A_1218, %add3A_1224 : vector<16xf32>
      %add3A_1226 = arith.constant 0.142857149 : f32
      %add3A_1227 = vector.broadcast %add3A_1226 : f32 to vector<16xf32>
      %add3A_1228 = arith.addf %add3A_1227, %mul3A_1225 : vector<16xf32>
      %mul3A_1229 = arith.mulf %mul3A_1218, %add3A_1228 : vector<16xf32>
      %add3A_1230 = arith.constant 2.000000e-01 : f32
      %add3A_1231 = vector.broadcast %add3A_1230 : f32 to vector<16xf32>
      %add3A_1232 = arith.addf %add3A_1231, %mul3A_1229 : vector<16xf32>
      %mul3A_1233 = arith.mulf %mul3A_1218, %add3A_1232 : vector<16xf32>
      %add3A_1234 = arith.constant 0.333333343 : f32
      %add3A_1235 = vector.broadcast %add3A_1234 : f32 to vector<16xf32>
      %add3A_1236 = arith.addf %add3A_1235, %mul3A_1233 : vector<16xf32>
      %mul3A_1237 = arith.mulf %mul3A_1218, %add3A_1236 : vector<16xf32>
      %add3A_1238 = arith.constant 1.000000e+00 : f32
      %add3A_1239 = vector.broadcast %add3A_1238 : f32 to vector<16xf32>
      %add3A_1240 = arith.addf %add3A_1239, %mul3A_1237 : vector<16xf32>
      %max3A_1241 = arith.constant 0.000000e+00 : f32
      %max3A_1242 = vector.broadcast %max3A_1241 : f32 to vector<16xf32>
      %max3A_1243 = arith.maximumf %get3A_1208, %max3A_1242 : vector<16xf32>
      %mul3A_1244 = arith.constant 2.000000e+00 : f32
      %mul3A_1245 = vector.broadcast %mul3A_1244 : f32 to vector<16xf32>
      %mul3A_1246 = arith.mulf %mul3A_1245, %div3A_1217 : vector<16xf32>
      %mul3A_1247 = arith.mulf %mul3A_1246, %add3A_1240 : vector<16xf32>
      %add3A_1248 = arith.addf %max3A_1243, %mul3A_1247 : vector<16xf32>
      %add3A_1249 = arith.addf %scan3A_1111, %add3A_1248 : vector<16xf32>
      %add3A_1250 = arith.constant 48 : i32
      %add3A_1251 = arith.addi %mul3A_1115, %add3A_1250 : i32
      %get3A_1252 = arith.index_cast %add3A_1251 : i32 to index
      %get3A_1253 = tpu.vector_load %arg15[%get3A_1252] {strides = array<i32>} : memref<8400xf32, #tpu.memory_space<vmem>>, vector<16xf32>,
      %abs3A_1254 = math.absf %get3A_1253 : vector<16xf32>
      %neg3A_1255 = arith.constant 0.000000e+00 : f32
      %neg3A_1256 = vector.broadcast %neg3A_1255 : f32 to vector<16xf32>
      %neg3A_1257 = arith.subf %neg3A_1256, %abs3A_1254 : vector<16xf32>
      %exp3A_1258 = math.exp %neg3A_1257 : vector<16xf32>
      %add3A_1259 = arith.constant 2.000000e+00 : f32
      %add3A_1260 = vector.broadcast %add3A_1259 : f32 to vector<16xf32>
      %add3A_1261 = arith.addf %add3A_1260, %exp3A_1258 : vector<16xf32>
      %div3A_1262 = arith.divf %exp3A_1258, %add3A_1261 : vector<16xf32>
      %mul3A_1263 = arith.mulf %div3A_1262, %div3A_1262 : vector<16xf32>
      %mul3A_1264 = arith.constant 0.0909090936 : f32
      %mul3A_1265 = vector.broadcast %mul3A_1264 : f32 to vector<16xf32>
      %mul3A_1266 = arith.mulf %mul3A_1263, %mul3A_1265 : vector<16xf32>
      %add3A_1267 = arith.constant 0.111111112 : f32
      %add3A_1268 = vector.broadcast %add3A_1267 : f32 to vector<16xf32>
      %add3A_1269 = arith.addf %add3A_1268, %mul3A_1266 : vector<16xf32>
      %mul3A_1270 = arith.mulf %mul3A_1263, %add3A_1269 : vector<16xf32>
      %add3A_1271 = arith.constant 0.142857149 : f32
      %add3A_1272 = vector.broadcast %add3A_1271 : f32 to vector<16xf32>
      %add3A_1273 = arith.addf %add3A_1272, %mul3A_1270 : vector<16xf32>
      %mul3A_1274 = arith.mulf %mul3A_1263, %add3A_1273 : vector<16xf32>
      %add3A_1275 = arith.constant 2.000000e-01 : f32
      %add3A_1276 = vector.broadcast %add3A_1275 : f32 to vector<16xf32>
      %add3A_1277 = arith.addf %add3A_1276, %mul3A_1274 : vector<16xf32>
      %mul3A_1278 = arith.mulf %mul3A_1263, %add3A_1277 : vector<16xf32>
      %add3A_1279 = arith.constant 0.333333343 : f32
      %add3A_1280 = vector.broadcast %add3A_1279 : f32 to vector<16xf32>
      %add3A_1281 = arith.addf %add3A_1280, %mul3A_1278 : vector<16xf32>
      %mul3A_1282 = arith.mulf %mul3A_1263, %add3A_1281 : vector<16xf32>
      %add3A_1283 = arith.constant 1.000000e+00 : f32
      %add3A_1284 = vector.broadcast %add3A_1283 : f32 to vector<16xf32>
      %add3A_1285 = arith.addf %add3A_1284, %mul3A_1282 : vector<16xf32>
      %max3A_1286 = arith.constant 0.000000e+00 : f32
      %max3A_1287 = vector.broadcast %max3A_1286 : f32 to vector<16xf32>
      %max3A_1288 = arith.maximumf %get3A_1253, %max3A_1287 : vector<16xf32>
      %mul3A_1289 = arith.constant 2.000000e+00 : f32
      %mul3A_1290 = vector.broadcast %mul3A_1289 : f32 to vector<16xf32>
      %mul3A_1291 = arith.mulf %mul3A_1290, %div3A_1262 : vector<16xf32>
      %mul3A_1292 = arith.mulf %mul3A_1291, %add3A_1285 : vector<16xf32>
      %add3A_1293 = arith.addf %max3A_1288, %mul3A_1292 : vector<16xf32>
      %add3A_1294 = arith.addf %scan3A_1112, %add3A_1293 : vector<16xf32>
      %add3A_1295 = arith.constant 64 : i32
      %add3A_1296 = arith.addi %mul3A_1115, %add3A_1295 : i32
      %get3A_1297 = arith.index_cast %add3A_1296 : i32 to index
      %get3A_1298 = tpu.vector_load %arg15[%get3A_1297] {strides = array<i32>} : memref<8400xf32, #tpu.memory_space<vmem>>, vector<16xf32>,
      %abs3A_1299 = math.absf %get3A_1298 : vector<16xf32>
      %neg3A_1300 = arith.constant 0.000000e+00 : f32
      %neg3A_1301 = vector.broadcast %neg3A_1300 : f32 to vector<16xf32>
      %neg3A_1302 = arith.subf %neg3A_1301, %abs3A_1299 : vector<16xf32>
      %exp3A_1303 = math.exp %neg3A_1302 : vector<16xf32>
      %add3A_1304 = arith.constant 2.000000e+00 : f32
      %add3A_1305 = vector.broadcast %add3A_1304 : f32 to vector<16xf32>
      %add3A_1306 = arith.addf %add3A_1305, %exp3A_1303 : vector<16xf32>
      %div3A_1307 = arith.divf %exp3A_1303, %add3A_1306 : vector<16xf32>
      %mul3A_1308 = arith.mulf %div3A_1307, %div3A_1307 : vector<16xf32>
      %mul3A_1309 = arith.constant 0.0909090936 : f32
      %mul3A_1310 = vector.broadcast %mul3A_1309 : f32 to vector<16xf32>
      %mul3A_1311 = arith.mulf %mul3A_1308, %mul3A_1310 : vector<16xf32>
      %add3A_1312 = arith.constant 0.111111112 : f32
      %add3A_1313 = vector.broadcast %add3A_1312 : f32 to vector<16xf32>
      %add3A_1314 = arith.addf %add3A_1313, %mul3A_1311 : vector<16xf32>
      %mul3A_1315 = arith.mulf %mul3A_1308, %add3A_1314 : vector<16xf32>
      %add3A_1316 = arith.constant 0.142857149 : f32
      %add3A_1317 = vector.broadcast %add3A_1316 : f32 to vector<16xf32>
      %add3A_1318 = arith.addf %add3A_1317, %mul3A_1315 : vector<16xf32>
      %mul3A_1319 = arith.mulf %mul3A_1308, %add3A_1318 : vector<16xf32>
      %add3A_1320 = arith.constant 2.000000e-01 : f32
      %add3A_1321 = vector.broadcast %add3A_1320 : f32 to vector<16xf32>
      %add3A_1322 = arith.addf %add3A_1321, %mul3A_1319 : vector<16xf32>
      %mul3A_1323 = arith.mulf %mul3A_1308, %add3A_1322 : vector<16xf32>
      %add3A_1324 = arith.constant 0.333333343 : f32
      %add3A_1325 = vector.broadcast %add3A_1324 : f32 to vector<16xf32>
      %add3A_1326 = arith.addf %add3A_1325, %mul3A_1323 : vector<16xf32>
      %mul3A_1327 = arith.mulf %mul3A_1308, %add3A_1326 : vector<16xf32>
      %add3A_1328 = arith.constant 1.000000e+00 : f32
      %add3A_1329 = vector.broadcast %add3A_1328 : f32 to vector<16xf32>
      %add3A_1330 = arith.addf %add3A_1329, %mul3A_1327 : vector<16xf32>
      %max3A_1331 = arith.constant 0.000000e+00 : f32
      %max3A_1332 = vector.broadcast %max3A_1331 : f32 to vector<16xf32>
      %max3A_1333 = arith.maximumf %get3A_1298, %max3A_1332 : vector<16xf32>
      %mul3A_1334 = arith.constant 2.000000e+00 : f32
      %mul3A_1335 = vector.broadcast %mul3A_1334 : f32 to vector<16xf32>
      %mul3A_1336 = arith.mulf %mul3A_1335, %div3A_1307 : vector<16xf32>
      %mul3A_1337 = arith.mulf %mul3A_1336, %add3A_1330 : vector<16xf32>
      %add3A_1338 = arith.addf %max3A_1333, %mul3A_1337 : vector<16xf32>
      %add3A_1339 = arith.addf %scan3A_1113, %add3A_1338 : vector<16xf32>
      scf.yield %add3A_1159, %add3A_1204, %add3A_1249, %add3A_1294, %add3A_1339 : vector<16xf32>, vector<16xf32>, vector<16xf32>, vector<16xf32>, vector<16xf32>
    }
    %scan3A_1045 = arith.constant 5 : i32
    %add3A_1046 = arith.addf %scan3A_1044#0, %scan3A_1044#1 : vector<16xf32>
    %add3A_1047 = arith.addf %add3A_1046, %scan3A_1044#2 : vector<16xf32>
    %add3A_1048 = arith.addf %add3A_1047, %scan3A_1044#3 : vector<16xf32>
    %add3A_1049 = arith.addf %add3A_1048, %scan3A_1044#4 : vector<16xf32>
    %reduce_sum3A_1050 = arith.constant true
    %reduce_sum3A_1051 = vector.broadcast %reduce_sum3A_1050 : i1 to vector<16xi1>
    %reduce_sum3A_1052 = tpu.scan <sum>, %add3A_1049 masked %reduce_sum3A_1051 : vector<16xf32>, vector<16xi1> -> vector<16xf32>
    %reduce_sum3A_1053 = vector.extract %reduce_sum3A_1052[15] : f32 from vector<16xf32>
    %eq3A_1054 = arith.constant 0 : i32
    %eq3A_1055 = vector.broadcast %eq3A_1054 : i32 to vector<16xi32>
    %eq3A_1056 = arith.cmpi eq, %iota3A_635, %eq3A_1055 : vector<16xi32>
    %jit3A_1057 = arith.constant 0.000000e+00 : f32
    %broadcast_in_dim3A_1058 = vector.broadcast %reduce_sum3A_880 : f32 to vector<16xf32>
    %broadcast_in_dim3A_1059 = vector.broadcast %jit3A_1057 : f32 to vector<16xf32>
    %select_n3A_1060 = arith.select %eq3A_1056, %broadcast_in_dim3A_1058, %broadcast_in_dim3A_1059 : vector<16xi1>, vector<16xf32>
    %eq3A_1061 = arith.constant 1 : i32
    %eq3A_1062 = vector.broadcast %eq3A_1061 : i32 to vector<16xi32>
    %eq3A_1063 = arith.cmpi eq, %iota3A_635, %eq3A_1062 : vector<16xi32>
    %jit3A_1064 = arith.constant 0.000000e+00 : f32
    %broadcast_in_dim3A_1065 = vector.broadcast %reduce_sum3A_929 : f32 to vector<16xf32>
    %broadcast_in_dim3A_1066 = vector.broadcast %jit3A_1064 : f32 to vector<16xf32>
    %select_n3A_1067 = arith.select %eq3A_1063, %broadcast_in_dim3A_1065, %broadcast_in_dim3A_1066 : vector<16xi1>, vector<16xf32>
    %add3A_1068 = arith.addf %select_n3A_1060, %select_n3A_1067 : vector<16xf32>
    %eq3A_1069 = arith.constant 2 : i32
    %eq3A_1070 = vector.broadcast %eq3A_1069 : i32 to vector<16xi32>
    %eq3A_1071 = arith.cmpi eq, %iota3A_635, %eq3A_1070 : vector<16xi32>
    %jit3A_1072 = arith.constant 0.000000e+00 : f32
    %broadcast_in_dim3A_1073 = vector.broadcast %mul3A_943 : f32 to vector<16xf32>
    %broadcast_in_dim3A_1074 = vector.broadcast %jit3A_1072 : f32 to vector<16xf32>
    %select_n3A_1075 = arith.select %eq3A_1071, %broadcast_in_dim3A_1073, %broadcast_in_dim3A_1074 : vector<16xi1>, vector<16xf32>
    %add3A_1076 = arith.addf %add3A_1068, %select_n3A_1075 : vector<16xf32>
    %eq3A_1077 = arith.constant 6 : i32
    %eq3A_1078 = vector.broadcast %eq3A_1077 : i32 to vector<16xi32>
    %eq3A_1079 = arith.cmpi eq, %iota3A_635, %eq3A_1078 : vector<16xi32>
    %jit3A_1080 = arith.constant 0.000000e+00 : f32
    %broadcast_in_dim3A_1081 = vector.broadcast %reduce_sum3A_1053 : f32 to vector<16xf32>
    %broadcast_in_dim3A_1082 = vector.broadcast %jit3A_1080 : f32 to vector<16xf32>
    %select_n3A_1083 = arith.select %eq3A_1079, %broadcast_in_dim3A_1081, %broadcast_in_dim3A_1082 : vector<16xi1>, vector<16xf32>
    %add3A_1084 = arith.addf %add3A_1076, %select_n3A_1083 : vector<16xf32>
    %eq3A_1085 = arith.constant 7 : i32
    %eq3A_1086 = vector.broadcast %eq3A_1085 : i32 to vector<16xi32>
    %eq3A_1087 = arith.cmpi eq, %iota3A_635, %eq3A_1086 : vector<16xi32>
    %jit3A_1088 = arith.constant 0.000000e+00 : f32
    %broadcast_in_dim3A_1089 = vector.broadcast %reduce_sum3A_1029 : f32 to vector<16xf32>
    %broadcast_in_dim3A_1090 = vector.broadcast %jit3A_1088 : f32 to vector<16xf32>
    %select_n3A_1091 = arith.select %eq3A_1087, %broadcast_in_dim3A_1089, %broadcast_in_dim3A_1090 : vector<16xi1>, vector<16xf32>
    %add3A_1092 = arith.addf %add3A_1084, %select_n3A_1091 : vector<16xf32>
    %eq3A_1093 = arith.constant 8 : i32
    %eq3A_1094 = vector.broadcast %eq3A_1093 : i32 to vector<16xi32>
    %eq3A_1095 = arith.cmpi eq, %iota3A_635, %eq3A_1094 : vector<16xi32>
    %jit3A_1096 = arith.constant 0.000000e+00 : f32
    %broadcast_in_dim3A_1097 = vector.broadcast %reduce_sum3A_1022 : f32 to vector<16xf32>
    %broadcast_in_dim3A_1098 = vector.broadcast %jit3A_1096 : f32 to vector<16xf32>
    %select_n3A_1099 = arith.select %eq3A_1095, %broadcast_in_dim3A_1097, %broadcast_in_dim3A_1098 : vector<16xi1>, vector<16xf32>
    %add3A_1100 = arith.addf %add3A_1092, %select_n3A_1099 : vector<16xf32>
    %add3A_1101 = arith.addf %add3A_601, %add3A_1100 : vector<16xf32>
    %swap3A_1102 = arith.constant 0 : index
    %swap3A_1103 = tpu.vector_load %arg19[%swap3A_1102] {strides = array<i32>} : memref<16xf32, #tpu.memory_space<vmem>>, vector<16xf32>,
    tpu.vector_store %arg19[%swap3A_1102], %add3A_1101 {strides = array<i32>} : memref<16xf32, #tpu.memory_space<vmem>>, vector<16xf32>,
    "tpu.region"() ({
      %run_scoped3A = tpu.sem_alloc : memref<!tpu.dma_semaphore, #tpu.memory_space<semaphore_mem>>
      %dma_start3A_1108 = arith.constant 0 : i32
      %dma_start3A_1109 = tpu.memref_slice %arg21[%arg1, %dma_start3A_1108] : memref<16x16xf32, #tpu.memory_space<vmem_shared>> -> memref<1x16xf32, #tpu.memory_space<vmem_shared>>
      %dma_start3A_1110 = tpu.memref_squeeze %dma_start3A_1109 : memref<1x16xf32, #tpu.memory_space<vmem_shared>> -> memref<16xf32, #tpu.memory_space<vmem_shared>>
      %dma_start3A_1111 = arith.constant 0 : i32
      %dma_start3A_1112 = tpu.memref_slice %arg21[%arg1, %dma_start3A_1111] : memref<16x16xf32, #tpu.memory_space<vmem_shared>> -> memref<1x16xf32, #tpu.memory_space<vmem_shared>>
      %dma_start3A_1113 = tpu.memref_squeeze %dma_start3A_1112 : memref<1x16xf32, #tpu.memory_space<vmem_shared>> -> memref<16xf32, #tpu.memory_space<vmem_shared>>
      tpu.enqueue_dma source(%arg19 : memref<16xf32, #tpu.memory_space<vmem>>) target(%dma_start3A_1113 : memref<16xf32, #tpu.memory_space<vmem_shared>>) target_semaphore(%run_scoped3A : memref<!tpu.dma_semaphore, #tpu.memory_space<semaphore_mem>>)
      %dma_wait3A_1114 = arith.constant 0 : i32
      %dma_wait3A_1115 = tpu.memref_slice %arg21[%arg1, %dma_wait3A_1114] : memref<16x16xf32, #tpu.memory_space<vmem_shared>> -> memref<1x16xf32, #tpu.memory_space<vmem_shared>>
      %dma_wait3A_1116 = tpu.memref_squeeze %dma_wait3A_1115 : memref<1x16xf32, #tpu.memory_space<vmem_shared>> -> memref<16xf32, #tpu.memory_space<vmem_shared>>
      %dma_wait3A_1117 = arith.constant 0 : i32
      %dma_wait3A_1118 = tpu.memref_slice %arg21[%arg1, %dma_wait3A_1117] : memref<16x16xf32, #tpu.memory_space<vmem_shared>> -> memref<1x16xf32, #tpu.memory_space<vmem_shared>>
      %dma_wait3A_1119 = tpu.memref_squeeze %dma_wait3A_1118 : memref<1x16xf32, #tpu.memory_space<vmem_shared>> -> memref<16xf32, #tpu.memory_space<vmem_shared>>
      tpu.wait_dma2 semaphore(%run_scoped3A : memref<!tpu.dma_semaphore, #tpu.memory_space<semaphore_mem>>) src(%arg19 : memref<16xf32, #tpu.memory_space<vmem>>) dst(%dma_wait3A_1119 : memref<16xf32, #tpu.memory_space<vmem_shared>>)
      tpu.yield
    }) : () -> ()
    %barrier3A = arith.constant 0 : index
    tpu.barrier barrier_id(%barrier3A)
    %eq3A_1104 = arith.constant 0 : i32
    %eq3A_1105 = arith.cmpi eq, %arg1, %eq3A_1104 : i32
    %convert_element_type3A_1106 = arith.extui %eq3A_1105 : i1 to i32
    %cond3A = arith.constant 0 : i32
    %cond3A_1107 = arith.cmpi ne, %convert_element_type3A_1106, %cond3A : i32
    scf.if %cond3A_1107 {
      "tpu.region"() ({
        %run_scoped3A = tpu.sem_alloc : memref<!tpu.dma_semaphore, #tpu.memory_space<semaphore_mem>>
        tpu.enqueue_dma source(%arg21 : memref<16x16xf32, #tpu.memory_space<vmem_shared>>) target(%arg20 : memref<16x16xf32, #tpu.memory_space<vmem>>) target_semaphore(%run_scoped3A : memref<!tpu.dma_semaphore, #tpu.memory_space<semaphore_mem>>)
        tpu.wait_dma2 semaphore(%run_scoped3A : memref<!tpu.dma_semaphore, #tpu.memory_space<semaphore_mem>>) src(%arg21 : memref<16x16xf32, #tpu.memory_space<vmem_shared>>) dst(%arg20 : memref<16x16xf32, #tpu.memory_space<vmem>>)
        tpu.yield
      }) : () -> ()
      %broadcast_in_dim3A_1108 = arith.constant 0.000000e+00 : f32
      %broadcast_in_dim3A_1109 = vector.broadcast %broadcast_in_dim3A_1108 : f32 to vector<16xf32>
      %get3A = arith.constant 0 : i32
      %get3A_1110 = arith.index_cast %get3A : i32 to index
      %get3A_1111 = arith.constant 0 : index
      %get3A_1112 = tpu.vector_load %arg20[%get3A_1110, %get3A_1111] {strides = array<i32>} : memref<16x16xf32, #tpu.memory_space<vmem>>, vector<16xf32>,
      %add3A_1113 = arith.addf %broadcast_in_dim3A_1109, %get3A_1112 : vector<16xf32>
      %get3A_1114 = arith.constant 1 : i32
      %get3A_1115 = arith.index_cast %get3A_1114 : i32 to index
      %get3A_1116 = arith.constant 0 : index
      %get3A_1117 = tpu.vector_load %arg20[%get3A_1115, %get3A_1116] {strides = array<i32>} : memref<16x16xf32, #tpu.memory_space<vmem>>, vector<16xf32>,
      %add3A_1118 = arith.addf %add3A_1113, %get3A_1117 : vector<16xf32>
      %get3A_1119 = arith.constant 2 : i32
      %get3A_1120 = arith.index_cast %get3A_1119 : i32 to index
      %get3A_1121 = arith.constant 0 : index
      %get3A_1122 = tpu.vector_load %arg20[%get3A_1120, %get3A_1121] {strides = array<i32>} : memref<16x16xf32, #tpu.memory_space<vmem>>, vector<16xf32>,
      %add3A_1123 = arith.addf %add3A_1118, %get3A_1122 : vector<16xf32>
      %get3A_1124 = arith.constant 3 : i32
      %get3A_1125 = arith.index_cast %get3A_1124 : i32 to index
      %get3A_1126 = arith.constant 0 : index
      %get3A_1127 = tpu.vector_load %arg20[%get3A_1125, %get3A_1126] {strides = array<i32>} : memref<16x16xf32, #tpu.memory_space<vmem>>, vector<16xf32>,
      %add3A_1128 = arith.addf %add3A_1123, %get3A_1127 : vector<16xf32>
      %get3A_1129 = arith.constant 4 : i32
      %get3A_1130 = arith.index_cast %get3A_1129 : i32 to index
      %get3A_1131 = arith.constant 0 : index
      %get3A_1132 = tpu.vector_load %arg20[%get3A_1130, %get3A_1131] {strides = array<i32>} : memref<16x16xf32, #tpu.memory_space<vmem>>, vector<16xf32>,
      %add3A_1133 = arith.addf %add3A_1128, %get3A_1132 : vector<16xf32>
      %get3A_1134 = arith.constant 5 : i32
      %get3A_1135 = arith.index_cast %get3A_1134 : i32 to index
      %get3A_1136 = arith.constant 0 : index
      %get3A_1137 = tpu.vector_load %arg20[%get3A_1135, %get3A_1136] {strides = array<i32>} : memref<16x16xf32, #tpu.memory_space<vmem>>, vector<16xf32>,
      %add3A_1138 = arith.addf %add3A_1133, %get3A_1137 : vector<16xf32>
      %get3A_1139 = arith.constant 6 : i32
      %get3A_1140 = arith.index_cast %get3A_1139 : i32 to index
      %get3A_1141 = arith.constant 0 : index
      %get3A_1142 = tpu.vector_load %arg20[%get3A_1140, %get3A_1141] {strides = array<i32>} : memref<16x16xf32, #tpu.memory_space<vmem>>, vector<16xf32>,
      %add3A_1143 = arith.addf %add3A_1138, %get3A_1142 : vector<16xf32>
      %get3A_1144 = arith.constant 7 : i32
      %get3A_1145 = arith.index_cast %get3A_1144 : i32 to index
      %get3A_1146 = arith.constant 0 : index
      %get3A_1147 = tpu.vector_load %arg20[%get3A_1145, %get3A_1146] {strides = array<i32>} : memref<16x16xf32, #tpu.memory_space<vmem>>, vector<16xf32>,
      %add3A_1148 = arith.addf %add3A_1143, %get3A_1147 : vector<16xf32>
      %get3A_1149 = arith.constant 8 : i32
      %get3A_1150 = arith.index_cast %get3A_1149 : i32 to index
      %get3A_1151 = arith.constant 0 : index
      %get3A_1152 = tpu.vector_load %arg20[%get3A_1150, %get3A_1151] {strides = array<i32>} : memref<16x16xf32, #tpu.memory_space<vmem>>, vector<16xf32>,
      %add3A_1153 = arith.addf %add3A_1148, %get3A_1152 : vector<16xf32>
      %get3A_1154 = arith.constant 9 : i32
      %get3A_1155 = arith.index_cast %get3A_1154 : i32 to index
      %get3A_1156 = arith.constant 0 : index
      %get3A_1157 = tpu.vector_load %arg20[%get3A_1155, %get3A_1156] {strides = array<i32>} : memref<16x16xf32, #tpu.memory_space<vmem>>, vector<16xf32>,
      %add3A_1158 = arith.addf %add3A_1153, %get3A_1157 : vector<16xf32>
      %get3A_1159 = arith.constant 10 : i32
      %get3A_1160 = arith.index_cast %get3A_1159 : i32 to index
      %get3A_1161 = arith.constant 0 : index
      %get3A_1162 = tpu.vector_load %arg20[%get3A_1160, %get3A_1161] {strides = array<i32>} : memref<16x16xf32, #tpu.memory_space<vmem>>, vector<16xf32>,
      %add3A_1163 = arith.addf %add3A_1158, %get3A_1162 : vector<16xf32>
      %get3A_1164 = arith.constant 11 : i32
      %get3A_1165 = arith.index_cast %get3A_1164 : i32 to index
      %get3A_1166 = arith.constant 0 : index
      %get3A_1167 = tpu.vector_load %arg20[%get3A_1165, %get3A_1166] {strides = array<i32>} : memref<16x16xf32, #tpu.memory_space<vmem>>, vector<16xf32>,
      %add3A_1168 = arith.addf %add3A_1163, %get3A_1167 : vector<16xf32>
      %get3A_1169 = arith.constant 12 : i32
      %get3A_1170 = arith.index_cast %get3A_1169 : i32 to index
      %get3A_1171 = arith.constant 0 : index
      %get3A_1172 = tpu.vector_load %arg20[%get3A_1170, %get3A_1171] {strides = array<i32>} : memref<16x16xf32, #tpu.memory_space<vmem>>, vector<16xf32>,
      %add3A_1173 = arith.addf %add3A_1168, %get3A_1172 : vector<16xf32>
      %get3A_1174 = arith.constant 13 : i32
      %get3A_1175 = arith.index_cast %get3A_1174 : i32 to index
      %get3A_1176 = arith.constant 0 : index
      %get3A_1177 = tpu.vector_load %arg20[%get3A_1175, %get3A_1176] {strides = array<i32>} : memref<16x16xf32, #tpu.memory_space<vmem>>, vector<16xf32>,
      %add3A_1178 = arith.addf %add3A_1173, %get3A_1177 : vector<16xf32>
      %get3A_1179 = arith.constant 14 : i32
      %get3A_1180 = arith.index_cast %get3A_1179 : i32 to index
      %get3A_1181 = arith.constant 0 : index
      %get3A_1182 = tpu.vector_load %arg20[%get3A_1180, %get3A_1181] {strides = array<i32>} : memref<16x16xf32, #tpu.memory_space<vmem>>, vector<16xf32>,
      %add3A_1183 = arith.addf %add3A_1178, %get3A_1182 : vector<16xf32>
      %get3A_1184 = arith.constant 15 : i32
      %get3A_1185 = arith.index_cast %get3A_1184 : i32 to index
      %get3A_1186 = arith.constant 0 : index
      %get3A_1187 = tpu.vector_load %arg20[%get3A_1185, %get3A_1186] {strides = array<i32>} : memref<16x16xf32, #tpu.memory_space<vmem>>, vector<16xf32>,
      %add3A_1188 = arith.addf %add3A_1183, %get3A_1187 : vector<16xf32>
      %broadcast_in_dim3A_1189 = arith.constant 0.000000e+00 : f32
      %broadcast_in_dim3A_1190 = vector.broadcast %broadcast_in_dim3A_1189 : f32 to vector<16xf32>
      %eq3A_1191 = arith.constant 0 : i32
      %eq3A_1192 = vector.broadcast %eq3A_1191 : i32 to vector<16xi32>
      %eq3A_1193 = arith.cmpi eq, %iota3A, %eq3A_1192 : vector<16xi32>
      %jit3A_1194 = arith.constant 0.000000e+00 : f32
      %broadcast_in_dim3A_1195 = vector.broadcast %jit3A_1194 : f32 to vector<16xf32>
      %select_n3A_1196 = arith.select %eq3A_1193, %add3A_1188, %broadcast_in_dim3A_1195 : vector<16xi1>, vector<16xf32>
      %reduce_sum3A_1197 = arith.constant true
      %reduce_sum3A_1198 = vector.broadcast %reduce_sum3A_1197 : i1 to vector<16xi1>
      %reduce_sum3A_1199 = tpu.scan <sum>, %select_n3A_1196 masked %reduce_sum3A_1198 : vector<16xf32>, vector<16xi1> -> vector<16xf32>
      %reduce_sum3A_1200 = vector.extract %reduce_sum3A_1199[15] : f32 from vector<16xf32>
      %add3A_1201 = vector.broadcast %reduce_sum3A_1200 : f32 to vector<16xf32>
      %add3A_1202 = arith.addf %broadcast_in_dim3A_1190, %add3A_1201 : vector<16xf32>
      %mul3A_1203 = arith.constant 0.00260416674 : f32
      %mul3A_1204 = vector.broadcast %mul3A_1203 : f32 to vector<16xf32>
      %mul3A_1205 = arith.mulf %add3A_1202, %mul3A_1204 : vector<16xf32>
      %broadcast_in_dim3A_1206 = arith.constant 0.000000e+00 : f32
      %broadcast_in_dim3A_1207 = vector.broadcast %broadcast_in_dim3A_1206 : f32 to vector<16xf32>
      %eq3A_1208 = arith.constant 2 : i32
      %eq3A_1209 = vector.broadcast %eq3A_1208 : i32 to vector<16xi32>
      %eq3A_1210 = arith.cmpi eq, %iota3A, %eq3A_1209 : vector<16xi32>
      %jit3A_1211 = arith.constant 0.000000e+00 : f32
      %broadcast_in_dim3A_1212 = vector.broadcast %jit3A_1211 : f32 to vector<16xf32>
      %select_n3A_1213 = arith.select %eq3A_1210, %add3A_1188, %broadcast_in_dim3A_1212 : vector<16xi1>, vector<16xf32>
      %reduce_sum3A_1214 = arith.constant true
      %reduce_sum3A_1215 = vector.broadcast %reduce_sum3A_1214 : i1 to vector<16xi1>
      %reduce_sum3A_1216 = tpu.scan <sum>, %select_n3A_1213 masked %reduce_sum3A_1215 : vector<16xf32>, vector<16xi1> -> vector<16xf32>
      %reduce_sum3A_1217 = vector.extract %reduce_sum3A_1216[15] : f32 from vector<16xf32>
      %add3A_1218 = vector.broadcast %reduce_sum3A_1217 : f32 to vector<16xf32>
      %add3A_1219 = arith.addf %broadcast_in_dim3A_1207, %add3A_1218 : vector<16xf32>
      %mul3A_1220 = arith.constant 0.00260416674 : f32
      %mul3A_1221 = vector.broadcast %mul3A_1220 : f32 to vector<16xf32>
      %mul3A_1222 = arith.mulf %add3A_1219, %mul3A_1221 : vector<16xf32>
      %broadcast_in_dim3A_1223 = arith.constant 0.000000e+00 : f32
      %broadcast_in_dim3A_1224 = vector.broadcast %broadcast_in_dim3A_1223 : f32 to vector<16xf32>
      %eq3A_1225 = arith.constant 3 : i32
      %eq3A_1226 = vector.broadcast %eq3A_1225 : i32 to vector<16xi32>
      %eq3A_1227 = arith.cmpi eq, %iota3A, %eq3A_1226 : vector<16xi32>
      %jit3A_1228 = arith.constant 0.000000e+00 : f32
      %broadcast_in_dim3A_1229 = vector.broadcast %jit3A_1228 : f32 to vector<16xf32>
      %select_n3A_1230 = arith.select %eq3A_1227, %add3A_1188, %broadcast_in_dim3A_1229 : vector<16xi1>, vector<16xf32>
      %reduce_sum3A_1231 = arith.constant true
      %reduce_sum3A_1232 = vector.broadcast %reduce_sum3A_1231 : i1 to vector<16xi1>
      %reduce_sum3A_1233 = tpu.scan <sum>, %select_n3A_1230 masked %reduce_sum3A_1232 : vector<16xf32>, vector<16xi1> -> vector<16xf32>
      %reduce_sum3A_1234 = vector.extract %reduce_sum3A_1233[15] : f32 from vector<16xf32>
      %add3A_1235 = vector.broadcast %reduce_sum3A_1234 : f32 to vector<16xf32>
      %add3A_1236 = arith.addf %broadcast_in_dim3A_1224, %add3A_1235 : vector<16xf32>
      %broadcast_in_dim3A_1237 = arith.constant 0.000000e+00 : f32
      %broadcast_in_dim3A_1238 = vector.broadcast %broadcast_in_dim3A_1237 : f32 to vector<16xf32>
      %eq3A_1239 = arith.constant 4 : i32
      %eq3A_1240 = vector.broadcast %eq3A_1239 : i32 to vector<16xi32>
      %eq3A_1241 = arith.cmpi eq, %iota3A, %eq3A_1240 : vector<16xi32>
      %jit3A_1242 = arith.constant 0.000000e+00 : f32
      %broadcast_in_dim3A_1243 = vector.broadcast %jit3A_1242 : f32 to vector<16xf32>
      %select_n3A_1244 = arith.select %eq3A_1241, %add3A_1188, %broadcast_in_dim3A_1243 : vector<16xi1>, vector<16xf32>
      %reduce_sum3A_1245 = arith.constant true
      %reduce_sum3A_1246 = vector.broadcast %reduce_sum3A_1245 : i1 to vector<16xi1>
      %reduce_sum3A_1247 = tpu.scan <sum>, %select_n3A_1244 masked %reduce_sum3A_1246 : vector<16xf32>, vector<16xi1> -> vector<16xf32>
      %reduce_sum3A_1248 = vector.extract %reduce_sum3A_1247[15] : f32 from vector<16xf32>
      %add3A_1249 = vector.broadcast %reduce_sum3A_1248 : f32 to vector<16xf32>
      %add3A_1250 = arith.addf %broadcast_in_dim3A_1238, %add3A_1249 : vector<16xf32>
      %sub3A_1251 = arith.subf %add3A_1236, %add3A_1250 : vector<16xf32>
      %mul3A_1252 = arith.constant 5.000000e-02 : f32
      %mul3A_1253 = vector.broadcast %mul3A_1252 : f32 to vector<16xf32>
      %mul3A_1254 = arith.mulf %mul3A_1253, %sub3A_1251 : vector<16xf32>
      %broadcast_in_dim3A_1255 = arith.constant 0.000000e+00 : f32
      %broadcast_in_dim3A_1256 = vector.broadcast %broadcast_in_dim3A_1255 : f32 to vector<16xf32>
      %eq3A_1257 = arith.constant 5 : i32
      %eq3A_1258 = vector.broadcast %eq3A_1257 : i32 to vector<16xi32>
      %eq3A_1259 = arith.cmpi eq, %iota3A, %eq3A_1258 : vector<16xi32>
      %jit3A_1260 = arith.constant 0.000000e+00 : f32
      %broadcast_in_dim3A_1261 = vector.broadcast %jit3A_1260 : f32 to vector<16xf32>
      %select_n3A_1262 = arith.select %eq3A_1259, %add3A_1188, %broadcast_in_dim3A_1261 : vector<16xi1>, vector<16xf32>
      %reduce_sum3A_1263 = arith.constant true
      %reduce_sum3A_1264 = vector.broadcast %reduce_sum3A_1263 : i1 to vector<16xi1>
      %reduce_sum3A_1265 = tpu.scan <sum>, %select_n3A_1262 masked %reduce_sum3A_1264 : vector<16xf32>, vector<16xi1> -> vector<16xf32>
      %reduce_sum3A_1266 = vector.extract %reduce_sum3A_1265[15] : f32 from vector<16xf32>
      %add3A_1267 = vector.broadcast %reduce_sum3A_1266 : f32 to vector<16xf32>
      %add3A_1268 = arith.addf %broadcast_in_dim3A_1256, %add3A_1267 : vector<16xf32>
      %sub3A_1269 = arith.constant 2.560000e+04 : f32
      %sub3A_1270 = vector.broadcast %sub3A_1269 : f32 to vector<16xf32>
      %sub3A_1271 = arith.subf %sub3A_1270, %add3A_1268 : vector<16xf32>
      %max3A_1272 = arith.constant 1.000000e+00 : f32
      %max3A_1273 = vector.broadcast %max3A_1272 : f32 to vector<16xf32>
      %max3A_1274 = arith.maximumf %sub3A_1271, %max3A_1273 : vector<16xf32>
      %div3A_1275 = arith.divf %mul3A_1254, %max3A_1274 : vector<16xf32>
      %broadcast_in_dim3A_1276 = arith.constant 0.000000e+00 : f32
      %broadcast_in_dim3A_1277 = vector.broadcast %broadcast_in_dim3A_1276 : f32 to vector<16xf32>
      %eq3A_1278 = arith.constant 6 : i32
      %eq3A_1279 = vector.broadcast %eq3A_1278 : i32 to vector<16xi32>
      %eq3A_1280 = arith.cmpi eq, %iota3A, %eq3A_1279 : vector<16xi32>
      %jit3A_1281 = arith.constant 0.000000e+00 : f32
      %broadcast_in_dim3A_1282 = vector.broadcast %jit3A_1281 : f32 to vector<16xf32>
      %select_n3A_1283 = arith.select %eq3A_1280, %add3A_1188, %broadcast_in_dim3A_1282 : vector<16xi1>, vector<16xf32>
      %reduce_sum3A_1284 = arith.constant true
      %reduce_sum3A_1285 = vector.broadcast %reduce_sum3A_1284 : i1 to vector<16xi1>
      %reduce_sum3A_1286 = tpu.scan <sum>, %select_n3A_1283 masked %reduce_sum3A_1285 : vector<16xf32>, vector<16xi1> -> vector<16xf32>
      %reduce_sum3A_1287 = vector.extract %reduce_sum3A_1286[15] : f32 from vector<16xf32>
      %add3A_1288 = vector.broadcast %reduce_sum3A_1287 : f32 to vector<16xf32>
      %add3A_1289 = arith.addf %broadcast_in_dim3A_1277, %add3A_1288 : vector<16xf32>
      %broadcast_in_dim3A_1290 = arith.constant 0.000000e+00 : f32
      %broadcast_in_dim3A_1291 = vector.broadcast %broadcast_in_dim3A_1290 : f32 to vector<16xf32>
      %eq3A_1292 = arith.constant 7 : i32
      %eq3A_1293 = vector.broadcast %eq3A_1292 : i32 to vector<16xi32>
      %eq3A_1294 = arith.cmpi eq, %iota3A, %eq3A_1293 : vector<16xi32>
      %jit3A_1295 = arith.constant 0.000000e+00 : f32
      %broadcast_in_dim3A_1296 = vector.broadcast %jit3A_1295 : f32 to vector<16xf32>
      %select_n3A_1297 = arith.select %eq3A_1294, %add3A_1188, %broadcast_in_dim3A_1296 : vector<16xi1>, vector<16xf32>
      %reduce_sum3A_1298 = arith.constant true
      %reduce_sum3A_1299 = vector.broadcast %reduce_sum3A_1298 : i1 to vector<16xi1>
      %reduce_sum3A_1300 = tpu.scan <sum>, %select_n3A_1297 masked %reduce_sum3A_1299 : vector<16xf32>, vector<16xi1> -> vector<16xf32>
      %reduce_sum3A_1301 = vector.extract %reduce_sum3A_1300[15] : f32 from vector<16xf32>
      %add3A_1302 = vector.broadcast %reduce_sum3A_1301 : f32 to vector<16xf32>
      %add3A_1303 = arith.addf %broadcast_in_dim3A_1291, %add3A_1302 : vector<16xf32>
      %sub3A_1304 = arith.subf %add3A_1289, %add3A_1303 : vector<16xf32>
      %mul3A_1305 = arith.constant 5.000000e-02 : f32
      %mul3A_1306 = vector.broadcast %mul3A_1305 : f32 to vector<16xf32>
      %mul3A_1307 = arith.mulf %mul3A_1306, %sub3A_1304 : vector<16xf32>
      %broadcast_in_dim3A_1308 = arith.constant 0.000000e+00 : f32
      %broadcast_in_dim3A_1309 = vector.broadcast %broadcast_in_dim3A_1308 : f32 to vector<16xf32>
      %eq3A_1310 = arith.constant 8 : i32
      %eq3A_1311 = vector.broadcast %eq3A_1310 : i32 to vector<16xi32>
      %eq3A_1312 = arith.cmpi eq, %iota3A, %eq3A_1311 : vector<16xi32>
      %jit3A_1313 = arith.constant 0.000000e+00 : f32
      %broadcast_in_dim3A_1314 = vector.broadcast %jit3A_1313 : f32 to vector<16xf32>
      %select_n3A_1315 = arith.select %eq3A_1312, %add3A_1188, %broadcast_in_dim3A_1314 : vector<16xi1>, vector<16xf32>
      %reduce_sum3A_1316 = arith.constant true
      %reduce_sum3A_1317 = vector.broadcast %reduce_sum3A_1316 : i1 to vector<16xi1>
      %reduce_sum3A_1318 = tpu.scan <sum>, %select_n3A_1315 masked %reduce_sum3A_1317 : vector<16xf32>, vector<16xi1> -> vector<16xf32>
      %reduce_sum3A_1319 = vector.extract %reduce_sum3A_1318[15] : f32 from vector<16xf32>
      %add3A_1320 = vector.broadcast %reduce_sum3A_1319 : f32 to vector<16xf32>
      %add3A_1321 = arith.addf %broadcast_in_dim3A_1309, %add3A_1320 : vector<16xf32>
      %sub3A_1322 = arith.constant 6.400000e+03 : f32
      %sub3A_1323 = vector.broadcast %sub3A_1322 : f32 to vector<16xf32>
      %sub3A_1324 = arith.subf %sub3A_1323, %add3A_1321 : vector<16xf32>
      %max3A_1325 = arith.constant 1.000000e+00 : f32
      %max3A_1326 = vector.broadcast %max3A_1325 : f32 to vector<16xf32>
      %max3A_1327 = arith.maximumf %sub3A_1324, %max3A_1326 : vector<16xf32>
      %div3A_1328 = arith.divf %mul3A_1307, %max3A_1327 : vector<16xf32>
      %broadcast_in_dim3A_1329 = arith.constant 0.000000e+00 : f32
      %broadcast_in_dim3A_1330 = vector.broadcast %broadcast_in_dim3A_1329 : f32 to vector<16xf32>
      %eq3A_1331 = arith.constant 1 : i32
      %eq3A_1332 = vector.broadcast %eq3A_1331 : i32 to vector<16xi32>
      %eq3A_1333 = arith.cmpi eq, %iota3A, %eq3A_1332 : vector<16xi32>
      %jit3A_1334 = arith.constant 0.000000e+00 : f32
      %broadcast_in_dim3A_1335 = vector.broadcast %jit3A_1334 : f32 to vector<16xf32>
      %select_n3A_1336 = arith.select %eq3A_1333, %add3A_1188, %broadcast_in_dim3A_1335 : vector<16xi1>, vector<16xf32>
      %reduce_sum3A_1337 = arith.constant true
      %reduce_sum3A_1338 = vector.broadcast %reduce_sum3A_1337 : i1 to vector<16xi1>
      %reduce_sum3A_1339 = tpu.scan <sum>, %select_n3A_1336 masked %reduce_sum3A_1338 : vector<16xf32>, vector<16xi1> -> vector<16xf32>
      %reduce_sum3A_1340 = vector.extract %reduce_sum3A_1339[15] : f32 from vector<16xf32>
      %add3A_1341 = vector.broadcast %reduce_sum3A_1340 : f32 to vector<16xf32>
      %add3A_1342 = arith.addf %broadcast_in_dim3A_1330, %add3A_1341 : vector<16xf32>
      %add3A_1343 = arith.addf %add3A_1342, %div3A_1275 : vector<16xf32>
      %add3A_1344 = arith.addf %add3A_1343, %div3A_1328 : vector<16xf32>
      %mul3A_1345 = arith.constant 0.00260416674 : f32
      %mul3A_1346 = vector.broadcast %mul3A_1345 : f32 to vector<16xf32>
      %mul3A_1347 = arith.mulf %add3A_1344, %mul3A_1346 : vector<16xf32>
      %mul3A_1348 = arith.constant 2.000000e+00 : f32
      %mul3A_1349 = vector.broadcast %mul3A_1348 : f32 to vector<16xf32>
      %mul3A_1350 = arith.mulf %mul3A_1349, %mul3A_1205 : vector<16xf32>
      %mul3A_1351 = arith.constant 1.000000e+00 : f32
      %mul3A_1352 = vector.broadcast %mul3A_1351 : f32 to vector<16xf32>
      %mul3A_1353 = arith.mulf %mul3A_1352, %mul3A_1347 : vector<16xf32>
      %add3A_1354 = arith.addf %mul3A_1350, %mul3A_1353 : vector<16xf32>
      %mul3A_1355 = arith.constant 5.000000e-01 : f32
      %mul3A_1356 = vector.broadcast %mul3A_1355 : f32 to vector<16xf32>
      %mul3A_1357 = arith.mulf %mul3A_1356, %mul3A_1222 : vector<16xf32>
      %add3A_1358 = arith.addf %add3A_1354, %mul3A_1357 : vector<16xf32>
      %swap3A_1359 = arith.constant 0 : index
      %swap3A_1360 = tpu.vector_load %arg19[%swap3A_1359] {strides = array<i32>} : memref<16xf32, #tpu.memory_space<vmem>>, vector<16xf32>,
      tpu.vector_store %arg19[%swap3A_1359], %add3A_1358 {strides = array<i32>} : memref<16xf32, #tpu.memory_space<vmem>>, vector<16xf32>,
      "tpu.region"() ({
        %run_scoped3A = tpu.sem_alloc : memref<!tpu.dma_semaphore, #tpu.memory_space<semaphore_mem>>
        tpu.enqueue_dma source(%arg19 : memref<16xf32, #tpu.memory_space<vmem>>) target(%arg8 : memref<16xf32, #tpu.memory_space<hbm>>) target_semaphore(%run_scoped3A : memref<!tpu.dma_semaphore, #tpu.memory_space<semaphore_mem>>)
        tpu.wait_dma2 semaphore(%run_scoped3A : memref<!tpu.dma_semaphore, #tpu.memory_space<semaphore_mem>>) src(%arg19 : memref<16xf32, #tpu.memory_space<vmem>>) dst(%arg8 : memref<16xf32, #tpu.memory_space<hbm>>)
        tpu.yield
      }) : () -> ()
      %swap3A_1361 = arith.constant 0 : index
      %swap3A_1362 = tpu.vector_load %arg19[%swap3A_1361] {strides = array<i32>} : memref<16xf32, #tpu.memory_space<vmem>>, vector<16xf32>,
      tpu.vector_store %arg19[%swap3A_1361], %mul3A_1205 {strides = array<i32>} : memref<16xf32, #tpu.memory_space<vmem>>, vector<16xf32>,
      "tpu.region"() ({
        %run_scoped3A = tpu.sem_alloc : memref<!tpu.dma_semaphore, #tpu.memory_space<semaphore_mem>>
        tpu.enqueue_dma source(%arg19 : memref<16xf32, #tpu.memory_space<vmem>>) target(%arg9 : memref<16xf32, #tpu.memory_space<hbm>>) target_semaphore(%run_scoped3A : memref<!tpu.dma_semaphore, #tpu.memory_space<semaphore_mem>>)
        tpu.wait_dma2 semaphore(%run_scoped3A : memref<!tpu.dma_semaphore, #tpu.memory_space<semaphore_mem>>) src(%arg19 : memref<16xf32, #tpu.memory_space<vmem>>) dst(%arg9 : memref<16xf32, #tpu.memory_space<hbm>>)
        tpu.yield
      }) : () -> ()
      %swap3A_1363 = arith.constant 0 : index
      %swap3A_1364 = tpu.vector_load %arg19[%swap3A_1363] {strides = array<i32>} : memref<16xf32, #tpu.memory_space<vmem>>, vector<16xf32>,
      tpu.vector_store %arg19[%swap3A_1363], %mul3A_1347 {strides = array<i32>} : memref<16xf32, #tpu.memory_space<vmem>>, vector<16xf32>,
      "tpu.region"() ({
        %run_scoped3A = tpu.sem_alloc : memref<!tpu.dma_semaphore, #tpu.memory_space<semaphore_mem>>
        tpu.enqueue_dma source(%arg19 : memref<16xf32, #tpu.memory_space<vmem>>) target(%arg10 : memref<16xf32, #tpu.memory_space<hbm>>) target_semaphore(%run_scoped3A : memref<!tpu.dma_semaphore, #tpu.memory_space<semaphore_mem>>)
        tpu.wait_dma2 semaphore(%run_scoped3A : memref<!tpu.dma_semaphore, #tpu.memory_space<semaphore_mem>>) src(%arg19 : memref<16xf32, #tpu.memory_space<vmem>>) dst(%arg10 : memref<16xf32, #tpu.memory_space<hbm>>)
        tpu.yield
      }) : () -> ()
      %swap3A_1365 = arith.constant 0 : index
      %swap3A_1366 = tpu.vector_load %arg19[%swap3A_1365] {strides = array<i32>} : memref<16xf32, #tpu.memory_space<vmem>>, vector<16xf32>,
      tpu.vector_store %arg19[%swap3A_1365], %mul3A_1222 {strides = array<i32>} : memref<16xf32, #tpu.memory_space<vmem>>, vector<16xf32>,
      "tpu.region"() ({
        %run_scoped3A = tpu.sem_alloc : memref<!tpu.dma_semaphore, #tpu.memory_space<semaphore_mem>>
        tpu.enqueue_dma source(%arg19 : memref<16xf32, #tpu.memory_space<vmem>>) target(%arg11 : memref<16xf32, #tpu.memory_space<hbm>>) target_semaphore(%run_scoped3A : memref<!tpu.dma_semaphore, #tpu.memory_space<semaphore_mem>>)
        tpu.wait_dma2 semaphore(%run_scoped3A : memref<!tpu.dma_semaphore, #tpu.memory_space<semaphore_mem>>) src(%arg19 : memref<16xf32, #tpu.memory_space<vmem>>) dst(%arg11 : memref<16xf32, #tpu.memory_space<hbm>>)
        tpu.yield
      }) : () -> ()
    } else {
    }
    return
  }
}

</mosaic_0001>

<sc_bundles>
// kernel: kernel.3.cloned.1.call-start
scs
__scs_entry_jumppad:
0x0: {  	(pc) =	sbr.rel $0x88, $3  }
0x1: {  	(tag) =	ssettag $0x0;
	lr =	simm.s32 $0x1  }
0x2: {  	[smem:$0x3F9B] =	sst lr;
	_ =	strace $0xD0000000  }
0x3: {  	_ = 	snop  }
0x4: {  	_ = 	snop  }
0x5: {  	_ = 	snop  }
0x6: {  	_ = 	snop  }
0x7: {  	_ = 	snop  }
__scs_overlays_trampoline_lowered:
0x8: {  	[smem:$0x3FAA] =	sst s0  }
0x9: {  	[smem:$0x3FAB] =	sst s1  }
0xa: {  	[smem:$0x3FAC] =	sst s2  }
0xb: {  	[smem:$0x3FAD] =	sst s3  }
0xc: {  	[smem:$0x3FAE] =	sst s4  }
0xd: {  	[smem:$0x3FAF] =	sst s5  }
0xe: {  	[smem:$0x3FB0] =	sst s6  }
0xf: {  	[smem:$0x3FB1] =	sst s7  }
0x10: {  	[smem:$0x3FB2] =	sst s8  }
0x11: {  	[smem:$0x3FB3] =	sst s9;
	s0 =	simm.s32 @!p0 $0x0  }
0x12: {  	s1 =	sld [smem:$0x3F99];
	s0 =	simm.s32 @p0 $0x1  }
0x13: {  	[smem:$0x3FB4] =	sst s0;
	s0 =	simm.s32 @!p1 $0x0  }
0x14: {  	s2 =	sld [smem:$0x3F98];
	s0 =	simm.s32 @p1 $0x1  }
0x15: {  	[smem:$0x3FB5] =	sst s0;
	s0 =	simm.s32 @!p2 $0x0  }
0x16: {  	s3 =	sld [smem:$0x3FDB];
	s0 =	simm.s32 @p2 $0x1  }
0x17: {  	s4 =	simm.s32 $0x1BF5;
	[smem:$0x3FB7] =	sst s0  }
0x18: {  	s0 =	sld [smem:$0x3F9A];
	_ =	swait.ge [sflag:s4], $0x0  }
0x19: {  	s7 =	sld [smem:$0x3F9B]  }
0x1a: {  	s8 =	sadd.s32 $0xFFFFE003, lr  }
0x1b: {  	s9 =	sadd.s32 $0xFFFFFEF7, lr;
	s5 =	simm.s32 $0xFFFFFFFF;
	p2 =	slt.u32 s8, $0xFFFFF086  }
0x1c: {  	p1 =	slt.u32 s9, $0xF7A;
	s5 =	simm.s32 @!p2 $0x0  }
0x1d: {  	s5 =	simm.s32 @p1 $0x1;
	p0 =	seq.s32 s7, s2  }
0x1e: {  	s7 =	smul.u32 @!p0 $0xF7A, s2;
	p2 =	seq.s32 @!p0 s5, $0x0  }
0x1f: {  	s9 =	smul.u32 $0xF7A, s1;
	s8 =	simm.s32 @!p0 $0x1BF5;
	p2 =	por !p2, p0  }
0x20: {  	[sflag:s8] =	ssyncset.s32 @!p0 $0xFFFFF086;
	s6 =	sadd.s32 @!p0 s3, s7;
	s7 =	simm.s32 @!p0 $0x108  }
0x21: {  	s3 =	sadd.s32 s3, s9;
	s6 =	sadd.s32 @!p0 $0x88, s6;
	s7 =	simm.s32 @p2 $0x1082  }
0x22: {  	[simem:s7], [sflag:s8] =	dma.local @!p0 [hbm:s6], $0xF7A  }
0x23: {  	s9 =	sor.u32 $0xD0000000, s2;
	s6 =	simm.s32 $0x108;
	_ =	swait.ge @!p0 [sflag:s8], $0x0  }
0x24: {  	s3 =	sadd.s32 $0x88, s3;
	s6 =	simm.s32 @!p1 $0x1082;
	[sflag:s4] =	ssyncset.s32 $0xFFFFF086  }
0x25: {  	[simem:s6], [sflag:s4] =	dma.local [hbm:s3], $0xF7A  }
0x26: {  	[smem:$0x3F9B] =	sst s1;
	(tag) =	ssettag s2;
	_ =	strace s9  }
0x27: {  	s1 =	sld [smem:$0x3FAB]  }
0x28: {  	s2 =	sld [smem:$0x3FAC]  }
0x29: {  	s4 =	sld [smem:$0x3FAE]  }
0x2a: {  	p0 =	seq.s32 s5, $0x0;
	s5 =	sld [smem:$0x3FAF]  }
0x2b: {  	s6 =	sld [smem:$0x3FB0]  }
0x2c: {  	s7 =	sld [smem:$0x3FB1]  }
0x2d: {  	s3 =	simm.s32 $0x108;
	s8 =	sld [smem:$0x3FB2]  }
0x2e: {  	s3 =	simm.s32 @!p0 $0x1082;
	s9 =	sld [smem:$0x3FB3]  }
0x2f: {  	lr =	sadd.s32 s0, s3;
	s0 =	sld [smem:$0x3FAA]  }
0x30: {  	s3 =	sld [smem:$0x3FAD]  }
0x31: {  	[smem:$0x3FB6] =	sst s10  }
0x32: {  	s10 =	sld [smem:$0x3FB4];
	_ =	sdelay $0x3  }
0x33: {  	p0 =	seq.s32 s10, $0x1;
	s10 =	sld [smem:$0x3FB6];
	_ =	sdelay $0x3  }
0x34: {  	[smem:$0x3FB6] =	sst s10  }
0x35: {  	s10 =	sld [smem:$0x3FB5];
	_ =	sdelay $0x3  }
0x36: {  	p1 =	seq.s32 s10, $0x1;
	s10 =	sld [smem:$0x3FB6];
	_ =	sdelay $0x3  }
0x37: {  	[smem:$0x3FB6] =	sst s10  }
0x38: {  	s10 =	sld [smem:$0x3FB7]  }
0x39: {  	_ = 	snop;
	(pc) =	sbr.ind lr, $3  }
0x3a: {  	_ = 	snop  }
0x3b: {  	_ = 	snop  }
0x3c: {  	p2 =	seq.s32 s10, $0x1;
	s10 =	sld [smem:$0x3FB6]  }
0x3d: {  	_ =	shalt  }
0x3e: {  	_ =	shalt  }
0x3f: {  	_ =	shalt  }
0x40: {  	_ =	shalt  }
0x41: {  	_ =	shalt  }
0x42: {  	_ =	shalt  }
0x43: {  	_ =	shalt  }
0x44: {  	_ =	shalt  }
0x45: {  	_ =	shalt  }
0x46: {  	_ =	shalt  }
0x47: {  	_ =	shalt  }
0x48: {  	_ =	shalt  }
0x49: {  	_ =	shalt  }
0x4a: {  	_ =	shalt  }
0x4b: {  	_ =	shalt  }
0x4c: {  	_ =	shalt  }
0x4d: {  	_ =	shalt  }
0x4e: {  	_ =	shalt  }
0x4f: {  	_ =	shalt  }
0x50: {  	_ =	shalt  }
0x51: {  	_ =	shalt  }
0x52: {  	_ =	shalt  }
0x53: {  	_ =	shalt  }
0x54: {  	_ =	shalt  }
0x55: {  	_ =	shalt  }
0x56: {  	_ =	shalt  }
0x57: {  	_ =	shalt  }
0x58: {  	_ =	shalt  }
0x59: {  	_ =	shalt  }
0x5a: {  	_ =	shalt  }
0x5b: {  	_ =	shalt  }
0x5c: {  	_ =	shalt  }
0x5d: {  	_ =	shalt  }
0x5e: {  	_ =	shalt  }
0x5f: {  	_ =	shalt  }
0x60: {  	_ =	shalt  }
0x61: {  	_ =	shalt  }
0x62: {  	_ =	shalt  }
0x63: {  	_ =	shalt  }
0x64: {  	_ =	shalt  }
0x65: {  	_ =	shalt  }
0x66: {  	_ =	shalt  }
0x67: {  	_ =	shalt  }
0x68: {  	_ =	shalt  }
0x69: {  	_ =	shalt  }
0x6a: {  	_ =	shalt  }
0x6b: {  	_ =	shalt  }
0x6c: {  	_ =	shalt  }
0x6d: {  	_ =	shalt  }
0x6e: {  	_ =	shalt  }
0x6f: {  	_ =	shalt  }
0x70: {  	_ =	shalt  }
0x71: {  	_ =	shalt  }
0x72: {  	_ =	shalt  }
0x73: {  	_ =	shalt  }
0x74: {  	_ =	shalt  }
0x75: {  	_ =	shalt  }
0x76: {  	_ =	shalt  }
0x77: {  	_ =	shalt  }
0x78: {  	_ =	shalt  }
0x79: {  	_ =	shalt  }
0x7a: {  	_ =	shalt  }
0x7b: {  	_ =	shalt  }
0x7c: {  	_ =	shalt  }
0x7d: {  	_ =	shalt  }
0x7e: {  	_ =	shalt  }
0x7f: {  	_ =	shalt  }
0x80: {  	_ =	shalt  }
0x81: {  	_ =	shalt  }
0x82: {  	_ =	shalt  }
0x83: {  	_ =	shalt  }
0x84: {  	_ =	shalt  }
0x85: {  	_ =	shalt  }
0x86: {  	_ =	shalt  }
0x87: {  	_ =	shalt  }
.Lfunc_end0:
.L_simem_size_0:
called_computation_lowered:
.L_overlay_start_0:
0x88: {  	s0 =	sld [smem:$0x3FD9]  }
0x89: {  	s1 =	sld [smem:$0x3FFE];
	_ =	sdelay $0x3  }
0x8a: {  	s0 =	sadd.s32 s1, s0  }
0x8b: {  	[smem:$0x3FC2] =	sst s0  }
0x8c: {  	_ = 	snop  }
0x8d: {  	s0 =	sld [smem:$0x3FD0];
	_ =	sdelay $0x2  }
0x8e: {  	s13 =	simm.s32 $0xA;
	s2 =	simm.s32 $0x10  }
0x8f: {  	[smem:s2], [sflag:s13] =	dma.local [hbm:s0], $0x1  }
0x90: {  	_ =	swait.eq [sflag:s13], $0x1  }
0x91: {  	s14 =	sld [smem:$0x10]  }
0x92: {  	s15 =	sld [smem:$0x11];
	[sflag:s13] =	ssyncset.done $0x0  }
0x93: {  	s3 =	sld [smem:$0x12];
	[sflag:s13] =	ssyncadd.s32 $0xFFFFFFFF  }
0x94: {  	s16 =	sld [smem:$0x13];
	(tm) =	ssettm $0x1  }
0x95: {  	s4 =	sld [smem:$0x3FFB];
	_ =	sdelay $0x3  }
0x96: {  	_ =	strace s4  }
0x97: {  	s4 =	sld [smem:$0x3FFC];
	_ =	sdelay $0x3  }
0x98: {  	_ =	strace s4  }
0x99: {  	s4 =	sld [smem:$0x3FFD];
	_ =	sdelay $0x3  }
0x9a: {  	_ =	strace s4  }
0x9b: {  	_ =	strace $0x8FFFFFFF  }
0x9c: {  	s17 =	sld [smem:$0x3FDB];
	_ =	sdelay $0x1  }
0x9d: {  	s5 =	simm.s32 $_scs_section_size  }
0x9e: {  	s6 =	simm.s32 $_size__tile_overlayer_lowered;
	s7 =	simm.s32 $_tile_overlayer_lowered  }
0x9f: {  	s20 =	simm.s32 $0x1BFF;
	s19 =	sshll.u32 s7, $0x1;
	s4 =	sadd.s32 s5, s17  }
0xa0: {  	s8 =	simm.s32 $0x0;
	s18 =	sshll.u32 s6, $0x1;
	s6 =	sadd.s32 s19, s4  }
0xa1: {  	[timem:s8], [sflag:s20] =	dma.local [hbm:s6], s18  }
0xa2: {  	_ =	swait.ge [sflag:s20], s18  }
0xa3: {  	s5 =	ssub.s32 $0x0, s18;
	[sflag:s20] =	ssyncset.done $0x0  }
0xa4: {  	[sflag:s20] =	ssyncadd.s32 s5;
	_ =	sdelay $0x1  }
0xa5: {  	s21 =	simm.s32 $0x1B8B  }
0xa6: {  	_ =	swait.ge [sflag:s21], $0x1  }
0xa7: {  	[sflag:s21] =	ssyncset.done $0x0  }
0xa8: {  	s23 =	simm.s32 $0x1B8E;
	s22 =	sld [smem:$0x3FFE];
	[sflag:s21] =	ssyncadd.s32 $0xFFFFFFFF  }
0xa9: {  	s24 =	simm.s32 $execute0_lowered;
	[smem:$0x3FD2] =	sst s23  }
0xaa: {  	s6 =	sshll.u32 s24, $0x1;
	_ =	strace $0x80000046;
	[dreg:$0x1] =	wrdreg $0xFFFFFFFF  }
0xab: {  	s25 =	simm.s32 $_size_execute0_lowered;
	s4 =	sadd.s32 s4, s6;
	[dreg:$0x0] =	wrdreg $0x0  }
0xac: {  	s6 =	sshll.u32 s25, $0x1;
	[dreg:$0x2] =	wrdreg s4  }
0xad: {  	[dreg:$0x3] =	wrdreg s6  }
0xae: {  	[dreg:$0x4] =	wrdreg $0xC0  }
0xaf: {  	_ =	task [dreg:s8], $0x5FFFF  }
0xb0: {  	[dreg:$0x1] =	wrdreg $0xFFFFFFFF  }
0xb1: {  	[dreg:$0x0] =	wrdreg $0x60  }
0xb2: {  	[dreg:$0x2] =	wrdreg s22  }
0xb3: {  	[dreg:$0x3] =	wrdreg s14  }
0xb4: {  	[dreg:$0x4] =	wrdreg s15  }
0xb5: {  	[dreg:$0x5] =	wrdreg s3  }
0xb6: {  	[dreg:$0x6] =	wrdreg s16  }
0xb7: {  	[dreg:$0x7] =	wrdreg $0xC4E80  }
0xb8: {  	[dreg:$0x8] =	wrdreg $0x9  }
0xb9: {  	_ =	task.clear_ibuf [dreg:s8], $0x9FFFF;
	_ =	strace $0x90000046  }
0xba: {  	s26 =	simm.s32 $0x9;
	_ =	strace $0x80000048  }
0xbb: {  	_ =	swait.ge [sflag:s26], $0x1  }
0xbc: {  	[sflag:s26] =	ssyncadd.s32 $0xFFFFFFFF  }
0xbd: {  	_ =	strace $0x90000048  }
0xbe: {  	_ =	sfence  }
0xbf: {  	s28 =	sld [smem:$0x0];
	_ =	sdelay $0x1  }
0xc0: {  	s29 =	srdreg.scid  }
0xc1: {  	s30 =	sshll.u32 s29, $0xD;
	s31 =	sshrl.u32 s29, $0x2  }
0xc2: {  	s1 =	sand.u32 $0x1, s29;
	s2 =	sand.u32 $0x4000, s30;
	s0 =	sadd.s32 s31, s28  }
0xc3: {  	s1 =	sor.u32 s2, s1;
	s0 =	sshll.u32 s0, $0x11  }
0xc4: {  	s0 =	sor.u32 s0, s1  }
0xc5: {  	s0 =	sadd.s32 $0x8F2B, s0  }
0xc6: {  	[sflag:s0] =	ssyncadd.remote.s32 $0x1  }
0xc7: {  	_ =	sfence.sel $0xFFFF  }
0xc8: {  	[dreg:$0x0] =	wrdreg $0xFFFFFFFF;
	(pc) =	sbr.abs _section_cstart, $3  }
0xc9: {  	[dreg:$0x1] =	wrdreg $0xFFFFFFFF  }
0xca: {  	_ =	task.clear_ibuf [dreg:s8], $0x2FFFF;
	_ =	strace $0x9FFFFFFF  }
0xcb: {  	(tm) =	ssettm $0x7FFFFFFF  }
tec
execute0_lowered:
.L_overlay_start_1:
0x0: {  	(tag) =	ssettag $0x1  }
0x1: {  	s10 =	rddreg [dreg:$0x0]  }
0x2: {  	s4 =	rddreg [dreg:$0x1]  }
0x3: {  	s3 =	rddreg [dreg:$0x2]  }
0x4: {  	s2 =	rddreg [dreg:$0x3];
	s6 =	stileid.u32  }
0x5: {  	s1 =	rddreg [dreg:$0x4];
	s8 =	smul.u32 $0x1068, s6  }
0x6: {  	s5 =	rddreg [dreg:$0x5];
	s9 =	smul.u32 $0x320, s6  }
0x7: {  	s0 =	rddreg [dreg:$0x6];
	s11 =	smul.u32 $0xA, s6  }
0x8: {  	s7 =	simm.s32 $0x0;
	s14 =	simm.s32 $0x9C90;
	s12 =	smul.u32 $0x41A, s6  }
0x9: {  	[smem:$0x7FF] =	sst s7;
	s13 =	smul.u32 $0xC8, s6;
	s8 =	sadd.s32 s8, s10  }
0xa: {  	_ =	strace $0x80000047;
	s9 =	sadd.s32 s9, s10;
	s8 =	sadd.s32 $0x5400, s8  }
0xb: {  	[tilespmem:s7], [sflag:$0x1] =	stream.linear.gather [hbm4b:s8+s7], $0x8340, $0x38;
	[tilespmem:$0xC4F8] =	vst v63  }
0xc: {  	s11 =	sadd.s32 s11, s10;
	s9 =	sadd.s32 $0x16A00, s9;
	s8 =	simm.s32 $0x8340  }
0xd: {  	[tilespmem:s8], [sflag:$0x1] =	stream.linear.gather [hbm4b:s9+s7], $0x1900, $0x38;
	[tilespmem:$0xC4F8] =	vst v63  }
0xe: {  	s12 =	sadd.s32 s12, s10;
	s11 =	sadd.s32 $0x19C00, s11;
	s9 =	simm.s32 $0x9C40  }
0xf: {  	[tilespmem:s9], [sflag:$0x1] =	stream.linear.gather [hbm4b:s11+s7], $0x50, $0x38;
	[tilespmem:$0xC4F8] =	vst v63  }
0x10: {  	s31 =	smul.u32 $0x5, s6;
	s13 =	sadd.s32 s13, s10;
	s12 =	sadd.s32 $0x1200, s12  }
0x11: {  	[tilespmem:s14], [sflag:$0x2] =	stream.linear.gather [hbm4b:s12+s7], $0x20D0, $0x38;
	[tilespmem:$0xC4F8] =	vst v63  }
0x12: {  	s10 =	sadd.s32 s31, s10;
	s12 =	sadd.s32 $0x15C00, s13;
	s13 =	simm.s32 $0xBD60  }
0x13: {  	[tilespmem:s13], [sflag:$0x2] =	stream.linear.gather [hbm4b:s12+s7], $0x640, $0x38;
	[tilespmem:$0xC4F8] =	vst v63  }
0x14: {  	s15 =	simm.s32 $0x1;
	s10 =	sadd.s32 $0x19E00, s10;
	s14 =	simm.s32 $0xC3A0  }
0x15: {  	[tilespmem:s14], [sflag:$0x2] =	stream.linear.gather [hbm4b:s10+s7], $0x28, $0x38;
	[tilespmem:$0xC4F8] =	vst v63  }
0x16: {  	_ =	swait.ge [sflag:s15], $0x8340  }
0x17: {  	v0 =	vlaneseq.u32;
	[sflag:s15] =	ssyncset.done $0x0  }
0x18: {  	v6 =	vmul.u32 $0x5, v0;
	[sflag:s15] =	ssyncadd.s32 $0xFFFF7CC0  }
0x19: {  	_ =	swait.ge [sflag:s15], $0x1900  }
0x1a: {  	v0 =	vadd.s32 $0x2, v6;
	[sflag:s15] =	ssyncset.done $0x0  }
0x1b: {  	[sflag:s15] =	ssyncadd.s32 $0xFFFFE700  }
0x1c: {  	v1 =	vadd.s32 $0x1, v6;
	_ =	swait.ge [sflag:s15], $0x50  }
0x1d: {  	[sflag:s15] =	ssyncset.done $0x0  }
0x1e: {  	[sflag:s15] =	ssyncadd.s32 $0xFFFFFFB0  }
0x1f: {  	v0 =	vld.idx.msk [tilespmem:v0+s9+$0x0], $0xffff;
	_ =	sdelay $0x1  }
0x20: {  	v1 =	vld.idx.msk [tilespmem:v1+s9+$0x0], $0xffff;
	_ =	sdelay $0x2  }
0x21: {  	v0 =	vmul.f32 $4.000000000e+01, v0;
	_ =	sdelay $0x1  }
0x22: {  	v1 =	vmul.f32 $4.000000000e+01, v1;
	[tilespmem:$0x1FF80] =	vst v0;
	v0 =	vmax.f32 v0, $0.0e+00  }
0x23: {  	v0 =	vmin.f32 v0, $3.900000000e+01  }
0x24: {  	[tilespmem:$0x1FF90] =	vst v1;
	v1 =	vmax.f32 v1, $0.0e+00;
	v0 =	vtrunc.f32 v0  }
0x25: {  	v1 =	vmin.f32 v1, $3.900000000e+01;
	v2 =	vcvt.f32.s32 v0  }
0x26: {  	v0 =	vtrunc.f32 v1  }
0x27: {  	v3 =	vcvt.f32.s32 v0;
	v0 =	vmul.u32 $0x28, v2;
	_ =	sdelay $0x1  }
0x28: {  	s16 =	simm.s32 $0x640;
	v0 =	vadd.s32 v3, v0  }
0x29: {  	s17 =	simm.s32 $0xC80;
	v1 =	vadd.s32 s16, v0  }
0x2a: {  	v13 =	vand.u32 $0x7, v3;
	v4 =	vadd.s32 s17, v0;
	v1 =	vand.u32 $0xFFFFFFF8, v1  }
0x2b: {  	v4 =	vand.u32 $0xFFFFFFF8, v4;
	v1 =	vor.u32 v13, v1  }
0x2c: {  	s18 =	simm.s32 $0x12C0;
	v4 =	vor.u32 v13, v4  }
0x2d: {  	v7 =	vadd.s32 s18, v0  }
0x2e: {  	v7 =	vand.u32 $0xFFFFFFF8, v7  }
0x2f: {  	v7 =	vor.u32 v13, v7  }
0x30: {  	v1 =	vld.idx.msk [tilespmem:v1+s7+$0x0], $0xffff  }
0x31: {  	v4 =	vld.idx.msk [tilespmem:v4+s7+$0x0], $0xffff;
	_ =	sdelay $0x2  }
0x32: {  	v11 =	vld.idx.msk [tilespmem:v7+s7+$0x0], $0xffff  }
0x33: {  	v7 =	vand.u32 $0x7FFFFFFF, v1  }
0x34: {  	v8 =	vand.u32 $0x7FFFFFFF, v4;
	v7 =	vsub.f32 $0.0e+00, v7  }
0x35: {  	v8 =	vsub.f32 $0.0e+00, v8  }
0x36: {  	v7 =	vmul.f32 $1.442695020e+00, v7  }
0x37: {  	v9 =	vand.u32 $0x7FFFFFFF, v11;
	v8 =	vmul.f32 $1.442695020e+00, v8  }
0x38: {  	v9 =	vsub.f32 $0.0e+00, v9;
	(erf) = vpow2.f32 v7  }
0x39: {  	(erf) = vpow2.f32 v8  }
0x3a: {  	v7 =	vmul.f32 $1.442695020e+00, v9;
	_ =	sdelay $0x1  }
0x3b: {  	(erf) = vpow2.f32 v7;
	_ =	sdelay $0x4  }
0x3c: {  	v8 =	vpop (erf)  }
0x3d: {  	v7 =	vadd.f32 $2.000000000e+00, v8;
	v10 =	vpop (erf)  }
0x3e: {  	v9 =	vadd.f32 $2.000000000e+00, v10  }
0x3f: {  	(erf) = vrcp.f32 v7  }
0x40: {  	v14 =	vpop (erf);
	(erf) = vrcp.f32 v9  }
0x41: {  	v7 =	vadd.f32 $2.000000000e+00, v14;
	v9 =	vld.idx.msk [tilespmem:v6+s9+$0x0], $0xffff;
	_ =	sdelay $0x1  }
0x42: {  	(erf) = vrcp.f32 v7;
	_ =	sdelay $0x1  }
0x43: {  	v15 =	vadd.f32 $1.000000000e+00, v8  }
0x44: {  	s19 =	simm.s32 $0x1900;
	v7 =	vtrunc.f32 v9;
	v9 =	vadd.s32 $0x3, v6  }
0x45: {  	s22 =	simm.s32 $0x3;
	v12 =	vcvt.f32.s32 v7;
	v7 =	vadd.s32 $0x4, v6;
	v6 =	vadd.s32 s19, v0  }
0x46: {  	v22 =	vimm.f32 $0.0e+00;
	v26 =	vmov s22;
	v6 =	vand.u32 $0xFFFFFFF8, v6;
	v16 =	vpop (erf)  }
0x47: {  	s24 =	simm.s32 $0x2580;
	s25 =	simm.s32 $0x2BC0;
	v18 =	vand.u32 $0xFFFFFFF8, v0;
	(erf) = vrcp.f32 v15;
	v6 =	vor.u32 v13, v6;
	v15 =	vpop (erf)  }
0x48: {  	v32 =	vadd.s32 s24, v0;
	v33 =	vadd.s32 s25, v0;
	v19 =	vmul.f32 v15, v10  }
0x49: {  	v32 =	vand.u32 $0xFFFFFFF8, v32;
	v33 =	vand.u32 $0xFFFFFFF8, v33;
	v17 =	vadd.f32 $1.000000000e+00, v10  }
0x4a: {  	v32 =	vor.u32 v13, v32;
	v33 =	vor.u32 v13, v33;
	v15 =	vpop (erf);
	v23 =	vmul.f32 v19, v19  }
0x4b: {  	vm4 =	vge.f32 v1, $0.0e+00;
	(erf) = vrcp.f32 v17;
	v17 =	vmul.f32 v15, v14  }
0x4c: {  	v16 =	vmul.f32 v16, v8;
	v8 =	vmov s7;
	v6 =	vld.idx.msk [tilespmem:v6+s7+$0x0], $0xffff;
	v25 =	vmul.f32 $9.090909360e-02, v23  }
0x4d: {  	v10 =	vor.u32 v13, v18;
	vm3 =	veq.s32 v8, v12;
	v24 =	vmul.f32 v17, v17  }
0x4e: {  	s20 =	simm.s32 $0x1;
	v20 =	vadd.s32 $0x640, v10;
	v21 =	vadd.s32 $0xC80, v10;
	v25 =	vadd.f32 $1.111111120e-01, v25  }
0x4f: {  	v18 =	vadd.s32 $0x12C0, v10;
	v10 =	vmov s20;
	v27 =	vmul.f32 $9.090909360e-02, v24  }
0x50: {  	vm1 =	veq.s32 v10, v12;
	v10 =	vadd.f32 $1.000000000e+00, v14;
	v8 =	vpop (erf);
	v14 =	vmul.f32 v25, v23  }
0x51: {  	s21 =	simm.s32 $0x2;
	v25 =	vadd.f32 $1.111111120e-01, v27;
	v27 =	vsub.f32 $1.000000000e+00, v8;
	v30 =	vand.u32 $0x7FFFFFFF, v6  }
0x52: {  	v15 =	vmov s21;
	v30 =	vsub.f32 $0.0e+00, v30;
	v14 =	vadd.f32 $1.428571490e-01, v14  }
0x53: {  	s23 =	simm.s32 $0x1F40;
	vm0 =	veq.s32 v15, v12;
	v15 =	vmul.f32 v16, v16;
	v8 =	vsel vm4, v8, v27  }
0x54: {  	v27 =	vmul.f32 $1.442695020e+00, v30;
	v30 =	vadd.s32 s23, v0;
	v14 =	vmul.f32 v14, v23  }
0x55: {  	v19 =	vadd.f32 v19, v19;
	v28 =	vmul.f32 $9.090909360e-02, v15;
	v30 =	vand.u32 $0xFFFFFFF8, v30  }
0x56: {  	v25 =	vmul.f32 v25, v24;
	v30 =	vor.u32 v13, v30;
	v14 =	vadd.f32 $2.000000030e-01, v14  }
0x57: {  	vm2 =	vge.f32 v4, $0.0e+00;
	v16 =	vadd.f32 v16, v16;
	v28 =	vadd.f32 $1.111111120e-01, v28  }
0x58: {  	v25 =	vadd.f32 $1.428571490e-01, v25;
	(erf) = vpow2.f32 v27;
	v14 =	vmul.f32 v14, v23  }
0x59: {  	v17 =	vadd.f32 v17, v17;
	v34 =	vsub.f32 $1.000000000e+00, v8;
	v27 =	vmul.f32 v28, v15  }
0x5a: {  	v29 =	vpop (erf);
	vm4 =	vmmov vm3;
	v25 =	vmul.f32 v25, v24;
	v28 =	vadd.f32 $3.333333430e-01, v14  }
0x5b: {  	v31 =	vsub.f32 $1.000000000e+00, v29;
	v8 =	vsel vm4, v8, v34;
	v27 =	vadd.f32 $1.428571490e-01, v27;
	v14 =	vld.idx.msk [tilespmem:v30+s7+$0x0], $0xffff  }
0x5c: {  	v34 =	vsub.f32 $1.000000000e+00, v8;
	v8 =	vld.idx.msk [tilespmem:v32+s7+$0x0], $0xffff;
	v25 =	vadd.f32 $2.000000030e-01, v25;
	v23 =	vmul.f32 v28, v23  }
0x5d: {  	vm5 =	vge.f32 v6, $0.0e+00;
	(erf) = vrcp.f32 v10;
	v10 =	vld.idx.msk [tilespmem:v33+s7+$0x0], $0xffff;
	v27 =	vmul.f32 v27, v15  }
0x5e: {  	v29 =	vsel vm2, v29, v31;
	v25 =	vmul.f32 v25, v24;
	v23 =	vadd.f32 $1.000000000e+00, v23  }
0x5f: {  	v30 =	vmul.f32 $2.500000000e-01, v34;
	v27 =	vadd.f32 $2.000000030e-01, v27;
	v28 =	vsub.f32 $1.000000000e+00, v29  }
0x60: {  	v25 =	vadd.f32 $3.333333430e-01, v25;
	v19 =	vmul.f32 v23, v19;
	v23 =	vand.u32 $0x7FFFFFFF, v14  }
0x61: {  	v48 =	vmul.f32 v30, v34;
	v30 =	vand.u32 $0x7FFFFFFF, v8;
	v31 =	vpop (erf);
	v23 =	vsub.f32 $0.0e+00, v23  }
0x62: {  	v33 =	vand.u32 $0x7FFFFFFF, v10;
	v30 =	vsub.f32 $0.0e+00, v30;
	v49 =	vadd.f32 $2.000000000e+00, v31  }
0x63: {  	v28 =	vsel vm1, v29, v28;
	v24 =	vmul.f32 v25, v24;
	v23 =	vmul.f32 $1.442695020e+00, v23  }
0x64: {  	v33 =	vsub.f32 $0.0e+00, v33;
	v28 =	vsub.f32 $1.000000000e+00, v28;
	(erf) = vrcp.f32 v49  }
0x65: {  	v30 =	vmul.f32 $1.442695020e+00, v30;
	v24 =	vadd.f32 $1.000000000e+00, v24;
	(erf) = vpow2.f32 v23  }
0x66: {  	v25 =	vmax.f32 v4, $0.0e+00;
	v33 =	vmul.f32 $1.442695020e+00, v33;
	v29 =	vmul.f32 $2.500000000e-01, v28  }
0x67: {  	v50 =	vadd.f32 $1.000000000e+00, v31;
	v17 =	vmul.f32 v24, v17;
	(erf) = vpow2.f32 v30  }
0x68: {  	v24 =	vmax.f32 v11, $0.0e+00;
	v19 =	vadd.f32 v19, v25;
	v23 =	vpop (erf);
	(erf) = vpow2.f32 v33  }
0x69: {  	vm2 =	vge.f32 v11, $0.0e+00;
	v17 =	vadd.f32 v17, v24;
	v24 =	vsub.f32 $1.000000000e+00, v23  }
0x6a: {  	s26 =	simm.s32 $0x5;
	v56 =	vmul.f32 v29, v28;
	v4 =	vsub.f32 v19, v4;
	(erf) = vrcp.f32 v50  }
0x6b: {  	v11 =	vsub.f32 v17, v11;
	v23 =	vsel vm2, v23, v24;
	v24 =	vmov s26  }
0x6c: {  	v27 =	vmul.f32 v27, v15;
	v52 =	vsel vm1, v4, v19;
	v25 =	vsub.f32 $1.000000000e+00, v23  }
0x6d: {  	s28 =	simm.s32 $0x6;
	vm6 =	vge.f32 v14, $0.0e+00;
	v60 =	vmul.f32 v52, v56;
	v51 =	vsel vm0, v11, v17;
	v19 =	vpop (erf)  }
0x6e: {  	s29 =	simm.s32 $0x7;
	v17 =	vmov s28;
	v4 =	vsel vm0, v23, v25;
	vm0 =	veq.s32 v24, v12;
	v24 =	vpop (erf)  }
0x6f: {  	s30 =	simm.s32 $0x4;
	v11 =	vmov s29;
	v35 =	vmul.f32 v19, v31;
	v19 =	vadd.f32 $2.000000000e+00, v24  }
0x70: {  	vm1 =	veq.s32 v17, v12;
	v17 =	vmov s30;
	vm2 =	veq.s32 v26, v12;
	v30 =	vpop (erf)  }
0x71: {  	v37 =	vmul.f32 v35, v35;
	v31 =	vadd.f32 $2.000000000e+00, v30;
	v36 =	vpop (erf);
	(erf) = vrcp.f32 v19  }
0x72: {  	vm3 =	veq.s32 v17, v12;
	v4 =	vsub.f32 $1.000000000e+00, v4;
	v39 =	vadd.f32 $2.000000000e+00, v36  }
0x73: {  	v26 =	vadd.f32 $1.000000000e+00, v24;
	v53 =	vmul.f32 $9.090909360e-02, v37;
	(erf) = vrcp.f32 v31;
	v19 =	vpop (erf)  }
0x74: {  	v25 =	vmul.f32 $2.500000000e-01, v4;
	(erf) = vrcp.f32 v39;
	v31 =	vsub.f32 $1.000000000e+00, v19  }
0x75: {  	v17 =	vmax.f32 v6, $0.0e+00;
	(erf) = vrcp.f32 v26;
	v26 =	vadd.f32 $3.333333430e-01, v27  }
0x76: {  	s31 =	simm.s32 $0x3200;
	v55 =	vmul.f32 v25, v4;
	v27 =	vsel vm5, v19, v31;
	v31 =	vadd.f32 $1.111111120e-01, v53  }
0x77: {  	[tilespmem:$0x1FFA0] =	vst v2;
	v2 =	vld.idx.msk [tilespmem:v9+s9+$0x0], $0xffff;
	v4 =	vadd.s32 s31, v0;
	v15 =	vmul.f32 v26, v15;
	v54 =	vsub.f32 $1.000000000e+00, v27  }
0x78: {  	v38 =	vadd.f32 $1.000000000e+00, v30;
	v4 =	vand.u32 $0xFFFFFFF8, v4;
	v25 =	vmul.f32 v31, v37  }
0x79: {  	v4 =	vor.u32 v13, v4;
	v15 =	vadd.f32 $1.000000000e+00, v15;
	v26 =	vsel vm2, v27, v54  }
0x7a: {  	(erf) = vrcp.f32 v38;
	v26 =	vsub.f32 $1.000000000e+00, v26;
	v25 =	vadd.f32 $1.428571490e-01, v25;
	v27 =	vpop (erf)  }
0x7b: {  	v23 =	vmax.f32 v1, $0.0e+00;
	v15 =	vmul.f32 v15, v16;
	v16 =	vmul.f32 v27, v24  }
0x7c: {  	[tilespmem:$0x1FFC0] =	vst v2;
	v35 =	vadd.f32 v35, v35;
	v24 =	vpop (erf);
	v28 =	vmul.f32 $2.500000000e-01, v26;
	v27 =	vmul.f32 v25, v37  }
0x7d: {  	v2 =	vld.idx.msk [tilespmem:v7+s9+$0x0], $0xffff;
	v24 =	vmul.f32 v24, v30;
	v29 =	vpop (erf);
	v40 =	vadd.f32 v15, v23;
	v15 =	vmul.f32 v16, v16  }
0x7e: {  	v5 =	vld.idx.msk [tilespmem:v21+s8+$0x0], $0xffff;
	v19 =	vadd.f32 $1.000000000e+00, v36;
	v23 =	vmul.f32 v29, v36;
	v25 =	vmul.f32 v28, v26  }
0x7f: {  	v4 =	vld.idx.msk [tilespmem:v4+s7+$0x0], $0xffff;
	v57 =	vadd.f32 $2.000000030e-01, v27;
	v27 =	vmul.f32 v24, v24;
	v1 =	vsub.f32 v40, v1  }
0x80: {  	vm5 =	vge.f32 v8, $0.0e+00;
	v41 =	vmul.f32 $9.090909360e-02, v15;
	v26 =	vmul.f32 v23, v23  }
0x81: {  	v30 =	vpop (erf);
	v42 =	vmul.f32 $9.090909360e-02, v27;
	v1 =	vsel vm4, v1, v40;
	v36 =	vmul.f32 v57, v37  }
0x82: {  	[tilespmem:$0x1FFD0] =	vst v2;
	v31 =	vsub.f32 $1.000000000e+00, v30;
	v58 =	vadd.f32 $1.111111120e-01, v41;
	v1 =	vmul.f32 v1, v48  }
0x83: {  	v2 =	vld.idx.msk [tilespmem:v20+s8+$0x0], $0xffff;
	v59 =	vmul.f32 $9.090909360e-02, v26;
	v9 =	vadd.f32 $1.111111120e-01, v42;
	v61 =	vadd.f32 $3.333333430e-01, v36  }
0x84: {  	[tilespmem:$0x1FFE0] =	vst v5;
	v5 =	vld.idx.msk [tilespmem:v18+s8+$0x0], $0xffff;
	v20 =	vand.u32 $0x7FFFFFFF, v4;
	v7 =	vmul.f32 v58, v15;
	v62 =	vadd.f32 v1, v22  }
0x85: {  	v28 =	vpop (erf);
	v22 =	vadd.f32 $1.111111120e-01, v59;
	v9 =	vmul.f32 v9, v27;
	v34 =	vmul.f32 v61, v37  }
0x86: {  	v29 =	vsub.f32 $1.000000000e+00, v28;
	v1 =	vmul.f32 v51, v55;
	v7 =	vadd.f32 $1.428571490e-01, v7  }
0x87: {  	v21 =	vmul.f32 v22, v26;
	v9 =	vadd.f32 $1.428571490e-01, v9;
	v63 =	vadd.f32 $1.000000000e+00, v34  }
0x88: {  	[tilespmem:$0x1FFB0] =	vst v3;
	v3 =	vld.idx.msk [tilespmem:v0+s8+$0x0], $0xffff;
	v22 =	vsub.f32 $0.0e+00, v20;
	v20 =	vadd.f32 v60, v62;
	v7 =	vmul.f32 v7, v15  }
0x89: {  	s11 =	simm.s32 $0x8;
	s8 =	simm.s32 $0x4B00;
	[tilespmem:$0x1FFF0] =	vst v5;
	v5 =	vld.idx.msk [tilespmem:v0+s7+$0x0], $0xffff;
	v18 =	vmul.f32 v9, v27;
	v9 =	vadd.f32 $1.428571490e-01, v21;
	v21 =	vmul.f32 v63, v35  }
.LBB2_1:
0x8a: {  	s12 =	sadd.s32 $0xFFFFED40, s8;
	v30 =	vsel vm6, v30, v31  }
0x8b: {  	s13 =	sadd.s32 $0xFFFFF380, s8;
	v22 =	vmul.f32 $1.442695020e+00, v22;
	v1 =	vadd.f32 v1, v20;
	vm4 =	vmmov vm3;
	s10 =	smov.u32 s11;
	s9 =	sadd.s32 $0x4, s11  }
0x8c: {  	p0 =	slt.u32 s11, $0x10;
	v20 =	vadd.s32 s12, v0;
	v31 =	vadd.s32 s13, v0;
	s12 =	sadd.s32 $0xFFFFF9C0, s8;
	v17 =	vadd.f32 v21, v17  }
0x8d: {  	v18 =	vadd.f32 $2.000000030e-01, v18;
	v20 =	vand.u32 $0xFFFFFFF8, v20;
	v21 =	vand.u32 $0xFFFFFFF8, v31  }
0x8e: {  	v31 =	vadd.s32 s12, v0;
	v20 =	vor.u32 v13, v20;
	v21 =	vor.u32 v13, v21  }
0x8f: {  	v9 =	vmul.f32 v9, v26;
	v31 =	vand.u32 $0xFFFFFFF8, v31;
	v32 =	vsub.f32 v17, v6;
	v6 =	vmovc v4  }
0x90: {  	v18 =	vmul.f32 v18, v27;
	v4 =	vor.u32 v13, v31;
	v31 =	vsub.f32 $1.000000000e+00, v30  }
0x91: {  	v9 =	vadd.f32 $2.000000030e-01, v9;
	v17 =	vsel vm2, v32, v17;
	(erf) = vpow2.f32 v22  }
0x92: {  	v22 =	vsel vm4, v30, v31;
	v30 =	vadd.f32 $3.333333430e-01, v18;
	v17 =	vmul.f32 v17, v25  }
0x93: {  	v25 =	vmul.f32 v9, v26;
	v18 =	vld.idx.msk [tilespmem:v20+s7+$0x0], $0xffff;
	v20 =	vsub.f32 $1.000000000e+00, v22;
	v22 =	vsel vm5, v28, v29  }
0x94: {  	v27 =	vmul.f32 v30, v27;
	v9 =	vadd.f32 v17, v1;
	v21 =	vld.idx.msk [tilespmem:v21+s7+$0x0], $0xffff;
	v28 =	vsub.f32 $1.000000000e+00, v22  }
0x95: {  	v17 =	vadd.f32 $3.333333430e-01, v25;
	v1 =	vld.idx.msk [tilespmem:v4+s7+$0x0], $0xffff;
	v4 =	vmul.f32 $2.500000000e-01, v20;
	(erf) = vrcp.f32 v19  }
0x96: {  	v24 =	vadd.f32 v24, v24;
	v19 =	vadd.f32 $1.000000000e+00, v27;
	v22 =	vsel vm0, v22, v28  }
0x97: {  	v17 =	vmul.f32 v17, v26;
	v20 =	vmul.f32 v4, v20;
	v4 =	vsub.f32 $1.000000000e+00, v22  }
0x98: {  	v22 =	vmax.f32 v8, $0.0e+00;
	v19 =	vmul.f32 v19, v24;
	v24 =	vmax.f32 v10, $0.0e+00  }
0x99: {  	v17 =	vadd.f32 $1.000000000e+00, v17;
	v25 =	vand.u32 $0x7FFFFFFF, v18;
	v26 =	vmul.f32 $2.500000000e-01, v4  }
0x9a: {  	v23 =	vadd.f32 v23, v23;
	v25 =	vsub.f32 $0.0e+00, v25;
	v27 =	vand.u32 $0x7FFFFFFF, v21;
	v28 =	vpop (erf)  }
0x9b: {  	v27 =	vsub.f32 $0.0e+00, v27;
	v29 =	vand.u32 $0x7FFFFFFF, v1;
	v30 =	vadd.f32 $2.000000000e+00, v28  }
0x9c: {  	v17 =	vmul.f32 v17, v23;
	v25 =	vmul.f32 $1.442695020e+00, v25;
	v29 =	vsub.f32 $0.0e+00, v29  }
0x9d: {  	v23 =	vmul.f32 $1.442695020e+00, v27;
	v27 =	vadd.f32 $1.000000000e+00, v28;
	(erf) = vrcp.f32 v30  }
0x9e: {  	v17 =	vadd.f32 v17, v24;
	v29 =	vmul.f32 $1.442695020e+00, v29;
	(erf) = vpow2.f32 v25;
	v24 =	vpop (erf)  }
0x9f: {  	v19 =	vadd.f32 v19, v22;
	(erf) = vpow2.f32 v23;
	v22 =	vsub.f32 $1.000000000e+00, v24  }
0xa0: {  	vm2 =	vge.f32 v10, $0.0e+00;
	v23 =	vsub.f32 v17, v10;
	v10 =	vmovc v1;
	(erf) = vpow2.f32 v29  }
0xa1: {  	s11 =	sadd.s32 $0x1, s10;
	v1 =	vsub.f32 v19, v8;
	v8 =	vmovc v21;
	v22 =	vsel vm2, v24, v22;
	(erf) = vrcp.f32 v27  }
0xa2: {  	s12 =	sadd.s32 $0x3, s10;
	v21 =	vmov s11;
	s11 =	sadd.s32 $0x2, s10;
	v32 =	vsel vm1, v23, v17;
	v17 =	vsub.f32 $1.000000000e+00, v22  }
0xa3: {  	v23 =	vmov s11;
	v24 =	vmov s12;
	v1 =	vsel vm0, v1, v19  }
0xa4: {  	vm2 =	veq.s32 v11, v12;
	v11 =	vmov v24;
	v17 =	vsel vm1, v22, v17  }
0xa5: {  	vm1 =	veq.s32 v23, v12;
	v22 =	vmax.f32 v14, $0.0e+00;
	v23 =	vsub.f32 $1.000000000e+00, v17  }
0xa6: {  	v16 =	vadd.f32 v16, v16;
	vm0 =	veq.s32 v21, v12;
	v17 =	vmov s10;
	v19 =	vpop (erf)  }
0xa7: {  	vm3 =	veq.s32 v17, v12;
	v21 =	vpop (erf);
	v24 =	vmul.f32 $2.500000000e-01, v23;
	v33 =	vmul.f32 v19, v28  }
0xa8: {  	v17 =	vmax.f32 v6, $0.0e+00;
	v35 =	vadd.f32 $2.000000000e+00, v21;
	v25 =	vadd.f32 $1.000000000e+00, v21;
	v27 =	vpop (erf)  }
0xa9: {  	v7 =	vadd.f32 $2.000000030e-01, v7;
	v28 =	vadd.f32 $2.000000000e+00, v27;
	v29 =	vpop (erf);
	v34 =	vmul.f32 v33, v33  }
0xaa: {  	v30 =	vadd.f32 $1.000000000e+00, v27;
	v31 =	vadd.f32 $2.000000000e+00, v29;
	(erf) = vrcp.f32 v35;
	v19 =	vpop (erf)  }
0xab: {  	v7 =	vmul.f32 v7, v15;
	(erf) = vrcp.f32 v28;
	v28 =	vsub.f32 $1.000000000e+00, v19  }
0xac: {  	vm5 =	vge.f32 v6, $0.0e+00;
	(erf) = vrcp.f32 v31;
	v31 =	vmul.f32 $9.090909360e-02, v34  }
0xad: {  	v7 =	vadd.f32 $3.333333430e-01, v7;
	(erf) = vrcp.f32 v25;
	v25 =	vsel vm5, v19, v28  }
0xae: {  	(erf) = vrcp.f32 v30;
	v28 =	vadd.f32 $1.111111120e-01, v31;
	v30 =	vsub.f32 $1.000000000e+00, v25  }
0xaf: {  	v7 =	vmul.f32 v7, v15;
	v35 =	vmul.f32 v24, v23;
	v19 =	vadd.f32 $1.000000000e+00, v29  }
0xb0: {  	v15 =	vadd.s32 s8, v0;
	v23 =	vmul.f32 v28, v34;
	v24 =	vsel vm2, v25, v30  }
0xb1: {  	v7 =	vadd.f32 $1.000000000e+00, v7;
	v30 =	vand.u32 $0xFFFFFFF8, v15;
	v25 =	vsub.f32 $1.000000000e+00, v24  }
0xb2: {  	v36 =	vmul.f32 v26, v4;
	v28 =	vor.u32 v13, v30;
	v4 =	vadd.f32 $1.428571490e-01, v23  }
0xb3: {  	v7 =	vmul.f32 v7, v16;
	vm5 =	vge.f32 v8, $0.0e+00;
	v15 =	vpop (erf);
	v23 =	vmul.f32 $2.500000000e-01, v25  }
0xb4: {  	vm6 =	vge.f32 v18, $0.0e+00;
	v16 =	vmul.f32 v15, v21;
	v15 =	vpop (erf);
	v4 =	vmul.f32 v4, v34  }
0xb5: {  	v7 =	vadd.f32 v7, v22;
	v24 =	vmul.f32 v15, v27;
	v21 =	vpop (erf);
	v25 =	vmul.f32 v23, v25  }
0xb6: {  	v15 =	vmul.f32 v16, v16;
	v23 =	vmul.f32 v21, v29;
	v30 =	vpop (erf);
	v21 =	vadd.f32 $2.000000030e-01, v4  }
0xb7: {  	v22 =	vsub.f32 v7, v14;
	v31 =	vsub.f32 $1.000000000e+00, v30;
	v27 =	vmul.f32 v24, v24;
	v4 =	vld.idx.msk [tilespmem:v28+s7+$0x0], $0xffff;
	v28 =	vpop (erf)  }
0xb8: {  	v14 =	vmovc v18;
	v37 =	vmul.f32 $9.090909360e-02, v15;
	v29 =	vsub.f32 $1.000000000e+00, v28;
	v26 =	vmul.f32 v23, v23  }
0xb9: {  	v7 =	vsel vm4, v22, v7;
	v21 =	vmul.f32 v21, v34;
	v18 =	vmul.f32 $9.090909360e-02, v27  }
0xba: {  	v7 =	vmul.f32 v7, v20;
	v22 =	vadd.f32 $1.111111120e-01, v37;
	v37 =	vmul.f32 $9.090909360e-02, v26  }
0xbb: {  	v20 =	vmul.f32 v1, v36;
	v1 =	vadd.f32 $3.333333430e-01, v21;
	v18 =	vadd.f32 $1.111111120e-01, v18  }
0xbc: {  	v33 =	vadd.f32 v33, v33;
	v9 =	vadd.f32 v7, v9;
	v21 =	vmul.f32 v22, v15  }
.Ltmp0:
0xbd: {  	v22 =	vmul.f32 v1, v34;
	v7 =	vmul.f32 v18, v27;
	v18 =	vadd.f32 $1.111111120e-01, v37;
	(pc) =	sbr.rel @p0 .LBB2_1-.Ltmp0, $4  }
0xbe: {  	v34 =	vand.u32 $0x7FFFFFFF, v4;
	v1 =	vmul.f32 v32, v35;
	v21 =	vadd.f32 $1.428571490e-01, v21  }
0xbf: {  	v36 =	vadd.f32 $1.000000000e+00, v22;
	v32 =	vadd.f32 $1.428571490e-01, v7;
	v35 =	vmul.f32 v18, v26  }
0xc0: {  	v20 =	vadd.f32 v20, v9;
	v22 =	vsub.f32 $0.0e+00, v34;
	v7 =	vmul.f32 v21, v15  }
0xc1: {  	s8 =	sadd.s32 $0x1900, s8;
	s11 =	smov.u32 s9;
	v21 =	vmul.f32 v36, v33;
	v18 =	vmul.f32 v32, v27;
	v9 =	vadd.f32 $1.428571490e-01, v35  }
0xc2: {  	v13 =	vmul.f32 $1.442695020e+00, v22;
	_ =	sdelay $0x1  }
0xc3: {  	(erf) = vpow2.f32 v13;
	_ =	sdelay $0x8  }
0xc4: {  	v9 =	vmul.f32 v9, v26;
	v13 =	vpop (erf)  }
0xc5: {  	v22 =	vadd.f32 $2.000000000e+00, v13  }
0xc6: {  	v1 =	vadd.f32 v1, v20;
	(erf) = vrcp.f32 v19;
	v9 =	vadd.f32 $2.000000030e-01, v9  }
0xc7: {  	v17 =	vadd.f32 v21, v17;
	v18 =	vadd.f32 $2.000000030e-01, v18;
	(erf) = vrcp.f32 v22  }
0xc8: {  	v23 =	vadd.f32 v23, v23;
	v19 =	vsel vm6, v30, v31;
	v9 =	vmul.f32 v9, v26  }
0xc9: {  	v6 =	vsub.f32 v17, v6;
	v18 =	vmul.f32 v18, v27;
	v21 =	vsub.f32 $1.000000000e+00, v19  }
0xca: {  	vm3 =	vmmov vm3;
	v24 =	vadd.f32 v24, v24;
	v9 =	vadd.f32 $3.333333430e-01, v9  }
0xcb: {  	v6 =	vsel vm2, v6, v17;
	v18 =	vadd.f32 $3.333333430e-01, v18;
	v17 =	vsel vm3, v19, v21  }
0xcc: {  	v6 =	vmul.f32 v6, v25;
	v19 =	vsel vm5, v28, v29;
	v9 =	vmul.f32 v9, v26  }
0xcd: {  	v17 =	vsub.f32 $1.000000000e+00, v17;
	v21 =	vsub.f32 $1.000000000e+00, v19  }
0xce: {  	v18 =	vmul.f32 v18, v27;
	v1 =	vadd.f32 v6, v1;
	v6 =	vadd.f32 $1.000000000e+00, v9  }
0xcf: {  	vm13 =	vge.f32 v10, $0.0e+00;
	v7 =	vadd.f32 $2.000000030e-01, v7;
	v9 =	vmul.f32 $2.500000000e-01, v17;
	v20 =	vpop (erf)  }
0xd0: {  	v18 =	vadd.f32 $1.000000000e+00, v18;
	v19 =	vsel vm0, v19, v21;
	v6 =	vmul.f32 v6, v23;
	v22 =	vpop (erf)  }
0xd1: {  	[tilespmem:$0xC3C8] =	vst v0;
	s7 =	simm.s32 $0x0;
	v17 =	vmul.f32 v9, v17;
	v9 =	vmax.f32 v10, $0.0e+00;
	v22 =	vmul.f32 v22, v13  }
0xd2: {  	v21 =	vmax.f32 v8, $0.0e+00;
	v18 =	vmul.f32 v18, v24;
	v6 =	vadd.f32 v6, v9;
	v9 =	vld [tilespmem:s7+$0x30]  }
0xd3: {  	v23 =	vsub.f32 $1.000000000e+00, v20;
	v13 =	vadd.f32 $1.000000000e+00, v13;
	v25 =	vmul.f32 v22, v22  }
0xd4: {  	v26 =	vmul.f32 v7, v15;
	v18 =	vadd.f32 v18, v21;
	v21 =	vsub.f32 v6, v10  }
0xd5: {  	v10 =	vsel vm13, v20, v23;
	(erf) = vrcp.f32 v13;
	v13 =	vmul.f32 $9.090909360e-02, v25  }
0xd6: {  	v24 =	vsub.f32 v18, v8;
	v8 =	vsub.f32 $1.000000000e+00, v10  }
0xd7: {  	v26 =	vadd.f32 $3.333333430e-01, v26;
	v27 =	vand.u32 $0x7FFFFFFF, v9;
	v13 =	vadd.f32 $1.111111120e-01, v13  }
0xd8: {  	v21 =	vsel vm1, v21, v6;
	v6 =	vsel vm1, v10, v8;
	v10 =	vsub.f32 $0.0e+00, v27  }
0xd9: {  	v7 =	vld [tilespmem:s7+$0x0];
	v20 =	vmul.f32 v13, v25  }
0xda: {  	v15 =	vmul.f32 v26, v15;
	v10 =	vmul.f32 $1.442695020e+00, v10;
	v13 =	vld [tilespmem:s7+$0x20]  }
0xdb: {  	v16 =	vadd.f32 v16, v16;
	v20 =	vadd.f32 $1.428571490e-01, v20  }
0xdc: {  	v19 =	vsub.f32 $1.000000000e+00, v19;
	v8 =	vld [tilespmem:s7+$0x10];
	(erf) = vpow2.f32 v10;
	v10 =	vadd.f32 $1.000000000e+00, v15  }
0xdd: {  	vm14 =	vge.f32 v4, $0.0e+00;
	vm15 =	veq.s32 v11, v12;
	v20 =	vmul.f32 v20, v25  }
0xde: {  	v30 =	vand.u32 $0x7FFFFFFF, v7;
	v23 =	vmul.f32 $2.500000000e-01, v19;
	v10 =	vmul.f32 v10, v16  }
0xdf: {  	v27 =	vmax.f32 v14, $0.0e+00;
	v26 =	vand.u32 $0x7FFFFFFF, v13;
	v20 =	vadd.f32 $2.000000030e-01, v20  }
0xe0: {  	v19 =	vmul.f32 v23, v19;
	v10 =	vadd.f32 v10, v27;
	v26 =	vsub.f32 $0.0e+00, v26  }
0xe1: {  	v15 =	vsub.f32 $0.0e+00, v30;
	v16 =	vand.u32 $0x7FFFFFFF, v8;
	v28 =	vpop (erf);
	v20 =	vmul.f32 v20, v25  }
0xe2: {  	v14 =	vsub.f32 v10, v14;
	v29 =	vsub.f32 $1.000000000e+00, v28;
	v26 =	vmul.f32 $1.442695020e+00, v26  }
0xe3: {  	v15 =	vmul.f32 $1.442695020e+00, v15;
	v16 =	vsub.f32 $0.0e+00, v16;
	v20 =	vadd.f32 $3.333333430e-01, v20  }
0xe4: {  	v10 =	vsel vm3, v14, v10;
	v28 =	vsel vm14, v28, v29;
	(erf) = vpow2.f32 v26  }
0xe5: {  	v26 =	vsub.f32 $1.000000000e+00, v28;
	(erf) = vpow2.f32 v15;
	v11 =	vmul.f32 v20, v25  }
0xe6: {  	v6 =	vsub.f32 $1.000000000e+00, v6;
	v12 =	vmul.f32 $1.442695020e+00, v16;
	v10 =	vmul.f32 v10, v17  }
0xe7: {  	v16 =	vadd.f32 v22, v22;
	v15 =	vsel vm15, v28, v26;
	v11 =	vadd.f32 $1.000000000e+00, v11  }
0xe8: {  	v1 =	vadd.f32 v10, v1;
	(erf) = vpow2.f32 v12;
	v15 =	vsub.f32 $1.000000000e+00, v15;
	v20 =	vpop (erf)  }
0xe9: {  	v12 =	vsel vm0, v24, v18;
	v14 =	vadd.f32 $2.000000000e+00, v20;
	v11 =	vmul.f32 v11, v16  }
0xea: {  	v18 =	vmul.f32 $2.500000000e-01, v6;
	v17 =	vmul.f32 $2.500000000e-01, v15;
	v16 =	vmax.f32 v4, $0.0e+00  }
0xeb: {  	v12 =	vmul.f32 v12, v19;
	(erf) = vrcp.f32 v14;
	v11 =	vadd.f32 v11, v16  }
0xec: {  	v14 =	vmul.f32 v18, v6  }
0xed: {  	s29 =	simm.s32 $0x40;
	v1 =	vadd.f32 v12, v1;
	v16 =	vpop (erf);
	v4 =	vsub.f32 v11, v4  }
0xee: {  	v6 =	vld [tilespmem:s29+$0x30];
	v15 =	vmul.f32 v17, v15;
	v14 =	vmul.f32 v21, v14;
	v10 =	vadd.f32 $2.000000000e+00, v16;
	v17 =	vpop (erf)  }
0xef: {  	v12 =	vadd.f32 $2.000000000e+00, v17;
	v4 =	vsel vm15, v4, v11  }
0xf0: {  	v1 =	vadd.f32 v14, v1;
	(erf) = vrcp.f32 v10;
	v10 =	vld [tilespmem:s29+$0x20];
	v4 =	vmul.f32 v4, v15  }
0xf1: {  	v11 =	vpop (erf);
	(erf) = vrcp.f32 v12;
	v12 =	vld [tilespmem:s29+$0x0]  }
0xf2: {  	v14 =	vld [tilespmem:s29+$0x10];
	v15 =	vadd.f32 $2.000000000e+00, v11;
	v1 =	vadd.f32 v4, v1  }
0xf3: {  	v18 =	vand.u32 $0x7FFFFFFF, v6  }
0xf4: {  	(erf) = vrcp.f32 v15;
	[tilespmem:$0x1FE80] =	vst v1;
	v1 =	vsub.f32 $0.0e+00, v18;
	v4 =	vpop (erf)  }
0xf5: {  	v34 =	vimm.s32 $0x4;
	v15 =	vand.u32 $0x7FFFFFFF, v10;
	v19 =	vmul.f32 v4, v20  }
0xf6: {  	v4 =	vand.u32 $0x7FFFFFFF, v12;
	v15 =	vsub.f32 $0.0e+00, v15;
	v1 =	vmul.f32 $1.442695020e+00, v1  }
0xf7: {  	v32 =	vimm.s32 $0x5;
	v18 =	vand.u32 $0x7FFFFFFF, v14;
	v4 =	vsub.f32 $0.0e+00, v4  }
0xf8: {  	v33 =	vimm.s32 $0x6;
	v15 =	vmul.f32 $1.442695020e+00, v15;
	(erf) = vpow2.f32 v1  }
0xf9: {  	v31 =	vimm.s32 $0x1;
	v1 =	vsub.f32 $0.0e+00, v18;
	v20 =	vpop (erf);
	v4 =	vmul.f32 $1.442695020e+00, v4  }
0xfa: {  	v47 =	vmax.f32 v7, $0.0e+00;
	v21 =	vmul.f32 v19, v19;
	v18 =	vpop (erf);
	(erf) = vpow2.f32 v15  }
0xfb: {  	v30 =	vimm.s32 $0x7;
	v1 =	vmul.f32 $1.442695020e+00, v1;
	v22 =	vmul.f32 v18, v17  }
0xfc: {  	v27 =	vimm.s32 $0x8;
	v23 =	vmul.f32 v20, v16;
	(erf) = vpow2.f32 v4  }
0xfd: {  	v56 =	vmax.f32 v13, $0.0e+00;
	(erf) = vpow2.f32 v1;
	v4 =	vpop (erf);
	v17 =	vmul.f32 v22, v22  }
0xfe: {  	v29 =	vimm.s32 $0xE;
	v15 =	vmul.f32 $9.090909360e-02, v21;
	v35 =	vmul.f32 v4, v11  }
0xff: {  	v26 =	vimm.s32 $0x2;
	v37 =	vmul.f32 v23, v23;
	v11 =	vmul.f32 $9.090909360e-02, v17  }
0x100: {  	v25 =	vimm.s32 $0x3;
	v4 =	vadd.f32 $1.111111120e-01, v15;
	v36 =	vmul.f32 v35, v35  }
0x101: {  	v28 =	vimm.s32 $0xB;
	v39 =	vmul.f32 $9.090909360e-02, v37;
	v11 =	vadd.f32 $1.111111120e-01, v11;
	v16 =	vpop (erf)  }
0x102: {  	v4 =	vmul.f32 v4, v21;
	v38 =	vmul.f32 $9.090909360e-02, v36;
	v15 =	vadd.f32 $2.000000000e+00, v16  }
0x103: {  	v48 =	vadd.f32 v19, v19;
	v62 =	vadd.f32 $1.111111120e-01, v39;
	v11 =	vmul.f32 v11, v17  }
0x104: {  	v41 =	vadd.f32 $1.428571490e-01, v4;
	v40 =	vpop (erf);
	(erf) = vrcp.f32 v15;
	v15 =	vadd.f32 $1.111111120e-01, v38  }
0x105: {  	v24 =	vimm.s32 $0xD;
	v63 =	vpop (erf);
	v42 =	vadd.f32 $2.000000000e+00, v40;
	v11 =	vadd.f32 $1.428571490e-01, v11  }
0x106: {  	v41 =	vmul.f32 v41, v21;
	v44 =	vadd.f32 $2.000000000e+00, v63;
	v43 =	vpop (erf);
	v46 =	vmul.f32 v15, v36  }
0x107: {  	(erf) = vrcp.f32 v42;
	v45 =	vadd.f32 $2.000000000e+00, v43;
	v54 =	vmul.f32 v11, v17  }
0x108: {  	s30 =	simm.s32 $0x80;
	v38 =	vmul.f32 v62, v37;
	(erf) = vrcp.f32 v44;
	v55 =	vadd.f32 $1.428571490e-01, v46  }
0x109: {  	v41 =	vadd.f32 $2.000000030e-01, v41;
	v15 =	vld [tilespmem:s30+$0x30];
	(erf) = vrcp.f32 v45;
	v42 =	vadd.f32 $2.000000030e-01, v54  }
0x10a: {  	v45 =	vmax.f32 v8, $0.0e+00;
	v46 =	vmax.f32 v9, $0.0e+00;
	v8 =	vld [tilespmem:s30+$0x0];
	v9 =	vmul.f32 v55, v36  }
0x10b: {  	v20 =	vimm.s32 $0xC;
	v18 =	vimm.s32 $0x9;
	v41 =	vmul.f32 v41, v21  }
0x10c: {  	v13 =	vmul.f32 v42, v17;
	v7 =	vadd.f32 $2.000000030e-01, v9;
	v9 =	vadd.f32 $1.428571490e-01, v38  }
0x10d: {  	v59 =	vadd.f32 v23, v23;
	v1 =	vimm.s32 $0xA;
	v11 =	vld [tilespmem:s30+$0x20];
	v41 =	vadd.f32 $3.333333430e-01, v41  }
0x10e: {  	v23 =	vand.u32 $0x7FFFFFFF, v15;
	v58 =	vadd.f32 $3.333333430e-01, v13;
	v9 =	vmul.f32 v9, v37  }
0x10f: {  	v41 =	vmul.f32 v41, v21;
	v13 =	vld [tilespmem:s30+$0x10];
	v60 =	vsub.f32 $0.0e+00, v23;
	v57 =	vpop (erf);
	v49 =	vand.u32 $0x7FFFFFFF, v8  }
0x110: {  	s31 =	simm.s32 $0xC3C8;
	v16 =	vmul.f32 v57, v16;
	v38 =	vmul.f32 v58, v17;
	v9 =	vadd.f32 $2.000000030e-01, v9  }
0x111: {  	v24 =	vld.idx.msk [tilespmem:v24+s31+$0x0], $0xffff;
	v50 =	vpop (erf);
	v17 =	vsub.f32 $0.0e+00, v49;
	v7 =	vmul.f32 v7, v36;
	v49 =	vmul.f32 $1.442695020e+00, v60  }
0x112: {  	v31 =	vld.idx.msk [tilespmem:v31+s31+$0x0], $0xffff;
	v21 =	vand.u32 $0x7FFFFFFF, v11;
	v23 =	vmul.f32 v50, v40;
	v9 =	vmul.f32 v9, v37  }
0x113: {  	v32 =	vld.idx.msk [tilespmem:v32+s31+$0x0], $0xffff;
	v19 =	vmul.f32 v16, v16;
	v61 =	vmul.f32 $1.442695020e+00, v17;
	v17 =	vsub.f32 $0.0e+00, v21  }
0x114: {  	v30 =	vld.idx.msk [tilespmem:v30+s31+$0x0], $0xffff;
	v62 =	vpop (erf);
	(erf) = vpow2.f32 v49;
	v21 =	vand.u32 $0x7FFFFFFF, v13;
	v9 =	vadd.f32 $3.333333430e-01, v9  }
0x115: {  	v51 =	vsub.f32 $0.0e+00, v21;
	v21 =	vmul.f32 v62, v63;
	v63 =	vadd.f32 v22, v22;
	v22 =	vld.msk [tilespmem:s31+$0x0], $0xffff  }
0x116: {  	[tilespmem:$0x1FF60] =	vst v24;
	v24 =	vld.idx.msk [tilespmem:v29+s31+$0x0], $0xffff;
	v7 =	vadd.f32 $3.333333430e-01, v7;
	v52 =	vmul.f32 $1.442695020e+00, v17;
	v9 =	vmul.f32 v9, v37  }
0x117: {  	[tilespmem:$0x1FEA0] =	vst v31;
	v18 =	vld.idx.msk [tilespmem:v18+s31+$0x0], $0xffff;
	v38 =	vadd.f32 $1.000000000e+00, v38;
	v31 =	vmul.f32 $9.090909360e-02, v19;
	v17 =	vpop (erf);
	v49 =	vmul.f32 $1.442695020e+00, v51  }
0x118: {  	(erf) = vpow2.f32 v52;
	v17 =	vmul.f32 v17, v43;
	v51 =	vadd.f32 $1.000000000e+00, v9;
	v9 =	vld.idx.msk [tilespmem:v26+s31+$0x0], $0xffff  }
0x119: {  	[tilespmem:$0x1FEE0] =	vst v32;
	v26 =	vmul.f32 v7, v36;
	v7 =	vld.idx.msk [tilespmem:v25+s31+$0x0], $0xffff;
	v25 =	vadd.f32 $1.111111120e-01, v31;
	v31 =	vmul.f32 v38, v63  }
0x11a: {  	v1 =	vld.idx.msk [tilespmem:v1+s31+$0x0], $0xffff;
	v50 =	vadd.f32 $1.000000000e+00, v41;
	(erf) = vpow2.f32 v61;
	[tilespmem:$0x1FE90] =	vst v22;
	v22 =	vmul.f32 v17, v17  }
0x11b: {  	[tilespmem:$0x1FF00] =	vst v30;
	v35 =	vadd.f32 v35, v35;
	(erf) = vpow2.f32 v49;
	v39 =	vadd.f32 v31, v47;
	v31 =	vld.idx.msk [tilespmem:v33+s31+$0x0], $0xffff  }
0x11c: {  	[tilespmem:$0x1FF70] =	vst v24;
	v58 =	vmul.f32 v50, v48;
	v54 =	vmul.f32 $9.090909360e-02, v22;
	v26 =	vadd.f32 $1.000000000e+00, v26  }
0x11d: {  	[tilespmem:$0x1FF20] =	vst v18;
	v52 =	vmul.f32 v51, v59;
	v25 =	vmul.f32 v25, v19  }
0x11e: {  	v27 =	vld.idx.msk [tilespmem:v27+s31+$0x0], $0xffff;
	v24 =	vimm.f32 $0.0e+00;
	v26 =	vmul.f32 v26, v35;
	[tilespmem:$0x1FEB0] =	vst v9;
	v9 =	vmul.f32 v21, v21  }
0x11f: {  	v4 =	vimm.f32 $0.0e+00;
	[tilespmem:$0x1FF30] =	vst v1;
	v1 =	vld.idx.msk [tilespmem:v28+s31+$0x0], $0xffff;
	v28 =	vadd.f32 v58, v46;
	v57 =	vadd.f32 $1.111111120e-01, v54  }
0x120: {  	v34 =	vld.idx.msk [tilespmem:v34+s31+$0x0], $0xffff;
	v32 =	vadd.f32 v52, v56;
	v60 =	vadd.f32 $1.428571490e-01, v25;
	v53 =	vmul.f32 $9.090909360e-02, v9;
	[tilespmem:$0x1FEF0] =	vst v31;
	v31 =	vpop (erf)  }
0x121: {  	v20 =	vld.idx.msk [tilespmem:v20+s31+$0x0], $0xffff;
	v18 =	vadd.f32 v39, v4;
	[tilespmem:$0x1FEC0] =	vst v7;
	v7 =	vmul.f32 v23, v23;
	v30 =	vadd.f32 $2.000000000e+00, v31  }
0x122: {  	v29 =	vmul.f32 v57, v22;
	v35 =	vadd.f32 v26, v45;
	v26 =	vpop (erf);
	v56 =	vadd.f32 $1.111111120e-01, v53  }
0x123: {  	v55 =	vmul.f32 $9.090909360e-02, v7;
	v61 =	vadd.f32 $2.000000000e+00, v26;
	v25 =	vpop (erf);
	(erf) = vrcp.f32 v30  }
0x124: {  	[tilespmem:$0x1FF10] =	vst v27;
	v63 =	vmul.f32 v60, v19;
	v30 =	vadd.f32 $2.000000000e+00, v25;
	v27 =	vpop (erf);
	v33 =	vmul.f32 v56, v9  }
0x125: {  	[tilespmem:$0x1FED0] =	vst v34;
	v59 =	vadd.f32 $1.111111120e-01, v55;
	v62 =	vadd.f32 $2.000000000e+00, v27;
	(erf) = vrcp.f32 v61  }
0x126: {  	[tilespmem:$0x1FF50] =	vst v20;
	v20 =	vadd.f32 v35, v4;
	(erf) = vrcp.f32 v30;
	v30 =	vadd.f32 $1.428571490e-01, v33  }
0x127: {  	s7 =	simm.s32 $0x300;
	[tilespmem:$0x1FF40] =	vst v1;
	v1 =	vmul.f32 v59, v7;
	(erf) = vrcp.f32 v62;
	v33 =	vadd.f32 $2.000000030e-01, v63  }
.LBB2_3:
0x128: {  	s8 =	sshra.s32 s7, $0x2;
	p0 =	sne.s32 s7, $0x1800;
	s7 =	sadd.s32 $0x100, s7;
	v30 =	vmul.f32 v30, v9;
	v4 =	vadd.f32 v32, v4;
	v24 =	vadd.f32 v28, v24  }
0x129: {  	v28 =	vld [tilespmem:s8+$0x30];
	v29 =	vadd.f32 $1.428571490e-01, v29;
	v32 =	vmul.f32 v33, v19  }
0x12a: {  	v34 =	vmax.f32 v14, $0.0e+00;
	v35 =	vmax.f32 v6, $0.0e+00;
	v6 =	vmovc v15;
	v14 =	vmovc v13;
	v33 =	vld [tilespmem:s8+$0x20];
	v30 =	vadd.f32 $2.000000030e-01, v30  }
0x12b: {  	v36 =	vld [tilespmem:s8+$0x0];
	v15 =	vmul.f32 v29, v22;
	v29 =	vmax.f32 v10, $0.0e+00;
	v32 =	vadd.f32 $3.333333430e-01, v32;
	v10 =	vmovc v11  }
0x12c: {  	v37 =	vmax.f32 v12, $0.0e+00;
	v38 =	vadd.f32 v16, v16;
	v13 =	vld [tilespmem:s8+$0x10];
	v11 =	vpop (erf);
	v30 =	vmul.f32 v30, v9  }
0x12d: {  	v1 =	vadd.f32 $1.428571490e-01, v1;
	v12 =	vmovc v8;
	v16 =	vmul.f32 v11, v31;
	v31 =	vadd.f32 $2.000000030e-01, v15  }
0x12e: {  	v32 =	vmul.f32 v32, v19;
	v8 =	vpop (erf);
	v45 =	vadd.f32 $3.333333430e-01, v30;
	v30 =	vadd.f32 v23, v23  }
0x12f: {  	v1 =	vmul.f32 v1, v7;
	v23 =	vand.u32 $0x7FFFFFFF, v28;
	v39 =	vand.u32 $0x7FFFFFFF, v33;
	v40 =	vpop (erf)  }
0x130: {  	v19 =	vmul.f32 v16, v16;
	v44 =	vand.u32 $0x7FFFFFFF, v36;
	v41 =	vpop (erf);
	v9 =	vmul.f32 v45, v9  }
0x131: {  	v1 =	vadd.f32 $2.000000030e-01, v1;
	v15 =	vmovc v28;
	v11 =	vmovc v33;
	v42 =	vsub.f32 $0.0e+00, v44;
	v43 =	vand.u32 $0x7FFFFFFF, v13  }
0x132: {  	v28 =	vsub.f32 $0.0e+00, v23;
	v23 =	vmul.f32 v8, v26;
	v26 =	vmul.f32 v31, v22;
	v8 =	vmovc v36  }
0x133: {  	v1 =	vmul.f32 v1, v7;
	v33 =	vsub.f32 $0.0e+00, v39;
	v31 =	vmul.f32 $1.442695020e+00, v42  }
0x134: {  	v28 =	vmul.f32 $1.442695020e+00, v28;
	v26 =	vadd.f32 $3.333333430e-01, v26;
	v36 =	vsub.f32 $0.0e+00, v43  }
0x135: {  	v25 =	vmul.f32 v40, v25;
	v1 =	vadd.f32 $3.333333430e-01, v1;
	v33 =	vmul.f32 $1.442695020e+00, v33  }
0x136: {  	v27 =	vmul.f32 v41, v27;
	(erf) = vpow2.f32 v28;
	v28 =	vadd.f32 v21, v21  }
0x137: {  	v39 =	vadd.f32 $1.000000000e+00, v32;
	v1 =	vmul.f32 v1, v7;
	v36 =	vmul.f32 $1.442695020e+00, v36;
	v21 =	vmovc v25  }
0x138: {  	v32 =	vadd.f32 $1.000000000e+00, v9;
	v7 =	vmul.f32 v27, v27;
	(erf) = vpow2.f32 v33  }
0x139: {  	v1 =	vadd.f32 $1.000000000e+00, v1;
	(erf) = vpow2.f32 v31;
	v31 =	vmul.f32 $9.090909360e-02, v19  }
0x13a: {  	v26 =	vmul.f32 v26, v22;
	v22 =	vmovc v7;
	v33 =	vadd.f32 v17, v17;
	v17 =	vmovc v27;
	(erf) = vpow2.f32 v36  }
0x13b: {  	v9 =	vmul.f32 v25, v21;
	v27 =	vmul.f32 v32, v28;
	v25 =	vadd.f32 $1.111111120e-01, v31  }
0x13c: {  	v7 =	vmul.f32 v23, v23;
	v26 =	vadd.f32 $1.000000000e+00, v26;
	v1 =	vmul.f32 v1, v30  }
0x13d: {  	v30 =	vmul.f32 $9.090909360e-02, v22;
	v28 =	vmul.f32 $9.090909360e-02, v9;
	v27 =	vadd.f32 v27, v37  }
0x13e: {  	v32 =	vadd.f32 v1, v29;
	v36 =	vmul.f32 $9.090909360e-02, v7;
	v37 =	vmul.f32 v26, v33  }
0x13f: {  	v29 =	vadd.f32 $1.111111120e-01, v30;
	v1 =	vadd.f32 $1.111111120e-01, v28;
	v40 =	vmul.f32 v25, v19;
	v31 =	vpop (erf)  }
0x140: {  	v33 =	vmul.f32 v39, v38;
	v30 =	vadd.f32 v37, v34;
	v28 =	vadd.f32 $2.000000000e+00, v31  }
0x141: {  	v34 =	vmul.f32 v1, v9;
	v1 =	vadd.f32 $1.111111120e-01, v36;
	v36 =	vadd.f32 $1.428571490e-01, v40;
	v26 =	vpop (erf)  }
.Ltmp1:
0x142: {  	v18 =	vadd.f32 v27, v18;
	v37 =	vadd.f32 $2.000000000e+00, v26;
	v25 =	vpop (erf);
	(erf) = vrcp.f32 v28;
	(pc) =	sbr.rel @p0 .LBB2_3-.Ltmp1, $4  }
0x143: {  	v20 =	vadd.f32 v30, v20;
	v1 =	vmul.f32 v1, v7;
	v28 =	vadd.f32 $2.000000000e+00, v25;
	v27 =	vpop (erf)  }
0x144: {  	v36 =	vmul.f32 v36, v19;
	v38 =	vadd.f32 $2.000000000e+00, v27;
	(erf) = vrcp.f32 v37  }
0x145: {  	v30 =	vadd.f32 $1.428571490e-01, v34;
	(erf) = vrcp.f32 v28;
	v28 =	vadd.f32 v33, v35  }
0x146: {  	v29 =	vmul.f32 v29, v22;
	v33 =	vadd.f32 $2.000000030e-01, v36;
	(erf) = vrcp.f32 v38  }
0x147: {  	v4 =	vadd.f32 v32, v4  }
0x148: {  	v30 =	vmul.f32 v30, v9;
	v1 =	vadd.f32 $1.428571490e-01, v1;
	v24 =	vadd.f32 v28, v24  }
0x149: {  	v14 =	vmax.f32 v14, $0.0e+00;
	v10 =	vmax.f32 v10, $0.0e+00;
	v16 =	vadd.f32 v16, v16  }
0x14a: {  	v12 =	vmax.f32 v12, $0.0e+00;
	v23 =	vadd.f32 v23, v23;
	v21 =	vadd.f32 v21, v21  }
0x14b: {  	v17 =	vadd.f32 v17, v17;
	vm1 =	vcmask $0xF00;
	v56 =	vimm.s32 $0x25201B16  }
0x14c: {  	vm2 =	vcmask $0x1F10;
	v57 =	vimm.s32 $0x100B0601;
	v28 =	vadd.f32 $1.428571490e-01, v29  }
0x14d: {  	v29 =	vmul.f32 v33, v19;
	v30 =	vadd.f32 $2.000000030e-01, v30;
	v1 =	vmul.f32 v1, v7  }
0x14e: {  	v35 =	vimm.s32 $0x241F1A15;
	v6 =	vmax.f32 v6, $0.0e+00;
	v28 =	vmul.f32 v28, v22  }
0x14f: {  	v29 =	vadd.f32 $3.333333430e-01, v29;
	v30 =	vmul.f32 v30, v9;
	v1 =	vadd.f32 $2.000000030e-01, v1;
	v53 =	vpop (erf)  }
0x150: {  	v32 =	vunpack.c.0.s8.s32 v56;
	v28 =	vadd.f32 $2.000000030e-01, v28;
	v31 =	vmul.f32 v53, v31  }
0x151: {  	v19 =	vmul.f32 v29, v19;
	v30 =	vadd.f32 $3.333333430e-01, v30;
	v1 =	vmul.f32 v1, v7  }
0x152: {  	v35 =	vunpack.c.0.s8.s32 v35;
	v54 =	vpop (erf);
	v28 =	vmul.f32 v28, v22;
	v55 =	vmul.f32 v31, v31  }
0x153: {  	v29 =	vpop (erf);
	v26 =	vmul.f32 v54, v26;
	v9 =	vmul.f32 v30, v9;
	v1 =	vadd.f32 $3.333333430e-01, v1  }
0x154: {  	s7 =	simm.s32 $0x2;
	v34 =	vpop (erf);
	v29 =	vmul.f32 v29, v25;
	v30 =	vimm.s32 $0x110C0702;
	v28 =	vadd.f32 $3.333333430e-01, v28  }
0x155: {  	v27 =	vmul.f32 v34, v27;
	v25 =	vmul.f32 $9.090909360e-02, v55;
	_ =	swait.ge [sflag:s7], $0x20D0;
	v30 =	vunpack.c.0.s8.s32 v30  }
0x156: {  	v34 =	vunpack.c.0.s8.s32 v57;
	v1 =	vmul.f32 v1, v7;
	v7 =	vadd.f32 $1.000000000e+00, v19;
	[sflag:s7] =	ssyncset.done $0x0  }
0x157: {  	v9 =	vadd.f32 $1.000000000e+00, v9;
	v19 =	vmul.f32 v27, v27;
	v22 =	vmul.f32 v28, v22;
	[sflag:s7] =	ssyncadd.s32 $0xFFFFDF30  }
0x158: {  	v28 =	vmul.f32 v29, v29;
	v30 =	vnsel vm1, $0x25, v30;
	v25 =	vadd.f32 $1.111111120e-01, v25;
	_ =	swait.ge [sflag:s7], $0x640  }
0x159: {  	v1 =	vadd.f32 $1.000000000e+00, v1;
	v30 =	vsel vm2, v32, v30;
	v9 =	vmul.f32 v9, v21;
	[sflag:s7] =	ssyncset.done $0x0  }
0x15a: {  	v58 =	vnsel vm1, $0x24, v34;
	v21 =	vmul.f32 v26, v26;
	v7 =	vmul.f32 v7, v16;
	[sflag:s7] =	ssyncadd.s32 $0xFFFFF9C0  }
0x15b: {  	v59 =	vmul.f32 $9.090909360e-02, v28;
	v1 =	vmul.f32 v1, v23;
	v23 =	vsel vm2, v35, v58;
	_ =	swait.ge [sflag:s7], $0x28  }
0x15c: {  	v22 =	vadd.f32 $1.000000000e+00, v22;
	v60 =	vmul.f32 $9.090909360e-02, v19;
	v25 =	vmul.f32 v25, v55;
	[sflag:s7] =	ssyncset.done $0x0  }
0x15d: {  	s9 =	simm.s32 $0xC3A0;
	v9 =	vadd.f32 v9, v12;
	v12 =	vmul.f32 $9.090909360e-02, v21;
	v6 =	vadd.f32 v7, v6;
	[sflag:s7] =	ssyncadd.s32 $0xFFFFFFD8  }
0x15e: {  	v17 =	vmul.f32 v22, v17;
	v22 =	vadd.f32 $1.111111120e-01, v60;
	v16 =	vadd.f32 $1.428571490e-01, v25;
	v30 =	vld.idx.msk [tilespmem:v30+s9+$0x0], $0xffff  }
0x15f: {  	vm0 =	vmmov $0xff;
	v1 =	vadd.f32 v1, v10;
	v10 =	vadd.f32 $1.111111120e-01, v59  }
0x160: {  	v12 =	vadd.f32 $1.111111120e-01, v12;
	v14 =	vadd.f32 v17, v14;
	v16 =	vmul.f32 v16, v55;
	v17 =	vld.idx.msk [tilespmem:v23+s9+$0x0], $0xffff  }
0x161: {  	v9 =	vadd.f32 v9, v18;
	v7 =	vmul.f32 v22, v19;
	v10 =	vmul.f32 v10, v28  }
0x162: {  	v12 =	vmul.f32 v12, v21;
	v1 =	vadd.f32 v1, v4;
	v4 =	vadd.f32 v6, v24  }
0x163: {  	v16 =	vadd.f32 $2.000000030e-01, v16;
	v10 =	vadd.f32 $1.428571490e-01, v10;
	v18 =	vnsel vm0, $0x0, v30  }
0x164: {  	v7 =	vadd.f32 $1.428571490e-01, v7;
	v12 =	vadd.f32 $1.428571490e-01, v12;
	v34 =	vmul.f32 $2.000000000e+01, v18  }
0x165: {  	v16 =	vmul.f32 v16, v55;
	v10 =	vmul.f32 v10, v28;
	v6 =	vnsel vm0, $0x0, v17  }
0x166: {  	v12 =	vmul.f32 v12, v21;
	v35 =	vmul.f32 $2.000000000e+01, v6;
	v6 =	vmax.f32 v34, $0.0e+00  }
0x167: {  	v10 =	vadd.f32 $2.000000030e-01, v10;
	v17 =	vmax.f32 v13, $0.0e+00;
	v6 =	vmin.f32 v6, $1.900000000e+01  }
0x168: {  	v12 =	vadd.f32 $2.000000030e-01, v12;
	v13 =	vmax.f32 v35, $0.0e+00;
	v6 =	vtrunc.f32 v6  }
0x169: {  	v10 =	vmul.f32 v10, v28;
	v13 =	vmin.f32 v13, $1.900000000e+01;
	v18 =	vcvt.f32.s32 v6  }
0x16a: {  	v14 =	vadd.f32 v14, v20;
	v6 =	vmul.f32 v7, v19;
	v7 =	vtrunc.f32 v13  }
0x16b: {  	v12 =	vmul.f32 v12, v21;
	v20 =	vcvt.f32.s32 v7;
	v7 =	vmul.u32 $0x14, v18  }
0x16c: {  	v10 =	vadd.f32 $3.333333430e-01, v10  }
0x16d: {  	s23 =	simm.s32 $0x640;
	v12 =	vadd.f32 $3.333333430e-01, v12;
	v13 =	vadd.f32 $3.333333430e-01, v16;
	v25 =	vadd.s32 v20, v7  }
0x16e: {  	s8 =	simm.s32 $0x4B0;
	v10 =	vmul.f32 v10, v28;
	v6 =	vadd.f32 $2.000000030e-01, v6;
	v16 =	vadd.s32 s23, v25  }
0x16f: {  	s24 =	simm.s32 $0x320;
	v12 =	vmul.f32 v12, v21;
	[tilespmem:$0x1FDE0] =	vst v18;
	v18 =	vadd.s32 s8, v25  }
0x170: {  	s25 =	simm.s32 $0x190;
	v21 =	vadd.f32 $1.000000000e+00, v10;
	v6 =	vmul.f32 v6, v19;
	v22 =	vadd.s32 s24, v25  }
0x171: {  	[tilespmem:$0x1FDF0] =	vst v20;
	v20 =	vadd.f32 v26, v26;
	v26 =	vadd.f32 v29, v29;
	v23 =	vadd.s32 s25, v25  }
0x172: {  	v15 =	vmax.f32 v15, $0.0e+00;
	s7 =	simm.s32 $0x9C90;
	v24 =	vmul.f32 v13, v55;
	v13 =	vadd.f32 $3.333333430e-01, v6  }
0x173: {  	v8 =	vmax.f32 v8, $0.0e+00;
	v10 =	vimm.s32 $0xF0A0500;
	v21 =	vmul.f32 v21, v26;
	v6 =	vld.idx.msk [tilespmem:v16+s7+$0x0], $0xffff  }
0x174: {  	v7 =	vadd.f32 v31, v31;
	v13 =	vmul.f32 v13, v19;
	v16 =	vunpack.c.0.s8.s32 v10;
	v10 =	vld.idx.msk [tilespmem:v18+s7+$0x0], $0xffff  }
0x175: {  	v11 =	vmax.f32 v11, $0.0e+00;
	v8 =	vadd.f32 v21, v8;
	v18 =	vadd.f32 $1.000000000e+00, v12;
	v12 =	vld.idx.msk [tilespmem:v22+s7+$0x0], $0xffff  }
0x176: {  	v19 =	vimm.s32 $0x231E1914;
	v22 =	vadd.f32 $1.000000000e+00, v13;
	v13 =	vld.idx.msk [tilespmem:v23+s7+$0x0], $0xffff;
	v23 =	vadd.f32 $1.000000000e+00, v24  }
0x177: {  	v27 =	vadd.f32 v27, v27;
	v19 =	vunpack.c.0.s8.s32 v19;
	v8 =	vadd.f32 v8, v9  }
0x178: {  	v16 =	vnsel vm1, $0x23, v16;
	v18 =	vmul.f32 v18, v20;
	v7 =	vmul.f32 v23, v7  }
0x179: {  	v16 =	vsel vm2, v19, v16;
	v19 =	vmul.f32 v22, v27;
	v20 =	vand.u32 $0x7FFFFFFF, v6  }
0x17a: {  	v11 =	vadd.f32 v18, v11;
	v18 =	vand.u32 $0x7FFFFFFF, v10;
	v20 =	vsub.f32 $0.0e+00, v20  }
0x17b: {  	v17 =	vadd.f32 v19, v17;
	v19 =	vand.u32 $0x7FFFFFFF, v12;
	v18 =	vsub.f32 $0.0e+00, v18  }
0x17c: {  	v21 =	vand.u32 $0x7FFFFFFF, v13;
	v19 =	vsub.f32 $0.0e+00, v19;
	v20 =	vmul.f32 $1.442695020e+00, v20  }
0x17d: {  	v7 =	vadd.f32 v7, v15;
	v21 =	vsub.f32 $0.0e+00, v21;
	v18 =	vmul.f32 $1.442695020e+00, v18  }
0x17e: {  	[tilespmem:$0x1FE00] =	vst v8;
	v1 =	vadd.f32 v11, v1;
	v16 =	vld.idx.msk [tilespmem:v16+s9+$0x0], $0xffff;
	v8 =	vmul.f32 $1.442695020e+00, v19;
	(erf) = vpow2.f32 v20  }
0x17f: {  	v9 =	vmul.f32 $1.442695020e+00, v21;
	(erf) = vpow2.f32 v18  }
0x180: {  	[tilespmem:$0x1FE20] =	vst v1;
	v1 =	vadd.f32 v7, v4;
	(erf) = vpow2.f32 v8  }
0x181: {  	v7 =	vimm.s32 $0x130E0904;
	(erf) = vpow2.f32 v9  }
0x182: {  	v7 =	vunpack.c.0.s8.s32 v7;
	[tilespmem:$0x1FE30] =	vst v1;
	v1 =	vimm.s32 $0x120D0803;
	v9 =	vimm.s32 $0x27221D18  }
0x183: {  	v8 =	vimm.s32 $0x26211C17;
	v4 =	vnsel vm0, $0x0, v16;
	v9 =	vunpack.c.0.s8.s32 v9  }
0x184: {  	s10 =	simm.s32 $0xAF0;
	v1 =	vunpack.c.0.s8.s32 v1;
	v8 =	vunpack.c.0.s8.s32 v8;
	v4 =	vtrunc.f32 v4  }
0x185: {  	s8 =	simm.s32 $0xC80;
	v11 =	vcvt.f32.s32 v4;
	v4 =	vnsel vm1, $0x27, v7;
	v7 =	vadd.s32 s10, v25  }
0x186: {  	s11 =	simm.s32 $0x960;
	v1 =	vnsel vm1, $0x26, v1;
	v15 =	vsel vm2, v9, v4;
	v4 =	vadd.s32 s8, v25  }
0x187: {  	s12 =	simm.s32 $0x7D0;
	v1 =	vsel vm2, v8, v1;
	v8 =	vadd.s32 s11, v25;
	v9 =	vpop (erf)  }
0x188: {  	v20 =	vadd.s32 s12, v25;
	v19 =	vpop (erf)  }
0x189: {  	v23 =	vadd.f32 $1.000000000e+00, v9;
	v21 =	vpop (erf)  }
0x18a: {  	v28 =	vadd.f32 $2.000000000e+00, v9;
	v45 =	vld.idx.msk [tilespmem:v7+s7+$0x0], $0xffff;
	v24 =	vpop (erf)  }
0x18b: {  	s26 =	simm.s32 $0x0;
	v44 =	vld.idx.msk [tilespmem:v4+s7+$0x0], $0xffff;
	(erf) = vrcp.f32 v23;
	v4 =	vadd.f32 $2.000000000e+00, v24  }
0x18c: {  	v22 =	vmov s26;
	v46 =	vld.idx.msk [tilespmem:v8+s7+$0x0], $0xffff;
	v7 =	vadd.f32 $1.000000000e+00, v19;
	(erf) = vrcp.f32 v28  }
0x18d: {  	vm3 =	veq.s32 v22, v11;
	v8 =	vld.idx.msk [tilespmem:v20+s7+$0x0], $0xffff;
	v22 =	vadd.f32 $2.000000000e+00, v21;
	(erf) = vrcp.f32 v4  }
0x18e: {  	v4 =	vadd.f32 $2.000000000e+00, v19;
	(erf) = vrcp.f32 v7  }
0x18f: {  	v7 =	vadd.f32 $1.000000000e+00, v21;
	(erf) = vrcp.f32 v22  }
0x190: {  	s28 =	simm.s32 $0x2;
	v22 =	vadd.f32 $1.000000000e+00, v24;
	(erf) = vrcp.f32 v4  }
0x191: {  	v26 =	vmov s28;
	v20 =	vand.u32 $0x7FFFFFFF, v44;
	(erf) = vrcp.f32 v7  }
0x192: {  	s30 =	simm.s32 $0x1;
	v20 =	vsub.f32 $0.0e+00, v20;
	(erf) = vrcp.f32 v22;
	v22 =	vand.u32 $0x7FFFFFFF, v8  }
0x193: {  	v29 =	vmov s30;
	v4 =	vand.u32 $0x7FFFFFFF, v45;
	v22 =	vsub.f32 $0.0e+00, v22  }
0x194: {  	s29 =	simm.s32 $0x3;
	v7 =	vand.u32 $0x7FFFFFFF, v46;
	v4 =	vsub.f32 $0.0e+00, v4;
	v20 =	vmul.f32 $1.442695020e+00, v20  }
0x195: {  	v27 =	vmov s29;
	vm2 =	veq.s32 v26, v11;
	v7 =	vsub.f32 $0.0e+00, v7;
	v26 =	vpop (erf)  }
0x196: {  	vm7 =	vge.f32 v6, $0.0e+00;
	v23 =	vmul.f32 $1.442695020e+00, v4;
	(erf) = vpow2.f32 v20;
	v28 =	vpop (erf)  }
0x197: {  	vm1 =	veq.s32 v27, v11;
	v1 =	vld.idx.msk [tilespmem:v1+s9+$0x0], $0xffff;
	v27 =	vmul.f32 $1.442695020e+00, v7;
	v20 =	vmul.f32 $1.442695020e+00, v22;
	v22 =	vpop (erf)  }
0x198: {  	vm8 =	vge.f32 v10, $0.0e+00;
	vm4 =	veq.s32 v29, v11;
	(erf) = vpow2.f32 v23;
	v29 =	vpop (erf)  }
0x199: {  	v14 =	vadd.f32 v17, v14;
	(erf) = vpow2.f32 v27;
	v27 =	vmul.f32 v22, v24;
	v22 =	vpop (erf)  }
0x19a: {  	vm5 =	vge.f32 v13, $0.0e+00;
	vm6 =	vge.f32 v12, $0.0e+00;
	v24 =	vmul.f32 v22, v21  }
0x19b: {  	v17 =	vadd.s32 $0x320, v25;
	[tilespmem:$0x1FE10] =	vst v14;
	(erf) = vpow2.f32 v20;
	v20 =	vmul.f32 v27, v27;
	v22 =	vpop (erf)  }
0x19c: {  	v14 =	vimm.f32 $0.0e+00;
	[tilespmem:$0x1FE40] =	vst v1;
	v1 =	vld.idx.msk [tilespmem:v15+s9+$0x0], $0xffff;
	v19 =	vmul.f32 v22, v19;
	v22 =	vmul.f32 v24, v24  }
0x19d: {  	v18 =	vadd.s32 $0x4B0, v25;
	v16 =	vadd.s32 $0x190, v25;
	v28 =	vmul.f32 v28, v9  }
0x19e: {  	v21 =	vsub.f32 $1.000000000e+00, v26;
	v23 =	vmul.f32 $9.090909360e-02, v20;
	v38 =	vmul.f32 $9.090909360e-02, v22  }
0x19f: {  	v4 =	vmax.f32 v12, $0.0e+00;
	v9 =	vadd.f32 v28, v28;
	v30 =	vsub.f32 $1.000000000e+00, v29  }
0x1a0: {  	v48 =	vsel vm7, v26, v21;
	v26 =	vadd.f32 $1.111111120e-01, v23;
	v40 =	vadd.f32 $1.111111120e-01, v38  }
0x1a1: {  	s31 =	simm.s32 $0xBD60;
	[tilespmem:$0x1FE50] =	vst v1;
	v1 =	vadd.f32 v27, v27;
	v21 =	vmul.f32 v28, v28;
	v23 =	vmul.f32 v19, v19  }
0x1a2: {  	v31 =	vpop (erf);
	v28 =	vmul.f32 v26, v20;
	v26 =	vsel vm8, v29, v30;
	v30 =	vmul.f32 v40, v22;
	v40 =	vld.idx.msk [tilespmem:v16+s31+$0x0], $0xffff  }
0x1a3: {  	v61 =	vsub.f32 $1.000000000e+00, v31;
	v62 =	vpop (erf);
	v24 =	vadd.f32 v24, v24;
	v41 =	vmul.f32 $9.090909360e-02, v23;
	v16 =	vld.idx.msk [tilespmem:v17+s31+$0x0], $0xffff  }
0x1a4: {  	v42 =	vsub.f32 $1.000000000e+00, v62;
	v50 =	vsub.f32 $1.000000000e+00, v48;
	v29 =	vmul.f32 $9.090909360e-02, v21;
	v17 =	vld.idx.msk [tilespmem:v18+s31+$0x0], $0xffff  }
0x1a5: {  	v7 =	vmax.f32 v13, $0.0e+00;
	v28 =	vadd.f32 $1.428571490e-01, v28;
	v43 =	vadd.f32 $1.111111120e-01, v41  }
0x1a6: {  	v19 =	vadd.f32 v19, v19;
	v27 =	vsel vm6, v31, v61;
	v31 =	vadd.f32 $1.111111120e-01, v29  }
0x1a7: {  	v15 =	vpop (erf);
	v63 =	vmul.f32 v28, v20;
	v30 =	vadd.f32 $1.428571490e-01, v30;
	v47 =	vmul.f32 v43, v23  }
0x1a8: {  	v48 =	vsel vm1, v48, v50;
	v29 =	vsub.f32 $1.000000000e+00, v26;
	v49 =	vmul.f32 v31, v21;
	[tilespmem:$0x1FE60] =	vst v16;
	v16 =	vpop (erf)  }
0x1a9: {  	v33 =	vld.idx.msk [tilespmem:v25+s7+$0x0], $0xffff;
	v31 =	vadd.f32 $2.000000030e-01, v63;
	v32 =	vmul.f32 v30, v22;
	v47 =	vadd.f32 $1.428571490e-01, v47;
	[tilespmem:$0x1FE70] =	vst v17;
	v17 =	vpop (erf)  }
0x1aa: {  	s10 =	simm.s32 $0x8;
	s9 =	simm.s32 $0x4;
	v41 =	vld.idx.msk [tilespmem:v25+s31+$0x0], $0xffff;
	v28 =	vsel vm5, v62, v42;
	v30 =	vsub.f32 $1.000000000e+00, v27;
	v49 =	vadd.f32 $1.428571490e-01, v49;
	v18 =	vpop (erf)  }
.LBB2_5:
0x1ab: {  	p0 =	slt.u32 s10, $0x10;
	v31 =	vmul.f32 v31, v20;
	v32 =	vadd.f32 $2.000000030e-01, v32;
	v47 =	vmul.f32 v47, v23  }
0x1ac: {  	v50 =	vsub.f32 $1.000000000e+00, v28;
	v48 =	vsub.f32 $1.000000000e+00, v48;
	v49 =	vmul.f32 v49, v21  }
0x1ad: {  	v31 =	vadd.f32 $3.333333430e-01, v31;
	v32 =	vmul.f32 v32, v22;
	v47 =	vadd.f32 $2.000000030e-01, v47  }
0x1ae: {  	v26 =	vsel vm2, v26, v29;
	v27 =	vsel vm4, v27, v30;
	v29 =	vadd.f32 $2.000000030e-01, v49  }
0x1af: {  	v20 =	vmul.f32 v31, v20;
	v30 =	vadd.f32 $3.333333430e-01, v32;
	v31 =	vmul.f32 v47, v23  }
0x1b0: {  	v26 =	vsub.f32 $1.000000000e+00, v26;
	v28 =	vsel vm3, v28, v50;
	v29 =	vmul.f32 v29, v21  }
0x1b1: {  	v20 =	vadd.f32 $1.000000000e+00, v20;
	v22 =	vmul.f32 v30, v22;
	v30 =	vadd.f32 $3.333333430e-01, v31  }
0x1b2: {  	v27 =	vsub.f32 $1.000000000e+00, v27;
	v31 =	vmul.f32 $2.500000000e-01, v48;
	v29 =	vadd.f32 $3.333333430e-01, v29  }
0x1b3: {  	v1 =	vmul.f32 v20, v1;
	v20 =	vadd.f32 $1.000000000e+00, v22;
	v22 =	vmul.f32 v30, v23  }
0x1b4: {  	v23 =	vsub.f32 $1.000000000e+00, v28;
	v28 =	vmul.f32 $2.500000000e-01, v26;
	v21 =	vmul.f32 v29, v21  }
0x1b5: {  	v1 =	vadd.f32 v1, v7;
	v7 =	vmul.f32 v20, v24;
	v20 =	vadd.f32 $1.000000000e+00, v22  }
0x1b6: {  	v22 =	vmul.f32 $2.500000000e-01, v23;
	v24 =	vmul.f32 $2.500000000e-01, v27;
	v21 =	vadd.f32 $1.000000000e+00, v21  }
0x1b7: {  	v29 =	vsub.f32 v1, v13;
	v4 =	vadd.f32 v7, v4;
	v7 =	vmul.f32 v20, v19;
	v13 =	vmovc v8  }
0x1b8: {  	v8 =	vmul.f32 v22, v23;
	v19 =	vmax.f32 v10, $0.0e+00;
	v9 =	vmul.f32 v21, v9  }
0x1b9: {  	v1 =	vsel vm3, v29, v1;
	v20 =	vsub.f32 v4, v12;
	v7 =	vadd.f32 v7, v19;
	v12 =	vmovc v46  }
0x1ba: {  	v19 =	vmax.f32 v6, $0.0e+00;
	v1 =	vmul.f32 v1, v8;
	v8 =	vmul.f32 v24, v27  }
0x1bb: {  	v9 =	vadd.f32 v9, v19;
	v4 =	vsel vm4, v20, v4;
	v20 =	vsub.f32 v7, v10;
	v10 =	vmovc v45  }
0x1bc: {  	v1 =	vnsel vm0, $0x0, v1;
	v4 =	vmul.f32 v4, v8;
	v8 =	vmul.f32 v28, v26  }
0x1bd: {  	v1 =	vadd.f32 v1, v14;
	v7 =	vsel vm2, v20, v7;
	v14 =	vsub.f32 v9, v6;
	v6 =	vmovc v44  }
0x1be: {  	s8 =	sadd.s32 $0x640, s8;
	v4 =	vnsel vm0, $0x0, v4;
	v7 =	vmul.f32 v7, v8;
	v8 =	vmul.f32 v31, v48  }
0x1bf: {  	s11 =	sadd.s32 $0xFFFFFE70, s8;
	v19 =	vadd.s32 s8, v25;
	v1 =	vadd.f32 v4, v1;
	v4 =	vsel vm1, v14, v9  }
0x1c0: {  	s12 =	sadd.s32 $0xFFFFFCE0, s8;
	v9 =	vadd.s32 s11, v25;
	v7 =	vnsel vm0, $0x0, v7;
	v4 =	vmul.f32 v4, v8  }
0x1c1: {  	s11 =	sadd.s32 $0xFFFFFB50, s8;
	v8 =	vadd.s32 s12, v25;
	v1 =	vadd.f32 v7, v1  }
0x1c2: {  	v7 =	vadd.s32 s11, v25;
	v4 =	vnsel vm0, $0x0, v4  }
0x1c3: {  	v21 =	vadd.f32 $1.000000000e+00, v15;
	v20 =	vmov s9;
	s12 =	sadd.s32 $0x3, s9;
	s11 =	sadd.s32 $0x2, s9;
	v14 =	vadd.f32 v4, v1  }
0x1c4: {  	s13 =	sadd.s32 $0x1, s9;
	s9 =	smov.u32 s10;
	v1 =	vmov s11;
	v4 =	vmov s12;
	v44 =	vld.idx.msk [tilespmem:v19+s7+$0x0], $0xffff;
	v19 =	vadd.f32 $2.000000000e+00, v15  }
0x1c5: {  	v22 =	vmov s13;
	v45 =	vld.idx.msk [tilespmem:v9+s7+$0x0], $0xffff;
	v9 =	vadd.f32 $2.000000000e+00, v18;
	(erf) = vrcp.f32 v21  }
0x1c6: {  	vm3 =	veq.s32 v20, v11;
	v20 =	vadd.f32 $1.000000000e+00, v16;
	v46 =	vld.idx.msk [tilespmem:v8+s7+$0x0], $0xffff;
	(erf) = vrcp.f32 v19  }
0x1c7: {  	vm1 =	veq.s32 v4, v11;
	v8 =	vld.idx.msk [tilespmem:v7+s7+$0x0], $0xffff;
	v7 =	vadd.f32 $2.000000000e+00, v17;
	(erf) = vrcp.f32 v9  }
0x1c8: {  	vm2 =	veq.s32 v1, v11;
	v1 =	vadd.f32 $2.000000000e+00, v16;
	(erf) = vrcp.f32 v20  }
0x1c9: {  	vm4 =	veq.s32 v22, v11;
	v4 =	vadd.f32 $1.000000000e+00, v17;
	(erf) = vrcp.f32 v7  }
0x1ca: {  	v9 =	vadd.f32 $1.000000000e+00, v18;
	v7 =	vand.u32 $0x7FFFFFFF, v44;
	(erf) = vrcp.f32 v1  }
0x1cb: {  	v1 =	vand.u32 $0x7FFFFFFF, v45;
	v7 =	vsub.f32 $0.0e+00, v7;
	(erf) = vrcp.f32 v4  }
0x1cc: {  	v4 =	vand.u32 $0x7FFFFFFF, v46;
	v1 =	vsub.f32 $0.0e+00, v1;
	(erf) = vrcp.f32 v9  }
0x1cd: {  	v9 =	vand.u32 $0x7FFFFFFF, v8;
	v4 =	vsub.f32 $0.0e+00, v4;
	v7 =	vmul.f32 $1.442695020e+00, v7  }
0x1ce: {  	vm8 =	vge.f32 v6, $0.0e+00;
	v9 =	vsub.f32 $0.0e+00, v9;
	v22 =	vmul.f32 $1.442695020e+00, v1;
	v19 =	vpop (erf)  }
0x1cf: {  	v20 =	vmul.f32 $1.442695020e+00, v4;
	v4 =	vmax.f32 v12, $0.0e+00;
	(erf) = vpow2.f32 v7;
	v21 =	vpop (erf)  }
0x1d0: {  	v23 =	vmul.f32 $1.442695020e+00, v9;
	v7 =	vmax.f32 v13, $0.0e+00;
	(erf) = vpow2.f32 v22;
	v1 =	vpop (erf)  }
0x1d1: {  	vm7 =	vge.f32 v10, $0.0e+00;
	(erf) = vpow2.f32 v20;
	v1 =	vmul.f32 v1, v18;
	v18 =	vpop (erf)  }
0x1d2: {  	vm5 =	vge.f32 v13, $0.0e+00;
	vm6 =	vge.f32 v12, $0.0e+00;
	(erf) = vpow2.f32 v23;
	v9 =	vpop (erf)  }
0x1d3: {  	v20 =	vmul.f32 v1, v1;
	v24 =	vmul.f32 v9, v17;
	v17 =	vsub.f32 $1.000000000e+00, v19;
	v9 =	vpop (erf)  }
0x1d4: {  	v21 =	vmul.f32 v21, v15;
	v26 =	vsub.f32 $1.000000000e+00, v18;
	v16 =	vmul.f32 v9, v16;
	v27 =	vpop (erf)  }
0x1d5: {  	v32 =	vmul.f32 $9.090909360e-02, v20;
	v22 =	vmul.f32 v24, v24;
	v28 =	vsub.f32 $1.000000000e+00, v27;
	v29 =	vpop (erf)  }
0x1d6: {  	v9 =	vadd.f32 v21, v21;
	v48 =	vsel vm8, v19, v17;
	v30 =	vsub.f32 $1.000000000e+00, v29  }
0x1d7: {  	v23 =	vmul.f32 v16, v16;
	v36 =	vadd.f32 $1.111111120e-01, v32;
	v31 =	vmul.f32 $9.090909360e-02, v22  }
0x1d8: {  	v21 =	vmul.f32 v21, v21;
	v19 =	vadd.f32 v16, v16;
	v50 =	vsub.f32 $1.000000000e+00, v48;
	v15 =	vpop (erf)  }
0x1d9: {  	v47 =	vmul.f32 $9.090909360e-02, v23;
	v16 =	vpop (erf);
	v32 =	vmul.f32 v36, v20;
	v31 =	vadd.f32 $1.111111120e-01, v31  }
0x1da: {  	v26 =	vsel vm7, v18, v26;
	v24 =	vadd.f32 v24, v24;
	v49 =	vmul.f32 $9.090909360e-02, v21;
	v17 =	vpop (erf)  }
0x1db: {  	v47 =	vadd.f32 $1.111111120e-01, v47;
	v18 =	vpop (erf);
	v32 =	vadd.f32 $1.428571490e-01, v32;
	v31 =	vmul.f32 v31, v22  }
.Ltmp2:
0x1dc: {  	v1 =	vadd.f32 v1, v1;
	v27 =	vsel vm6, v27, v28;
	v49 =	vadd.f32 $1.111111120e-01, v49;
	(pc) =	sbr.rel @p0 .LBB2_5-.Ltmp2, $4  }
0x1dd: {  	v47 =	vmul.f32 v47, v23;
	v32 =	vmul.f32 v32, v20;
	v51 =	vadd.f32 $1.428571490e-01, v31  }
0x1de: {  	v28 =	vsel vm5, v29, v30;
	v29 =	vsub.f32 $1.000000000e+00, v26;
	v49 =	vmul.f32 v49, v21  }
0x1df: {  	v47 =	vadd.f32 $1.428571490e-01, v47;
	v31 =	vadd.f32 $2.000000030e-01, v32;
	v32 =	vmul.f32 v51, v22  }
0x1e0: {  	s10 =	sadd.s32 $0x4, s10;
	v30 =	vsub.f32 $1.000000000e+00, v27;
	v48 =	vsel vm1, v48, v50;
	v49 =	vadd.f32 $1.428571490e-01, v49  }
0x1e1: {  	v31 =	vmul.f32 v31, v20;
	v32 =	vadd.f32 $2.000000030e-01, v32  }
0x1e2: {  	v47 =	vmul.f32 v47, v23  }
0x1e3: {  	v50 =	vsub.f32 $1.000000000e+00, v28;
	v31 =	vadd.f32 $3.333333430e-01, v31;
	v32 =	vmul.f32 v32, v22  }
0x1e4: {  	v48 =	vsub.f32 $1.000000000e+00, v48;
	v49 =	vmul.f32 v49, v21;
	v47 =	vadd.f32 $2.000000030e-01, v47  }
0x1e5: {  	v26 =	vsel vm2, v26, v29;
	v20 =	vmul.f32 v31, v20;
	v31 =	vadd.f32 $3.333333430e-01, v32  }
0x1e6: {  	v27 =	vsel vm4, v27, v30;
	v29 =	vadd.f32 $2.000000030e-01, v49;
	v30 =	vmul.f32 v47, v23  }
0x1e7: {  	v26 =	vsub.f32 $1.000000000e+00, v26;
	v20 =	vadd.f32 $1.000000000e+00, v20;
	v22 =	vmul.f32 v31, v22  }
0x1e8: {  	v28 =	vsel vm3, v28, v50;
	v29 =	vmul.f32 v29, v21;
	v30 =	vadd.f32 $3.333333430e-01, v30  }
0x1e9: {  	v27 =	vsub.f32 $1.000000000e+00, v27;
	v1 =	vmul.f32 v20, v1;
	v20 =	vadd.f32 $1.000000000e+00, v22  }
0x1ea: {  	v28 =	vsub.f32 $1.000000000e+00, v28;
	v29 =	vadd.f32 $3.333333430e-01, v29;
	v23 =	vmul.f32 v30, v23  }
0x1eb: {  	v30 =	vmul.f32 $2.500000000e-01, v26;
	v1 =	vadd.f32 v1, v7;
	v7 =	vmul.f32 v20, v24  }
0x1ec: {  	v20 =	vmul.f32 v29, v21;
	v21 =	vadd.f32 $1.000000000e+00, v23;
	v23 =	vmul.f32 $2.500000000e-01, v28  }
0x1ed: {  	v24 =	vmul.f32 $2.500000000e-01, v27;
	v13 =	vsub.f32 v1, v13;
	v4 =	vadd.f32 v7, v4  }
0x1ee: {  	v7 =	vadd.f32 $1.000000000e+00, v20;
	v19 =	vmul.f32 v21, v19;
	v20 =	vmul.f32 v23, v28  }
0x1ef: {  	v21 =	vmax.f32 v10, $0.0e+00;
	v1 =	vsel vm3, v13, v1;
	v12 =	vsub.f32 v4, v12  }
0x1f0: {  	v7 =	vmul.f32 v7, v9;
	v9 =	vadd.f32 v19, v21;
	v13 =	vmul.f32 v24, v27  }
0x1f1: {  	v19 =	vmax.f32 v6, $0.0e+00;
	v1 =	vmul.f32 v1, v20;
	v4 =	vsel vm4, v12, v4  }
0x1f2: {  	v10 =	vsub.f32 v9, v10;
	v7 =	vadd.f32 v7, v19;
	v12 =	vmul.f32 v30, v26  }
0x1f3: {  	v1 =	vnsel vm0, $0x0, v1;
	v4 =	vmul.f32 v4, v13;
	v13 =	vadd.f32 $1.000000000e+00, v15  }
0x1f4: {  	v1 =	vadd.f32 v1, v14;
	v9 =	vsel vm2, v10, v9;
	v10 =	vadd.f32 $2.000000000e+00, v15  }
0x1f5: {  	v22 =	vmul.f32 $2.500000000e-01, v48;
	v6 =	vsub.f32 v7, v6;
	v14 =	vadd.f32 $2.000000000e+00, v18  }
0x1f6: {  	(erf) = vrcp.f32 v13;
	v4 =	vnsel vm0, $0x0, v4;
	v9 =	vmul.f32 v9, v12  }
0x1f7: {  	v13 =	vadd.f32 $1.000000000e+00, v16;
	v12 =	vmul.f32 v22, v48;
	(erf) = vrcp.f32 v10  }
0x1f8: {  	v10 =	vadd.f32 $2.000000000e+00, v17;
	v1 =	vadd.f32 v4, v1;
	(erf) = vrcp.f32 v14  }
0x1f9: {  	v4 =	vadd.f32 $1.000000000e+00, v17;
	v14 =	vadd.f32 $2.000000000e+00, v16;
	(erf) = vrcp.f32 v13  }
0x1fa: {  	v6 =	vsel vm1, v6, v7;
	v9 =	vnsel vm0, $0x0, v9;
	(erf) = vrcp.f32 v10  }
0x1fb: {  	v6 =	vmul.f32 v6, v12;
	v1 =	vadd.f32 v9, v1;
	(erf) = vrcp.f32 v14  }
0x1fc: {  	v7 =	vadd.f32 $1.000000000e+00, v18  }
0x1fd: {  	s7 =	sadd.s32 $0x2, s9;
	(erf) = vrcp.f32 v4;
	v4 =	vnsel vm0, $0x0, v6  }
0x1fe: {  	(erf) = vrcp.f32 v7;
	v6 =	vadd.f32 v4, v1;
	v4 =	vmov s7  }
0x1ff: {  	s8 =	sadd.s32 $0x3, s9;
	vm6 =	vge.f32 v44, $0.0e+00;
	vm7 =	vge.f32 v45, $0.0e+00;
	v7 =	vmov s9;
	v1 =	vpop (erf)  }
0x200: {  	s28 =	sadd.s32 $0x1, s9;
	vm5 =	vge.f32 v8, $0.0e+00;
	vm8 =	vge.f32 v46, $0.0e+00;
	v9 =	vmov s8;
	v12 =	vpop (erf)  }
0x201: {  	v10 =	vmov s28;
	vm2 =	veq.s32 v4, v11;
	v4 =	vpop (erf);
	v12 =	vmul.f32 v12, v15  }
0x202: {  	vm1 =	veq.s32 v9, v11;
	vm15 =	veq.s32 v7, v11;
	v4 =	vmul.f32 v4, v18;
	v7 =	vpop (erf)  }
0x203: {  	vm3 =	veq.s32 v10, v11;
	v11 =	vpop (erf);
	v23 =	vadd.f32 v12, v12;
	v12 =	vmul.f32 v12, v12  }
0x204: {  	v18 =	vsub.f32 $1.000000000e+00, v7;
	v13 =	vmul.f32 v4, v4;
	v14 =	vpop (erf);
	v11 =	vmul.f32 v11, v17  }
0x205: {  	v17 =	vsub.f32 $1.000000000e+00, v1;
	v28 =	vadd.f32 v4, v4;
	v14 =	vmul.f32 v14, v16  }
0x206: {  	v16 =	vpop (erf);
	v7 =	vsel vm7, v7, v18;
	v18 =	vmul.f32 $9.090909360e-02, v12;
	v15 =	vmul.f32 $9.090909360e-02, v13  }
0x207: {  	v19 =	vpop (erf);
	v20 =	vmul.f32 v11, v11;
	v21 =	vsub.f32 $1.000000000e+00, v16;
	v1 =	vsel vm6, v1, v17  }
0x208: {  	v11 =	vadd.f32 v11, v11;
	v22 =	vsub.f32 $1.000000000e+00, v19;
	v24 =	vmul.f32 v14, v14  }
0x209: {  	v26 =	vsub.f32 $1.000000000e+00, v1;
	v15 =	vadd.f32 $1.111111120e-01, v15;
	v17 =	vmul.f32 $9.090909360e-02, v20  }
0x20a: {  	v4 =	vsel vm8, v16, v21;
	v16 =	vadd.f32 $1.111111120e-01, v18;
	v19 =	vsel vm5, v19, v22  }
0x20b: {  	v22 =	vsub.f32 $1.000000000e+00, v4;
	v15 =	vmul.f32 v15, v13;
	v17 =	vadd.f32 $1.111111120e-01, v17  }
0x20c: {  	[tilespmem:$0xC3C8] =	vst v25;
	s29 =	simm.s32 $0x0;
	v21 =	vsub.f32 $1.000000000e+00, v7;
	v27 =	vmul.f32 $9.090909360e-02, v24;
	v16 =	vmul.f32 v16, v12  }
0x20d: {  	v22 =	vsel vm3, v4, v22;
	v4 =	vld [tilespmem:s29+$0x9CD0];
	v15 =	vadd.f32 $1.428571490e-01, v15;
	v17 =	vmul.f32 v17, v20  }
0x20e: {  	v1 =	vsel vm1, v1, v26;
	v27 =	vadd.f32 $1.111111120e-01, v27;
	v16 =	vadd.f32 $1.428571490e-01, v16  }
0x20f: {  	v26 =	vsub.f32 $1.000000000e+00, v19;
	v15 =	vmul.f32 v15, v13;
	v17 =	vadd.f32 $1.428571490e-01, v17  }
0x210: {  	v1 =	vsub.f32 $1.000000000e+00, v1;
	v18 =	vmul.f32 v27, v24;
	v16 =	vmul.f32 v16, v12  }
0x211: {  	v7 =	vsel vm2, v7, v21;
	v15 =	vadd.f32 $2.000000030e-01, v15;
	v17 =	vmul.f32 v17, v20  }
0x212: {  	v18 =	vadd.f32 $1.428571490e-01, v18;
	v16 =	vadd.f32 $2.000000030e-01, v16;
	v27 =	vand.u32 $0x7FFFFFFF, v4  }
0x213: {  	v27 =	vsub.f32 $0.0e+00, v27;
	v15 =	vmul.f32 v15, v13;
	v17 =	vadd.f32 $2.000000030e-01, v17  }
0x214: {  	v7 =	vsub.f32 $1.000000000e+00, v7;
	v18 =	vmul.f32 v18, v24;
	v16 =	vmul.f32 v16, v12  }
0x215: {  	v27 =	vmul.f32 $1.442695020e+00, v27;
	v15 =	vadd.f32 $3.333333430e-01, v15;
	v17 =	vmul.f32 v17, v20  }
0x216: {  	v9 =	vmax.f32 v46, $0.0e+00;
	v18 =	vadd.f32 $2.000000030e-01, v18;
	v16 =	vadd.f32 $3.333333430e-01, v16  }
0x217: {  	(erf) = vpow2.f32 v27;
	v13 =	vmul.f32 v15, v13;
	v15 =	vadd.f32 $3.333333430e-01, v17  }
0x218: {  	v17 =	vmul.f32 v18, v24;
	v18 =	vsel vm15, v19, v26;
	v19 =	vld [tilespmem:s29+$0x9C90];
	v12 =	vmul.f32 v16, v12  }
0x219: {  	v26 =	vld [tilespmem:s29+$0x9CB0];
	v18 =	vsub.f32 $1.000000000e+00, v18;
	v13 =	vadd.f32 $1.000000000e+00, v13;
	v15 =	vmul.f32 v15, v20  }
0x21a: {  	v21 =	vld [tilespmem:s29+$0x9CA0];
	v17 =	vadd.f32 $3.333333430e-01, v17;
	v20 =	vsub.f32 $1.000000000e+00, v22;
	v22 =	vmul.f32 $2.500000000e-01, v1  }
0x21b: {  	v12 =	vadd.f32 $1.000000000e+00, v12;
	v30 =	vmul.f32 $2.500000000e-01, v18;
	v13 =	vmul.f32 v13, v28  }
0x21c: {  	v15 =	vadd.f32 $1.000000000e+00, v15;
	v17 =	vmul.f32 v17, v24;
	v24 =	vmul.f32 $2.500000000e-01, v7  }
0x21d: {  	v10 =	vmax.f32 v8, $0.0e+00;
	v28 =	vld [tilespmem:s29+$0x9CC0];
	v12 =	vmul.f32 v12, v23;
	v1 =	vmul.f32 v22, v1  }
0x21e: {  	v16 =	vand.u32 $0x7FFFFFFF, v19;
	v29 =	vand.u32 $0x7FFFFFFF, v26;
	v11 =	vmul.f32 v15, v11  }
0x21f: {  	v15 =	vsub.f32 $0.0e+00, v16;
	v16 =	vand.u32 $0x7FFFFFFF, v21;
	v27 =	vsub.f32 $0.0e+00, v29  }
0x220: {  	v10 =	vadd.f32 v13, v10;
	v7 =	vmul.f32 v24, v7;
	v16 =	vsub.f32 $0.0e+00, v16  }
0x221: {  	v14 =	vadd.f32 v14, v14;
	v15 =	vmul.f32 $1.442695020e+00, v15;
	v13 =	vmul.f32 $1.442695020e+00, v27  }
0x222: {  	v8 =	vsub.f32 v10, v8;
	v29 =	vand.u32 $0x7FFFFFFF, v28;
	v16 =	vmul.f32 $1.442695020e+00, v16  }
0x223: {  	v29 =	vsub.f32 $0.0e+00, v29;
	(erf) = vpow2.f32 v15;
	v15 =	vadd.f32 $1.000000000e+00, v17  }
0x224: {  	v9 =	vadd.f32 v11, v9;
	(erf) = vpow2.f32 v16;
	v16 =	vmul.f32 $2.500000000e-01, v20  }
0x225: {  	v8 =	vsel vm15, v8, v10;
	v17 =	vmul.f32 $1.442695020e+00, v29;
	v11 =	vmul.f32 v15, v14  }
0x226: {  	(erf) = vpow2.f32 v13;
	v13 =	vmul.f32 v30, v18;
	v14 =	vmax.f32 v45, $0.0e+00  }
0x227: {  	v10 =	vsub.f32 v9, v46;
	(erf) = vpow2.f32 v17;
	v11 =	vadd.f32 v11, v14  }
0x228: {  	v15 =	vmax.f32 v44, $0.0e+00;
	v8 =	vmul.f32 v8, v13;
	v13 =	vmul.f32 v16, v20  }
0x229: {  	v9 =	vsel vm3, v10, v9;
	v12 =	vadd.f32 v12, v15;
	v14 =	vpop (erf);
	v16 =	vsub.f32 v11, v45  }
0x22a: {  	v10 =	vadd.f32 $2.000000000e+00, v14;
	v9 =	vmul.f32 v9, v13;
	v8 =	vnsel vm0, $0x0, v8  }
0x22b: {  	v6 =	vadd.f32 v8, v6;
	v8 =	vsel vm2, v16, v11;
	v11 =	vsub.f32 v12, v44  }
0x22c: {  	(erf) = vrcp.f32 v10;
	v9 =	vnsel vm0, $0x0, v9;
	v7 =	vmul.f32 v8, v7  }
0x22d: {  	s30 =	simm.s32 $0x50;
	v6 =	vadd.f32 v9, v6;
	v9 =	vsel vm1, v11, v12  }
0x22e: {  	v53 =	vld [tilespmem:s30+$0x9CD0];
	v15 =	vpop (erf);
	v7 =	vnsel vm0, $0x0, v7;
	v1 =	vmul.f32 v9, v1  }
0x22f: {  	v10 =	vadd.f32 $2.000000000e+00, v15;
	v16 =	vpop (erf);
	v6 =	vadd.f32 v7, v6  }
0x230: {  	v13 =	vadd.f32 $2.000000000e+00, v16;
	v17 =	vpop (erf);
	v1 =	vnsel vm0, $0x0, v1  }
0x231: {  	v27 =	vld [tilespmem:s30+$0x9C90];
	v8 =	vadd.f32 $2.000000000e+00, v17;
	(erf) = vrcp.f32 v10;
	v18 =	vpop (erf);
	v1 =	vadd.f32 v1, v6  }
0x232: {  	(erf) = vrcp.f32 v13;
	v10 =	vadd.f32 $2.000000000e+00, v18  }
0x233: {  	v57 =	vand.u32 $0x7FFFFFFF, v53;
	v29 =	vld [tilespmem:s30+$0x9CA0];
	(erf) = vrcp.f32 v8  }
0x234: {  	v47 =	vsub.f32 $0.0e+00, v57;
	v46 =	vld [tilespmem:s30+$0x9CC0];
	(erf) = vrcp.f32 v10  }
0x235: {  	v52 =	vimm.f32 $0.0e+00;
	[tilespmem:$0x1FDB0] =	vst v1;
	v1 =	vpop (erf)  }
0x236: {  	v47 =	vmul.f32 $1.442695020e+00, v47;
	v58 =	vand.u32 $0x7FFFFFFF, v27;
	v14 =	vmul.f32 v1, v14  }
0x237: {  	v4 =	vmax.f32 v4, $0.0e+00;
	v19 =	vmax.f32 v19, $0.0e+00;
	v48 =	vsub.f32 $0.0e+00, v58  }
0x238: {  	v54 =	vmax.f32 v27, $0.0e+00;
	v59 =	vand.u32 $0x7FFFFFFF, v29;
	v20 =	vmul.f32 v14, v14  }
0x239: {  	v51 =	vand.u32 $0x7FFFFFFF, v46;
	v48 =	vmul.f32 $1.442695020e+00, v48;
	v49 =	vsub.f32 $0.0e+00, v59  }
0x23a: {  	v61 =	vsub.f32 $0.0e+00, v51;
	v11 =	vimm.s32 $0x1;
	v1 =	vpop (erf);
	v22 =	vmul.f32 $9.090909360e-02, v20  }
0x23b: {  	v49 =	vmul.f32 $1.442695020e+00, v49;
	v13 =	vmax.f32 v21, $0.0e+00;
	v15 =	vmul.f32 v1, v15;
	v1 =	vpop (erf)  }
0x23c: {  	(erf) = vpow2.f32 v47;
	v47 =	vmul.f32 $1.442695020e+00, v61;
	v21 =	vpop (erf);
	v22 =	vadd.f32 $1.111111120e-01, v22  }
0x23d: {  	v12 =	vmax.f32 v26, $0.0e+00;
	(erf) = vpow2.f32 v48;
	v17 =	vmul.f32 v21, v17;
	v21 =	vpop (erf)  }
0x23e: {  	v9 =	vimm.s32 $0x4;
	v18 =	vmul.f32 v21, v18;
	v22 =	vmul.f32 v22, v20  }
0x23f: {  	v16 =	vmul.f32 v1, v16;
	v1 =	vmax.f32 v28, $0.0e+00;
	v23 =	vmul.f32 v15, v15  }
0x240: {  	v28 =	vmul.f32 v18, v18;
	v31 =	vadd.f32 v18, v18;
	v18 =	vld [tilespmem:s30+$0x9CB0];
	v22 =	vadd.f32 $1.428571490e-01, v22  }
0x241: {  	v7 =	vimm.s32 $0x6;
	v21 =	vmul.f32 v16, v16;
	v26 =	vmul.f32 $9.090909360e-02, v23  }
0x242: {  	v6 =	vimm.s32 $0x3;
	v24 =	vmul.f32 v17, v17;
	v22 =	vmul.f32 v22, v20  }
0x243: {  	(erf) = vpow2.f32 v49;
	v30 =	vmul.f32 $9.090909360e-02, v21;
	v26 =	vadd.f32 $1.111111120e-01, v26  }
0x244: {  	v55 =	vmul.f32 $9.090909360e-02, v24;
	v56 =	vmul.f32 $9.090909360e-02, v28;
	v22 =	vadd.f32 $2.000000030e-01, v22  }
0x245: {  	v30 =	vadd.f32 $1.111111120e-01, v30;
	v26 =	vmul.f32 v26, v23;
	v60 =	vand.u32 $0x7FFFFFFF, v18  }
0x246: {  	v32 =	vadd.f32 $1.111111120e-01, v55;
	v50 =	vsub.f32 $0.0e+00, v60;
	v22 =	vmul.f32 v22, v20  }
0x247: {  	v30 =	vmul.f32 v30, v21;
	v45 =	vadd.f32 $1.111111120e-01, v56;
	v26 =	vadd.f32 $1.428571490e-01, v26  }
0x248: {  	v32 =	vmul.f32 v32, v24;
	v50 =	vmul.f32 $1.442695020e+00, v50;
	v22 =	vadd.f32 $3.333333430e-01, v22  }
0x249: {  	v8 =	vimm.s32 $0x5;
	v62 =	vmul.f32 v45, v28;
	v26 =	vmul.f32 v26, v23  }
0x24a: {  	(erf) = vpow2.f32 v50;
	v20 =	vmul.f32 v22, v20;
	v22 =	vadd.f32 $1.428571490e-01, v30  }
0x24b: {  	(erf) = vpow2.f32 v47;
	v30 =	vadd.f32 $1.428571490e-01, v32;
	v32 =	vadd.f32 $1.428571490e-01, v62  }
0x24c: {  	v14 =	vadd.f32 v14, v14;
	v20 =	vadd.f32 $1.000000000e+00, v20;
	v22 =	vmul.f32 v22, v21  }
0x24d: {  	v16 =	vadd.f32 v16, v16;
	v27 =	vmul.f32 v30, v24;
	v30 =	vmul.f32 v32, v28  }
0x24e: {  	v14 =	vmul.f32 v20, v14;
	v20 =	vadd.f32 $2.000000030e-01, v26;
	v22 =	vadd.f32 $2.000000030e-01, v22  }
0x24f: {  	v10 =	vimm.s32 $0x2;
	v26 =	vpop (erf);
	v27 =	vadd.f32 $2.000000030e-01, v27;
	v30 =	vadd.f32 $2.000000030e-01, v30  }
0x250: {  	v63 =	vadd.f32 $2.000000000e+00, v26;
	v47 =	vpop (erf);
	v20 =	vmul.f32 v20, v23;
	v22 =	vmul.f32 v22, v21  }
0x251: {  	v36 =	vadd.f32 $2.000000000e+00, v47;
	v27 =	vmul.f32 v27, v24;
	v30 =	vmul.f32 v30, v28  }
0x252: {  	v37 =	vpop (erf);
	v4 =	vadd.f32 v14, v4;
	(erf) = vrcp.f32 v63;
	v22 =	vadd.f32 $3.333333430e-01, v22  }
0x253: {  	v38 =	vadd.f32 $2.000000000e+00, v37;
	v39 =	vpop (erf);
	v20 =	vadd.f32 $3.333333430e-01, v20;
	(erf) = vrcp.f32 v36  }
0x254: {  	v27 =	vadd.f32 $3.333333430e-01, v27;
	v42 =	vadd.f32 $2.000000000e+00, v39;
	v43 =	vpop (erf);
	v14 =	vmul.f32 v22, v21  }
0x255: {  	v59 =	vadd.f32 v4, v52;
	(erf) = vrcp.f32 v38;
	v63 =	vadd.f32 $2.000000000e+00, v43  }
0x256: {  	s31 =	simm.s32 $0xC3C8;
	v20 =	vmul.f32 v20, v23;
	(erf) = vrcp.f32 v42;
	v4 =	vadd.f32 $1.000000000e+00, v14  }
0x257: {  	v11 =	vld.idx.msk [tilespmem:v11+s31+$0x0], $0xffff;
	v15 =	vadd.f32 v15, v15;
	v23 =	vadd.f32 $3.333333430e-01, v30;
	(erf) = vrcp.f32 v63  }
0x258: {  	v21 =	vmul.f32 v27, v24;
	v20 =	vadd.f32 $1.000000000e+00, v20;
	v4 =	vmul.f32 v4, v16;
	v16 =	vld.msk [tilespmem:s31+$0x0], $0xffff  }
0x259: {  	v17 =	vadd.f32 v17, v17;
	v55 =	vmax.f32 v29, $0.0e+00;
	v22 =	vmul.f32 v23, v28  }
0x25a: {  	v56 =	vmax.f32 v46, $0.0e+00;
	v14 =	vmul.f32 v20, v15;
	v15 =	vadd.f32 $1.000000000e+00, v21  }
0x25b: {  	v57 =	vmax.f32 v18, $0.0e+00;
	v62 =	vimm.f32 $0.0e+00;
	v20 =	vadd.f32 $1.000000000e+00, v22;
	v18 =	vpop (erf)  }
0x25c: {  	[tilespmem:$0x1FDD0] =	vst v11;
	v63 =	vimm.f32 $0.0e+00;
	v15 =	vmul.f32 v15, v17;
	v18 =	vmul.f32 v18, v26  }
0x25d: {  	v14 =	vadd.f32 v14, v19;
	v17 =	vmul.f32 v20, v31;
	v61 =	vadd.f32 v4, v13;
	[tilespmem:$0x1FDC0] =	vst v16;
	v16 =	vpop (erf)  }
0x25e: {  	v48 =	vld.idx.msk [tilespmem:v6+s31+$0x0], $0xffff;
	v60 =	vadd.f32 v15, v12;
	v31 =	vmul.f32 v18, v18;
	v4 =	vmul.f32 v16, v47;
	v11 =	vpop (erf)  }
0x25f: {  	v58 =	vadd.f32 v14, v52;
	v6 =	vadd.f32 v17, v1;
	v47 =	vld.idx.msk [tilespmem:v10+s31+$0x0], $0xffff;
	v10 =	vmul.f32 v11, v37;
	v11 =	vpop (erf)  }
0x260: {  	v51 =	vld.idx.msk [tilespmem:v7+s31+$0x0], $0xffff;
	v1 =	vmul.f32 $9.090909360e-02, v31;
	v19 =	vmul.f32 v11, v39;
	v11 =	vpop (erf);
	v14 =	vadd.f32 v4, v4  }
0x261: {  	v49 =	vld.idx.msk [tilespmem:v9+s31+$0x0], $0xffff;
	v16 =	vmul.f32 v4, v4;
	v20 =	vmul.f32 v11, v43;
	v11 =	vadd.f32 v10, v10  }
0x262: {  	s8 =	simm.s32 $0xA0;
	s7 =	simm.s32 $0x3C0;
	v50 =	vld.idx.msk [tilespmem:v8+s31+$0x0], $0xffff;
	v17 =	vmul.f32 v10, v10;
	v1 =	vadd.f32 $1.111111120e-01, v1;
	v15 =	vmul.f32 v19, v19  }
.LBB2_7:
0x263: {  	p0 =	sne.s32 s7, $0x500;
	v8 =	vld [tilespmem:s8+$0x9CD0];
	v9 =	vmul.f32 $9.090909360e-02, v16;
	v4 =	vadd.f32 v19, v19;
	v10 =	vmul.f32 v20, v20  }
0x264: {  	v7 =	vadd.f32 v20, v20;
	v12 =	vld [tilespmem:s8+$0x9C90];
	v13 =	vmul.f32 $9.090909360e-02, v17;
	v1 =	vmul.f32 v1, v31  }
0x265: {  	v20 =	vmul.f32 $9.090909360e-02, v15;
	v19 =	vld [tilespmem:s8+$0x9CA0];
	v9 =	vadd.f32 $1.111111120e-01, v9;
	v21 =	vmul.f32 $9.090909360e-02, v10  }
0x266: {  	v22 =	vld [tilespmem:s8+$0x9CB0];
	v13 =	vadd.f32 $1.111111120e-01, v13;
	v1 =	vadd.f32 $1.428571490e-01, v1  }
0x267: {  	v20 =	vadd.f32 $1.111111120e-01, v20;
	v23 =	vld [tilespmem:s8+$0x9CC0];
	v9 =	vmul.f32 v9, v16;
	v21 =	vadd.f32 $1.111111120e-01, v21  }
0x268: {  	v24 =	vand.u32 $0x7FFFFFFF, v8;
	v13 =	vmul.f32 v13, v17;
	v1 =	vmul.f32 v1, v31  }
0x269: {  	v20 =	vmul.f32 v20, v15;
	v26 =	vand.u32 $0x7FFFFFFF, v12;
	v24 =	vsub.f32 $0.0e+00, v24  }
0x26a: {  	v26 =	vsub.f32 $0.0e+00, v26;
	v27 =	vand.u32 $0x7FFFFFFF, v19;
	v1 =	vadd.f32 $2.000000030e-01, v1  }
0x26b: {  	v27 =	vsub.f32 $0.0e+00, v27;
	v28 =	vand.u32 $0x7FFFFFFF, v22;
	v24 =	vmul.f32 $1.442695020e+00, v24  }
0x26c: {  	v28 =	vsub.f32 $0.0e+00, v28;
	v29 =	vand.u32 $0x7FFFFFFF, v23;
	v1 =	vmul.f32 v1, v31  }
0x26d: {  	v26 =	vmul.f32 $1.442695020e+00, v26;
	v29 =	vsub.f32 $0.0e+00, v29;
	(erf) = vpow2.f32 v24  }
0x26e: {  	v24 =	vmul.f32 $1.442695020e+00, v27;
	v27 =	vmul.f32 $1.442695020e+00, v28;
	v1 =	vadd.f32 $3.333333430e-01, v1  }
0x26f: {  	v9 =	vadd.f32 $1.428571490e-01, v9;
	v28 =	vmul.f32 $1.442695020e+00, v29;
	(erf) = vpow2.f32 v26  }
0x270: {  	v13 =	vadd.f32 $1.428571490e-01, v13;
	(erf) = vpow2.f32 v24;
	v1 =	vmul.f32 v1, v31  }
0x271: {  	v21 =	vmul.f32 v21, v10;
	v20 =	vadd.f32 $1.428571490e-01, v20;
	(erf) = vpow2.f32 v27  }
0x272: {  	v18 =	vadd.f32 v18, v18;
	(erf) = vpow2.f32 v28;
	v1 =	vadd.f32 $1.000000000e+00, v1  }
0x273: {  	v9 =	vmul.f32 v9, v16;
	v21 =	vadd.f32 $1.428571490e-01, v21;
	v13 =	vmul.f32 v13, v17  }
0x274: {  	v12 =	vmax.f32 v12, $0.0e+00;
	v20 =	vmul.f32 v20, v15;
	v1 =	vmul.f32 v1, v18  }
0x275: {  	v9 =	vadd.f32 $2.000000030e-01, v9;
	v18 =	vmul.f32 v21, v10;
	v21 =	vmax.f32 v53, $0.0e+00;
	v53 =	vmovc v8  }
0x276: {  	v13 =	vadd.f32 $2.000000030e-01, v13;
	v8 =	vmax.f32 v19, $0.0e+00;
	v19 =	vpop (erf);
	v1 =	vadd.f32 v1, v21  }
0x277: {  	v20 =	vadd.f32 $2.000000030e-01, v20;
	v9 =	vmul.f32 v9, v16;
	v21 =	vadd.f32 $2.000000000e+00, v19  }
0x278: {  	v13 =	vmul.f32 v13, v17;
	v18 =	vadd.f32 $2.000000030e-01, v18;
	v24 =	vpop (erf);
	v59 =	vadd.f32 v1, v59  }
0x279: {  	v20 =	vmul.f32 v20, v15;
	v29 =	vadd.f32 $2.000000000e+00, v24;
	v26 =	vpop (erf);
	(erf) = vrcp.f32 v21  }
0x27a: {  	v9 =	vadd.f32 $3.333333430e-01, v9;
	v18 =	vmul.f32 v18, v10;
	v21 =	vadd.f32 $2.000000000e+00, v26;
	v27 =	vpop (erf)  }
0x27b: {  	v13 =	vadd.f32 $3.333333430e-01, v13;
	v28 =	vadd.f32 $2.000000000e+00, v27;
	(erf) = vrcp.f32 v29;
	v1 =	vpop (erf)  }
0x27c: {  	v20 =	vadd.f32 $3.333333430e-01, v20;
	v29 =	vadd.f32 $2.000000000e+00, v1;
	(erf) = vrcp.f32 v21  }
0x27d: {  	v9 =	vmul.f32 v9, v16;
	v16 =	vadd.f32 $3.333333430e-01, v18;
	(erf) = vrcp.f32 v28  }
0x27e: {  	v13 =	vmul.f32 v13, v17;
	v21 =	vmax.f32 v22, $0.0e+00;
	(erf) = vrcp.f32 v29  }
0x27f: {  	v17 =	vmul.f32 v20, v15;
	v9 =	vadd.f32 $1.000000000e+00, v9;
	v10 =	vmul.f32 v16, v10  }
0x280: {  	v52 =	vadd.f32 v61, v52;
	v13 =	vadd.f32 $1.000000000e+00, v13;
	v22 =	vmax.f32 v23, $0.0e+00  }
0x281: {  	v16 =	vmul.f32 v9, v14;
	v14 =	vadd.f32 $1.000000000e+00, v17;
	v10 =	vadd.f32 $1.000000000e+00, v10  }
0x282: {  	v63 =	vadd.f32 v60, v63;
	v62 =	vadd.f32 v6, v62;
	v11 =	vmul.f32 v13, v11;
	v15 =	vpop (erf)  }
0x283: {  	v6 =	vadd.f32 v16, v54;
	v4 =	vmul.f32 v14, v4;
	v54 =	vmovc v12;
	v18 =	vmul.f32 v15, v19  }
0x284: {  	v61 =	vadd.f32 v11, v55;
	v55 =	vmov v8;
	v7 =	vmul.f32 v10, v7;
	v9 =	vpop (erf)  }
.Ltmp3:
0x285: {  	v60 =	vadd.f32 v4, v57;
	v8 =	vmul.f32 v9, v24;
	v31 =	vmul.f32 v18, v18;
	v9 =	vpop (erf);
	(pc) =	sbr.rel @p0 .LBB2_7-.Ltmp3, $4  }
0x286: {  	v58 =	vadd.f32 v6, v58;
	v6 =	vadd.f32 v7, v56;
	v4 =	vmul.f32 v9, v26;
	v9 =	vpop (erf)  }
0x287: {  	v14 =	vadd.f32 v8, v8;
	v19 =	vmul.f32 v9, v27;
	v7 =	vmul.f32 $9.090909360e-02, v31;
	v9 =	vpop (erf)  }
0x288: {  	v57 =	vmovc v21;
	v16 =	vmul.f32 v8, v8;
	v11 =	vadd.f32 v4, v4;
	v20 =	vmul.f32 v9, v1  }
0x289: {  	s8 =	sshra.s32 s7, $0x2;
	s7 =	sadd.s32 $0x140, s7;
	v56 =	vmovc v22;
	v17 =	vmul.f32 v4, v4;
	v15 =	vmul.f32 v19, v19;
	v1 =	vadd.f32 $1.111111120e-01, v7  }
0x28a: {  	v21 =	vld [tilespmem:s8+$0x9CD0]  }
0x28b: {  	v13 =	vld [tilespmem:s8+$0x9C90]  }
0x28c: {  	v12 =	vld [tilespmem:s8+$0x9CA0]  }
0x28d: {  	v10 =	vld [tilespmem:s8+$0x9CB0]  }
0x28e: {  	v8 =	vld [tilespmem:s8+$0x9CC0]  }
0x28f: {  	v4 =	vand.u32 $0x7FFFFFFF, v21  }
0x290: {  	v7 =	vand.u32 $0x7FFFFFFF, v13;
	v4 =	vsub.f32 $0.0e+00, v4  }
0x291: {  	v9 =	vand.u32 $0x7FFFFFFF, v12;
	v7 =	vsub.f32 $0.0e+00, v7  }
0x292: {  	v22 =	vand.u32 $0x7FFFFFFF, v10;
	v9 =	vsub.f32 $0.0e+00, v9;
	v4 =	vmul.f32 $1.442695020e+00, v4  }
0x293: {  	v23 =	vand.u32 $0x7FFFFFFF, v8;
	v22 =	vsub.f32 $0.0e+00, v22;
	v7 =	vmul.f32 $1.442695020e+00, v7  }
0x294: {  	v27 =	vsub.f32 $0.0e+00, v23;
	v9 =	vmul.f32 $1.442695020e+00, v9;
	(erf) = vpow2.f32 v4  }
0x295: {  	v28 =	vmul.f32 $1.442695020e+00, v22;
	(erf) = vpow2.f32 v7  }
0x296: {  	v4 =	vmul.f32 $1.442695020e+00, v27;
	(erf) = vpow2.f32 v9  }
0x297: {  	(erf) = vpow2.f32 v28  }
0x298: {  	(erf) = vpow2.f32 v4;
	_ =	sdelay $0x4  }
0x299: {  	v30 =	vpop (erf)  }
0x29a: {  	v29 =	vadd.f32 $2.000000000e+00, v30;
	v26 =	vpop (erf)  }
0x29b: {  	v32 =	vadd.f32 $2.000000000e+00, v26;
	v24 =	vpop (erf)  }
0x29c: {  	v37 =	vand.u32 $0x7FFFFFFF, v3;
	(erf) = vrcp.f32 v29;
	v36 =	vadd.f32 $2.000000000e+00, v24;
	v23 =	vpop (erf)  }
0x29d: {  	v38 =	vsub.f32 $0.0e+00, v37;
	(erf) = vrcp.f32 v32;
	v39 =	vadd.f32 $2.000000000e+00, v23;
	v22 =	vpop (erf)  }
0x29e: {  	(erf) = vrcp.f32 v36;
	v42 =	vadd.f32 $2.000000000e+00, v22  }
0x29f: {  	v7 =	vmul.f32 $1.442695020e+00, v38;
	(erf) = vrcp.f32 v39  }
0x2a0: {  	(erf) = vrcp.f32 v42  }
0x2a1: {  	(erf) = vpow2.f32 v7;
	_ =	sdelay $0x3  }
0x2a2: {  	v32 =	vpop (erf)  }
0x2a3: {  	v29 =	vpop (erf)  }
0x2a4: {  	v4 =	vpop (erf)  }
0x2a5: {  	v28 =	vpop (erf)  }
0x2a6: {  	v43 =	vand.u32 $0x7FFFFFFF, v2;
	v27 =	vpop (erf)  }
0x2a7: {  	v7 =	vsub.f32 $0.0e+00, v43;
	v44 =	vpop (erf)  }
0x2a8: {  	v9 =	vadd.f32 $1.000000000e+00, v44  }
0x2a9: {  	v7 =	vmul.f32 $1.442695020e+00, v7  }
0x2aa: {  	(erf) = vrcp.f32 v9  }
0x2ab: {  	(erf) = vpow2.f32 v7;
	_ =	sdelay $0x3  }
0x2ac: {  	v45 =	vld [tilespmem:$0x1FFE0]  }
0x2ad: {  	v46 =	vld [tilespmem:$0x1FFF0];
	_ =	sdelay $0x2  }
0x2ae: {  	v37 =	vmov v2;
	v2 =	vpop (erf)  }
0x2af: {  	v38 =	vand.u32 $0x7FFFFFFF, v5;
	v9 =	vmax.f32 v45, $-4.000000000e+00;
	v7 =	vpop (erf)  }
0x2b0: {  	v36 =	vmovc v3;
	v3 =	vmax.f32 v46, $-4.000000000e+00;
	v9 =	vmin.f32 v9, $4.000000000e+00;
	v7 =	vadd.f32 $1.000000000e+00, v7  }
0x2b1: {  	v3 =	vmin.f32 v3, $4.000000000e+00;
	v45 =	vmovc v5;
	v5 =	vsub.f32 $0.0e+00, v38;
	v9 =	vmul.f32 $1.442695020e+00, v9  }
0x2b2: {  	v3 =	vmul.f32 $1.442695020e+00, v3;
	(erf) = vrcp.f32 v7  }
0x2b3: {  	v5 =	vmul.f32 $1.442695020e+00, v5;
	(erf) = vpow2.f32 v9  }
0x2b4: {  	(erf) = vpow2.f32 v3  }
0x2b5: {  	(erf) = vpow2.f32 v5;
	_ =	sdelay $0x5  }
0x2b6: {  	v3 =	vpop (erf)  }
0x2b7: {  	v5 =	vpop (erf)  }
0x2b8: {  	v39 =	vand.u32 $0x7FFFFFFF, v41;
	v38 =	vpop (erf)  }
0x2b9: {  	v42 =	vsub.f32 $0.0e+00, v39;
	v7 =	vpop (erf)  }
0x2ba: {  	v39 =	vadd.f32 $2.000000000e+00, v7  }
0x2bb: {  	v9 =	vmul.f32 $1.442695020e+00, v42  }
0x2bc: {  	(erf) = vrcp.f32 v39  }
0x2bd: {  	(erf) = vpow2.f32 v9;
	_ =	sdelay $0x4  }
0x2be: {  	v44 =	vld [tilespmem:$0x1FFC0];
	_ =	sdelay $0x2  }
0x2bf: {  	v9 =	vpop (erf)  }
0x2c0: {  	v43 =	vpop (erf)  }
0x2c1: {  	v39 =	vadd.f32 $1.000000000e+00, v43;
	v43 =	vmul.f32 $4.000000000e+01, v44;
	v44 =	vld [tilespmem:$0x1FFD0];
	_ =	sdelay $0x1  }
0x2c2: {  	v42 =	vand.u32 $0x7FFFFFFF, v40  }
0x2c3: {  	v46 =	vld [tilespmem:$0x1FFB0];
	(erf) = vrcp.f32 v39;
	v39 =	vsub.f32 $0.0e+00, v42;
	v42 =	vsub.f32 $1.000000000e+00, v2  }
0x2c4: {  	vm1 =	vge.f32 v36, $0.0e+00  }
0x2c5: {  	v2 =	vsel vm1, v2, v42;
	vm1 =	vge.f32 v37, $0.0e+00;
	v37 =	vmul.f32 $4.000000000e+01, v44;
	v44 =	vld [tilespmem:$0x1FFA0];
	_ =	sdelay $0x1  }
0x2c6: {  	v39 =	vmul.f32 $1.442695020e+00, v39  }
0x2c7: {  	v1 =	vmul.f32 v1, v31;
	v36 =	vcvt.s32.f32 v46;
	v46 =	vld [tilespmem:$0x1FF90]  }
0x2c8: {  	(erf) = vpow2.f32 v39;
	v39 =	vsub.f32 $1.000000000e+00, v3  }
0x2c9: {  	v1 =	vadd.f32 $1.428571490e-01, v1;
	v5 =	vmul.f32 $5.000000000e-01, v5;
	v44 =	vcvt.s32.f32 v44  }
0x2ca: {  	v2 =	vadd.f32 v36, v2;
	v36 =	vmul.f32 $5.000000000e-01, v43;
	v3 =	vsel vm1, v3, v39  }
0x2cb: {  	v1 =	vmul.f32 v1, v31;
	v3 =	vadd.f32 v44, v3;
	v44 =	vld [tilespmem:$0x1FF80]  }
0x2cc: {  	v42 =	vsub.f32 v2, v5;
	v43 =	vsub.f32 v36, v46  }
0x2cd: {  	v1 =	vadd.f32 $2.000000030e-01, v1  }
0x2ce: {  	v37 =	vmul.f32 $5.000000000e-01, v37;
	v43 =	vadd.f32 v42, v43  }
0x2cf: {  	v1 =	vmul.f32 v1, v31;
	v38 =	vmul.f32 $5.000000000e-01, v38  }
0x2d0: {  	v5 =	vadd.f32 v2, v5;
	v2 =	vand.u32 $0x7FFFFFFF, v43;
	v43 =	vsub.f32 v37, v44  }
0x2d1: {  	v39 =	vsub.f32 v3, v38  }
0x2d2: {  	v1 =	vadd.f32 $3.333333430e-01, v1;
	v42 =	vmul.f32 $5.000000000e-01, v2  }
0x2d3: {  	v3 =	vadd.f32 v3, v38;
	v38 =	vadd.f32 v39, v43  }
0x2d4: {  	v36 =	vadd.f32 v36, v46;
	v39 =	vmul.f32 v42, v2;
	v42 =	vadd.f32 $-5.000000000e-01, v2;
	v43 =	vpop (erf)  }
0x2d5: {  	v46 =	vld [tilespmem:$0x1FE60];
	vm1 =	vlt.f32 v2, $1.000000000e+00;
	v37 =	vadd.f32 v37, v44;
	v38 =	vand.u32 $0x7FFFFFFF, v38;
	v44 =	vpop (erf)  }
0x2d6: {  	v2 =	vsel vm1, v39, v42;
	v42 =	vadd.f32 $1.000000000e+00, v44;
	v44 =	vmul.f32 $5.000000000e-01, v38;
	_ =	sdelay $0x1  }
0x2d7: {  	v1 =	vmul.f32 v1, v31;
	v31 =	vmul.f32 v44, v38;
	v44 =	vld [tilespmem:$0x1FE70];
	_ =	sdelay $0x1  }
0x2d8: {  	v5 =	vsub.f32 v5, v36;
	v36 =	vmax.f32 v46, $-4.000000000e+00  }
0x2d9: {  	v36 =	vmin.f32 v36, $4.000000000e+00;
	v3 =	vsub.f32 v3, v37  }
0x2da: {  	vm1 =	vlt.f32 v38, $1.000000000e+00;
	v37 =	vadd.f32 $-5.000000000e-01, v38;
	(erf) = vrcp.f32 v42  }
0x2db: {  	v38 =	vand.u32 $0x7FFFFFFF, v5;
	v42 =	vmul.f32 $1.442695020e+00, v36;
	v36 =	vmax.f32 v44, $-4.000000000e+00;
	v44 =	vld [tilespmem:$0x1FE90]  }
0x2dc: {  	v3 =	vand.u32 $0x7FFFFFFF, v3;
	v39 =	vmul.f32 $5.000000000e-01, v38  }
0x2dd: {  	v46 =	vmul.f32 $5.000000000e-01, v3  }
0x2de: {  	v5 =	vsel vm1, v31, v37;
	v31 =	vmul.f32 v39, v38;
	v39 =	vadd.f32 $-5.000000000e-01, v38  }
0x2df: {  	v37 =	vmul.f32 v46, v3;
	v46 =	vadd.f32 $-5.000000000e-01, v3;
	vm1 =	vlt.f32 v38, $1.000000000e+00  }
0x2e0: {  	vm2 =	vlt.f32 v3, $1.000000000e+00;
	v31 =	vsel vm1, v31, v39;
	vm1 =	veq.s32 v0, v44;
	v44 =	vld [tilespmem:$0x1FEC0]  }
0x2e1: {  	v3 =	vsel vm2, v37, v46;
	v46 =	vld [tilespmem:$0x1FEA0];
	_ =	sdelay $0x3  }
0x2e2: {  	vm3 =	veq.s32 v0, v44;
	v44 =	vld [tilespmem:$0x1FDF0]  }
0x2e3: {  	(erf) = vpow2.f32 v42;
	vm5 =	veq.s32 v0, v46;
	v46 =	vld [tilespmem:$0x1FED0];
	_ =	sdelay $0x2  }
0x2e4: {  	v42 =	vld [tilespmem:$0x1FEB0];
	v36 =	vmin.f32 v36, $4.000000000e+00  }
0x2e5: {  	v36 =	vmul.f32 $1.442695020e+00, v36;
	v37 =	vpop (erf);
	v39 =	vcvt.s32.f32 v44;
	v44 =	vld [tilespmem:$0x1FDE0]  }
0x2e6: {  	vm4 =	veq.s32 v0, v46;
	v46 =	vsub.f32 $1.000000000e+00, v37  }
0x2e7: {  	(erf) = vpow2.f32 v36;
	v36 =	vsub.f32 $1.000000000e+00, v43  }
0x2e8: {  	vm6 =	vge.f32 v41, $0.0e+00  }
0x2e9: {  	vm12 =	vge.f32 v40, $0.0e+00;
	vm2 =	veq.s32 v0, v42;
	v42 =	vld [tilespmem:$0x1FE40];
	v36 =	vsel vm6, v43, v36  }
0x2ea: {  	v37 =	vsel vm12, v37, v46;
	v46 =	vpop (erf);
	v36 =	vadd.f32 v39, v36;
	v39 =	vcvt.s32.f32 v44;
	v44 =	vld [tilespmem:$0x1FE50]  }
0x2eb: {  	v40 =	vmul.f32 $5.000000000e-01, v46;
	v46 =	vld [tilespmem:$0x1FEE0];
	_ =	sdelay $0x2  }
0x2ec: {  	v18 =	vadd.f32 v18, v18;
	v6 =	vadd.f32 v6, v62  }
0x2ed: {  	v21 =	vmax.f32 v21, $0.0e+00;
	v38 =	vnsel vm0, $0x0, v42;
	v41 =	vnsel vm0, $0x0, v44;
	v44 =	vld [tilespmem:$0x1FEF0]  }
0x2ee: {  	v13 =	vmax.f32 v13, $0.0e+00;
	v38 =	vmul.f32 $2.000000000e+01, v38;
	vm10 =	veq.s32 v0, v46;
	v46 =	vpop (erf)  }
0x2ef: {  	v42 =	vsub.f32 v36, v40;
	v36 =	vadd.f32 v36, v40;
	v40 =	vmul.f32 $5.000000000e-01, v46;
	v46 =	vld [tilespmem:$0x1FF00]  }
0x2f0: {  	v12 =	vmax.f32 v12, $0.0e+00;
	v37 =	vadd.f32 v39, v37;
	v39 =	vmul.f32 $2.000000000e+01, v41  }
0x2f1: {  	v10 =	vmax.f32 v10, $0.0e+00;
	v2 =	vadd.f32 v5, v2;
	v38 =	vmul.f32 $5.000000000e-01, v38  }
0x2f2: {  	v1 =	vadd.f32 $1.000000000e+00, v1;
	v39 =	vmul.f32 $5.000000000e-01, v39;
	vm11 =	veq.s32 v0, v44;
	v44 =	vld [tilespmem:$0x1FF10]  }
0x2f3: {  	v8 =	vmax.f32 v8, $0.0e+00;
	v2 =	vadd.f32 v2, v31;
	v43 =	vsub.f32 v38, v35  }
0x2f4: {  	vm14 =	veq.s32 v0, v46;
	v41 =	vsub.f32 v37, v40;
	v46 =	vsub.f32 v39, v34  }
0x2f5: {  	v1 =	vmul.f32 v1, v18;
	v35 =	vadd.f32 v38, v35;
	v38 =	vadd.f32 v42, v43  }
0x2f6: {  	v30 =	vmul.f32 v32, v30;
	v34 =	vadd.f32 v39, v34;
	v39 =	vadd.f32 v41, v46;
	v46 =	vld [tilespmem:$0x1FF30]  }
0x2f7: {  	v23 =	vmul.f32 v28, v23;
	v2 =	vadd.f32 v2, v3;
	vm12 =	veq.s32 v0, v44;
	v44 =	vld [tilespmem:$0x1FF20]  }
0x2f8: {  	v22 =	vmul.f32 v27, v22;
	v35 =	vsub.f32 v36, v35;
	v38 =	vand.u32 $0x7FFFFFFF, v38  }
0x2f9: {  	v2 =	vmul.f32 $2.500000000e-01, v2;
	v37 =	vadd.f32 v37, v40;
	v40 =	vmul.f32 $5.000000000e-01, v38  }
0x2fa: {  	vm6 =	vcmask $0x3F04;
	v35 =	vand.u32 $0x7FFFFFFF, v35;
	v42 =	vadd.f32 $-5.000000000e-01, v38  }
0x2fb: {  	vm13 =	vlt.f32 v38, $1.000000000e+00;
	vm8 =	veq.s32 v0, v46;
	v46 =	vmul.f32 v40, v38  }
0x2fc: {  	v40 =	vmul.f32 $9.090909360e-02, v15;
	vm9 =	veq.s32 v0, v44;
	v44 =	vsub.f32 v37, v34  }
0x2fd: {  	vm7 =	vlt.f32 v35, $1.000000000e+00;
	v41 =	vadd.f32 $-5.000000000e-01, v35;
	v37 =	vand.u32 $0x7FFFFFFF, v39  }
0x2fe: {  	v40 =	vadd.f32 $1.111111120e-01, v40;
	v43 =	vmul.f32 $5.000000000e-01, v37;
	v39 =	vand.u32 $0x7FFFFFFF, v44  }
0x2ff: {  	v34 =	vsel vm13, v46, v42;
	v44 =	vmul.f32 $5.000000000e-01, v35;
	v46 =	vmul.f32 $5.000000000e-01, v39  }
0x300: {  	vm15 =	vlt.f32 v37, $1.000000000e+00;
	v38 =	vmul.f32 v43, v37;
	v37 =	vadd.f32 $-5.000000000e-01, v37  }
0x301: {  	v36 =	vmul.f32 v44, v35;
	v44 =	vmul.f32 v46, v39;
	v46 =	vadd.f32 $-5.000000000e-01, v39  }
0x302: {  	vm13 =	vlt.f32 v39, $1.000000000e+00;
	v37 =	vsel vm15, v38, v37;
	v39 =	vmul.f32 $9.090909360e-02, v17  }
0x303: {  	v36 =	vsel vm7, v36, v41;
	vm7 =	vcmask $0x3F08;
	v35 =	vsel vm13, v44, v46  }
0x304: {  	vm13 =	vmand vm1, vm6;
	vm5 =	vmand vm5, vm7;
	vm1 =	vcmask $0x3F0C  }
0x305: {  	v44 =	vld [tilespmem:$0x1FF40];
	v46 =	vmul.f32 $9.090909360e-02, v16;
	vm5 =	vmor vm13, vm5;
	vm13 =	vmand vm2, vm1  }
0x306: {  	v39 =	vadd.f32 $1.111111120e-01, v39;
	vm2 =	vcmask $0x3F10;
	vm5 =	vmor vm5, vm13  }
0x307: {  	vm13 =	vmand vm3, vm2;
	vm3 =	vcmask $0x3F14;
	v38 =	vadd.f32 $1.111111120e-01, v46  }
0x308: {  	v42 =	vld [tilespmem:$0x1FF50];
	vm5 =	vmor vm5, vm13;
	vm13 =	vmand vm4, vm3;
	vm4 =	vcmask $0x3F18  }
0x309: {  	v43 =	vld [tilespmem:$0x1FF60];
	vm13 =	vmor vm5, vm13;
	vm15 =	vmand vm10, vm4;
	vm5 =	vcmask $0x3F1C  }
0x30a: {  	vm10 =	veq.s32 v0, v44;
	vm13 =	vmor vm13, vm15;
	vm11 =	vmand vm11, vm5;
	v44 =	vld [tilespmem:$0x1FF70]  }
0x30b: {  	v40 =	vmul.f32 v40, v15;
	vm15 =	vmor vm13, vm11;
	vm11 =	vcmask $0x3F20  }
0x30c: {  	v39 =	vmul.f32 v39, v17;
	v46 =	vmul.f32 v38, v16;
	vm14 =	vmand vm14, vm11  }
0x30d: {  	v38 =	vmul.f32 v20, v20;
	vm14 =	vmor vm15, vm14;
	vm15 =	vcmask $0x3F24  }
0x30e: {  	vm13 =	veq.s32 v0, v42;
	vm11 =	veq.s32 v0, v43;
	vm15 =	vmand vm12, vm15  }
0x30f: {  	vm12 =	veq.s32 v0, v44;
	v44 =	vand.u32 $0x7FFFFFFF, v33;
	v0 =	vadd.f32 $1.428571490e-01, v46  }
0x310: {  	v46 =	vmul.f32 $9.090909360e-02, v38;
	vm14 =	vmor vm14, vm15;
	v41 =	vsub.f32 $0.0e+00, v44  }
0x311: {  	vm15 =	vcmask $0x3F28;
	v44 =	vadd.f32 $1.428571490e-01, v39;
	v39 =	vadd.f32 $1.428571490e-01, v40  }
0x312: {  	v40 =	vmul.f32 v9, v7;
	v7 =	vadd.f32 v60, v63;
	v63 =	vadd.f32 v19, v19  }
0x313: {  	vm9 =	vmand vm9, vm15;
	vm15 =	vcmask $0x3F34;
	v42 =	vadd.f32 $1.111111120e-01, v46  }
0x314: {  	v0 =	vmul.f32 v0, v16;
	vm9 =	vmor vm14, vm9;
	v41 =	vmul.f32 $1.442695020e+00, v41  }
0x315: {  	vm14 =	vcmask $0x3F2C;
	vm13 =	vmand vm13, vm15;
	v18 =	vmul.f32 v44, v17  }
0x316: {  	v39 =	vmul.f32 v39, v15;
	vm8 =	vmand vm8, vm14;
	(erf) = vpow2.f32 v41  }
0x317: {  	vm14 =	vcmask $0x3F30;
	v46 =	vmul.f32 v42, v38;
	v18 =	vadd.f32 $2.000000030e-01, v18  }
0x318: {  	v0 =	vadd.f32 $2.000000030e-01, v0;
	vm8 =	vmor vm9, vm8;
	vm14 =	vmand vm10, vm14  }
0x319: {  	vm10 =	veq.s32 v25, v47;
	v44 =	vadd.f32 $1.428571490e-01, v46;
	v18 =	vmul.f32 v18, v17  }
0x31a: {  	v41 =	vmul.f32 v30, v30;
	v39 =	vadd.f32 $2.000000030e-01, v39;
	v0 =	vmul.f32 v0, v16  }
0x31b: {  	vm8 =	vmor vm8, vm14;
	v32 =	vmul.f32 v44, v38;
	v18 =	vadd.f32 $3.333333430e-01, v18  }
0x31c: {  	vm14 =	vcmask $0x3F38;
	v46 =	vmax.f32 v53, $0.0e+00;
	v53 =	vadd.f32 $3.333333430e-01, v0  }
0x31d: {  	vm1 =	vmand vm10, vm1;
	v1 =	vadd.f32 v1, v46;
	v44 =	vadd.f32 $2.000000030e-01, v32  }
0x31e: {  	vm8 =	vmor vm8, vm13;
	vm15 =	vmand vm11, vm14;
	v53 =	vmul.f32 v53, v16  }
0x31f: {  	v0 =	vadd.f32 v1, v59;
	v1 =	vmul.f32 v44, v38;
	v44 =	vmul.f32 v18, v17;
	v18 =	vpop (erf)  }
0x320: {  	v42 =	vmul.f32 $9.090909360e-02, v41;
	v16 =	vadd.f32 $1.000000000e+00, v53;
	v53 =	vadd.f32 $2.000000000e+00, v18  }
0x321: {  	vm13 =	vcmask $0x3F3C;
	vm11 =	veq.s32 v25, v48;
	v46 =	vmul.f32 v39, v15  }
0x322: {  	v39 =	vmul.f32 v40, v40;
	v59 =	vadd.f32 $1.111111120e-01, v42;
	(erf) = vrcp.f32 v53  }
0x323: {  	vm8 =	vmor vm8, vm15;
	vm14 =	vmand vm12, vm13;
	v43 =	vadd.f32 $3.333333430e-01, v46  }
0x324: {  	vm15 =	vcmask $0x1F00;
	vm12 =	veq.s32 v25, v49;
	v46 =	vmul.f32 v59, v41  }
0x325: {  	v32 =	vmul.f32 v43, v15;
	v15 =	vadd.f32 v61, v52;
	v61 =	vmul.f32 $9.090909360e-02, v39  }
0x326: {  	vm8 =	vmor vm8, vm14;
	v42 =	vadd.f32 v20, v20;
	v59 =	vadd.f32 $1.428571490e-01, v46  }
0x327: {  	v17 =	vadd.f32 $1.111111120e-01, v61;
	v14 =	vmul.f32 v16, v14;
	v1 =	vadd.f32 $3.333333430e-01, v1  }
0x328: {  	v20 =	vmul.f32 v29, v26;
	v9 =	vadd.f32 $1.000000000e+00, v44;
	v16 =	vmul.f32 v59, v41  }
0x329: {  	v17 =	vmul.f32 v17, v39;
	v1 =	vmul.f32 v1, v38;
	v14 =	vadd.f32 v14, v54  }
0x32a: {  	v9 =	vmul.f32 v9, v11;
	v38 =	vadd.f32 $1.000000000e+00, v32;
	v62 =	vadd.f32 $2.000000030e-01, v16  }
0x32b: {  	v26 =	vmul.f32 v23, v23;
	v43 =	vadd.f32 $1.428571490e-01, v17;
	v1 =	vadd.f32 $1.000000000e+00, v1;
	v54 =	vpop (erf)  }
0x32c: {  	v16 =	vmul.f32 v38, v63;
	v19 =	vadd.f32 v9, v55;
	v18 =	vmul.f32 v54, v18  }
0x32d: {  	v9 =	vadd.f32 v14, v58;
	v14 =	vmul.f32 v20, v20;
	v38 =	vmul.f32 v22, v22  }
0x32e: {  	v32 =	vadd.f32 v40, v40;
	v11 =	vmul.f32 v62, v41;
	v58 =	vmul.f32 v18, v18  }
0x32f: {  	v52 =	vmul.f32 v43, v39;
	v44 =	vmul.f32 v1, v42;
	v1 =	vadd.f32 v16, v57  }
0x330: {  	v55 =	vmul.f32 $9.090909360e-02, v14;
	v57 =	vadd.f32 v30, v30;
	v60 =	vmul.f32 $9.090909360e-02, v58  }
0x331: {  	v46 =	vadd.f32 $3.333333430e-01, v11;
	v11 =	vmul.f32 v4, v24;
	v4 =	vadd.f32 $2.000000030e-01, v52  }
0x332: {  	v43 =	vmul.f32 $9.090909360e-02, v26;
	v24 =	vadd.f32 $1.111111120e-01, v55;
	v30 =	vadd.f32 $1.111111120e-01, v60  }
0x333: {  	v42 =	vmax.f32 v45, $0.0e+00;
	v53 =	vmul.f32 v46, v41;
	v4 =	vmul.f32 v4, v39  }
0x334: {  	v52 =	vadd.f32 v37, v34;
	v61 =	vmul.f32 v24, v14;
	v24 =	vmul.f32 v30, v58  }
0x335: {  	v17 =	vadd.f32 v44, v56;
	v46 =	vmul.f32 $9.090909360e-02, v38;
	v59 =	vadd.f32 $3.333333430e-01, v4  }
0x336: {  	v40 =	vld [tilespmem:$0x1FE00];
	v63 =	vmul.f32 v11, v11;
	v16 =	vadd.f32 $1.000000000e+00, v53;
	v24 =	vadd.f32 $1.428571490e-01, v24  }
0x337: {  	v41 =	vld [tilespmem:$0x1FE10];
	v31 =	vadd.f32 $1.111111120e-01, v46;
	v53 =	vadd.f32 v52, v36;
	v62 =	vmul.f32 v59, v39  }
0x338: {  	v5 =	vadd.f32 $1.428571490e-01, v61;
	v39 =	vmul.f32 $9.090909360e-02, v63;
	v24 =	vmul.f32 v24, v58  }
0x339: {  	v16 =	vmul.f32 v16, v57;
	v31 =	vmul.f32 v31, v38;
	v57 =	vimm.f32 $0.0e+00  }
0x33a: {  	v59 =	vimm.f32 $1.000000000e+00;
	v27 =	vadd.f32 $1.111111120e-01, v39;
	v24 =	vadd.f32 $2.000000030e-01, v24  }
0x33b: {  	v5 =	vmul.f32 v5, v14;
	v4 =	vadd.f32 v16, v21;
	v16 =	vadd.f32 $1.000000000e+00, v62  }
0x33c: {  	v29 =	vadd.f32 v41, v40;
	v27 =	vmul.f32 v27, v63;
	v24 =	vmul.f32 v24, v58  }
0x33d: {  	v55 =	vadd.f32 $1.428571490e-01, v31;
	v5 =	vadd.f32 $2.000000030e-01, v5;
	v16 =	vmul.f32 v16, v32  }
0x33e: {  	(xrf2) =	vadd.scan.msk.f32 $0xffff, v2;
	v2 =	vsel vm15, $0x3F800000, v57;
	v27 =	vadd.f32 $1.428571490e-01, v27;
	v24 =	vadd.f32 $3.333333430e-01, v24  }
0x33f: {  	v44 =	vld [tilespmem:$0x1FE20];
	v5 =	vmul.f32 v5, v14;
	v16 =	vadd.f32 v16, v42;
	v30 =	vadd.f32 $1.111111120e-01, v43  }
0x340: {  	v18 =	vadd.f32 v18, v18;
	v27 =	vmul.f32 v27, v63;
	v24 =	vmul.f32 v24, v58  }
0x341: {  	v60 =	vld [tilespmem:$0x1FE80];
	v5 =	vadd.f32 $3.333333430e-01, v5;
	v56 =	vsub.f32 v16, v45;
	v30 =	vmul.f32 v30, v26  }
0x342: {  	v54 =	vld [tilespmem:$0x1FE30];
	v28 =	vmul.f32 v55, v38;
	v27 =	vadd.f32 $2.000000030e-01, v27;
	v24 =	vadd.f32 $1.000000000e+00, v24  }
0x343: {  	v5 =	vmul.f32 v5, v14;
	v14 =	vadd.f32 v53, v35;
	v30 =	vadd.f32 $1.428571490e-01, v30  }
0x344: {  	v29 =	vadd.f32 v44, v29;
	v27 =	vmul.f32 v27, v63;
	v18 =	vmul.f32 v24, v18  }
0x345: {  	(xrf2) =	vadd.scan.msk.f32 $0xffff, v56;
	v14 =	vmul.f32 v2, v14;
	v30 =	vmul.f32 v30, v26;
	v58 =	vmax.f32 v33, $0.0e+00  }
0x346: {  	(xrf2) =	vadd.scan.msk.f32 $0xffff, v60;
	v27 =	vadd.f32 $3.333333430e-01, v27;
	v24 =	vsel vm8, $0x0, v59;
	v18 =	vadd.f32 v18, v58  }
0x347: {  	v32 =	vld [tilespmem:$0x1FDB0];
	v29 =	vadd.f32 v54, v29;
	v16 =	vsel vm8, $0x0, v16;
	v14 =	vmul.f32 $2.500000000e-01, v14;
	(xrf2) =	vadd.scan.msk.f32 $0xffff, v24  }
0x348: {  	v30 =	vadd.f32 $2.000000030e-01, v30;
	v21 =	vmul.f32 v27, v63;
	(xrf2) =	vadd.scan.msk.f32 $0xffff, v16;
	v63 =	vsub.f32 v18, v33  }
0x349: {  	vm13 =	veq.s32 v25, v50;
	v15 =	vadd.f32 v19, v15;
	v1 =	vadd.f32 v1, v7;
	(xrf2) =	vadd.scan.msk.f32 $0xffff, v29  }
0x34a: {  	v41 =	vld [tilespmem:$0x1FDD0];
	v28 =	vadd.f32 $2.000000030e-01, v28;
	v30 =	vmul.f32 v30, v26;
	(xrf2) =	vadd.scan.msk.f32 $0xffff, v14;
	v16 =	vnsel vm0, $0x0, v63  }
0x34b: {  	vm2 =	vmand vm11, vm2;
	v11 =	vadd.f32 v11, v11;
	v31 =	vadd.f32 $1.000000000e+00, v21;
	(xrf2) =	vadd.scan.msk.f32 $0xffff, v16  }
0x34c: {  	v6 =	vadd.f32 v17, v6;
	v39 =	vld [tilespmem:$0x1FDC0];
	v61 =	vmul.f32 v28, v38;
	v62 =	vadd.f32 $3.333333430e-01, v30;
	(xrf2) =	vadd.scan.msk.f32 $0xffff, v32  }
0x34d: {  	v5 =	vadd.f32 $1.000000000e+00, v5;
	v30 =	vadd.f32 v20, v20;
	v11 =	vmul.f32 v31, v11  }
0x34e: {  	v36 =	vadd.f32 v22, v22;
	v35, _, _ =	vpop (xrf2);
	v26 =	vmul.f32 v62, v26;
	v29 =	vadd.f32 $3.333333430e-01, v61  }
0x34f: {  	vm9 =	veq.s32 v25, v41;
	v37, _, _ =	vpop (xrf2);
	v5 =	vmul.f32 v5, v30;
	v11 =	vadd.f32 v11, v12  }
0x350: {  	v34 =	vadd.f32 $1.000000000e+00, v26;
	v33 =	vadd.f32 v23, v23;
	v3 =	vmul.f32 v29, v38;
	v38, _, _ =	vpop (xrf2)  }
0x351: {  	vm7 =	vmand vm9, vm7;
	v5 =	vadd.f32 v5, v13;
	vm8 =	veq.s32 v25, v39;
	v40, _, _ =	vpop (xrf2)  }
0x352: {  	v11 =	vadd.f32 v11, v15;
	vm6 =	vmand vm8, vm6;
	v7 =	vmul.f32 v34, v33;
	v42, _, _ =	vpop (xrf2)  }
0x353: {  	v5 =	vadd.f32 v5, v9;
	vm6 =	vmor vm6, vm7;
	v3 =	vadd.f32 $1.000000000e+00, v3;
	v43, _, _ =	vpop (xrf2)  }
0x354: {  	vm1 =	vmor vm6, vm1;
	(v2sf) =	vpush v38, $0xF;
	v7 =	vadd.f32 v7, v10;
	v44, _, _ =	vpop (xrf2)  }
0x355: {  	vm1 =	vmor vm1, vm2;
	vm2 =	vmand vm12, vm3;
	v3 =	vmul.f32 v3, v36;
	v45, _, _ =	vpop (xrf2)  }
0x356: {  	v5 =	vadd.f32 v11, v5;
	vm1 =	vmor vm1, vm2;
	v1 =	vadd.f32 v7, v1;
	v46, _, _ =	vpop (xrf2)  }
0x357: {  	vm2 =	vmand vm13, vm4;
	v3 =	vadd.f32 v3, v8;
	(v2sf) =	vpush v46, $0xF  }
0x358: {  	vm14 =	veq.s32 v25, v51;
	vm1 =	vmor vm1, vm2  }
0x359: {  	vm2 =	vmand vm14, vm5;
	v1 =	vadd.f32 v1, v5;
	v3 =	vadd.f32 v3, v6  }
0x35a: {  	vm1 =	vmor vm1, vm2  }
0x35b: {  	v0 =	vadd.f32 v4, v0;
	vm2 =	vmneg vm1;
	v1 =	vadd.f32 v3, v1  }
0x35c: {  	v2 =	vsel vm1, $0x0, v2;
	vm0 =	vmand vm2, vm0  }
0x35d: {  	(xrf2) =	vadd.scan.msk.f32 $0xffff, v2;
	v47 =	vnsel vm0, $0x0, v18;
	v0 =	vadd.f32 v0, v1  }
0x35e: {  	(xrf2) =	vadd.scan.msk.f32 $0xffff, v47  }
0x35f: {  	(xrf2) =	vadd.scan.msk.f32 $0xffff, v0;
	_ =	sdelay $0x3  }
0x360: {  	v48 =	vbroadcast v35, $0xF;
	v49 =	vbroadcast v37, $0xF;
	vm3 =	vcmask $0xF0C;
	s7 =	spop (v2sf)  }
0x361: {  	vm1 =	vcmask $0x704;
	vm2 =	vcmask $0xB08;
	vm0 =	vmmov $0x1;
	s7 =	smul.f32 $5.000000070e-02, s7  }
0x362: {  	v52 =	vbroadcast v44, $0xF;
	v1 =	vnsel vm1, $0x0, v49;
	v0 =	vnsel vm0, $0x0, v48  }
0x363: {  	v53 =	vbroadcast v45, $0xF;
	v0 =	vadd.f32 v1, v0;
	v50 =	vmov s7;
	s30 =	spop (v2sf)  }
0x364: {  	v60 =	vbroadcast v40, $0xF;
	v51 =	vbroadcast v43, $0xF;
	v54, _, _ =	vpop (xrf2);
	v1 =	vnsel vm2, $0x0, v50;
	s7 =	smul.f32 $5.000000070e-02, s30  }
0x365: {  	v3 =	vnsel vm0, $0x0, v52;
	v4 =	vnsel vm1, $0x0, v53;
	v55, _, _ =	vpop (xrf2);
	v0 =	vadd.f32 v1, v0  }
0x366: {  	v2 =	vnsel vm3, $0x0, v51;
	v3 =	vadd.f32 v4, v3;
	v56, _, _ =	vpop (xrf2);
	v57 =	vmov s7  }
0x367: {  	v0 =	vadd.f32 v2, v0;
	v2 =	vbroadcast v56, $0xF;
	v4 =	vnsel vm2, $0x0, v57  }
0x368: {  	v58 =	vbroadcast v42, $0xF;
	vm2 =	vcmask $0x1B18;
	v3 =	vadd.f32 v4, v3  }
0x369: {  	vm1 =	vcmask $0x1310;
	v1 =	vbroadcast v55, $0xF;
	v2 =	vnsel vm2, $0x0, v2  }
0x36a: {  	v59 =	vnsel vm1, $0x0, v58;
	vm1 =	vcmask $0x1F1C;
	v2 =	vadd.f32 v2, v3  }
0x36b: {  	v61 =	vbroadcast v54, $0xF;
	v1 =	vnsel vm1, $0x0, v1;
	vm1 =	vcmask $0x1714  }
0x36c: {  	v0 =	vadd.f32 v0, v59;
	vm2 =	vcmask $0x2320;
	v1 =	vadd.f32 v2, v1  }
0x36d: {  	v62 =	vnsel vm1, $0x0, v60;
	v63 =	vnsel vm2, $0x0, v61  }
0x36e: {  	v0 =	vadd.f32 v0, v62;
	v1 =	vadd.f32 v1, v63;
	_ =	sdelay $0x1  }
0x36f: {  	v0 =	vadd.f32 v1, v0  }
0x370: {  	s31 =	sshll.u32 s6, $0x4  }
0x371: {  	s8 =	simm.s32 $0xC3D8;
	s7 =	sadd.s32 s31, s5;
	[tilespmem:$0xC3D8] =	vst v0  }
0x372: {  	[spmem:s7] =	stream.linear.scatter [tilespmem:s8], [sflag:$0x3], $0x10, $0x38;
	[tilespmem:$0xC4F8] =	vst v63  }
0x373: {  	s7 =	simm.s32 $0x3  }
0x374: {  	_ =	swait.ge [sflag:s7], $0x10  }
0x375: {  	[sflag:s7] =	ssyncset.done $0x0  }
0x376: {  	[sflag:s7] =	ssyncadd.s32 $0xFFFFFFF0  }
0x377: {  	p0 =	sne.s32 s6, $0x0;
	[bflag:$0x0] =	sbarrier.arrive $0xFFFF  }
0x378: {  	_ =	sfence.sel @p0 $0x180000  }
0x379: {  	[bflag:$0x0] =	sbarrier.arrive @p0 $0xFFFF  }
0x37a: {  	_ =	strace @p0 $0x90000047  }
0x37b: {  	[bflag:$0x2] =	sbarrier.arrive @p0 $0xFFFF  }
0x37c: {  	_ =	shalt @p0  }
.LBB2_9:
0x37d: {  	s6 =	simm.s32 $0xC3E8  }
0x37e: {  	[tilespmem:s6], [sflag:$0x3] =	stream.linear.gather [spmem:s5], $0x100, $0x38;
	[tilespmem:$0xC4F8] =	vst v63  }
0x37f: {  	_ =	swait.ge [sflag:s7], $0x100  }
0x380: {  	[sflag:s7] =	ssyncset.done $0x0  }
0x381: {  	[sflag:s7] =	ssyncadd.s32 $0xFFFFFF00  }
0x382: {  	v0 =	vld [tilespmem:$0xC3E8];
	_ =	sdelay $0x1  }
0x383: {  	v1 =	vld [tilespmem:$0xC3F8];
	_ =	sdelay $0x1  }
0x384: {  	v2 =	vld [tilespmem:$0xC408]  }
0x385: {  	v0 =	vadd.f32 $0.0e+00, v0  }
0x386: {  	v3 =	vld [tilespmem:$0xC418]  }
0x387: {  	v0 =	vadd.f32 v1, v0  }
0x388: {  	v30 =	vld [tilespmem:$0xC428]  }
0x389: {  	v0 =	vadd.f32 v2, v0  }
0x38a: {  	v31 =	vld [tilespmem:$0xC438]  }
0x38b: {  	v0 =	vadd.f32 v3, v0  }
0x38c: {  	v32 =	vld [tilespmem:$0xC448]  }
0x38d: {  	v0 =	vadd.f32 v30, v0  }
0x38e: {  	v33 =	vld [tilespmem:$0xC458]  }
0x38f: {  	v0 =	vadd.f32 v31, v0  }
0x390: {  	v34 =	vld [tilespmem:$0xC468]  }
0x391: {  	v0 =	vadd.f32 v32, v0  }
0x392: {  	v35 =	vld [tilespmem:$0xC478]  }
0x393: {  	v0 =	vadd.f32 v33, v0  }
0x394: {  	v36 =	vld [tilespmem:$0xC488]  }
0x395: {  	v0 =	vadd.f32 v34, v0  }
0x396: {  	v37 =	vld [tilespmem:$0xC498]  }
0x397: {  	v0 =	vadd.f32 v35, v0  }
0x398: {  	v38 =	vld [tilespmem:$0xC4A8]  }
0x399: {  	v0 =	vadd.f32 v36, v0  }
0x39a: {  	v39 =	vld [tilespmem:$0xC4B8]  }
0x39b: {  	v0 =	vadd.f32 v37, v0  }
0x39c: {  	v40 =	vld [tilespmem:$0xC4C8]  }
0x39d: {  	v0 =	vadd.f32 v38, v0  }
0x39e: {  	v41 =	vld [tilespmem:$0xC4D8]  }
0x39f: {  	v0 =	vadd.f32 v39, v0;
	_ =	sdelay $0x1  }
0x3a0: {  	v0 =	vadd.f32 v40, v0;
	_ =	sdelay $0x1  }
0x3a1: {  	v0 =	vadd.f32 v41, v0;
	_ =	sdelay $0x1  }
0x3a2: {  	vm8 =	vcmask $0x70C;
	v42 =	vnsel vm0, $0x0, v0  }
0x3a3: {  	vm9 =	vcmask $0xB10;
	v43 =	vsel vm8, $0x0, v0;
	(xrf2) =	vadd.scan.msk.f32 $0xffff, v42  }
0x3a4: {  	vm10 =	vcmask $0xF14;
	v44 =	vsel vm9, $0x0, v0;
	(xrf2) =	vadd.scan.msk.f32 $0xffff, v43  }
0x3a5: {  	vm11 =	vcmask $0x1318;
	v45 =	vsel vm10, $0x0, v0;
	(xrf2) =	vadd.scan.msk.f32 $0xffff, v44  }
0x3a6: {  	vm12 =	vcmask $0x171C;
	v46 =	vsel vm11, $0x0, v0;
	(xrf2) =	vadd.scan.msk.f32 $0xffff, v45  }
0x3a7: {  	vm13 =	vcmask $0x1B20;
	v47 =	vsel vm12, $0x0, v0;
	(xrf2) =	vadd.scan.msk.f32 $0xffff, v46  }
0x3a8: {  	vm14 =	vcmask $0x1F24;
	v48 =	vsel vm13, $0x0, v0;
	(xrf2) =	vadd.scan.msk.f32 $0xffff, v47  }
0x3a9: {  	v49 =	vsel vm14, $0x0, v0;
	(xrf2) =	vadd.scan.msk.f32 $0xffff, v48  }
0x3aa: {  	(xrf2) =	vadd.scan.msk.f32 $0xffff, v49;
	_ =	sdelay $0x2  }
0x3ab: {  	v50, _, _ =	vpop (xrf2)  }
0x3ac: {  	v51, _, _ =	vpop (xrf2)  }
0x3ad: {  	v52, _, _ =	vpop (xrf2)  }
0x3ae: {  	v4, _, _ =	vpop (xrf2)  }
0x3af: {  	v5, _, _ =	vpop (xrf2)  }
0x3b0: {  	v6, _, _ =	vpop (xrf2)  }
0x3b1: {  	v5 =	vadd.f32 $0.0e+00, v5;
	v7, _, _ =	vpop (xrf2)  }
0x3b2: {  	v8, _, _ =	vpop (xrf2)  }
0x3b3: {  	vm15 =	vcmask $0x308;
	v5 =	vsub.f32 $2.560000000e+04, v5;
	v8 =	vadd.f32 $0.0e+00, v8  }
0x3b4: {  	v0 =	vsel vm15, $0x0, v0  }
0x3b5: {  	(xrf2) =	vadd.scan.msk.f32 $0xffff, v0;
	v5 =	vmax.f32 v5, $1.000000000e+00;
	v54 =	vsub.f32 $6.400000000e+03, v8  }
0x3b6: {  	v53 =	vbroadcast v5, $0xF  }
0x3b7: {  	v55 =	vmax.f32 v54, $1.000000000e+00  }
0x3b8: {  	(erf) = vrcp.f32 v53;
	v0 =	vbroadcast v55, $0xF;
	_ =	sdelay $0x1  }
0x3b9: {  	v3 =	vadd.f32 $0.0e+00, v52;
	v4 =	vadd.f32 $0.0e+00, v4;
	(erf) = vrcp.f32 v0  }
0x3ba: {  	v57 =	vadd.f32 $0.0e+00, v6;
	v58 =	vadd.f32 $0.0e+00, v7  }
0x3bb: {  	v56 =	vsub.f32 v3, v4  }
0x3bc: {  	v3 =	vsub.f32 v57, v58  }
0x3bd: {  	v0 =	vmul.f32 $5.000000070e-02, v56  }
0x3be: {  	v59, _, _ =	vpop (xrf2);
	v3 =	vmul.f32 $5.000000070e-02, v3  }
0x3bf: {  	v4 =	vadd.f32 $0.0e+00, v59;
	v0 =	vbroadcast v0, $0xF  }
0x3c0: {  	v3 =	vbroadcast v3, $0xF;
	v60 =	vpop (erf)  }
0x3c1: {  	v1 =	vadd.f32 $0.0e+00, v50;
	v4 =	vbroadcast v4, $0xF;
	v0 =	vmul.f32 v60, v0  }
0x3c2: {  	v2 =	vadd.f32 $0.0e+00, v51;
	v61 =	vpop (erf)  }
0x3c3: {  	v1 =	vmul.f32 $2.604166740e-03, v1;
	v0 =	vadd.f32 v0, v4;
	v3 =	vmul.f32 v61, v3  }
0x3c4: {  	v2 =	vmul.f32 $2.604166740e-03, v2  }
0x3c5: {  	v62 =	vadd.f32 v1, v1;
	v0 =	vadd.f32 v0, v3  }
0x3c6: {  	v2 =	vbroadcast v2, $0xF  }
0x3c7: {  	v3 =	vbroadcast v62, $0xF;
	v0 =	vmul.f32 $2.604166740e-03, v0;
	_ =	sdelay $0x1  }
0x3c8: {  	v63 =	vmul.f32 $5.000000000e-01, v2;
	v3 =	vadd.f32 v0, v3;
	_ =	sdelay $0x1  }
0x3c9: {  	v3 =	vadd.f32 v3, v63;
	_ =	sdelay $0x1  }
0x3ca: {  	s31 =	simm.s32 $0x0;
	[tilespmem:$0xC3D8] =	vst v3  }
0x3cb: {  	[hbm4b:s4+s31] =	stream.linear.scatter [tilespmem:s8], [sflag:$0x3], $0x10, $0x38;
	[tilespmem:$0xC4F8] =	vst v63  }
0x3cc: {  	_ =	swait.ge [sflag:s7], $0x10  }
0x3cd: {  	v1 =	vbroadcast v1, $0xF;
	[sflag:s7] =	ssyncset.done $0x0  }
0x3ce: {  	[sflag:s7] =	ssyncadd.s32 $0xFFFFFFF0  }
0x3cf: {  	[tilespmem:$0xC3D8] =	vst v1  }
0x3d0: {  	[hbm4b:s3+s31] =	stream.linear.scatter [tilespmem:s8], [sflag:$0x3], $0x10, $0x38;
	[tilespmem:$0xC4F8] =	vst v63  }
0x3d1: {  	_ =	swait.ge [sflag:s7], $0x10  }
0x3d2: {  	[sflag:s7] =	ssyncset.done $0x0  }
0x3d3: {  	[sflag:s7] =	ssyncadd.s32 $0xFFFFFFF0  }
0x3d4: {  	[tilespmem:$0xC3D8] =	vst v0  }
0x3d5: {  	[hbm4b:s2+s31] =	stream.linear.scatter [tilespmem:s8], [sflag:$0x3], $0x10, $0x38;
	[tilespmem:$0xC4F8] =	vst v63  }
0x3d6: {  	_ =	swait.ge [sflag:s7], $0x10  }
0x3d7: {  	[sflag:s7] =	ssyncset.done $0x0  }
0x3d8: {  	[sflag:s7] =	ssyncadd.s32 $0xFFFFFFF0  }
0x3d9: {  	[tilespmem:$0xC3D8] =	vst v2  }
0x3da: {  	[hbm4b:s1+s31] =	stream.linear.scatter [tilespmem:s8], [sflag:$0x3], $0x10, $0x38;
	[tilespmem:$0xC4F8] =	vst v63  }
0x3db: {  	_ =	swait.ge [sflag:s7], $0x10  }
0x3dc: {  	[sflag:s7] =	ssyncset.done $0x0  }
0x3dd: {  	[sflag:s7] =	ssyncadd.s32 $0xFFFFFFF0  }
0x3de: {  	_ =	sfence.sel $0x180000  }
0x3df: {  	[bflag:$0x0] =	sbarrier.arrive $0xFFFF  }
0x3e0: {  	_ =	strace $0x90000047  }
0x3e1: {  	s0 =	sadd.s32 $0x100000, s0;
	[bflag:$0x2] =	sbarrier.arrive $0xFFFF  }
0x3e2: {  	[sflag:s0] =	ssyncadd.tile.s32 $0x1;
	_ =	shalt  }
.Lfunc_end2:
_tile_overlayer_lowered:
.L_overlay_start_2:
0x3e3: {  	(tag) =	ssettag $0x2  }
0x3e4: {  	s0 =	rddreg [dreg:$0x0];
	s2 =	stileid.u32  }
0x3e5: {  	s1 =	rddreg [dreg:$0x1];
	p0 =	sne.s32 s2, $0x0  }
0x3e6: {  	s3 =	rddreg [dreg:$0x2];
	[bflag:$0x3] =	sbarrier.arrive $0xFFFF;
	s2 =	simm.s32 @!p0 $0x1C03  }
0x3e7: {  	[timem:s3], [sflag:s2] =	dma.local @!p0 [hbm:s0], s1  }
0x3e8: {  	s0 =	simm.s32 @!p0 $0x3  }
0x3e9: {  	_ =	swait.ge @!p0 [sflag:s0], s1  }
0x3ea: {  	s1 =	ssub.s32 @!p0 $0x0, s1;
	[sflag:s0] =	ssyncset.done @!p0 $0x0  }
0x3eb: {  	[sflag:s0] =	ssyncadd.s32 @!p0 s1  }
0x3ec: {  	[bflag:$0x3] =	sbarrier.arrive $0xFFFF  }
0x3ed: {  	_ =	shalt  }

</sc_bundles>
